<compile_context>
chip_gen: v7x
topology: tpu7x:2x2x1
jax: 0.10.2.dev20260603
libtpu: 0.0.44.dev20260713+nightly
codegen_flags: <defaults>
</compile_context>

<pallas_src>
import functools

import jax
import jax.numpy as jnp
from jax import lax
from jax.experimental import pallas as pl
from jax.experimental.pallas import tpu as pltpu
from jax.experimental.pallas import tpu_sc as plsc

B = 16
T = 512
D = 512
H3 = 3 * D
A = 256

_NC = 2
_NS = 16
_NW = _NC * _NS

_PREC = lax.Precision.DEFAULT


def _sc_gather(table, idx):
    n = idx.shape[0]
    d = table.shape[1]
    per_w = n // _NW
    chunk = max(c for c in range(1, min(per_w, 64) + 1) if per_w % c == 0)
    mesh = plsc.VectorSubcoreMesh(core_axis_name="c", subcore_axis_name="s")

    @functools.partial(
        pl.kernel,
        mesh=mesh,
        out_type=jax.ShapeDtypeStruct((n, d), table.dtype),
        scratch_types=[
            pltpu.VMEM((per_w,), jnp.int32),
            pltpu.VMEM((chunk, d), table.dtype),
            pltpu.VMEM((chunk, d), table.dtype),
            pltpu.SemaphoreType.DMA,
            pltpu.SemaphoreType.DMA,
        ],
    )
    def k(table_hbm, idx_hbm, out_hbm, idx_v, rows0, rows1, sem0, sem1):
        wid = lax.axis_index("s") * _NC + lax.axis_index("c")
        base = wid * per_w
        pltpu.sync_copy(idx_hbm.at[pl.ds(base, per_w)], idx_v)
        bufs = (rows0, rows1)
        sems = (sem0, sem1)
        nchunks = per_w // chunk
        pltpu.async_copy(table_hbm.at[idx_v.at[pl.ds(0, chunk)]], bufs[0], sems[0])
        for c in range(nchunks):
            if c + 1 < nchunks:
                pltpu.async_copy(
                    table_hbm.at[idx_v.at[pl.ds((c + 1) * chunk, chunk)]],
                    bufs[(c + 1) % 2], sems[(c + 1) % 2])
            pltpu.make_async_copy(
                table_hbm.at[idx_v.at[pl.ds(c * chunk, chunk)]],
                bufs[c % 2], sems[c % 2]).wait()
            pltpu.sync_copy(bufs[c % 2], out_hbm.at[pl.ds(base + c * chunk, chunk)])

    return k(table, idx)


def _sig(x):
    return 0.5 * jnp.tanh(0.5 * x) + 0.5


def _chunk_fwd(base0, ct, e_sm, emb, w_ih_t, b_ih, w_hh_t, b_hh, h0, out0):
    st = 64
    mm_rows = st * B
    ngrid = ct // st

    def body(e_ref, emb_ref, wih_ref, bih_ref, whh_ref, bhh_ref,
             h0_ref, out0_ref, h1_ref, out1_ref, gi_ref, hall_ref, h_ref):
        g = pl.program_id(0)

        @pl.when(g == 0)
        def _():
            h_ref[...] = h0_ref[...]
            out1_ref[...] = out0_ref[...]

        gi = lax.dot_general(
            emb_ref[...].astype(jnp.bfloat16),
            wih_ref[...], (((1,), (0,)), ((), ())),
            preferred_element_type=jnp.float32, precision=_PREC,
        ) + bih_ref[...]
        gi_ref[...] = gi.astype(jnp.bfloat16).reshape(st, B, H3)

        def step(i, h):
            gg = gi_ref[i].astype(jnp.float32)
            hb = h.astype(jnp.bfloat16)
            gh_rz = lax.dot_general(
                hb, whh_ref[:, :2 * D], (((1,), (0,)), ((), ())),
                preferred_element_type=jnp.float32, precision=_PREC,
            ) + bhh_ref[:, :2 * D]
            gh_n = lax.dot_general(
                hb, whh_ref[:, 2 * D:], (((1,), (0,)), ((), ())),
                preferred_element_type=jnp.float32, precision=_PREC,
            ) + bhh_ref[:, 2 * D:]
            r = _sig(gg[:, :D] + gh_rz[:, :D])
            z = _sig(gg[:, D:2 * D] + gh_rz[:, D:2 * D])
            nn = jnp.tanh(gg[:, 2 * D:] + r * gh_n)
            h = (1.0 - z) * nn + z * h
            hall_ref[i, :, :] = h
            return h

        h = lax.fori_loop(0, st, step, h_ref[...], unroll=4)
        h_ref[...] = h
        h1_ref[...] = h
        base = base0 + g * st
        for b in range(B):
            eb = e_ref[0, b]

            @pl.when(jnp.logical_and(eb >= base, eb < base + st))
            def _():
                out1_ref[b, :] = hall_ref[eb - base, b, :]

    return pl.pallas_call(
        body,
        grid=(ngrid,),
        in_specs=[
            pl.BlockSpec(memory_space=pltpu.SMEM),
            pl.BlockSpec((mm_rows, D), lambda g: (g, 0)),
            pl.BlockSpec((D, H3), lambda g: (0, 0)),
            pl.BlockSpec((1, H3), lambda g: (0, 0)),
            pl.BlockSpec((D, H3), lambda g: (0, 0)),
            pl.BlockSpec((1, H3), lambda g: (0, 0)),
            pl.BlockSpec((B, D), lambda g: (0, 0)),
            pl.BlockSpec((B, D), lambda g: (0, 0)),
        ],
        out_specs=(
            pl.BlockSpec((B, D), lambda g: (0, 0)),
            pl.BlockSpec((B, D), lambda g: (0, 0)),
        ),
        out_shape=(
            jax.ShapeDtypeStruct((B, D), jnp.float32),
            jax.ShapeDtypeStruct((B, D), jnp.float32),
        ),
        scratch_shapes=[
            pltpu.VMEM((st, B, H3), jnp.bfloat16),
            pltpu.VMEM((st, B, D), jnp.float32),
            pltpu.VMEM((B, D), jnp.float32),
        ],
    )(e_sm, emb, w_ih_t, b_ih.reshape(1, H3), w_hh_t, b_hh.reshape(1, H3),
      h0, out0)


def _first_zero(utterance):

    def body(u_ref, e_ref):
        u = u_ref[...]
        iota = lax.broadcasted_iota(jnp.int32, (B, T), 1)
        cand = jnp.where(u == 0, iota, T - 1)
        e_ref[...] = jnp.min(cand, axis=1)[None, :]

    return pl.pallas_call(
        body, out_shape=jax.ShapeDtypeStruct((1, B), jnp.int32)
    )(utterance)


def _finalize(out_state, w_out_t, b_out, gumbel):

    def body(h_ref, w_ref, b_ref, g_ref, probs_ref, act_ref):
        logits = lax.dot_general(
            h_ref[...].astype(jnp.bfloat16), w_ref[...],
            (((1,), (0,)), ((), ())),
            preferred_element_type=jnp.float32, precision=_PREC,
        ) + b_ref[...]
        mx = jnp.max(logits, axis=1, keepdims=True)
        ex = jnp.exp(logits - mx)
        probs = ex / jnp.sum(ex, axis=1, keepdims=True)
        probs_ref[...] = probs
        y = jnp.log(probs + 1e-20) + g_ref[...]
        ymax = jnp.max(y, axis=1, keepdims=True)
        aio = lax.broadcasted_iota(jnp.int32, (B, A), 1)
        act_ref[...] = jnp.min(jnp.where(y == ymax, aio, A), axis=1)[None, :]

    return pl.pallas_call(
        body,
        out_shape=(
            jax.ShapeDtypeStruct((B, A), jnp.float32),
            jax.ShapeDtypeStruct((1, B), jnp.int32),
        ),
    )(out_state, w_out_t, b_out.reshape(1, A), gumbel)


def kernel(utterance, global_idxes, emb_table, W_ih, W_hh, b_ih, b_hh, W_out, b_out):
    del global_idxes
    tokens_tm = utterance.T.reshape(-1)
    wih = W_ih.T.astype(jnp.bfloat16)
    whh = W_hh.T.astype(jnp.bfloat16)
    e = _first_zero(utterance)
    h = jnp.zeros((B, D), jnp.float32)
    out = jnp.zeros((B, D), jnp.float32)
    base = 0
    for ct in (64, 128, 128, 192):
        emb_c = _sc_gather(emb_table, tokens_tm[base * B:(base + ct) * B])
        h, out = _chunk_fwd(base, ct, e, emb_c, wih, b_ih, whh, b_hh, h, out)
        base += ct
    gumbel = jax.random.gumbel(jax.random.key(42), (B, A), jnp.float32)
    probs, act = _finalize(out, W_out.T.astype(jnp.bfloat16), b_out, gumbel)
    return probs, act.reshape(B)

# --- scband reference (transcript-rebuilt; emitter-appended) ---
"""Pipeline reference for scband-listener-64390149701893 (READ-ONLY COPY).

The authoritative reference and input builder live on the scoring server;
editing this copy changes nothing except your own understanding.
"""

import jax, jax.numpy as jnp
import numpy as np

BATCH = 16
SEQLEN = 512
EMBEDDING_SIZE = 512
VOCAB_SIZE = 32000
NUM_ACTIONS = 256


def setup_inputs(seed: int = 0) -> dict:
    key = jax.random.key(seed)
    ks = jax.random.split(key, 8)
    utterance = jax.random.randint(ks[0], (BATCH, SEQLEN), 0, VOCAB_SIZE, dtype=jnp.int32)
    global_idxes = jnp.arange(BATCH, dtype=jnp.int32)
    s = 1.0 / np.sqrt(EMBEDDING_SIZE)
    emb_table = jax.random.normal(ks[1], (VOCAB_SIZE, EMBEDDING_SIZE), dtype=jnp.float32)
    W_ih = jax.random.uniform(ks[2], (3 * EMBEDDING_SIZE, EMBEDDING_SIZE), minval=-s, maxval=s, dtype=jnp.float32)
    W_hh = jax.random.uniform(ks[3], (3 * EMBEDDING_SIZE, EMBEDDING_SIZE), minval=-s, maxval=s, dtype=jnp.float32)
    b_ih = jax.random.uniform(ks[4], (3 * EMBEDDING_SIZE,), minval=-s, maxval=s, dtype=jnp.float32)
    b_hh = jax.random.uniform(ks[5], (3 * EMBEDDING_SIZE,), minval=-s, maxval=s, dtype=jnp.float32)
    W_out = jax.random.uniform(ks[6], (NUM_ACTIONS, EMBEDDING_SIZE), minval=-s, maxval=s, dtype=jnp.float32)
    b_out = jax.random.uniform(ks[7], (NUM_ACTIONS,), minval=-s, maxval=s, dtype=jnp.float32)
    return {"utterance": utterance, "global_idxes": global_idxes, "emb_table": emb_table,
            "W_ih": W_ih, "W_hh": W_hh, "b_ih": b_ih, "b_hh": b_hh,
            "W_out": W_out, "b_out": b_out}


def _gru_cell(x, h, W_ih, W_hh, b_ih, b_hh):
    gi = x @ W_ih.T + b_ih
    gh = h @ W_hh.T + b_hh
    i_r, i_z, i_n = jnp.split(gi, 3, axis=-1)
    h_r, h_z, h_n = jnp.split(gh, 3, axis=-1)
    r = jax.nn.sigmoid(i_r + h_r)
    z = jax.nn.sigmoid(i_z + h_z)
    n = jnp.tanh(i_n + r * h_n)
    return (1.0 - z) * n + z * h


def reference(utterance, global_idxes, emb_table, W_ih, W_hh, b_ih, b_hh, W_out, b_out):
    B = utterance.shape[0]
    d = emb_table.shape[1]
    tokens = utterance.T  # [T, B]

    def step(carry, tok):
        state, out_state, alive = carry
        emb = jnp.take(emb_table, tok, axis=0)  # gather (embedding lookup)
        new_state = _gru_cell(emb, state, W_ih, W_hh, b_ih, b_hh)
        m = alive[:, None]
        # output_state is recorded for alive rows (including the step that emits token 0),
        # matching output_state[sieve.global_idxes] = state in the torch code
        out_state = jnp.where(m, new_state, out_state)
        state = jnp.where(m, new_state, state)
        alive = jnp.logical_and(alive, tok != 0)  # sieve.mark_dead(token == 0)
        return (state, out_state, alive), None

    init = (jnp.zeros((B, d), dtype=jnp.float32),
            jnp.zeros((B, d), dtype=jnp.float32),
            jnp.ones((B,), dtype=bool))
    (_, out_state, _), _ = jax.lax.scan(step, init, tokens)
    action_logits = out_state @ W_out.T + b_out
    action_probs = jax.nn.softmax(action_logits, axis=-1)
    # rl_common.draw_categorical_sample -> categorical draw with fixed key for determinism
    actions = jax.random.categorical(jax.random.key(42), jnp.log(action_probs + 1e-20), axis=-1)
    return action_probs, actions

if __name__ == "__main__":
    import jax
    _d = setup_inputs()
    print(jax.jit(kernel)(*tuple(_d.values())))

</pallas_src>

<mosaic_0001>
#map = affine_map<(d0, d1) -> (0, 0)>
#map1 = affine_map<(d0, d1) -> (0)>
module attributes {stable_mosaic.version = 14 : i64} {
  func.func @k(%arg0: i32, %arg1: i32, %arg2: memref<32000x512xf32, #tpu.memory_space<hbm>>, %arg3: memref<2048xi32, #tpu.memory_space<hbm>>, %arg4: memref<2048x512xf32, #tpu.memory_space<hbm>>, %arg5: memref<64xi32, #tpu.memory_space<vmem>>, %arg6: memref<64x512xf32, #tpu.memory_space<vmem>>, %arg7: memref<64x512xf32, #tpu.memory_space<vmem>>, %arg8: memref<!tpu.dma_semaphore, #tpu.memory_space<semaphore_mem>>, %arg9: memref<!tpu.dma_semaphore, #tpu.memory_space<semaphore_mem>>) attributes {dimension_semantics = [#tpu.dimension_semantics<core_parallel>, #tpu.dimension_semantics<subcore_parallel>], iteration_bounds = array<i64: 2, 16>, scalar_prefetch = 0 : i64, scratch_operands = 5 : i64, tpu.core_type = #tpu.core_type<sc_vector_subcore>, window_params = [{transform_indices = #map}, {transform_indices = #map1}, {transform_indices = #map}]} {
    %mul3A = arith.constant 2 : i32
    %mul3A_0 = arith.muli %arg1, %mul3A : i32
    %add3A = arith.addi %mul3A_0, %arg0 : i32
    %mul3A_1 = arith.constant 64 : i32
    %mul3A_2 = arith.muli %add3A, %mul3A_1 : i32
    "tpu.region"() ({
      %run_scoped3A = tpu.sem_alloc : memref<!tpu.dma_semaphore, #tpu.memory_space<semaphore_mem>>
      %dma_start3A_13 = tpu.memref_slice %arg3[%mul3A_2] : memref<2048xi32, #tpu.memory_space<hbm>> -> memref<64xi32, #tpu.memory_space<hbm>>
      %dma_start3A_14 = tpu.memref_slice %arg3[%mul3A_2] : memref<2048xi32, #tpu.memory_space<hbm>> -> memref<64xi32, #tpu.memory_space<hbm>>
      tpu.enqueue_dma source(%dma_start3A_14 : memref<64xi32, #tpu.memory_space<hbm>>) target(%arg5 : memref<64xi32, #tpu.memory_space<vmem>>) target_semaphore(%run_scoped3A : memref<!tpu.dma_semaphore, #tpu.memory_space<semaphore_mem>>)
      %dma_wait3A_15 = tpu.memref_slice %arg3[%mul3A_2] : memref<2048xi32, #tpu.memory_space<hbm>> -> memref<64xi32, #tpu.memory_space<hbm>>
      %dma_wait3A_16 = tpu.memref_slice %arg3[%mul3A_2] : memref<2048xi32, #tpu.memory_space<hbm>> -> memref<64xi32, #tpu.memory_space<hbm>>
      tpu.wait_dma2 semaphore(%run_scoped3A : memref<!tpu.dma_semaphore, #tpu.memory_space<semaphore_mem>>) src(%dma_wait3A_16 : memref<64xi32, #tpu.memory_space<hbm>>) dst(%arg5 : memref<64xi32, #tpu.memory_space<vmem>>)
      tpu.yield
    }) : () -> ()
    %dma_start3A = arith.constant 0 : i32
    %dma_start3A_3 = tpu.memref_slice %arg5[%dma_start3A] : memref<64xi32, #tpu.memory_space<vmem>> -> memref<64xi32, #tpu.memory_space<vmem>>
    %dma_start3A_4 = arith.constant 0 : i32
    %dma_start3A_5 = arith.constant 0 : i32
    %dma_start3A_6 = tpu.memref_slice %arg2[%dma_start3A_4, %dma_start3A_5] : memref<32000x512xf32, #tpu.memory_space<hbm>> -> memref<32000x512xf32, #tpu.memory_space<hbm>>
    tpu.enqueue_indirect_dma source(%dma_start3A_6 : memref<32000x512xf32, #tpu.memory_space<hbm>>) target(%arg6 : memref<64x512xf32, #tpu.memory_space<vmem>>) offsets(%dma_start3A_3 : memref<64xi32, #tpu.memory_space<vmem>>) semaphore(%arg8 : memref<!tpu.dma_semaphore, #tpu.memory_space<semaphore_mem>>)
    %dma_wait3A = arith.constant 0 : i32
    %dma_wait3A_7 = tpu.memref_slice %arg5[%dma_wait3A] : memref<64xi32, #tpu.memory_space<vmem>> -> memref<64xi32, #tpu.memory_space<vmem>>
    %dma_wait3A_8 = arith.constant 0 : i32
    %dma_wait3A_9 = arith.constant 0 : i32
    %dma_wait3A_10 = tpu.memref_slice %arg2[%dma_wait3A_8, %dma_wait3A_9] : memref<32000x512xf32, #tpu.memory_space<hbm>> -> memref<32000x512xf32, #tpu.memory_space<hbm>>
    tpu.wait_indirect_dma semaphore(%arg8 : memref<!tpu.dma_semaphore, #tpu.memory_space<semaphore_mem>>) src(%dma_wait3A_10 : memref<32000x512xf32, #tpu.memory_space<hbm>>) dst(%arg6 : memref<64x512xf32, #tpu.memory_space<vmem>>)
    %add3A_11 = arith.constant 0 : i32
    %add3A_12 = arith.addi %mul3A_2, %add3A_11 : i32
    "tpu.region"() ({
      %run_scoped3A = tpu.sem_alloc : memref<!tpu.dma_semaphore, #tpu.memory_space<semaphore_mem>>
      %dma_start3A_13 = arith.constant 0 : i32
      %dma_start3A_14 = tpu.memref_slice %arg4[%add3A_12, %dma_start3A_13] : memref<2048x512xf32, #tpu.memory_space<hbm>> -> memref<64x512xf32, #tpu.memory_space<hbm>>
      %dma_start3A_15 = arith.constant 0 : i32
      %dma_start3A_16 = tpu.memref_slice %arg4[%add3A_12, %dma_start3A_15] : memref<2048x512xf32, #tpu.memory_space<hbm>> -> memref<64x512xf32, #tpu.memory_space<hbm>>
      tpu.enqueue_dma source(%arg6 : memref<64x512xf32, #tpu.memory_space<vmem>>) target(%dma_start3A_16 : memref<64x512xf32, #tpu.memory_space<hbm>>) target_semaphore(%run_scoped3A : memref<!tpu.dma_semaphore, #tpu.memory_space<semaphore_mem>>)
      %dma_wait3A_17 = arith.constant 0 : i32
      %dma_wait3A_18 = tpu.memref_slice %arg4[%add3A_12, %dma_wait3A_17] : memref<2048x512xf32, #tpu.memory_space<hbm>> -> memref<64x512xf32, #tpu.memory_space<hbm>>
      %dma_wait3A_19 = arith.constant 0 : i32
      %dma_wait3A_20 = tpu.memref_slice %arg4[%add3A_12, %dma_wait3A_19] : memref<2048x512xf32, #tpu.memory_space<hbm>> -> memref<64x512xf32, #tpu.memory_space<hbm>>
      tpu.wait_dma2 semaphore(%run_scoped3A : memref<!tpu.dma_semaphore, #tpu.memory_space<semaphore_mem>>) src(%arg6 : memref<64x512xf32, #tpu.memory_space<vmem>>) dst(%dma_wait3A_20 : memref<64x512xf32, #tpu.memory_space<hbm>>)
      tpu.yield
    }) : () -> ()
    return
  }
}

#map = affine_map<(d0, d1) -> (0, 0)>
#map1 = affine_map<(d0, d1) -> (0)>
module attributes {stable_mosaic.version = 14 : i64} {
  func.func @k(%arg0: i32, %arg1: i32, %arg2: memref<32000x512xf32, #tpu.memory_space<hbm>>, %arg3: memref<3072xi32, #tpu.memory_space<hbm>>, %arg4: memref<3072x512xf32, #tpu.memory_space<hbm>>, %arg5: memref<96xi32, #tpu.memory_space<vmem>>, %arg6: memref<48x512xf32, #tpu.memory_space<vmem>>, %arg7: memref<48x512xf32, #tpu.memory_space<vmem>>, %arg8: memref<!tpu.dma_semaphore, #tpu.memory_space<semaphore_mem>>, %arg9: memref<!tpu.dma_semaphore, #tpu.memory_space<semaphore_mem>>) attributes {dimension_semantics = [#tpu.dimension_semantics<core_parallel>, #tpu.dimension_semantics<subcore_parallel>], iteration_bounds = array<i64: 2, 16>, scalar_prefetch = 0 : i64, scratch_operands = 5 : i64, tpu.core_type = #tpu.core_type<sc_vector_subcore>, window_params = [{transform_indices = #map}, {transform_indices = #map1}, {transform_indices = #map}]} {
    %mul3A = arith.constant 2 : i32
    %mul3A_0 = arith.muli %arg1, %mul3A : i32
    %add3A = arith.addi %mul3A_0, %arg0 : i32
    %mul3A_1 = arith.constant 96 : i32
    %mul3A_2 = arith.muli %add3A, %mul3A_1 : i32
    "tpu.region"() ({
      %run_scoped3A = tpu.sem_alloc : memref<!tpu.dma_semaphore, #tpu.memory_space<semaphore_mem>>
      %dma_start3A_25 = tpu.memref_slice %arg3[%mul3A_2] : memref<3072xi32, #tpu.memory_space<hbm>> -> memref<96xi32, #tpu.memory_space<hbm>>
      %dma_start3A_26 = tpu.memref_slice %arg3[%mul3A_2] : memref<3072xi32, #tpu.memory_space<hbm>> -> memref<96xi32, #tpu.memory_space<hbm>>
      tpu.enqueue_dma source(%dma_start3A_26 : memref<96xi32, #tpu.memory_space<hbm>>) target(%arg5 : memref<96xi32, #tpu.memory_space<vmem>>) target_semaphore(%run_scoped3A : memref<!tpu.dma_semaphore, #tpu.memory_space<semaphore_mem>>)
      %dma_wait3A_27 = tpu.memref_slice %arg3[%mul3A_2] : memref<3072xi32, #tpu.memory_space<hbm>> -> memref<96xi32, #tpu.memory_space<hbm>>
      %dma_wait3A_28 = tpu.memref_slice %arg3[%mul3A_2] : memref<3072xi32, #tpu.memory_space<hbm>> -> memref<96xi32, #tpu.memory_space<hbm>>
      tpu.wait_dma2 semaphore(%run_scoped3A : memref<!tpu.dma_semaphore, #tpu.memory_space<semaphore_mem>>) src(%dma_wait3A_28 : memref<96xi32, #tpu.memory_space<hbm>>) dst(%arg5 : memref<96xi32, #tpu.memory_space<vmem>>)
      tpu.yield
    }) : () -> ()
    %dma_start3A = arith.constant 0 : i32
    %dma_start3A_3 = tpu.memref_slice %arg5[%dma_start3A] : memref<96xi32, #tpu.memory_space<vmem>> -> memref<48xi32, #tpu.memory_space<vmem>>
    %dma_start3A_4 = arith.constant 0 : i32
    %dma_start3A_5 = arith.constant 0 : i32
    %dma_start3A_6 = tpu.memref_slice %arg2[%dma_start3A_4, %dma_start3A_5] : memref<32000x512xf32, #tpu.memory_space<hbm>> -> memref<32000x512xf32, #tpu.memory_space<hbm>>
    tpu.enqueue_indirect_dma source(%dma_start3A_6 : memref<32000x512xf32, #tpu.memory_space<hbm>>) target(%arg6 : memref<48x512xf32, #tpu.memory_space<vmem>>) offsets(%dma_start3A_3 : memref<48xi32, #tpu.memory_space<vmem>>) semaphore(%arg8 : memref<!tpu.dma_semaphore, #tpu.memory_space<semaphore_mem>>)
    %dma_start3A_7 = arith.constant 48 : i32
    %dma_start3A_8 = tpu.memref_slice %arg5[%dma_start3A_7] : memref<96xi32, #tpu.memory_space<vmem>> -> memref<48xi32, #tpu.memory_space<vmem>>
    %dma_start3A_9 = arith.constant 0 : i32
    %dma_start3A_10 = arith.constant 0 : i32
    %dma_start3A_11 = tpu.memref_slice %arg2[%dma_start3A_9, %dma_start3A_10] : memref<32000x512xf32, #tpu.memory_space<hbm>> -> memref<32000x512xf32, #tpu.memory_space<hbm>>
    tpu.enqueue_indirect_dma source(%dma_start3A_11 : memref<32000x512xf32, #tpu.memory_space<hbm>>) target(%arg7 : memref<48x512xf32, #tpu.memory_space<vmem>>) offsets(%dma_start3A_8 : memref<48xi32, #tpu.memory_space<vmem>>) semaphore(%arg9 : memref<!tpu.dma_semaphore, #tpu.memory_space<semaphore_mem>>)
    %dma_wait3A = arith.constant 0 : i32
    %dma_wait3A_12 = tpu.memref_slice %arg5[%dma_wait3A] : memref<96xi32, #tpu.memory_space<vmem>> -> memref<48xi32, #tpu.memory_space<vmem>>
    %dma_wait3A_13 = arith.constant 0 : i32
    %dma_wait3A_14 = arith.constant 0 : i32
    %dma_wait3A_15 = tpu.memref_slice %arg2[%dma_wait3A_13, %dma_wait3A_14] : memref<32000x512xf32, #tpu.memory_space<hbm>> -> memref<32000x512xf32, #tpu.memory_space<hbm>>
    tpu.wait_indirect_dma semaphore(%arg8 : memref<!tpu.dma_semaphore, #tpu.memory_space<semaphore_mem>>) src(%dma_wait3A_15 : memref<32000x512xf32, #tpu.memory_space<hbm>>) dst(%arg6 : memref<48x512xf32, #tpu.memory_space<vmem>>)
    %add3A_16 = arith.constant 0 : i32
    %add3A_17 = arith.addi %mul3A_2, %add3A_16 : i32
    "tpu.region"() ({
      %run_scoped3A = tpu.sem_alloc : memref<!tpu.dma_semaphore, #tpu.memory_space<semaphore_mem>>
      %dma_start3A_25 = arith.constant 0 : i32
      %dma_start3A_26 = tpu.memref_slice %arg4[%add3A_17, %dma_start3A_25] : memref<3072x512xf32, #tpu.memory_space<hbm>> -> memref<48x512xf32, #tpu.memory_space<hbm>>
      %dma_start3A_27 = arith.constant 0 : i32
      %dma_start3A_28 = tpu.memref_slice %arg4[%add3A_17, %dma_start3A_27] : memref<3072x512xf32, #tpu.memory_space<hbm>> -> memref<48x512xf32, #tpu.memory_space<hbm>>
      tpu.enqueue_dma source(%arg6 : memref<48x512xf32, #tpu.memory_space<vmem>>) target(%dma_start3A_28 : memref<48x512xf32, #tpu.memory_space<hbm>>) target_semaphore(%run_scoped3A : memref<!tpu.dma_semaphore, #tpu.memory_space<semaphore_mem>>)
      %dma_wait3A_29 = arith.constant 0 : i32
      %dma_wait3A_30 = tpu.memref_slice %arg4[%add3A_17, %dma_wait3A_29] : memref<3072x512xf32, #tpu.memory_space<hbm>> -> memref<48x512xf32, #tpu.memory_space<hbm>>
      %dma_wait3A_31 = arith.constant 0 : i32
      %dma_wait3A_32 = tpu.memref_slice %arg4[%add3A_17, %dma_wait3A_31] : memref<3072x512xf32, #tpu.memory_space<hbm>> -> memref<48x512xf32, #tpu.memory_space<hbm>>
      tpu.wait_dma2 semaphore(%run_scoped3A : memref<!tpu.dma_semaphore, #tpu.memory_space<semaphore_mem>>) src(%arg6 : memref<48x512xf32, #tpu.memory_space<vmem>>) dst(%dma_wait3A_32 : memref<48x512xf32, #tpu.memory_space<hbm>>)
      tpu.yield
    }) : () -> ()
    %dma_wait3A_18 = arith.constant 48 : i32
    %dma_wait3A_19 = tpu.memref_slice %arg5[%dma_wait3A_18] : memref<96xi32, #tpu.memory_space<vmem>> -> memref<48xi32, #tpu.memory_space<vmem>>
    %dma_wait3A_20 = arith.constant 0 : i32
    %dma_wait3A_21 = arith.constant 0 : i32
    %dma_wait3A_22 = tpu.memref_slice %arg2[%dma_wait3A_20, %dma_wait3A_21] : memref<32000x512xf32, #tpu.memory_space<hbm>> -> memref<32000x512xf32, #tpu.memory_space<hbm>>
    tpu.wait_indirect_dma semaphore(%arg9 : memref<!tpu.dma_semaphore, #tpu.memory_space<semaphore_mem>>) src(%dma_wait3A_22 : memref<32000x512xf32, #tpu.memory_space<hbm>>) dst(%arg7 : memref<48x512xf32, #tpu.memory_space<vmem>>)
    %add3A_23 = arith.constant 48 : i32
    %add3A_24 = arith.addi %mul3A_2, %add3A_23 : i32
    "tpu.region"() ({
      %run_scoped3A = tpu.sem_alloc : memref<!tpu.dma_semaphore, #tpu.memory_space<semaphore_mem>>
      %dma_start3A_25 = arith.constant 0 : i32
      %dma_start3A_26 = tpu.memref_slice %arg4[%add3A_24, %dma_start3A_25] : memref<3072x512xf32, #tpu.memory_space<hbm>> -> memref<48x512xf32, #tpu.memory_space<hbm>>
      %dma_start3A_27 = arith.constant 0 : i32
      %dma_start3A_28 = tpu.memref_slice %arg4[%add3A_24, %dma_start3A_27] : memref<3072x512xf32, #tpu.memory_space<hbm>> -> memref<48x512xf32, #tpu.memory_space<hbm>>
      tpu.enqueue_dma source(%arg7 : memref<48x512xf32, #tpu.memory_space<vmem>>) target(%dma_start3A_28 : memref<48x512xf32, #tpu.memory_space<hbm>>) target_semaphore(%run_scoped3A : memref<!tpu.dma_semaphore, #tpu.memory_space<semaphore_mem>>)
      %dma_wait3A_29 = arith.constant 0 : i32
      %dma_wait3A_30 = tpu.memref_slice %arg4[%add3A_24, %dma_wait3A_29] : memref<3072x512xf32, #tpu.memory_space<hbm>> -> memref<48x512xf32, #tpu.memory_space<hbm>>
      %dma_wait3A_31 = arith.constant 0 : i32
      %dma_wait3A_32 = tpu.memref_slice %arg4[%add3A_24, %dma_wait3A_31] : memref<3072x512xf32, #tpu.memory_space<hbm>> -> memref<48x512xf32, #tpu.memory_space<hbm>>
      tpu.wait_dma2 semaphore(%run_scoped3A : memref<!tpu.dma_semaphore, #tpu.memory_space<semaphore_mem>>) src(%arg7 : memref<48x512xf32, #tpu.memory_space<vmem>>) dst(%dma_wait3A_32 : memref<48x512xf32, #tpu.memory_space<hbm>>)
      tpu.yield
    }) : () -> ()
    return
  }
}

#map = affine_map<(d0, d1) -> (0, 0)>
#map1 = affine_map<(d0, d1) -> (0)>
module attributes {stable_mosaic.version = 14 : i64} {
  func.func @k(%arg0: i32, %arg1: i32, %arg2: memref<32000x512xf32, #tpu.memory_space<hbm>>, %arg3: memref<2048xi32, #tpu.memory_space<hbm>>, %arg4: memref<2048x512xf32, #tpu.memory_space<hbm>>, %arg5: memref<64xi32, #tpu.memory_space<vmem>>, %arg6: memref<64x512xf32, #tpu.memory_space<vmem>>, %arg7: memref<64x512xf32, #tpu.memory_space<vmem>>, %arg8: memref<!tpu.dma_semaphore, #tpu.memory_space<semaphore_mem>>, %arg9: memref<!tpu.dma_semaphore, #tpu.memory_space<semaphore_mem>>) attributes {dimension_semantics = [#tpu.dimension_semantics<core_parallel>, #tpu.dimension_semantics<subcore_parallel>], iteration_bounds = array<i64: 2, 16>, scalar_prefetch = 0 : i64, scratch_operands = 5 : i64, tpu.core_type = #tpu.core_type<sc_vector_subcore>, window_params = [{transform_indices = #map}, {transform_indices = #map1}, {transform_indices = #map}]} {
    %mul3A = arith.constant 2 : i32
    %mul3A_0 = arith.muli %arg1, %mul3A : i32
    %add3A = arith.addi %mul3A_0, %arg0 : i32
    %mul3A_1 = arith.constant 64 : i32
    %mul3A_2 = arith.muli %add3A, %mul3A_1 : i32
    "tpu.region"() ({
      %run_scoped3A = tpu.sem_alloc : memref<!tpu.dma_semaphore, #tpu.memory_space<semaphore_mem>>
      %dma_start3A_13 = tpu.memref_slice %arg3[%mul3A_2] : memref<2048xi32, #tpu.memory_space<hbm>> -> memref<64xi32, #tpu.memory_space<hbm>>
      %dma_start3A_14 = tpu.memref_slice %arg3[%mul3A_2] : memref<2048xi32, #tpu.memory_space<hbm>> -> memref<64xi32, #tpu.memory_space<hbm>>
      tpu.enqueue_dma source(%dma_start3A_14 : memref<64xi32, #tpu.memory_space<hbm>>) target(%arg5 : memref<64xi32, #tpu.memory_space<vmem>>) target_semaphore(%run_scoped3A : memref<!tpu.dma_semaphore, #tpu.memory_space<semaphore_mem>>)
      %dma_wait3A_15 = tpu.memref_slice %arg3[%mul3A_2] : memref<2048xi32, #tpu.memory_space<hbm>> -> memref<64xi32, #tpu.memory_space<hbm>>
      %dma_wait3A_16 = tpu.memref_slice %arg3[%mul3A_2] : memref<2048xi32, #tpu.memory_space<hbm>> -> memref<64xi32, #tpu.memory_space<hbm>>
      tpu.wait_dma2 semaphore(%run_scoped3A : memref<!tpu.dma_semaphore, #tpu.memory_space<semaphore_mem>>) src(%dma_wait3A_16 : memref<64xi32, #tpu.memory_space<hbm>>) dst(%arg5 : memref<64xi32, #tpu.memory_space<vmem>>)
      tpu.yield
    }) : () -> ()
    %dma_start3A = arith.constant 0 : i32
    %dma_start3A_3 = tpu.memref_slice %arg5[%dma_start3A] : memref<64xi32, #tpu.memory_space<vmem>> -> memref<64xi32, #tpu.memory_space<vmem>>
    %dma_start3A_4 = arith.constant 0 : i32
    %dma_start3A_5 = arith.constant 0 : i32
    %dma_start3A_6 = tpu.memref_slice %arg2[%dma_start3A_4, %dma_start3A_5] : memref<32000x512xf32, #tpu.memory_space<hbm>> -> memref<32000x512xf32, #tpu.memory_space<hbm>>
    tpu.enqueue_indirect_dma source(%dma_start3A_6 : memref<32000x512xf32, #tpu.memory_space<hbm>>) target(%arg6 : memref<64x512xf32, #tpu.memory_space<vmem>>) offsets(%dma_start3A_3 : memref<64xi32, #tpu.memory_space<vmem>>) semaphore(%arg8 : memref<!tpu.dma_semaphore, #tpu.memory_space<semaphore_mem>>)
    %dma_wait3A = arith.constant 0 : i32
    %dma_wait3A_7 = tpu.memref_slice %arg5[%dma_wait3A] : memref<64xi32, #tpu.memory_space<vmem>> -> memref<64xi32, #tpu.memory_space<vmem>>
    %dma_wait3A_8 = arith.constant 0 : i32
    %dma_wait3A_9 = arith.constant 0 : i32
    %dma_wait3A_10 = tpu.memref_slice %arg2[%dma_wait3A_8, %dma_wait3A_9] : memref<32000x512xf32, #tpu.memory_space<hbm>> -> memref<32000x512xf32, #tpu.memory_space<hbm>>
    tpu.wait_indirect_dma semaphore(%arg8 : memref<!tpu.dma_semaphore, #tpu.memory_space<semaphore_mem>>) src(%dma_wait3A_10 : memref<32000x512xf32, #tpu.memory_space<hbm>>) dst(%arg6 : memref<64x512xf32, #tpu.memory_space<vmem>>)
    %add3A_11 = arith.constant 0 : i32
    %add3A_12 = arith.addi %mul3A_2, %add3A_11 : i32
    "tpu.region"() ({
      %run_scoped3A = tpu.sem_alloc : memref<!tpu.dma_semaphore, #tpu.memory_space<semaphore_mem>>
      %dma_start3A_13 = arith.constant 0 : i32
      %dma_start3A_14 = tpu.memref_slice %arg4[%add3A_12, %dma_start3A_13] : memref<2048x512xf32, #tpu.memory_space<hbm>> -> memref<64x512xf32, #tpu.memory_space<hbm>>
      %dma_start3A_15 = arith.constant 0 : i32
      %dma_start3A_16 = tpu.memref_slice %arg4[%add3A_12, %dma_start3A_15] : memref<2048x512xf32, #tpu.memory_space<hbm>> -> memref<64x512xf32, #tpu.memory_space<hbm>>
      tpu.enqueue_dma source(%arg6 : memref<64x512xf32, #tpu.memory_space<vmem>>) target(%dma_start3A_16 : memref<64x512xf32, #tpu.memory_space<hbm>>) target_semaphore(%run_scoped3A : memref<!tpu.dma_semaphore, #tpu.memory_space<semaphore_mem>>)
      %dma_wait3A_17 = arith.constant 0 : i32
      %dma_wait3A_18 = tpu.memref_slice %arg4[%add3A_12, %dma_wait3A_17] : memref<2048x512xf32, #tpu.memory_space<hbm>> -> memref<64x512xf32, #tpu.memory_space<hbm>>
      %dma_wait3A_19 = arith.constant 0 : i32
      %dma_wait3A_20 = tpu.memref_slice %arg4[%add3A_12, %dma_wait3A_19] : memref<2048x512xf32, #tpu.memory_space<hbm>> -> memref<64x512xf32, #tpu.memory_space<hbm>>
      tpu.wait_dma2 semaphore(%run_scoped3A : memref<!tpu.dma_semaphore, #tpu.memory_space<semaphore_mem>>) src(%arg6 : memref<64x512xf32, #tpu.memory_space<vmem>>) dst(%dma_wait3A_20 : memref<64x512xf32, #tpu.memory_space<hbm>>)
      tpu.yield
    }) : () -> ()
    return
  }
}

#map = affine_map<(d0, d1) -> (0, 0)>
#map1 = affine_map<(d0, d1) -> (0)>
module attributes {stable_mosaic.version = 14 : i64} {
  func.func @k(%arg0: i32, %arg1: i32, %arg2: memref<32000x512xf32, #tpu.memory_space<hbm>>, %arg3: memref<1024xi32, #tpu.memory_space<hbm>>, %arg4: memref<1024x512xf32, #tpu.memory_space<hbm>>, %arg5: memref<32xi32, #tpu.memory_space<vmem>>, %arg6: memref<32x512xf32, #tpu.memory_space<vmem>>, %arg7: memref<32x512xf32, #tpu.memory_space<vmem>>, %arg8: memref<!tpu.dma_semaphore, #tpu.memory_space<semaphore_mem>>, %arg9: memref<!tpu.dma_semaphore, #tpu.memory_space<semaphore_mem>>) attributes {dimension_semantics = [#tpu.dimension_semantics<core_parallel>, #tpu.dimension_semantics<subcore_parallel>], iteration_bounds = array<i64: 2, 16>, scalar_prefetch = 0 : i64, scratch_operands = 5 : i64, tpu.core_type = #tpu.core_type<sc_vector_subcore>, window_params = [{transform_indices = #map}, {transform_indices = #map1}, {transform_indices = #map}]} {
    %mul3A = arith.constant 2 : i32
    %mul3A_0 = arith.muli %arg1, %mul3A : i32
    %add3A = arith.addi %mul3A_0, %arg0 : i32
    %mul3A_1 = arith.constant 32 : i32
    %mul3A_2 = arith.muli %add3A, %mul3A_1 : i32
    "tpu.region"() ({
      %run_scoped3A = tpu.sem_alloc : memref<!tpu.dma_semaphore, #tpu.memory_space<semaphore_mem>>
      %dma_start3A_13 = tpu.memref_slice %arg3[%mul3A_2] : memref<1024xi32, #tpu.memory_space<hbm>> -> memref<32xi32, #tpu.memory_space<hbm>>
      %dma_start3A_14 = tpu.memref_slice %arg3[%mul3A_2] : memref<1024xi32, #tpu.memory_space<hbm>> -> memref<32xi32, #tpu.memory_space<hbm>>
      tpu.enqueue_dma source(%dma_start3A_14 : memref<32xi32, #tpu.memory_space<hbm>>) target(%arg5 : memref<32xi32, #tpu.memory_space<vmem>>) target_semaphore(%run_scoped3A : memref<!tpu.dma_semaphore, #tpu.memory_space<semaphore_mem>>)
      %dma_wait3A_15 = tpu.memref_slice %arg3[%mul3A_2] : memref<1024xi32, #tpu.memory_space<hbm>> -> memref<32xi32, #tpu.memory_space<hbm>>
      %dma_wait3A_16 = tpu.memref_slice %arg3[%mul3A_2] : memref<1024xi32, #tpu.memory_space<hbm>> -> memref<32xi32, #tpu.memory_space<hbm>>
      tpu.wait_dma2 semaphore(%run_scoped3A : memref<!tpu.dma_semaphore, #tpu.memory_space<semaphore_mem>>) src(%dma_wait3A_16 : memref<32xi32, #tpu.memory_space<hbm>>) dst(%arg5 : memref<32xi32, #tpu.memory_space<vmem>>)
      tpu.yield
    }) : () -> ()
    %dma_start3A = arith.constant 0 : i32
    %dma_start3A_3 = tpu.memref_slice %arg5[%dma_start3A] : memref<32xi32, #tpu.memory_space<vmem>> -> memref<32xi32, #tpu.memory_space<vmem>>
    %dma_start3A_4 = arith.constant 0 : i32
    %dma_start3A_5 = arith.constant 0 : i32
    %dma_start3A_6 = tpu.memref_slice %arg2[%dma_start3A_4, %dma_start3A_5] : memref<32000x512xf32, #tpu.memory_space<hbm>> -> memref<32000x512xf32, #tpu.memory_space<hbm>>
    tpu.enqueue_indirect_dma source(%dma_start3A_6 : memref<32000x512xf32, #tpu.memory_space<hbm>>) target(%arg6 : memref<32x512xf32, #tpu.memory_space<vmem>>) offsets(%dma_start3A_3 : memref<32xi32, #tpu.memory_space<vmem>>) semaphore(%arg8 : memref<!tpu.dma_semaphore, #tpu.memory_space<semaphore_mem>>)
    %dma_wait3A = arith.constant 0 : i32
    %dma_wait3A_7 = tpu.memref_slice %arg5[%dma_wait3A] : memref<32xi32, #tpu.memory_space<vmem>> -> memref<32xi32, #tpu.memory_space<vmem>>
    %dma_wait3A_8 = arith.constant 0 : i32
    %dma_wait3A_9 = arith.constant 0 : i32
    %dma_wait3A_10 = tpu.memref_slice %arg2[%dma_wait3A_8, %dma_wait3A_9] : memref<32000x512xf32, #tpu.memory_space<hbm>> -> memref<32000x512xf32, #tpu.memory_space<hbm>>
    tpu.wait_indirect_dma semaphore(%arg8 : memref<!tpu.dma_semaphore, #tpu.memory_space<semaphore_mem>>) src(%dma_wait3A_10 : memref<32000x512xf32, #tpu.memory_space<hbm>>) dst(%arg6 : memref<32x512xf32, #tpu.memory_space<vmem>>)
    %add3A_11 = arith.constant 0 : i32
    %add3A_12 = arith.addi %mul3A_2, %add3A_11 : i32
    "tpu.region"() ({
      %run_scoped3A = tpu.sem_alloc : memref<!tpu.dma_semaphore, #tpu.memory_space<semaphore_mem>>
      %dma_start3A_13 = arith.constant 0 : i32
      %dma_start3A_14 = tpu.memref_slice %arg4[%add3A_12, %dma_start3A_13] : memref<1024x512xf32, #tpu.memory_space<hbm>> -> memref<32x512xf32, #tpu.memory_space<hbm>>
      %dma_start3A_15 = arith.constant 0 : i32
      %dma_start3A_16 = tpu.memref_slice %arg4[%add3A_12, %dma_start3A_15] : memref<1024x512xf32, #tpu.memory_space<hbm>> -> memref<32x512xf32, #tpu.memory_space<hbm>>
      tpu.enqueue_dma source(%arg6 : memref<32x512xf32, #tpu.memory_space<vmem>>) target(%dma_start3A_16 : memref<32x512xf32, #tpu.memory_space<hbm>>) target_semaphore(%run_scoped3A : memref<!tpu.dma_semaphore, #tpu.memory_space<semaphore_mem>>)
      %dma_wait3A_17 = arith.constant 0 : i32
      %dma_wait3A_18 = tpu.memref_slice %arg4[%add3A_12, %dma_wait3A_17] : memref<1024x512xf32, #tpu.memory_space<hbm>> -> memref<32x512xf32, #tpu.memory_space<hbm>>
      %dma_wait3A_19 = arith.constant 0 : i32
      %dma_wait3A_20 = tpu.memref_slice %arg4[%add3A_12, %dma_wait3A_19] : memref<1024x512xf32, #tpu.memory_space<hbm>> -> memref<32x512xf32, #tpu.memory_space<hbm>>
      tpu.wait_dma2 semaphore(%run_scoped3A : memref<!tpu.dma_semaphore, #tpu.memory_space<semaphore_mem>>) src(%arg6 : memref<32x512xf32, #tpu.memory_space<vmem>>) dst(%dma_wait3A_20 : memref<32x512xf32, #tpu.memory_space<hbm>>)
      tpu.yield
    }) : () -> ()
    return
  }
}

module attributes {stable_mosaic.version = 14 : i64} {
  func.func @body(%arg0: memref<16x512xi32, #tpu.memory_space<vmem>>, %arg1: memref<1x16xi32, #tpu.memory_space<vmem>>) attributes {dimension_semantics = [], scalar_prefetch = 0 : i64, scratch_operands = 0 : i64, tpu.core_type = #tpu.core_type<tc>} {
    %get3A = arith.constant 0 : index
    %get3A_0 = arith.constant 0 : index
    %get3A_1 = vector.load %arg0[%get3A, %get3A_0] : memref<16x512xi32, #tpu.memory_space<vmem>>, vector<16x512xi32>
    %iota3A = tpu.iota {dimensions = array<i32: 1>} : vector<16x512xi32>
    %eq3A = arith.constant 0 : i32
    %eq3A_2 = vector.broadcast %eq3A : i32 to vector<16x512xi32>
    %eq3A_3 = arith.cmpi eq, %get3A_1, %eq3A_2 : vector<16x512xi32>
    %jit3A = arith.constant 511 : i32
    %broadcast_in_dim3A = vector.broadcast %jit3A : i32 to vector<16x512xi32>
    %select_n3A = arith.select %eq3A_3, %iota3A, %broadcast_in_dim3A : vector<16x512xi1>, vector<16x512xi32>
    %reduce_min3A = arith.constant dense<2147483647> : vector<16xi32>
    %reduce_min3A_4 = vector.multi_reduction <minsi>, %select_n3A, %reduce_min3A [1] : vector<16x512xi32> to vector<16xi32>
    %broadcast_in_dim3A_5 = vector.shape_cast %reduce_min3A_4 : vector<16xi32> to vector<1x16xi32>
    %swap3A = arith.constant 0 : index
    %swap3A_6 = arith.constant 0 : index
    %swap3A_7 = vector.load %arg1[%swap3A, %swap3A_6] : memref<1x16xi32, #tpu.memory_space<vmem>>, vector<1x16xi32>
    tpu.vector_store %arg1[%swap3A, %swap3A_6], %broadcast_in_dim3A_5 {strides = array<i32>} : memref<1x16xi32, #tpu.memory_space<vmem>>, vector<1x16xi32>,
    return
  }
}

module attributes {stable_mosaic.version = 14 : i64} {
  func.func @body(%arg0: i32, %arg1: memref<1x16xi32, #tpu.memory_space<smem>>, %arg2: memref<1024x512xf32, #tpu.memory_space<vmem>>, %arg3: memref<512x1536xbf16, #tpu.memory_space<vmem>>, %arg4: memref<1x1536xf32, #tpu.memory_space<vmem>>, %arg5: memref<512x1536xbf16, #tpu.memory_space<vmem>>, %arg6: memref<1x1536xf32, #tpu.memory_space<vmem>>, %arg7: memref<16x512xf32, #tpu.memory_space<vmem>>, %arg8: memref<16x512xf32, #tpu.memory_space<vmem>>, %arg9: memref<16x512xf32, #tpu.memory_space<vmem>>, %arg10: memref<16x512xf32, #tpu.memory_space<vmem>>, %arg11: memref<64x16x1536xbf16, #tpu.memory_space<vmem>>, %arg12: memref<64x16x512xf32, #tpu.memory_space<vmem>>, %arg13: memref<16x512xf32, #tpu.memory_space<vmem>>) attributes {dimension_semantics = [#tpu.dimension_semantics<arbitrary>], iteration_bounds = array<i64: 1>, scalar_prefetch = 0 : i64, scratch_operands = 3 : i64, tpu.core_type = #tpu.core_type<tc>, window_params = [{transform_indices = @transform_0, window_bounds = array<i64: 1, 16>}, {transform_indices = @transform_1, window_bounds = array<i64: 1024, 512>}, {pipeline_mode = #tpu.pipeline_mode<synchronous>, transform_indices = @transform_2, window_bounds = array<i64: 512, 1536>}, {pipeline_mode = #tpu.pipeline_mode<synchronous>, transform_indices = @transform_3, window_bounds = array<i64: 1, 1536>}, {pipeline_mode = #tpu.pipeline_mode<synchronous>, transform_indices = @transform_4, window_bounds = array<i64: 512, 1536>}, {pipeline_mode = #tpu.pipeline_mode<synchronous>, transform_indices = @transform_5, window_bounds = array<i64: 1, 1536>}, {pipeline_mode = #tpu.pipeline_mode<synchronous>, transform_indices = @transform_6, window_bounds = array<i64: 16, 512>}, {pipeline_mode = #tpu.pipeline_mode<synchronous>, transform_indices = @transform_7, window_bounds = array<i64: 16, 512>}, {pipeline_mode = #tpu.pipeline_mode<synchronous>, transform_indices = @transform_8, window_bounds = array<i64: 16, 512>}, {pipeline_mode = #tpu.pipeline_mode<synchronous>, transform_indices = @transform_9, window_bounds = array<i64: 16, 512>}]} {
    %eq3A = arith.constant 0 : i32
    %eq3A_0 = arith.cmpi eq, %arg0, %eq3A : i32
    %convert_element_type3A = arith.extui %eq3A_0 : i1 to i32
    %cond3A = arith.constant 0 : i32
    %cond3A_1 = arith.cmpi ne, %convert_element_type3A, %cond3A : i32
    scf.if %cond3A_1 {
      %get3A_207 = arith.constant 0 : index
      %get3A_208 = arith.constant 0 : index
      %get3A_209 = vector.load %arg7[%get3A_207, %get3A_208] : memref<16x512xf32, #tpu.memory_space<vmem>>, vector<16x512xf32>
      %swap3A_210 = arith.constant 0 : index
      %swap3A_211 = arith.constant 0 : index
      %swap3A_212 = vector.load %arg13[%swap3A_210, %swap3A_211] : memref<16x512xf32, #tpu.memory_space<vmem>>, vector<16x512xf32>
      tpu.vector_store %arg13[%swap3A_210, %swap3A_211], %get3A_209 {strides = array<i32>} : memref<16x512xf32, #tpu.memory_space<vmem>>, vector<16x512xf32>,
      %get3A_213 = arith.constant 0 : index
      %get3A_214 = arith.constant 0 : index
      %get3A_215 = vector.load %arg8[%get3A_213, %get3A_214] : memref<16x512xf32, #tpu.memory_space<vmem>>, vector<16x512xf32>
      %swap3A_216 = arith.constant 0 : index
      %swap3A_217 = arith.constant 0 : index
      %swap3A_218 = vector.load %arg10[%swap3A_216, %swap3A_217] : memref<16x512xf32, #tpu.memory_space<vmem>>, vector<16x512xf32>
      tpu.vector_store %arg10[%swap3A_216, %swap3A_217], %get3A_215 {strides = array<i32>} : memref<16x512xf32, #tpu.memory_space<vmem>>, vector<16x512xf32>,
    } else {
    }
    %get3A = arith.constant 0 : index
    %get3A_2 = arith.constant 0 : index
    %get3A_3 = vector.load %arg2[%get3A, %get3A_2] : memref<1024x512xf32, #tpu.memory_space<vmem>>, vector<1024x512xf32>
    %convert_element_type3A_4 = arith.truncf %get3A_3 : vector<1024x512xf32> to vector<1024x512xbf16>
    %get3A_5 = arith.constant 0 : index
    %get3A_6 = arith.constant 0 : index
    %get3A_7 = vector.load %arg3[%get3A_5, %get3A_6] : memref<512x1536xbf16, #tpu.memory_space<vmem>>, vector<512x1536xbf16>
    %dot_general3A = arith.constant dense<0.000000e+00> : vector<1024x1536xf32>
    %dot_general3A_8 = tpu.matmul %convert_element_type3A_4, %get3A_7, %dot_general3A {dimension_numbers = #tpu.dot_dimension_numbers<[1], [0], [0], [1], [0, 0, 1, 1], [], []>, transpose_lhs_hint = false} : vector<1024x512xbf16>, vector<512x1536xbf16>, vector<1024x1536xf32> -> vector<1024x1536xf32>
    %get3A_9 = arith.constant 0 : index
    %get3A_10 = arith.constant 0 : index
    %get3A_11 = vector.load %arg4[%get3A_9, %get3A_10] : memref<1x1536xf32, #tpu.memory_space<vmem>>, vector<1x1536xf32>
    %add3A = vector.broadcast %get3A_11 : vector<1x1536xf32> to vector<1024x1536xf32>
    %add3A_12 = arith.addf %dot_general3A_8, %add3A : vector<1024x1536xf32>
    %convert_element_type3A_13 = arith.truncf %add3A_12 : vector<1024x1536xf32> to vector<1024x1536xbf16>
    %reshape3A = vector.shape_cast %convert_element_type3A_13 : vector<1024x1536xbf16> to vector<64x16x1536xbf16>
    %swap3A = arith.constant 0 : index
    %swap3A_14 = arith.constant 0 : index
    %swap3A_15 = arith.constant 0 : index
    %swap3A_16 = vector.load %arg11[%swap3A, %swap3A_14, %swap3A_15] : memref<64x16x1536xbf16, #tpu.memory_space<vmem>>, vector<64x16x1536xbf16>
    tpu.vector_store %arg11[%swap3A, %swap3A_14, %swap3A_15], %reshape3A {strides = array<i32>} : memref<64x16x1536xbf16, #tpu.memory_space<vmem>>, vector<64x16x1536xbf16>,
    %get3A_17 = arith.constant 0 : index
    %get3A_18 = arith.constant 0 : index
    %get3A_19 = vector.load %arg13[%get3A_17, %get3A_18] : memref<16x512xf32, #tpu.memory_space<vmem>>, vector<16x512xf32>
    %scan3A = arith.constant 0 : i32
    %scan3A_20 = arith.constant 64 : i32
    %scan3A_21 = arith.addi %scan3A, %scan3A_20 : i32
    %scan3A_22 = arith.constant 4 : i32
    %scan3A_23 = scf.for %scan3A_207 = %scan3A to %scan3A_21 step %scan3A_22 iter_args(%scan3A_208 = %get3A_19) -> (vector<16x512xf32>)  : i32 {
      %get3A_209 = arith.index_cast %scan3A_207 : i32 to index
      %get3A_210 = arith.constant 0 : index
      %get3A_211 = arith.constant 0 : index
      %get3A_212 = vector.load %arg11[%get3A_209, %get3A_210, %get3A_211] : memref<64x16x1536xbf16, #tpu.memory_space<vmem>>, vector<1x16x1536xbf16>
      %get3A_213 = vector.shape_cast %get3A_212 : vector<1x16x1536xbf16> to vector<16x1536xbf16>
      %convert_element_type3A_214 = arith.extf %get3A_213 : vector<16x1536xbf16> to vector<16x1536xf32>
      %convert_element_type3A_215 = arith.truncf %scan3A_208 : vector<16x512xf32> to vector<16x512xbf16>
      %get3A_216 = arith.constant 0 : index
      %get3A_217 = arith.constant 0 : index
      %get3A_218 = vector.load %arg5[%get3A_216, %get3A_217] : memref<512x1536xbf16, #tpu.memory_space<vmem>>, vector<512x1024xbf16>
      %dot_general3A_219 = arith.constant dense<0.000000e+00> : vector<16x1024xf32>
      %dot_general3A_220 = tpu.matmul %convert_element_type3A_215, %get3A_218, %dot_general3A_219 {dimension_numbers = #tpu.dot_dimension_numbers<[1], [0], [0], [1], [0, 0, 1, 1], [], []>, transpose_lhs_hint = false} : vector<16x512xbf16>, vector<512x1024xbf16>, vector<16x1024xf32> -> vector<16x1024xf32>
      %get3A_221 = arith.constant 0 : index
      %get3A_222 = arith.constant 0 : index
      %get3A_223 = vector.load %arg6[%get3A_221, %get3A_222] : memref<1x1536xf32, #tpu.memory_space<vmem>>, vector<1x1024xf32>
      %add3A_224 = vector.broadcast %get3A_223 : vector<1x1024xf32> to vector<16x1024xf32>
      %add3A_225 = arith.addf %dot_general3A_220, %add3A_224 : vector<16x1024xf32>
      %get3A_226 = arith.constant 0 : index
      %get3A_227 = arith.constant 1024 : index
      %get3A_228 = vector.load %arg5[%get3A_226, %get3A_227] : memref<512x1536xbf16, #tpu.memory_space<vmem>>, vector<512x512xbf16>
      %dot_general3A_229 = arith.constant dense<0.000000e+00> : vector<16x512xf32>
      %dot_general3A_230 = tpu.matmul %convert_element_type3A_215, %get3A_228, %dot_general3A_229 {dimension_numbers = #tpu.dot_dimension_numbers<[1], [0], [0], [1], [0, 0, 1, 1], [], []>, transpose_lhs_hint = false} : vector<16x512xbf16>, vector<512x512xbf16>, vector<16x512xf32> -> vector<16x512xf32>
      %get3A_231 = arith.constant 0 : index
      %get3A_232 = arith.constant 1024 : index
      %get3A_233 = vector.load %arg6[%get3A_231, %get3A_232] : memref<1x1536xf32, #tpu.memory_space<vmem>>, vector<1x512xf32>
      %add3A_234 = vector.broadcast %get3A_233 : vector<1x512xf32> to vector<16x512xf32>
      %add3A_235 = arith.addf %dot_general3A_230, %add3A_234 : vector<16x512xf32>
      %slice3A = vector.extract_strided_slice %convert_element_type3A_214 {offsets = [0, 0], sizes = [16, 512], strides = [1, 1]} : vector<16x1536xf32> to vector<16x512xf32>
      %slice3A_236 = vector.extract_strided_slice %add3A_225 {offsets = [0, 0], sizes = [16, 512], strides = [1, 1]} : vector<16x1024xf32> to vector<16x512xf32>
      %add3A_237 = arith.addf %slice3A, %slice3A_236 : vector<16x512xf32>
      %mul3A_238 = arith.constant 5.000000e-01 : f32
      %mul3A_239 = vector.broadcast %mul3A_238 : f32 to vector<16x512xf32>
      %mul3A_240 = arith.mulf %mul3A_239, %add3A_237 : vector<16x512xf32>
      %tanh3A = math.tanh %mul3A_240 : vector<16x512xf32>
      %mul3A_241 = arith.constant 5.000000e-01 : f32
      %mul3A_242 = vector.broadcast %mul3A_241 : f32 to vector<16x512xf32>
      %mul3A_243 = arith.mulf %mul3A_242, %tanh3A : vector<16x512xf32>
      %add3A_244 = arith.constant 5.000000e-01 : f32
      %add3A_245 = vector.broadcast %add3A_244 : f32 to vector<16x512xf32>
      %add3A_246 = arith.addf %mul3A_243, %add3A_245 : vector<16x512xf32>
      %slice3A_247 = vector.extract_strided_slice %convert_element_type3A_214 {offsets = [0, 512], sizes = [16, 512], strides = [1, 1]} : vector<16x1536xf32> to vector<16x512xf32>
      %slice3A_248 = vector.extract_strided_slice %add3A_225 {offsets = [0, 512], sizes = [16, 512], strides = [1, 1]} : vector<16x1024xf32> to vector<16x512xf32>
      %add3A_249 = arith.addf %slice3A_247, %slice3A_248 : vector<16x512xf32>
      %mul3A_250 = arith.constant 5.000000e-01 : f32
      %mul3A_251 = vector.broadcast %mul3A_250 : f32 to vector<16x512xf32>
      %mul3A_252 = arith.mulf %mul3A_251, %add3A_249 : vector<16x512xf32>
      %tanh3A_253 = math.tanh %mul3A_252 : vector<16x512xf32>
      %mul3A_254 = arith.constant 5.000000e-01 : f32
      %mul3A_255 = vector.broadcast %mul3A_254 : f32 to vector<16x512xf32>
      %mul3A_256 = arith.mulf %mul3A_255, %tanh3A_253 : vector<16x512xf32>
      %add3A_257 = arith.constant 5.000000e-01 : f32
      %add3A_258 = vector.broadcast %add3A_257 : f32 to vector<16x512xf32>
      %add3A_259 = arith.addf %mul3A_256, %add3A_258 : vector<16x512xf32>
      %slice3A_260 = vector.extract_strided_slice %convert_element_type3A_214 {offsets = [0, 1024], sizes = [16, 512], strides = [1, 1]} : vector<16x1536xf32> to vector<16x512xf32>
      %mul3A_261 = arith.mulf %add3A_246, %add3A_235 : vector<16x512xf32>
      %add3A_262 = arith.addf %slice3A_260, %mul3A_261 : vector<16x512xf32>
      %tanh3A_263 = math.tanh %add3A_262 : vector<16x512xf32>
      %sub3A = arith.constant 1.000000e+00 : f32
      %sub3A_264 = vector.broadcast %sub3A : f32 to vector<16x512xf32>
      %sub3A_265 = arith.subf %sub3A_264, %add3A_259 : vector<16x512xf32>
      %mul3A_266 = arith.mulf %sub3A_265, %tanh3A_263 : vector<16x512xf32>
      %mul3A_267 = arith.mulf %add3A_259, %scan3A_208 : vector<16x512xf32>
      %add3A_268 = arith.addf %mul3A_266, %mul3A_267 : vector<16x512xf32>
      %swap3A_269 = arith.index_cast %scan3A_207 : i32 to index
      %swap3A_270 = arith.constant 0 : index
      %swap3A_271 = arith.constant 0 : index
      %swap3A_272 = vector.load %arg12[%swap3A_269, %swap3A_270, %swap3A_271] : memref<64x16x512xf32, #tpu.memory_space<vmem>>, vector<1x16x512xf32>
      %swap3A_273 = vector.shape_cast %swap3A_272 : vector<1x16x512xf32> to vector<16x512xf32>
      %swap3A_274 = vector.shape_cast %add3A_268 : vector<16x512xf32> to vector<1x16x512xf32>
      tpu.vector_store %arg12[%swap3A_269, %swap3A_270, %swap3A_271], %swap3A_274 {strides = array<i32>} : memref<64x16x512xf32, #tpu.memory_space<vmem>>, vector<1x16x512xf32>,
      %scan3A_275 = arith.constant 1 : i32
      %scan3A_276 = arith.addi %scan3A_207, %scan3A_275 : i32
      %get3A_277 = arith.index_cast %scan3A_276 : i32 to index
      %get3A_278 = arith.constant 0 : index
      %get3A_279 = arith.constant 0 : index
      %get3A_280 = vector.load %arg11[%get3A_277, %get3A_278, %get3A_279] : memref<64x16x1536xbf16, #tpu.memory_space<vmem>>, vector<1x16x1536xbf16>
      %get3A_281 = vector.shape_cast %get3A_280 : vector<1x16x1536xbf16> to vector<16x1536xbf16>
      %convert_element_type3A_282 = arith.extf %get3A_281 : vector<16x1536xbf16> to vector<16x1536xf32>
      %convert_element_type3A_283 = arith.truncf %add3A_268 : vector<16x512xf32> to vector<16x512xbf16>
      %get3A_284 = arith.constant 0 : index
      %get3A_285 = arith.constant 0 : index
      %get3A_286 = vector.load %arg5[%get3A_284, %get3A_285] : memref<512x1536xbf16, #tpu.memory_space<vmem>>, vector<512x1024xbf16>
      %dot_general3A_287 = arith.constant dense<0.000000e+00> : vector<16x1024xf32>
      %dot_general3A_288 = tpu.matmul %convert_element_type3A_283, %get3A_286, %dot_general3A_287 {dimension_numbers = #tpu.dot_dimension_numbers<[1], [0], [0], [1], [0, 0, 1, 1], [], []>, transpose_lhs_hint = false} : vector<16x512xbf16>, vector<512x1024xbf16>, vector<16x1024xf32> -> vector<16x1024xf32>
      %get3A_289 = arith.constant 0 : index
      %get3A_290 = arith.constant 0 : index
      %get3A_291 = vector.load %arg6[%get3A_289, %get3A_290] : memref<1x1536xf32, #tpu.memory_space<vmem>>, vector<1x1024xf32>
      %add3A_292 = vector.broadcast %get3A_291 : vector<1x1024xf32> to vector<16x1024xf32>
      %add3A_293 = arith.addf %dot_general3A_288, %add3A_292 : vector<16x1024xf32>
      %get3A_294 = arith.constant 0 : index
      %get3A_295 = arith.constant 1024 : index
      %get3A_296 = vector.load %arg5[%get3A_294, %get3A_295] : memref<512x1536xbf16, #tpu.memory_space<vmem>>, vector<512x512xbf16>
      %dot_general3A_297 = arith.constant dense<0.000000e+00> : vector<16x512xf32>
      %dot_general3A_298 = tpu.matmul %convert_element_type3A_283, %get3A_296, %dot_general3A_297 {dimension_numbers = #tpu.dot_dimension_numbers<[1], [0], [0], [1], [0, 0, 1, 1], [], []>, transpose_lhs_hint = false} : vector<16x512xbf16>, vector<512x512xbf16>, vector<16x512xf32> -> vector<16x512xf32>
      %get3A_299 = arith.constant 0 : index
      %get3A_300 = arith.constant 1024 : index
      %get3A_301 = vector.load %arg6[%get3A_299, %get3A_300] : memref<1x1536xf32, #tpu.memory_space<vmem>>, vector<1x512xf32>
      %add3A_302 = vector.broadcast %get3A_301 : vector<1x512xf32> to vector<16x512xf32>
      %add3A_303 = arith.addf %dot_general3A_298, %add3A_302 : vector<16x512xf32>
      %slice3A_304 = vector.extract_strided_slice %convert_element_type3A_282 {offsets = [0, 0], sizes = [16, 512], strides = [1, 1]} : vector<16x1536xf32> to vector<16x512xf32>
      %slice3A_305 = vector.extract_strided_slice %add3A_293 {offsets = [0, 0], sizes = [16, 512], strides = [1, 1]} : vector<16x1024xf32> to vector<16x512xf32>
      %add3A_306 = arith.addf %slice3A_304, %slice3A_305 : vector<16x512xf32>
      %mul3A_307 = arith.constant 5.000000e-01 : f32
      %mul3A_308 = vector.broadcast %mul3A_307 : f32 to vector<16x512xf32>
      %mul3A_309 = arith.mulf %mul3A_308, %add3A_306 : vector<16x512xf32>
      %tanh3A_310 = math.tanh %mul3A_309 : vector<16x512xf32>
      %mul3A_311 = arith.constant 5.000000e-01 : f32
      %mul3A_312 = vector.broadcast %mul3A_311 : f32 to vector<16x512xf32>
      %mul3A_313 = arith.mulf %mul3A_312, %tanh3A_310 : vector<16x512xf32>
      %add3A_314 = arith.constant 5.000000e-01 : f32
      %add3A_315 = vector.broadcast %add3A_314 : f32 to vector<16x512xf32>
      %add3A_316 = arith.addf %mul3A_313, %add3A_315 : vector<16x512xf32>
      %slice3A_317 = vector.extract_strided_slice %convert_element_type3A_282 {offsets = [0, 512], sizes = [16, 512], strides = [1, 1]} : vector<16x1536xf32> to vector<16x512xf32>
      %slice3A_318 = vector.extract_strided_slice %add3A_293 {offsets = [0, 512], sizes = [16, 512], strides = [1, 1]} : vector<16x1024xf32> to vector<16x512xf32>
      %add3A_319 = arith.addf %slice3A_317, %slice3A_318 : vector<16x512xf32>
      %mul3A_320 = arith.constant 5.000000e-01 : f32
      %mul3A_321 = vector.broadcast %mul3A_320 : f32 to vector<16x512xf32>
      %mul3A_322 = arith.mulf %mul3A_321, %add3A_319 : vector<16x512xf32>
      %tanh3A_323 = math.tanh %mul3A_322 : vector<16x512xf32>
      %mul3A_324 = arith.constant 5.000000e-01 : f32
      %mul3A_325 = vector.broadcast %mul3A_324 : f32 to vector<16x512xf32>
      %mul3A_326 = arith.mulf %mul3A_325, %tanh3A_323 : vector<16x512xf32>
      %add3A_327 = arith.constant 5.000000e-01 : f32
      %add3A_328 = vector.broadcast %add3A_327 : f32 to vector<16x512xf32>
      %add3A_329 = arith.addf %mul3A_326, %add3A_328 : vector<16x512xf32>
      %slice3A_330 = vector.extract_strided_slice %convert_element_type3A_282 {offsets = [0, 1024], sizes = [16, 512], strides = [1, 1]} : vector<16x1536xf32> to vector<16x512xf32>
      %mul3A_331 = arith.mulf %add3A_316, %add3A_303 : vector<16x512xf32>
      %add3A_332 = arith.addf %slice3A_330, %mul3A_331 : vector<16x512xf32>
      %tanh3A_333 = math.tanh %add3A_332 : vector<16x512xf32>
      %sub3A_334 = arith.constant 1.000000e+00 : f32
      %sub3A_335 = vector.broadcast %sub3A_334 : f32 to vector<16x512xf32>
      %sub3A_336 = arith.subf %sub3A_335, %add3A_329 : vector<16x512xf32>
      %mul3A_337 = arith.mulf %sub3A_336, %tanh3A_333 : vector<16x512xf32>
      %mul3A_338 = arith.mulf %add3A_329, %add3A_268 : vector<16x512xf32>
      %add3A_339 = arith.addf %mul3A_337, %mul3A_338 : vector<16x512xf32>
      %swap3A_340 = arith.index_cast %scan3A_276 : i32 to index
      %swap3A_341 = arith.constant 0 : index
      %swap3A_342 = arith.constant 0 : index
      %swap3A_343 = vector.load %arg12[%swap3A_340, %swap3A_341, %swap3A_342] : memref<64x16x512xf32, #tpu.memory_space<vmem>>, vector<1x16x512xf32>
      %swap3A_344 = vector.shape_cast %swap3A_343 : vector<1x16x512xf32> to vector<16x512xf32>
      %swap3A_345 = vector.shape_cast %add3A_339 : vector<16x512xf32> to vector<1x16x512xf32>
      tpu.vector_store %arg12[%swap3A_340, %swap3A_341, %swap3A_342], %swap3A_345 {strides = array<i32>} : memref<64x16x512xf32, #tpu.memory_space<vmem>>, vector<1x16x512xf32>,
      %scan3A_346 = arith.constant 2 : i32
      %scan3A_347 = arith.addi %scan3A_207, %scan3A_346 : i32
      %get3A_348 = arith.index_cast %scan3A_347 : i32 to index
      %get3A_349 = arith.constant 0 : index
      %get3A_350 = arith.constant 0 : index
      %get3A_351 = vector.load %arg11[%get3A_348, %get3A_349, %get3A_350] : memref<64x16x1536xbf16, #tpu.memory_space<vmem>>, vector<1x16x1536xbf16>
      %get3A_352 = vector.shape_cast %get3A_351 : vector<1x16x1536xbf16> to vector<16x1536xbf16>
      %convert_element_type3A_353 = arith.extf %get3A_352 : vector<16x1536xbf16> to vector<16x1536xf32>
      %convert_element_type3A_354 = arith.truncf %add3A_339 : vector<16x512xf32> to vector<16x512xbf16>
      %get3A_355 = arith.constant 0 : index
      %get3A_356 = arith.constant 0 : index
      %get3A_357 = vector.load %arg5[%get3A_355, %get3A_356] : memref<512x1536xbf16, #tpu.memory_space<vmem>>, vector<512x1024xbf16>
      %dot_general3A_358 = arith.constant dense<0.000000e+00> : vector<16x1024xf32>
      %dot_general3A_359 = tpu.matmul %convert_element_type3A_354, %get3A_357, %dot_general3A_358 {dimension_numbers = #tpu.dot_dimension_numbers<[1], [0], [0], [1], [0, 0, 1, 1], [], []>, transpose_lhs_hint = false} : vector<16x512xbf16>, vector<512x1024xbf16>, vector<16x1024xf32> -> vector<16x1024xf32>
      %get3A_360 = arith.constant 0 : index
      %get3A_361 = arith.constant 0 : index
      %get3A_362 = vector.load %arg6[%get3A_360, %get3A_361] : memref<1x1536xf32, #tpu.memory_space<vmem>>, vector<1x1024xf32>
      %add3A_363 = vector.broadcast %get3A_362 : vector<1x1024xf32> to vector<16x1024xf32>
      %add3A_364 = arith.addf %dot_general3A_359, %add3A_363 : vector<16x1024xf32>
      %get3A_365 = arith.constant 0 : index
      %get3A_366 = arith.constant 1024 : index
      %get3A_367 = vector.load %arg5[%get3A_365, %get3A_366] : memref<512x1536xbf16, #tpu.memory_space<vmem>>, vector<512x512xbf16>
      %dot_general3A_368 = arith.constant dense<0.000000e+00> : vector<16x512xf32>
      %dot_general3A_369 = tpu.matmul %convert_element_type3A_354, %get3A_367, %dot_general3A_368 {dimension_numbers = #tpu.dot_dimension_numbers<[1], [0], [0], [1], [0, 0, 1, 1], [], []>, transpose_lhs_hint = false} : vector<16x512xbf16>, vector<512x512xbf16>, vector<16x512xf32> -> vector<16x512xf32>
      %get3A_370 = arith.constant 0 : index
      %get3A_371 = arith.constant 1024 : index
      %get3A_372 = vector.load %arg6[%get3A_370, %get3A_371] : memref<1x1536xf32, #tpu.memory_space<vmem>>, vector<1x512xf32>
      %add3A_373 = vector.broadcast %get3A_372 : vector<1x512xf32> to vector<16x512xf32>
      %add3A_374 = arith.addf %dot_general3A_369, %add3A_373 : vector<16x512xf32>
      %slice3A_375 = vector.extract_strided_slice %convert_element_type3A_353 {offsets = [0, 0], sizes = [16, 512], strides = [1, 1]} : vector<16x1536xf32> to vector<16x512xf32>
      %slice3A_376 = vector.extract_strided_slice %add3A_364 {offsets = [0, 0], sizes = [16, 512], strides = [1, 1]} : vector<16x1024xf32> to vector<16x512xf32>
      %add3A_377 = arith.addf %slice3A_375, %slice3A_376 : vector<16x512xf32>
      %mul3A_378 = arith.constant 5.000000e-01 : f32
      %mul3A_379 = vector.broadcast %mul3A_378 : f32 to vector<16x512xf32>
      %mul3A_380 = arith.mulf %mul3A_379, %add3A_377 : vector<16x512xf32>
      %tanh3A_381 = math.tanh %mul3A_380 : vector<16x512xf32>
      %mul3A_382 = arith.constant 5.000000e-01 : f32
      %mul3A_383 = vector.broadcast %mul3A_382 : f32 to vector<16x512xf32>
      %mul3A_384 = arith.mulf %mul3A_383, %tanh3A_381 : vector<16x512xf32>
      %add3A_385 = arith.constant 5.000000e-01 : f32
      %add3A_386 = vector.broadcast %add3A_385 : f32 to vector<16x512xf32>
      %add3A_387 = arith.addf %mul3A_384, %add3A_386 : vector<16x512xf32>
      %slice3A_388 = vector.extract_strided_slice %convert_element_type3A_353 {offsets = [0, 512], sizes = [16, 512], strides = [1, 1]} : vector<16x1536xf32> to vector<16x512xf32>
      %slice3A_389 = vector.extract_strided_slice %add3A_364 {offsets = [0, 512], sizes = [16, 512], strides = [1, 1]} : vector<16x1024xf32> to vector<16x512xf32>
      %add3A_390 = arith.addf %slice3A_388, %slice3A_389 : vector<16x512xf32>
      %mul3A_391 = arith.constant 5.000000e-01 : f32
      %mul3A_392 = vector.broadcast %mul3A_391 : f32 to vector<16x512xf32>
      %mul3A_393 = arith.mulf %mul3A_392, %add3A_390 : vector<16x512xf32>
      %tanh3A_394 = math.tanh %mul3A_393 : vector<16x512xf32>
      %mul3A_395 = arith.constant 5.000000e-01 : f32
      %mul3A_396 = vector.broadcast %mul3A_395 : f32 to vector<16x512xf32>
      %mul3A_397 = arith.mulf %mul3A_396, %tanh3A_394 : vector<16x512xf32>
      %add3A_398 = arith.constant 5.000000e-01 : f32
      %add3A_399 = vector.broadcast %add3A_398 : f32 to vector<16x512xf32>
      %add3A_400 = arith.addf %mul3A_397, %add3A_399 : vector<16x512xf32>
      %slice3A_401 = vector.extract_strided_slice %convert_element_type3A_353 {offsets = [0, 1024], sizes = [16, 512], strides = [1, 1]} : vector<16x1536xf32> to vector<16x512xf32>
      %mul3A_402 = arith.mulf %add3A_387, %add3A_374 : vector<16x512xf32>
      %add3A_403 = arith.addf %slice3A_401, %mul3A_402 : vector<16x512xf32>
      %tanh3A_404 = math.tanh %add3A_403 : vector<16x512xf32>
      %sub3A_405 = arith.constant 1.000000e+00 : f32
      %sub3A_406 = vector.broadcast %sub3A_405 : f32 to vector<16x512xf32>
      %sub3A_407 = arith.subf %sub3A_406, %add3A_400 : vector<16x512xf32>
      %mul3A_408 = arith.mulf %sub3A_407, %tanh3A_404 : vector<16x512xf32>
      %mul3A_409 = arith.mulf %add3A_400, %add3A_339 : vector<16x512xf32>
      %add3A_410 = arith.addf %mul3A_408, %mul3A_409 : vector<16x512xf32>
      %swap3A_411 = arith.index_cast %scan3A_347 : i32 to index
      %swap3A_412 = arith.constant 0 : index
      %swap3A_413 = arith.constant 0 : index
      %swap3A_414 = vector.load %arg12[%swap3A_411, %swap3A_412, %swap3A_413] : memref<64x16x512xf32, #tpu.memory_space<vmem>>, vector<1x16x512xf32>
      %swap3A_415 = vector.shape_cast %swap3A_414 : vector<1x16x512xf32> to vector<16x512xf32>
      %swap3A_416 = vector.shape_cast %add3A_410 : vector<16x512xf32> to vector<1x16x512xf32>
      tpu.vector_store %arg12[%swap3A_411, %swap3A_412, %swap3A_413], %swap3A_416 {strides = array<i32>} : memref<64x16x512xf32, #tpu.memory_space<vmem>>, vector<1x16x512xf32>,
      %scan3A_417 = arith.constant 3 : i32
      %scan3A_418 = arith.addi %scan3A_207, %scan3A_417 : i32
      %get3A_419 = arith.index_cast %scan3A_418 : i32 to index
      %get3A_420 = arith.constant 0 : index
      %get3A_421 = arith.constant 0 : index
      %get3A_422 = vector.load %arg11[%get3A_419, %get3A_420, %get3A_421] : memref<64x16x1536xbf16, #tpu.memory_space<vmem>>, vector<1x16x1536xbf16>
      %get3A_423 = vector.shape_cast %get3A_422 : vector<1x16x1536xbf16> to vector<16x1536xbf16>
      %convert_element_type3A_424 = arith.extf %get3A_423 : vector<16x1536xbf16> to vector<16x1536xf32>
      %convert_element_type3A_425 = arith.truncf %add3A_410 : vector<16x512xf32> to vector<16x512xbf16>
      %get3A_426 = arith.constant 0 : index
      %get3A_427 = arith.constant 0 : index
      %get3A_428 = vector.load %arg5[%get3A_426, %get3A_427] : memref<512x1536xbf16, #tpu.memory_space<vmem>>, vector<512x1024xbf16>
      %dot_general3A_429 = arith.constant dense<0.000000e+00> : vector<16x1024xf32>
      %dot_general3A_430 = tpu.matmul %convert_element_type3A_425, %get3A_428, %dot_general3A_429 {dimension_numbers = #tpu.dot_dimension_numbers<[1], [0], [0], [1], [0, 0, 1, 1], [], []>, transpose_lhs_hint = false} : vector<16x512xbf16>, vector<512x1024xbf16>, vector<16x1024xf32> -> vector<16x1024xf32>
      %get3A_431 = arith.constant 0 : index
      %get3A_432 = arith.constant 0 : index
      %get3A_433 = vector.load %arg6[%get3A_431, %get3A_432] : memref<1x1536xf32, #tpu.memory_space<vmem>>, vector<1x1024xf32>
      %add3A_434 = vector.broadcast %get3A_433 : vector<1x1024xf32> to vector<16x1024xf32>
      %add3A_435 = arith.addf %dot_general3A_430, %add3A_434 : vector<16x1024xf32>
      %get3A_436 = arith.constant 0 : index
      %get3A_437 = arith.constant 1024 : index
      %get3A_438 = vector.load %arg5[%get3A_436, %get3A_437] : memref<512x1536xbf16, #tpu.memory_space<vmem>>, vector<512x512xbf16>
      %dot_general3A_439 = arith.constant dense<0.000000e+00> : vector<16x512xf32>
      %dot_general3A_440 = tpu.matmul %convert_element_type3A_425, %get3A_438, %dot_general3A_439 {dimension_numbers = #tpu.dot_dimension_numbers<[1], [0], [0], [1], [0, 0, 1, 1], [], []>, transpose_lhs_hint = false} : vector<16x512xbf16>, vector<512x512xbf16>, vector<16x512xf32> -> vector<16x512xf32>
      %get3A_441 = arith.constant 0 : index
      %get3A_442 = arith.constant 1024 : index
      %get3A_443 = vector.load %arg6[%get3A_441, %get3A_442] : memref<1x1536xf32, #tpu.memory_space<vmem>>, vector<1x512xf32>
      %add3A_444 = vector.broadcast %get3A_443 : vector<1x512xf32> to vector<16x512xf32>
      %add3A_445 = arith.addf %dot_general3A_440, %add3A_444 : vector<16x512xf32>
      %slice3A_446 = vector.extract_strided_slice %convert_element_type3A_424 {offsets = [0, 0], sizes = [16, 512], strides = [1, 1]} : vector<16x1536xf32> to vector<16x512xf32>
      %slice3A_447 = vector.extract_strided_slice %add3A_435 {offsets = [0, 0], sizes = [16, 512], strides = [1, 1]} : vector<16x1024xf32> to vector<16x512xf32>
      %add3A_448 = arith.addf %slice3A_446, %slice3A_447 : vector<16x512xf32>
      %mul3A_449 = arith.constant 5.000000e-01 : f32
      %mul3A_450 = vector.broadcast %mul3A_449 : f32 to vector<16x512xf32>
      %mul3A_451 = arith.mulf %mul3A_450, %add3A_448 : vector<16x512xf32>
      %tanh3A_452 = math.tanh %mul3A_451 : vector<16x512xf32>
      %mul3A_453 = arith.constant 5.000000e-01 : f32
      %mul3A_454 = vector.broadcast %mul3A_453 : f32 to vector<16x512xf32>
      %mul3A_455 = arith.mulf %mul3A_454, %tanh3A_452 : vector<16x512xf32>
      %add3A_456 = arith.constant 5.000000e-01 : f32
      %add3A_457 = vector.broadcast %add3A_456 : f32 to vector<16x512xf32>
      %add3A_458 = arith.addf %mul3A_455, %add3A_457 : vector<16x512xf32>
      %slice3A_459 = vector.extract_strided_slice %convert_element_type3A_424 {offsets = [0, 512], sizes = [16, 512], strides = [1, 1]} : vector<16x1536xf32> to vector<16x512xf32>
      %slice3A_460 = vector.extract_strided_slice %add3A_435 {offsets = [0, 512], sizes = [16, 512], strides = [1, 1]} : vector<16x1024xf32> to vector<16x512xf32>
      %add3A_461 = arith.addf %slice3A_459, %slice3A_460 : vector<16x512xf32>
      %mul3A_462 = arith.constant 5.000000e-01 : f32
      %mul3A_463 = vector.broadcast %mul3A_462 : f32 to vector<16x512xf32>
      %mul3A_464 = arith.mulf %mul3A_463, %add3A_461 : vector<16x512xf32>
      %tanh3A_465 = math.tanh %mul3A_464 : vector<16x512xf32>
      %mul3A_466 = arith.constant 5.000000e-01 : f32
      %mul3A_467 = vector.broadcast %mul3A_466 : f32 to vector<16x512xf32>
      %mul3A_468 = arith.mulf %mul3A_467, %tanh3A_465 : vector<16x512xf32>
      %add3A_469 = arith.constant 5.000000e-01 : f32
      %add3A_470 = vector.broadcast %add3A_469 : f32 to vector<16x512xf32>
      %add3A_471 = arith.addf %mul3A_468, %add3A_470 : vector<16x512xf32>
      %slice3A_472 = vector.extract_strided_slice %convert_element_type3A_424 {offsets = [0, 1024], sizes = [16, 512], strides = [1, 1]} : vector<16x1536xf32> to vector<16x512xf32>
      %mul3A_473 = arith.mulf %add3A_458, %add3A_445 : vector<16x512xf32>
      %add3A_474 = arith.addf %slice3A_472, %mul3A_473 : vector<16x512xf32>
      %tanh3A_475 = math.tanh %add3A_474 : vector<16x512xf32>
      %sub3A_476 = arith.constant 1.000000e+00 : f32
      %sub3A_477 = vector.broadcast %sub3A_476 : f32 to vector<16x512xf32>
      %sub3A_478 = arith.subf %sub3A_477, %add3A_471 : vector<16x512xf32>
      %mul3A_479 = arith.mulf %sub3A_478, %tanh3A_475 : vector<16x512xf32>
      %mul3A_480 = arith.mulf %add3A_471, %add3A_410 : vector<16x512xf32>
      %add3A_481 = arith.addf %mul3A_479, %mul3A_480 : vector<16x512xf32>
      %swap3A_482 = arith.index_cast %scan3A_418 : i32 to index
      %swap3A_483 = arith.constant 0 : index
      %swap3A_484 = arith.constant 0 : index
      %swap3A_485 = vector.load %arg12[%swap3A_482, %swap3A_483, %swap3A_484] : memref<64x16x512xf32, #tpu.memory_space<vmem>>, vector<1x16x512xf32>
      %swap3A_486 = vector.shape_cast %swap3A_485 : vector<1x16x512xf32> to vector<16x512xf32>
      %swap3A_487 = vector.shape_cast %add3A_481 : vector<16x512xf32> to vector<1x16x512xf32>
      tpu.vector_store %arg12[%swap3A_482, %swap3A_483, %swap3A_484], %swap3A_487 {strides = array<i32>} : memref<64x16x512xf32, #tpu.memory_space<vmem>>, vector<1x16x512xf32>,
      scf.yield %add3A_481 : vector<16x512xf32>
    }
    %scan3A_24 = arith.constant 64 : i32
    %swap3A_25 = arith.constant 0 : index
    %swap3A_26 = arith.constant 0 : index
    %swap3A_27 = vector.load %arg13[%swap3A_25, %swap3A_26] : memref<16x512xf32, #tpu.memory_space<vmem>>, vector<16x512xf32>
    tpu.vector_store %arg13[%swap3A_25, %swap3A_26], %scan3A_23 {strides = array<i32>} : memref<16x512xf32, #tpu.memory_space<vmem>>, vector<16x512xf32>,
    %swap3A_28 = arith.constant 0 : index
    %swap3A_29 = arith.constant 0 : index
    %swap3A_30 = vector.load %arg9[%swap3A_28, %swap3A_29] : memref<16x512xf32, #tpu.memory_space<vmem>>, vector<16x512xf32>
    tpu.vector_store %arg9[%swap3A_28, %swap3A_29], %scan3A_23 {strides = array<i32>} : memref<16x512xf32, #tpu.memory_space<vmem>>, vector<16x512xf32>,
    %mul3A = arith.constant 64 : i32
    %mul3A_31 = arith.muli %arg0, %mul3A : i32
    %add3A_32 = arith.constant 0 : i32
    %add3A_33 = arith.addi %add3A_32, %mul3A_31 : i32
    %get3A_34 = arith.constant 0 : index
    %get3A_35 = arith.constant 0 : index
    %get3A_36 = memref.load %arg1[%get3A_34, %get3A_35] : memref<1x16xi32, #tpu.memory_space<smem>>
    %ge3A = arith.cmpi sge, %get3A_36, %add3A_33 : i32
    %add3A_37 = arith.constant 64 : i32
    %add3A_38 = arith.addi %add3A_33, %add3A_37 : i32
    %lt3A = arith.cmpi slt, %get3A_36, %add3A_38 : i32
    %and3A = arith.andi %ge3A, %lt3A : i1
    %convert_element_type3A_39 = arith.extui %and3A : i1 to i32
    %cond3A_40 = arith.constant 0 : i32
    %cond3A_41 = arith.cmpi ne, %convert_element_type3A_39, %cond3A_40 : i32
    scf.if %cond3A_41 {
      %sub3A = arith.subi %get3A_36, %add3A_33 : i32
      %get3A_207 = arith.index_cast %sub3A : i32 to index
      %get3A_208 = arith.constant 0 : index
      %get3A_209 = arith.constant 0 : index
      %get3A_210 = vector.load %arg12[%get3A_207, %get3A_208, %get3A_209] : memref<64x16x512xf32, #tpu.memory_space<vmem>>, vector<1x1x512xf32>
      %get3A_211 = vector.shape_cast %get3A_210 : vector<1x1x512xf32> to vector<512xf32>
      %swap3A_212 = arith.constant 0 : index
      %swap3A_213 = arith.constant 0 : index
      %swap3A_214 = vector.load %arg10[%swap3A_212, %swap3A_213] : memref<16x512xf32, #tpu.memory_space<vmem>>, vector<1x512xf32>
      %swap3A_215 = vector.shape_cast %swap3A_214 : vector<1x512xf32> to vector<512xf32>
      %swap3A_216 = vector.shape_cast %get3A_211 : vector<512xf32> to vector<1x512xf32>
      tpu.vector_store %arg10[%swap3A_212, %swap3A_213], %swap3A_216 {strides = array<i32>} : memref<16x512xf32, #tpu.memory_space<vmem>>, vector<1x512xf32>,
    } else {
    }
    %get3A_42 = arith.constant 0 : index
    %get3A_43 = arith.constant 1 : index
    %get3A_44 = memref.load %arg1[%get3A_42, %get3A_43] : memref<1x16xi32, #tpu.memory_space<smem>>
    %ge3A_45 = arith.cmpi sge, %get3A_44, %add3A_33 : i32
    %add3A_46 = arith.constant 64 : i32
    %add3A_47 = arith.addi %add3A_33, %add3A_46 : i32
    %lt3A_48 = arith.cmpi slt, %get3A_44, %add3A_47 : i32
    %and3A_49 = arith.andi %ge3A_45, %lt3A_48 : i1
    %convert_element_type3A_50 = arith.extui %and3A_49 : i1 to i32
    %cond3A_51 = arith.constant 0 : i32
    %cond3A_52 = arith.cmpi ne, %convert_element_type3A_50, %cond3A_51 : i32
    scf.if %cond3A_52 {
      %sub3A = arith.subi %get3A_44, %add3A_33 : i32
      %get3A_207 = arith.index_cast %sub3A : i32 to index
      %get3A_208 = arith.constant 1 : index
      %get3A_209 = arith.constant 0 : index
      %get3A_210 = vector.load %arg12[%get3A_207, %get3A_208, %get3A_209] : memref<64x16x512xf32, #tpu.memory_space<vmem>>, vector<1x1x512xf32>
      %get3A_211 = vector.shape_cast %get3A_210 : vector<1x1x512xf32> to vector<512xf32>
      %swap3A_212 = arith.constant 1 : index
      %swap3A_213 = arith.constant 0 : index
      %swap3A_214 = vector.load %arg10[%swap3A_212, %swap3A_213] : memref<16x512xf32, #tpu.memory_space<vmem>>, vector<1x512xf32>
      %swap3A_215 = vector.shape_cast %swap3A_214 : vector<1x512xf32> to vector<512xf32>
      %swap3A_216 = vector.shape_cast %get3A_211 : vector<512xf32> to vector<1x512xf32>
      tpu.vector_store %arg10[%swap3A_212, %swap3A_213], %swap3A_216 {strides = array<i32>} : memref<16x512xf32, #tpu.memory_space<vmem>>, vector<1x512xf32>,
    } else {
    }
    %get3A_53 = arith.constant 0 : index
    %get3A_54 = arith.constant 2 : index
    %get3A_55 = memref.load %arg1[%get3A_53, %get3A_54] : memref<1x16xi32, #tpu.memory_space<smem>>
    %ge3A_56 = arith.cmpi sge, %get3A_55, %add3A_33 : i32
    %add3A_57 = arith.constant 64 : i32
    %add3A_58 = arith.addi %add3A_33, %add3A_57 : i32
    %lt3A_59 = arith.cmpi slt, %get3A_55, %add3A_58 : i32
    %and3A_60 = arith.andi %ge3A_56, %lt3A_59 : i1
    %convert_element_type3A_61 = arith.extui %and3A_60 : i1 to i32
    %cond3A_62 = arith.constant 0 : i32
    %cond3A_63 = arith.cmpi ne, %convert_element_type3A_61, %cond3A_62 : i32
    scf.if %cond3A_63 {
      %sub3A = arith.subi %get3A_55, %add3A_33 : i32
      %get3A_207 = arith.index_cast %sub3A : i32 to index
      %get3A_208 = arith.constant 2 : index
      %get3A_209 = arith.constant 0 : index
      %get3A_210 = vector.load %arg12[%get3A_207, %get3A_208, %get3A_209] : memref<64x16x512xf32, #tpu.memory_space<vmem>>, vector<1x1x512xf32>
      %get3A_211 = vector.shape_cast %get3A_210 : vector<1x1x512xf32> to vector<512xf32>
      %swap3A_212 = arith.constant 2 : index
      %swap3A_213 = arith.constant 0 : index
      %swap3A_214 = vector.load %arg10[%swap3A_212, %swap3A_213] : memref<16x512xf32, #tpu.memory_space<vmem>>, vector<1x512xf32>
      %swap3A_215 = vector.shape_cast %swap3A_214 : vector<1x512xf32> to vector<512xf32>
      %swap3A_216 = vector.shape_cast %get3A_211 : vector<512xf32> to vector<1x512xf32>
      tpu.vector_store %arg10[%swap3A_212, %swap3A_213], %swap3A_216 {strides = array<i32>} : memref<16x512xf32, #tpu.memory_space<vmem>>, vector<1x512xf32>,
    } else {
    }
    %get3A_64 = arith.constant 0 : index
    %get3A_65 = arith.constant 3 : index
    %get3A_66 = memref.load %arg1[%get3A_64, %get3A_65] : memref<1x16xi32, #tpu.memory_space<smem>>
    %ge3A_67 = arith.cmpi sge, %get3A_66, %add3A_33 : i32
    %add3A_68 = arith.constant 64 : i32
    %add3A_69 = arith.addi %add3A_33, %add3A_68 : i32
    %lt3A_70 = arith.cmpi slt, %get3A_66, %add3A_69 : i32
    %and3A_71 = arith.andi %ge3A_67, %lt3A_70 : i1
    %convert_element_type3A_72 = arith.extui %and3A_71 : i1 to i32
    %cond3A_73 = arith.constant 0 : i32
    %cond3A_74 = arith.cmpi ne, %convert_element_type3A_72, %cond3A_73 : i32
    scf.if %cond3A_74 {
      %sub3A = arith.subi %get3A_66, %add3A_33 : i32
      %get3A_207 = arith.index_cast %sub3A : i32 to index
      %get3A_208 = arith.constant 3 : index
      %get3A_209 = arith.constant 0 : index
      %get3A_210 = vector.load %arg12[%get3A_207, %get3A_208, %get3A_209] : memref<64x16x512xf32, #tpu.memory_space<vmem>>, vector<1x1x512xf32>
      %get3A_211 = vector.shape_cast %get3A_210 : vector<1x1x512xf32> to vector<512xf32>
      %swap3A_212 = arith.constant 3 : index
      %swap3A_213 = arith.constant 0 : index
      %swap3A_214 = vector.load %arg10[%swap3A_212, %swap3A_213] : memref<16x512xf32, #tpu.memory_space<vmem>>, vector<1x512xf32>
      %swap3A_215 = vector.shape_cast %swap3A_214 : vector<1x512xf32> to vector<512xf32>
      %swap3A_216 = vector.shape_cast %get3A_211 : vector<512xf32> to vector<1x512xf32>
      tpu.vector_store %arg10[%swap3A_212, %swap3A_213], %swap3A_216 {strides = array<i32>} : memref<16x512xf32, #tpu.memory_space<vmem>>, vector<1x512xf32>,
    } else {
    }
    %get3A_75 = arith.constant 0 : index
    %get3A_76 = arith.constant 4 : index
    %get3A_77 = memref.load %arg1[%get3A_75, %get3A_76] : memref<1x16xi32, #tpu.memory_space<smem>>
    %ge3A_78 = arith.cmpi sge, %get3A_77, %add3A_33 : i32
    %add3A_79 = arith.constant 64 : i32
    %add3A_80 = arith.addi %add3A_33, %add3A_79 : i32
    %lt3A_81 = arith.cmpi slt, %get3A_77, %add3A_80 : i32
    %and3A_82 = arith.andi %ge3A_78, %lt3A_81 : i1
    %convert_element_type3A_83 = arith.extui %and3A_82 : i1 to i32
    %cond3A_84 = arith.constant 0 : i32
    %cond3A_85 = arith.cmpi ne, %convert_element_type3A_83, %cond3A_84 : i32
    scf.if %cond3A_85 {
      %sub3A = arith.subi %get3A_77, %add3A_33 : i32
      %get3A_207 = arith.index_cast %sub3A : i32 to index
      %get3A_208 = arith.constant 4 : index
      %get3A_209 = arith.constant 0 : index
      %get3A_210 = vector.load %arg12[%get3A_207, %get3A_208, %get3A_209] : memref<64x16x512xf32, #tpu.memory_space<vmem>>, vector<1x1x512xf32>
      %get3A_211 = vector.shape_cast %get3A_210 : vector<1x1x512xf32> to vector<512xf32>
      %swap3A_212 = arith.constant 4 : index
      %swap3A_213 = arith.constant 0 : index
      %swap3A_214 = vector.load %arg10[%swap3A_212, %swap3A_213] : memref<16x512xf32, #tpu.memory_space<vmem>>, vector<1x512xf32>
      %swap3A_215 = vector.shape_cast %swap3A_214 : vector<1x512xf32> to vector<512xf32>
      %swap3A_216 = vector.shape_cast %get3A_211 : vector<512xf32> to vector<1x512xf32>
      tpu.vector_store %arg10[%swap3A_212, %swap3A_213], %swap3A_216 {strides = array<i32>} : memref<16x512xf32, #tpu.memory_space<vmem>>, vector<1x512xf32>,
    } else {
    }
    %get3A_86 = arith.constant 0 : index
    %get3A_87 = arith.constant 5 : index
    %get3A_88 = memref.load %arg1[%get3A_86, %get3A_87] : memref<1x16xi32, #tpu.memory_space<smem>>
    %ge3A_89 = arith.cmpi sge, %get3A_88, %add3A_33 : i32
    %add3A_90 = arith.constant 64 : i32
    %add3A_91 = arith.addi %add3A_33, %add3A_90 : i32
    %lt3A_92 = arith.cmpi slt, %get3A_88, %add3A_91 : i32
    %and3A_93 = arith.andi %ge3A_89, %lt3A_92 : i1
    %convert_element_type3A_94 = arith.extui %and3A_93 : i1 to i32
    %cond3A_95 = arith.constant 0 : i32
    %cond3A_96 = arith.cmpi ne, %convert_element_type3A_94, %cond3A_95 : i32
    scf.if %cond3A_96 {
      %sub3A = arith.subi %get3A_88, %add3A_33 : i32
      %get3A_207 = arith.index_cast %sub3A : i32 to index
      %get3A_208 = arith.constant 5 : index
      %get3A_209 = arith.constant 0 : index
      %get3A_210 = vector.load %arg12[%get3A_207, %get3A_208, %get3A_209] : memref<64x16x512xf32, #tpu.memory_space<vmem>>, vector<1x1x512xf32>
      %get3A_211 = vector.shape_cast %get3A_210 : vector<1x1x512xf32> to vector<512xf32>
      %swap3A_212 = arith.constant 5 : index
      %swap3A_213 = arith.constant 0 : index
      %swap3A_214 = vector.load %arg10[%swap3A_212, %swap3A_213] : memref<16x512xf32, #tpu.memory_space<vmem>>, vector<1x512xf32>
      %swap3A_215 = vector.shape_cast %swap3A_214 : vector<1x512xf32> to vector<512xf32>
      %swap3A_216 = vector.shape_cast %get3A_211 : vector<512xf32> to vector<1x512xf32>
      tpu.vector_store %arg10[%swap3A_212, %swap3A_213], %swap3A_216 {strides = array<i32>} : memref<16x512xf32, #tpu.memory_space<vmem>>, vector<1x512xf32>,
    } else {
    }
    %get3A_97 = arith.constant 0 : index
    %get3A_98 = arith.constant 6 : index
    %get3A_99 = memref.load %arg1[%get3A_97, %get3A_98] : memref<1x16xi32, #tpu.memory_space<smem>>
    %ge3A_100 = arith.cmpi sge, %get3A_99, %add3A_33 : i32
    %add3A_101 = arith.constant 64 : i32
    %add3A_102 = arith.addi %add3A_33, %add3A_101 : i32
    %lt3A_103 = arith.cmpi slt, %get3A_99, %add3A_102 : i32
    %and3A_104 = arith.andi %ge3A_100, %lt3A_103 : i1
    %convert_element_type3A_105 = arith.extui %and3A_104 : i1 to i32
    %cond3A_106 = arith.constant 0 : i32
    %cond3A_107 = arith.cmpi ne, %convert_element_type3A_105, %cond3A_106 : i32
    scf.if %cond3A_107 {
      %sub3A = arith.subi %get3A_99, %add3A_33 : i32
      %get3A_207 = arith.index_cast %sub3A : i32 to index
      %get3A_208 = arith.constant 6 : index
      %get3A_209 = arith.constant 0 : index
      %get3A_210 = vector.load %arg12[%get3A_207, %get3A_208, %get3A_209] : memref<64x16x512xf32, #tpu.memory_space<vmem>>, vector<1x1x512xf32>
      %get3A_211 = vector.shape_cast %get3A_210 : vector<1x1x512xf32> to vector<512xf32>
      %swap3A_212 = arith.constant 6 : index
      %swap3A_213 = arith.constant 0 : index
      %swap3A_214 = vector.load %arg10[%swap3A_212, %swap3A_213] : memref<16x512xf32, #tpu.memory_space<vmem>>, vector<1x512xf32>
      %swap3A_215 = vector.shape_cast %swap3A_214 : vector<1x512xf32> to vector<512xf32>
      %swap3A_216 = vector.shape_cast %get3A_211 : vector<512xf32> to vector<1x512xf32>
      tpu.vector_store %arg10[%swap3A_212, %swap3A_213], %swap3A_216 {strides = array<i32>} : memref<16x512xf32, #tpu.memory_space<vmem>>, vector<1x512xf32>,
    } else {
    }
    %get3A_108 = arith.constant 0 : index
    %get3A_109 = arith.constant 7 : index
    %get3A_110 = memref.load %arg1[%get3A_108, %get3A_109] : memref<1x16xi32, #tpu.memory_space<smem>>
    %ge3A_111 = arith.cmpi sge, %get3A_110, %add3A_33 : i32
    %add3A_112 = arith.constant 64 : i32
    %add3A_113 = arith.addi %add3A_33, %add3A_112 : i32
    %lt3A_114 = arith.cmpi slt, %get3A_110, %add3A_113 : i32
    %and3A_115 = arith.andi %ge3A_111, %lt3A_114 : i1
    %convert_element_type3A_116 = arith.extui %and3A_115 : i1 to i32
    %cond3A_117 = arith.constant 0 : i32
    %cond3A_118 = arith.cmpi ne, %convert_element_type3A_116, %cond3A_117 : i32
    scf.if %cond3A_118 {
      %sub3A = arith.subi %get3A_110, %add3A_33 : i32
      %get3A_207 = arith.index_cast %sub3A : i32 to index
      %get3A_208 = arith.constant 7 : index
      %get3A_209 = arith.constant 0 : index
      %get3A_210 = vector.load %arg12[%get3A_207, %get3A_208, %get3A_209] : memref<64x16x512xf32, #tpu.memory_space<vmem>>, vector<1x1x512xf32>
      %get3A_211 = vector.shape_cast %get3A_210 : vector<1x1x512xf32> to vector<512xf32>
      %swap3A_212 = arith.constant 7 : index
      %swap3A_213 = arith.constant 0 : index
      %swap3A_214 = vector.load %arg10[%swap3A_212, %swap3A_213] : memref<16x512xf32, #tpu.memory_space<vmem>>, vector<1x512xf32>
      %swap3A_215 = vector.shape_cast %swap3A_214 : vector<1x512xf32> to vector<512xf32>
      %swap3A_216 = vector.shape_cast %get3A_211 : vector<512xf32> to vector<1x512xf32>
      tpu.vector_store %arg10[%swap3A_212, %swap3A_213], %swap3A_216 {strides = array<i32>} : memref<16x512xf32, #tpu.memory_space<vmem>>, vector<1x512xf32>,
    } else {
    }
    %get3A_119 = arith.constant 0 : index
    %get3A_120 = arith.constant 8 : index
    %get3A_121 = memref.load %arg1[%get3A_119, %get3A_120] : memref<1x16xi32, #tpu.memory_space<smem>>
    %ge3A_122 = arith.cmpi sge, %get3A_121, %add3A_33 : i32
    %add3A_123 = arith.constant 64 : i32
    %add3A_124 = arith.addi %add3A_33, %add3A_123 : i32
    %lt3A_125 = arith.cmpi slt, %get3A_121, %add3A_124 : i32
    %and3A_126 = arith.andi %ge3A_122, %lt3A_125 : i1
    %convert_element_type3A_127 = arith.extui %and3A_126 : i1 to i32
    %cond3A_128 = arith.constant 0 : i32
    %cond3A_129 = arith.cmpi ne, %convert_element_type3A_127, %cond3A_128 : i32
    scf.if %cond3A_129 {
      %sub3A = arith.subi %get3A_121, %add3A_33 : i32
      %get3A_207 = arith.index_cast %sub3A : i32 to index
      %get3A_208 = arith.constant 8 : index
      %get3A_209 = arith.constant 0 : index
      %get3A_210 = vector.load %arg12[%get3A_207, %get3A_208, %get3A_209] : memref<64x16x512xf32, #tpu.memory_space<vmem>>, vector<1x1x512xf32>
      %get3A_211 = vector.shape_cast %get3A_210 : vector<1x1x512xf32> to vector<512xf32>
      %swap3A_212 = arith.constant 8 : index
      %swap3A_213 = arith.constant 0 : index
      %swap3A_214 = vector.load %arg10[%swap3A_212, %swap3A_213] : memref<16x512xf32, #tpu.memory_space<vmem>>, vector<1x512xf32>
      %swap3A_215 = vector.shape_cast %swap3A_214 : vector<1x512xf32> to vector<512xf32>
      %swap3A_216 = vector.shape_cast %get3A_211 : vector<512xf32> to vector<1x512xf32>
      tpu.vector_store %arg10[%swap3A_212, %swap3A_213], %swap3A_216 {strides = array<i32>} : memref<16x512xf32, #tpu.memory_space<vmem>>, vector<1x512xf32>,
    } else {
    }
    %get3A_130 = arith.constant 0 : index
    %get3A_131 = arith.constant 9 : index
    %get3A_132 = memref.load %arg1[%get3A_130, %get3A_131] : memref<1x16xi32, #tpu.memory_space<smem>>
    %ge3A_133 = arith.cmpi sge, %get3A_132, %add3A_33 : i32
    %add3A_134 = arith.constant 64 : i32
    %add3A_135 = arith.addi %add3A_33, %add3A_134 : i32
    %lt3A_136 = arith.cmpi slt, %get3A_132, %add3A_135 : i32
    %and3A_137 = arith.andi %ge3A_133, %lt3A_136 : i1
    %convert_element_type3A_138 = arith.extui %and3A_137 : i1 to i32
    %cond3A_139 = arith.constant 0 : i32
    %cond3A_140 = arith.cmpi ne, %convert_element_type3A_138, %cond3A_139 : i32
    scf.if %cond3A_140 {
      %sub3A = arith.subi %get3A_132, %add3A_33 : i32
      %get3A_207 = arith.index_cast %sub3A : i32 to index
      %get3A_208 = arith.constant 9 : index
      %get3A_209 = arith.constant 0 : index
      %get3A_210 = vector.load %arg12[%get3A_207, %get3A_208, %get3A_209] : memref<64x16x512xf32, #tpu.memory_space<vmem>>, vector<1x1x512xf32>
      %get3A_211 = vector.shape_cast %get3A_210 : vector<1x1x512xf32> to vector<512xf32>
      %swap3A_212 = arith.constant 9 : index
      %swap3A_213 = arith.constant 0 : index
      %swap3A_214 = vector.load %arg10[%swap3A_212, %swap3A_213] : memref<16x512xf32, #tpu.memory_space<vmem>>, vector<1x512xf32>
      %swap3A_215 = vector.shape_cast %swap3A_214 : vector<1x512xf32> to vector<512xf32>
      %swap3A_216 = vector.shape_cast %get3A_211 : vector<512xf32> to vector<1x512xf32>
      tpu.vector_store %arg10[%swap3A_212, %swap3A_213], %swap3A_216 {strides = array<i32>} : memref<16x512xf32, #tpu.memory_space<vmem>>, vector<1x512xf32>,
    } else {
    }
    %get3A_141 = arith.constant 0 : index
    %get3A_142 = arith.constant 10 : index
    %get3A_143 = memref.load %arg1[%get3A_141, %get3A_142] : memref<1x16xi32, #tpu.memory_space<smem>>
    %ge3A_144 = arith.cmpi sge, %get3A_143, %add3A_33 : i32
    %add3A_145 = arith.constant 64 : i32
    %add3A_146 = arith.addi %add3A_33, %add3A_145 : i32
    %lt3A_147 = arith.cmpi slt, %get3A_143, %add3A_146 : i32
    %and3A_148 = arith.andi %ge3A_144, %lt3A_147 : i1
    %convert_element_type3A_149 = arith.extui %and3A_148 : i1 to i32
    %cond3A_150 = arith.constant 0 : i32
    %cond3A_151 = arith.cmpi ne, %convert_element_type3A_149, %cond3A_150 : i32
    scf.if %cond3A_151 {
      %sub3A = arith.subi %get3A_143, %add3A_33 : i32
      %get3A_207 = arith.index_cast %sub3A : i32 to index
      %get3A_208 = arith.constant 10 : index
      %get3A_209 = arith.constant 0 : index
      %get3A_210 = vector.load %arg12[%get3A_207, %get3A_208, %get3A_209] : memref<64x16x512xf32, #tpu.memory_space<vmem>>, vector<1x1x512xf32>
      %get3A_211 = vector.shape_cast %get3A_210 : vector<1x1x512xf32> to vector<512xf32>
      %swap3A_212 = arith.constant 10 : index
      %swap3A_213 = arith.constant 0 : index
      %swap3A_214 = vector.load %arg10[%swap3A_212, %swap3A_213] : memref<16x512xf32, #tpu.memory_space<vmem>>, vector<1x512xf32>
      %swap3A_215 = vector.shape_cast %swap3A_214 : vector<1x512xf32> to vector<512xf32>
      %swap3A_216 = vector.shape_cast %get3A_211 : vector<512xf32> to vector<1x512xf32>
      tpu.vector_store %arg10[%swap3A_212, %swap3A_213], %swap3A_216 {strides = array<i32>} : memref<16x512xf32, #tpu.memory_space<vmem>>, vector<1x512xf32>,
    } else {
    }
    %get3A_152 = arith.constant 0 : index
    %get3A_153 = arith.constant 11 : index
    %get3A_154 = memref.load %arg1[%get3A_152, %get3A_153] : memref<1x16xi32, #tpu.memory_space<smem>>
    %ge3A_155 = arith.cmpi sge, %get3A_154, %add3A_33 : i32
    %add3A_156 = arith.constant 64 : i32
    %add3A_157 = arith.addi %add3A_33, %add3A_156 : i32
    %lt3A_158 = arith.cmpi slt, %get3A_154, %add3A_157 : i32
    %and3A_159 = arith.andi %ge3A_155, %lt3A_158 : i1
    %convert_element_type3A_160 = arith.extui %and3A_159 : i1 to i32
    %cond3A_161 = arith.constant 0 : i32
    %cond3A_162 = arith.cmpi ne, %convert_element_type3A_160, %cond3A_161 : i32
    scf.if %cond3A_162 {
      %sub3A = arith.subi %get3A_154, %add3A_33 : i32
      %get3A_207 = arith.index_cast %sub3A : i32 to index
      %get3A_208 = arith.constant 11 : index
      %get3A_209 = arith.constant 0 : index
      %get3A_210 = vector.load %arg12[%get3A_207, %get3A_208, %get3A_209] : memref<64x16x512xf32, #tpu.memory_space<vmem>>, vector<1x1x512xf32>
      %get3A_211 = vector.shape_cast %get3A_210 : vector<1x1x512xf32> to vector<512xf32>
      %swap3A_212 = arith.constant 11 : index
      %swap3A_213 = arith.constant 0 : index
      %swap3A_214 = vector.load %arg10[%swap3A_212, %swap3A_213] : memref<16x512xf32, #tpu.memory_space<vmem>>, vector<1x512xf32>
      %swap3A_215 = vector.shape_cast %swap3A_214 : vector<1x512xf32> to vector<512xf32>
      %swap3A_216 = vector.shape_cast %get3A_211 : vector<512xf32> to vector<1x512xf32>
      tpu.vector_store %arg10[%swap3A_212, %swap3A_213], %swap3A_216 {strides = array<i32>} : memref<16x512xf32, #tpu.memory_space<vmem>>, vector<1x512xf32>,
    } else {
    }
    %get3A_163 = arith.constant 0 : index
    %get3A_164 = arith.constant 12 : index
    %get3A_165 = memref.load %arg1[%get3A_163, %get3A_164] : memref<1x16xi32, #tpu.memory_space<smem>>
    %ge3A_166 = arith.cmpi sge, %get3A_165, %add3A_33 : i32
    %add3A_167 = arith.constant 64 : i32
    %add3A_168 = arith.addi %add3A_33, %add3A_167 : i32
    %lt3A_169 = arith.cmpi slt, %get3A_165, %add3A_168 : i32
    %and3A_170 = arith.andi %ge3A_166, %lt3A_169 : i1
    %convert_element_type3A_171 = arith.extui %and3A_170 : i1 to i32
    %cond3A_172 = arith.constant 0 : i32
    %cond3A_173 = arith.cmpi ne, %convert_element_type3A_171, %cond3A_172 : i32
    scf.if %cond3A_173 {
      %sub3A = arith.subi %get3A_165, %add3A_33 : i32
      %get3A_207 = arith.index_cast %sub3A : i32 to index
      %get3A_208 = arith.constant 12 : index
      %get3A_209 = arith.constant 0 : index
      %get3A_210 = vector.load %arg12[%get3A_207, %get3A_208, %get3A_209] : memref<64x16x512xf32, #tpu.memory_space<vmem>>, vector<1x1x512xf32>
      %get3A_211 = vector.shape_cast %get3A_210 : vector<1x1x512xf32> to vector<512xf32>
      %swap3A_212 = arith.constant 12 : index
      %swap3A_213 = arith.constant 0 : index
      %swap3A_214 = vector.load %arg10[%swap3A_212, %swap3A_213] : memref<16x512xf32, #tpu.memory_space<vmem>>, vector<1x512xf32>
      %swap3A_215 = vector.shape_cast %swap3A_214 : vector<1x512xf32> to vector<512xf32>
      %swap3A_216 = vector.shape_cast %get3A_211 : vector<512xf32> to vector<1x512xf32>
      tpu.vector_store %arg10[%swap3A_212, %swap3A_213], %swap3A_216 {strides = array<i32>} : memref<16x512xf32, #tpu.memory_space<vmem>>, vector<1x512xf32>,
    } else {
    }
    %get3A_174 = arith.constant 0 : index
    %get3A_175 = arith.constant 13 : index
    %get3A_176 = memref.load %arg1[%get3A_174, %get3A_175] : memref<1x16xi32, #tpu.memory_space<smem>>
    %ge3A_177 = arith.cmpi sge, %get3A_176, %add3A_33 : i32
    %add3A_178 = arith.constant 64 : i32
    %add3A_179 = arith.addi %add3A_33, %add3A_178 : i32
    %lt3A_180 = arith.cmpi slt, %get3A_176, %add3A_179 : i32
    %and3A_181 = arith.andi %ge3A_177, %lt3A_180 : i1
    %convert_element_type3A_182 = arith.extui %and3A_181 : i1 to i32
    %cond3A_183 = arith.constant 0 : i32
    %cond3A_184 = arith.cmpi ne, %convert_element_type3A_182, %cond3A_183 : i32
    scf.if %cond3A_184 {
      %sub3A = arith.subi %get3A_176, %add3A_33 : i32
      %get3A_207 = arith.index_cast %sub3A : i32 to index
      %get3A_208 = arith.constant 13 : index
      %get3A_209 = arith.constant 0 : index
      %get3A_210 = vector.load %arg12[%get3A_207, %get3A_208, %get3A_209] : memref<64x16x512xf32, #tpu.memory_space<vmem>>, vector<1x1x512xf32>
      %get3A_211 = vector.shape_cast %get3A_210 : vector<1x1x512xf32> to vector<512xf32>
      %swap3A_212 = arith.constant 13 : index
      %swap3A_213 = arith.constant 0 : index
      %swap3A_214 = vector.load %arg10[%swap3A_212, %swap3A_213] : memref<16x512xf32, #tpu.memory_space<vmem>>, vector<1x512xf32>
      %swap3A_215 = vector.shape_cast %swap3A_214 : vector<1x512xf32> to vector<512xf32>
      %swap3A_216 = vector.shape_cast %get3A_211 : vector<512xf32> to vector<1x512xf32>
      tpu.vector_store %arg10[%swap3A_212, %swap3A_213], %swap3A_216 {strides = array<i32>} : memref<16x512xf32, #tpu.memory_space<vmem>>, vector<1x512xf32>,
    } else {
    }
    %get3A_185 = arith.constant 0 : index
    %get3A_186 = arith.constant 14 : index
    %get3A_187 = memref.load %arg1[%get3A_185, %get3A_186] : memref<1x16xi32, #tpu.memory_space<smem>>
    %ge3A_188 = arith.cmpi sge, %get3A_187, %add3A_33 : i32
    %add3A_189 = arith.constant 64 : i32
    %add3A_190 = arith.addi %add3A_33, %add3A_189 : i32
    %lt3A_191 = arith.cmpi slt, %get3A_187, %add3A_190 : i32
    %and3A_192 = arith.andi %ge3A_188, %lt3A_191 : i1
    %convert_element_type3A_193 = arith.extui %and3A_192 : i1 to i32
    %cond3A_194 = arith.constant 0 : i32
    %cond3A_195 = arith.cmpi ne, %convert_element_type3A_193, %cond3A_194 : i32
    scf.if %cond3A_195 {
      %sub3A = arith.subi %get3A_187, %add3A_33 : i32
      %get3A_207 = arith.index_cast %sub3A : i32 to index
      %get3A_208 = arith.constant 14 : index
      %get3A_209 = arith.constant 0 : index
      %get3A_210 = vector.load %arg12[%get3A_207, %get3A_208, %get3A_209] : memref<64x16x512xf32, #tpu.memory_space<vmem>>, vector<1x1x512xf32>
      %get3A_211 = vector.shape_cast %get3A_210 : vector<1x1x512xf32> to vector<512xf32>
      %swap3A_212 = arith.constant 14 : index
      %swap3A_213 = arith.constant 0 : index
      %swap3A_214 = vector.load %arg10[%swap3A_212, %swap3A_213] : memref<16x512xf32, #tpu.memory_space<vmem>>, vector<1x512xf32>
      %swap3A_215 = vector.shape_cast %swap3A_214 : vector<1x512xf32> to vector<512xf32>
      %swap3A_216 = vector.shape_cast %get3A_211 : vector<512xf32> to vector<1x512xf32>
      tpu.vector_store %arg10[%swap3A_212, %swap3A_213], %swap3A_216 {strides = array<i32>} : memref<16x512xf32, #tpu.memory_space<vmem>>, vector<1x512xf32>,
    } else {
    }
    %get3A_196 = arith.constant 0 : index
    %get3A_197 = arith.constant 15 : index
    %get3A_198 = memref.load %arg1[%get3A_196, %get3A_197] : memref<1x16xi32, #tpu.memory_space<smem>>
    %ge3A_199 = arith.cmpi sge, %get3A_198, %add3A_33 : i32
    %add3A_200 = arith.constant 64 : i32
    %add3A_201 = arith.addi %add3A_33, %add3A_200 : i32
    %lt3A_202 = arith.cmpi slt, %get3A_198, %add3A_201 : i32
    %and3A_203 = arith.andi %ge3A_199, %lt3A_202 : i1
    %convert_element_type3A_204 = arith.extui %and3A_203 : i1 to i32
    %cond3A_205 = arith.constant 0 : i32
    %cond3A_206 = arith.cmpi ne, %convert_element_type3A_204, %cond3A_205 : i32
    scf.if %cond3A_206 {
      %sub3A = arith.subi %get3A_198, %add3A_33 : i32
      %get3A_207 = arith.index_cast %sub3A : i32 to index
      %get3A_208 = arith.constant 15 : index
      %get3A_209 = arith.constant 0 : index
      %get3A_210 = vector.load %arg12[%get3A_207, %get3A_208, %get3A_209] : memref<64x16x512xf32, #tpu.memory_space<vmem>>, vector<1x1x512xf32>
      %get3A_211 = vector.shape_cast %get3A_210 : vector<1x1x512xf32> to vector<512xf32>
      %swap3A_212 = arith.constant 15 : index
      %swap3A_213 = arith.constant 0 : index
      %swap3A_214 = vector.load %arg10[%swap3A_212, %swap3A_213] : memref<16x512xf32, #tpu.memory_space<vmem>>, vector<1x512xf32>
      %swap3A_215 = vector.shape_cast %swap3A_214 : vector<1x512xf32> to vector<512xf32>
      %swap3A_216 = vector.shape_cast %get3A_211 : vector<512xf32> to vector<1x512xf32>
      tpu.vector_store %arg10[%swap3A_212, %swap3A_213], %swap3A_216 {strides = array<i32>} : memref<16x512xf32, #tpu.memory_space<vmem>>, vector<1x512xf32>,
    } else {
    }
    return
  }
  func.func @transform_0(%arg0: i32) -> (i32, i32) {
    %c0_i32 = arith.constant 0 : i32
    %c0_i32_0 = arith.constant 0 : i32
    %c0_i32_1 = arith.constant 0 : i32
    return %c0_i32, %c0_i32_0 : i32, i32
  }
  func.func @transform_1(%arg0: i32) -> (i32, i32) {
    %c0_i32 = arith.constant 0 : i32
    %c0_i32_0 = arith.constant 0 : i32
    return %arg0, %c0_i32 : i32, i32
  }
  func.func @transform_2(%arg0: i32) -> (i32, i32) {
    %c0_i32 = arith.constant 0 : i32
    %c0_i32_0 = arith.constant 0 : i32
    %c0_i32_1 = arith.constant 0 : i32
    return %c0_i32, %c0_i32_0 : i32, i32
  }
  func.func @transform_3(%arg0: i32) -> (i32, i32) {
    %c0_i32 = arith.constant 0 : i32
    %c0_i32_0 = arith.constant 0 : i32
    %c0_i32_1 = arith.constant 0 : i32
    return %c0_i32, %c0_i32_0 : i32, i32
  }
  func.func @transform_4(%arg0: i32) -> (i32, i32) {
    %c0_i32 = arith.constant 0 : i32
    %c0_i32_0 = arith.constant 0 : i32
    %c0_i32_1 = arith.constant 0 : i32
    return %c0_i32, %c0_i32_0 : i32, i32
  }
  func.func @transform_5(%arg0: i32) -> (i32, i32) {
    %c0_i32 = arith.constant 0 : i32
    %c0_i32_0 = arith.constant 0 : i32
    %c0_i32_1 = arith.constant 0 : i32
    return %c0_i32, %c0_i32_0 : i32, i32
  }
  func.func @transform_6(%arg0: i32) -> (i32, i32) {
    %c0_i32 = arith.constant 0 : i32
    %c0_i32_0 = arith.constant 0 : i32
    %c0_i32_1 = arith.constant 0 : i32
    return %c0_i32, %c0_i32_0 : i32, i32
  }
  func.func @transform_7(%arg0: i32) -> (i32, i32) {
    %c0_i32 = arith.constant 0 : i32
    %c0_i32_0 = arith.constant 0 : i32
    %c0_i32_1 = arith.constant 0 : i32
    return %c0_i32, %c0_i32_0 : i32, i32
  }
  func.func @transform_8(%arg0: i32) -> (i32, i32) {
    %c0_i32 = arith.constant 0 : i32
    %c0_i32_0 = arith.constant 0 : i32
    %c0_i32_1 = arith.constant 0 : i32
    return %c0_i32, %c0_i32_0 : i32, i32
  }
  func.func @transform_9(%arg0: i32) -> (i32, i32) {
    %c0_i32 = arith.constant 0 : i32
    %c0_i32_0 = arith.constant 0 : i32
    %c0_i32_1 = arith.constant 0 : i32
    return %c0_i32, %c0_i32_0 : i32, i32
  }
}

module attributes {stable_mosaic.version = 14 : i64} {
  func.func @body(%arg0: i32, %arg1: memref<1x16xi32, #tpu.memory_space<smem>>, %arg2: memref<1024x512xf32, #tpu.memory_space<vmem>>, %arg3: memref<512x1536xbf16, #tpu.memory_space<vmem>>, %arg4: memref<1x1536xf32, #tpu.memory_space<vmem>>, %arg5: memref<512x1536xbf16, #tpu.memory_space<vmem>>, %arg6: memref<1x1536xf32, #tpu.memory_space<vmem>>, %arg7: memref<16x512xf32, #tpu.memory_space<vmem>>, %arg8: memref<16x512xf32, #tpu.memory_space<vmem>>, %arg9: memref<16x512xf32, #tpu.memory_space<vmem>>, %arg10: memref<16x512xf32, #tpu.memory_space<vmem>>, %arg11: memref<64x16x1536xbf16, #tpu.memory_space<vmem>>, %arg12: memref<64x16x512xf32, #tpu.memory_space<vmem>>, %arg13: memref<16x512xf32, #tpu.memory_space<vmem>>) attributes {dimension_semantics = [#tpu.dimension_semantics<arbitrary>], iteration_bounds = array<i64: 2>, scalar_prefetch = 0 : i64, scratch_operands = 3 : i64, tpu.core_type = #tpu.core_type<tc>, window_params = [{transform_indices = @transform_0, window_bounds = array<i64: 1, 16>}, {transform_indices = @transform_1, window_bounds = array<i64: 1024, 512>}, {pipeline_mode = #tpu.pipeline_mode<synchronous>, transform_indices = @transform_2, window_bounds = array<i64: 512, 1536>}, {pipeline_mode = #tpu.pipeline_mode<synchronous>, transform_indices = @transform_3, window_bounds = array<i64: 1, 1536>}, {pipeline_mode = #tpu.pipeline_mode<synchronous>, transform_indices = @transform_4, window_bounds = array<i64: 512, 1536>}, {pipeline_mode = #tpu.pipeline_mode<synchronous>, transform_indices = @transform_5, window_bounds = array<i64: 1, 1536>}, {pipeline_mode = #tpu.pipeline_mode<synchronous>, transform_indices = @transform_6, window_bounds = array<i64: 16, 512>}, {pipeline_mode = #tpu.pipeline_mode<synchronous>, transform_indices = @transform_7, window_bounds = array<i64: 16, 512>}, {pipeline_mode = #tpu.pipeline_mode<synchronous>, transform_indices = @transform_8, window_bounds = array<i64: 16, 512>}, {pipeline_mode = #tpu.pipeline_mode<synchronous>, transform_indices = @transform_9, window_bounds = array<i64: 16, 512>}]} {
    %eq3A = arith.constant 0 : i32
    %eq3A_0 = arith.cmpi eq, %arg0, %eq3A : i32
    %convert_element_type3A = arith.extui %eq3A_0 : i1 to i32
    %cond3A = arith.constant 0 : i32
    %cond3A_1 = arith.cmpi ne, %convert_element_type3A, %cond3A : i32
    scf.if %cond3A_1 {
      %get3A_207 = arith.constant 0 : index
      %get3A_208 = arith.constant 0 : index
      %get3A_209 = vector.load %arg7[%get3A_207, %get3A_208] : memref<16x512xf32, #tpu.memory_space<vmem>>, vector<16x512xf32>
      %swap3A_210 = arith.constant 0 : index
      %swap3A_211 = arith.constant 0 : index
      %swap3A_212 = vector.load %arg13[%swap3A_210, %swap3A_211] : memref<16x512xf32, #tpu.memory_space<vmem>>, vector<16x512xf32>
      tpu.vector_store %arg13[%swap3A_210, %swap3A_211], %get3A_209 {strides = array<i32>} : memref<16x512xf32, #tpu.memory_space<vmem>>, vector<16x512xf32>,
      %get3A_213 = arith.constant 0 : index
      %get3A_214 = arith.constant 0 : index
      %get3A_215 = vector.load %arg8[%get3A_213, %get3A_214] : memref<16x512xf32, #tpu.memory_space<vmem>>, vector<16x512xf32>
      %swap3A_216 = arith.constant 0 : index
      %swap3A_217 = arith.constant 0 : index
      %swap3A_218 = vector.load %arg10[%swap3A_216, %swap3A_217] : memref<16x512xf32, #tpu.memory_space<vmem>>, vector<16x512xf32>
      tpu.vector_store %arg10[%swap3A_216, %swap3A_217], %get3A_215 {strides = array<i32>} : memref<16x512xf32, #tpu.memory_space<vmem>>, vector<16x512xf32>,
    } else {
    }
    %get3A = arith.constant 0 : index
    %get3A_2 = arith.constant 0 : index
    %get3A_3 = vector.load %arg2[%get3A, %get3A_2] : memref<1024x512xf32, #tpu.memory_space<vmem>>, vector<1024x512xf32>
    %convert_element_type3A_4 = arith.truncf %get3A_3 : vector<1024x512xf32> to vector<1024x512xbf16>
    %get3A_5 = arith.constant 0 : index
    %get3A_6 = arith.constant 0 : index
    %get3A_7 = vector.load %arg3[%get3A_5, %get3A_6] : memref<512x1536xbf16, #tpu.memory_space<vmem>>, vector<512x1536xbf16>
    %dot_general3A = arith.constant dense<0.000000e+00> : vector<1024x1536xf32>
    %dot_general3A_8 = tpu.matmul %convert_element_type3A_4, %get3A_7, %dot_general3A {dimension_numbers = #tpu.dot_dimension_numbers<[1], [0], [0], [1], [0, 0, 1, 1], [], []>, transpose_lhs_hint = false} : vector<1024x512xbf16>, vector<512x1536xbf16>, vector<1024x1536xf32> -> vector<1024x1536xf32>
    %get3A_9 = arith.constant 0 : index
    %get3A_10 = arith.constant 0 : index
    %get3A_11 = vector.load %arg4[%get3A_9, %get3A_10] : memref<1x1536xf32, #tpu.memory_space<vmem>>, vector<1x1536xf32>
    %add3A = vector.broadcast %get3A_11 : vector<1x1536xf32> to vector<1024x1536xf32>
    %add3A_12 = arith.addf %dot_general3A_8, %add3A : vector<1024x1536xf32>
    %convert_element_type3A_13 = arith.truncf %add3A_12 : vector<1024x1536xf32> to vector<1024x1536xbf16>
    %reshape3A = vector.shape_cast %convert_element_type3A_13 : vector<1024x1536xbf16> to vector<64x16x1536xbf16>
    %swap3A = arith.constant 0 : index
    %swap3A_14 = arith.constant 0 : index
    %swap3A_15 = arith.constant 0 : index
    %swap3A_16 = vector.load %arg11[%swap3A, %swap3A_14, %swap3A_15] : memref<64x16x1536xbf16, #tpu.memory_space<vmem>>, vector<64x16x1536xbf16>
    tpu.vector_store %arg11[%swap3A, %swap3A_14, %swap3A_15], %reshape3A {strides = array<i32>} : memref<64x16x1536xbf16, #tpu.memory_space<vmem>>, vector<64x16x1536xbf16>,
    %get3A_17 = arith.constant 0 : index
    %get3A_18 = arith.constant 0 : index
    %get3A_19 = vector.load %arg13[%get3A_17, %get3A_18] : memref<16x512xf32, #tpu.memory_space<vmem>>, vector<16x512xf32>
    %scan3A = arith.constant 0 : i32
    %scan3A_20 = arith.constant 64 : i32
    %scan3A_21 = arith.addi %scan3A, %scan3A_20 : i32
    %scan3A_22 = arith.constant 4 : i32
    %scan3A_23 = scf.for %scan3A_207 = %scan3A to %scan3A_21 step %scan3A_22 iter_args(%scan3A_208 = %get3A_19) -> (vector<16x512xf32>)  : i32 {
      %get3A_209 = arith.index_cast %scan3A_207 : i32 to index
      %get3A_210 = arith.constant 0 : index
      %get3A_211 = arith.constant 0 : index
      %get3A_212 = vector.load %arg11[%get3A_209, %get3A_210, %get3A_211] : memref<64x16x1536xbf16, #tpu.memory_space<vmem>>, vector<1x16x1536xbf16>
      %get3A_213 = vector.shape_cast %get3A_212 : vector<1x16x1536xbf16> to vector<16x1536xbf16>
      %convert_element_type3A_214 = arith.extf %get3A_213 : vector<16x1536xbf16> to vector<16x1536xf32>
      %convert_element_type3A_215 = arith.truncf %scan3A_208 : vector<16x512xf32> to vector<16x512xbf16>
      %get3A_216 = arith.constant 0 : index
      %get3A_217 = arith.constant 0 : index
      %get3A_218 = vector.load %arg5[%get3A_216, %get3A_217] : memref<512x1536xbf16, #tpu.memory_space<vmem>>, vector<512x1024xbf16>
      %dot_general3A_219 = arith.constant dense<0.000000e+00> : vector<16x1024xf32>
      %dot_general3A_220 = tpu.matmul %convert_element_type3A_215, %get3A_218, %dot_general3A_219 {dimension_numbers = #tpu.dot_dimension_numbers<[1], [0], [0], [1], [0, 0, 1, 1], [], []>, transpose_lhs_hint = false} : vector<16x512xbf16>, vector<512x1024xbf16>, vector<16x1024xf32> -> vector<16x1024xf32>
      %get3A_221 = arith.constant 0 : index
      %get3A_222 = arith.constant 0 : index
      %get3A_223 = vector.load %arg6[%get3A_221, %get3A_222] : memref<1x1536xf32, #tpu.memory_space<vmem>>, vector<1x1024xf32>
      %add3A_224 = vector.broadcast %get3A_223 : vector<1x1024xf32> to vector<16x1024xf32>
      %add3A_225 = arith.addf %dot_general3A_220, %add3A_224 : vector<16x1024xf32>
      %get3A_226 = arith.constant 0 : index
      %get3A_227 = arith.constant 1024 : index
      %get3A_228 = vector.load %arg5[%get3A_226, %get3A_227] : memref<512x1536xbf16, #tpu.memory_space<vmem>>, vector<512x512xbf16>
      %dot_general3A_229 = arith.constant dense<0.000000e+00> : vector<16x512xf32>
      %dot_general3A_230 = tpu.matmul %convert_element_type3A_215, %get3A_228, %dot_general3A_229 {dimension_numbers = #tpu.dot_dimension_numbers<[1], [0], [0], [1], [0, 0, 1, 1], [], []>, transpose_lhs_hint = false} : vector<16x512xbf16>, vector<512x512xbf16>, vector<16x512xf32> -> vector<16x512xf32>
      %get3A_231 = arith.constant 0 : index
      %get3A_232 = arith.constant 1024 : index
      %get3A_233 = vector.load %arg6[%get3A_231, %get3A_232] : memref<1x1536xf32, #tpu.memory_space<vmem>>, vector<1x512xf32>
      %add3A_234 = vector.broadcast %get3A_233 : vector<1x512xf32> to vector<16x512xf32>
      %add3A_235 = arith.addf %dot_general3A_230, %add3A_234 : vector<16x512xf32>
      %slice3A = vector.extract_strided_slice %convert_element_type3A_214 {offsets = [0, 0], sizes = [16, 512], strides = [1, 1]} : vector<16x1536xf32> to vector<16x512xf32>
      %slice3A_236 = vector.extract_strided_slice %add3A_225 {offsets = [0, 0], sizes = [16, 512], strides = [1, 1]} : vector<16x1024xf32> to vector<16x512xf32>
      %add3A_237 = arith.addf %slice3A, %slice3A_236 : vector<16x512xf32>
      %mul3A_238 = arith.constant 5.000000e-01 : f32
      %mul3A_239 = vector.broadcast %mul3A_238 : f32 to vector<16x512xf32>
      %mul3A_240 = arith.mulf %mul3A_239, %add3A_237 : vector<16x512xf32>
      %tanh3A = math.tanh %mul3A_240 : vector<16x512xf32>
      %mul3A_241 = arith.constant 5.000000e-01 : f32
      %mul3A_242 = vector.broadcast %mul3A_241 : f32 to vector<16x512xf32>
      %mul3A_243 = arith.mulf %mul3A_242, %tanh3A : vector<16x512xf32>
      %add3A_244 = arith.constant 5.000000e-01 : f32
      %add3A_245 = vector.broadcast %add3A_244 : f32 to vector<16x512xf32>
      %add3A_246 = arith.addf %mul3A_243, %add3A_245 : vector<16x512xf32>
      %slice3A_247 = vector.extract_strided_slice %convert_element_type3A_214 {offsets = [0, 512], sizes = [16, 512], strides = [1, 1]} : vector<16x1536xf32> to vector<16x512xf32>
      %slice3A_248 = vector.extract_strided_slice %add3A_225 {offsets = [0, 512], sizes = [16, 512], strides = [1, 1]} : vector<16x1024xf32> to vector<16x512xf32>
      %add3A_249 = arith.addf %slice3A_247, %slice3A_248 : vector<16x512xf32>
      %mul3A_250 = arith.constant 5.000000e-01 : f32
      %mul3A_251 = vector.broadcast %mul3A_250 : f32 to vector<16x512xf32>
      %mul3A_252 = arith.mulf %mul3A_251, %add3A_249 : vector<16x512xf32>
      %tanh3A_253 = math.tanh %mul3A_252 : vector<16x512xf32>
      %mul3A_254 = arith.constant 5.000000e-01 : f32
      %mul3A_255 = vector.broadcast %mul3A_254 : f32 to vector<16x512xf32>
      %mul3A_256 = arith.mulf %mul3A_255, %tanh3A_253 : vector<16x512xf32>
      %add3A_257 = arith.constant 5.000000e-01 : f32
      %add3A_258 = vector.broadcast %add3A_257 : f32 to vector<16x512xf32>
      %add3A_259 = arith.addf %mul3A_256, %add3A_258 : vector<16x512xf32>
      %slice3A_260 = vector.extract_strided_slice %convert_element_type3A_214 {offsets = [0, 1024], sizes = [16, 512], strides = [1, 1]} : vector<16x1536xf32> to vector<16x512xf32>
      %mul3A_261 = arith.mulf %add3A_246, %add3A_235 : vector<16x512xf32>
      %add3A_262 = arith.addf %slice3A_260, %mul3A_261 : vector<16x512xf32>
      %tanh3A_263 = math.tanh %add3A_262 : vector<16x512xf32>
      %sub3A = arith.constant 1.000000e+00 : f32
      %sub3A_264 = vector.broadcast %sub3A : f32 to vector<16x512xf32>
      %sub3A_265 = arith.subf %sub3A_264, %add3A_259 : vector<16x512xf32>
      %mul3A_266 = arith.mulf %sub3A_265, %tanh3A_263 : vector<16x512xf32>
      %mul3A_267 = arith.mulf %add3A_259, %scan3A_208 : vector<16x512xf32>
      %add3A_268 = arith.addf %mul3A_266, %mul3A_267 : vector<16x512xf32>
      %swap3A_269 = arith.index_cast %scan3A_207 : i32 to index
      %swap3A_270 = arith.constant 0 : index
      %swap3A_271 = arith.constant 0 : index
      %swap3A_272 = vector.load %arg12[%swap3A_269, %swap3A_270, %swap3A_271] : memref<64x16x512xf32, #tpu.memory_space<vmem>>, vector<1x16x512xf32>
      %swap3A_273 = vector.shape_cast %swap3A_272 : vector<1x16x512xf32> to vector<16x512xf32>
      %swap3A_274 = vector.shape_cast %add3A_268 : vector<16x512xf32> to vector<1x16x512xf32>
      tpu.vector_store %arg12[%swap3A_269, %swap3A_270, %swap3A_271], %swap3A_274 {strides = array<i32>} : memref<64x16x512xf32, #tpu.memory_space<vmem>>, vector<1x16x512xf32>,
      %scan3A_275 = arith.constant 1 : i32
      %scan3A_276 = arith.addi %scan3A_207, %scan3A_275 : i32
      %get3A_277 = arith.index_cast %scan3A_276 : i32 to index
      %get3A_278 = arith.constant 0 : index
      %get3A_279 = arith.constant 0 : index
      %get3A_280 = vector.load %arg11[%get3A_277, %get3A_278, %get3A_279] : memref<64x16x1536xbf16, #tpu.memory_space<vmem>>, vector<1x16x1536xbf16>
      %get3A_281 = vector.shape_cast %get3A_280 : vector<1x16x1536xbf16> to vector<16x1536xbf16>
      %convert_element_type3A_282 = arith.extf %get3A_281 : vector<16x1536xbf16> to vector<16x1536xf32>
      %convert_element_type3A_283 = arith.truncf %add3A_268 : vector<16x512xf32> to vector<16x512xbf16>
      %get3A_284 = arith.constant 0 : index
      %get3A_285 = arith.constant 0 : index
      %get3A_286 = vector.load %arg5[%get3A_284, %get3A_285] : memref<512x1536xbf16, #tpu.memory_space<vmem>>, vector<512x1024xbf16>
      %dot_general3A_287 = arith.constant dense<0.000000e+00> : vector<16x1024xf32>
      %dot_general3A_288 = tpu.matmul %convert_element_type3A_283, %get3A_286, %dot_general3A_287 {dimension_numbers = #tpu.dot_dimension_numbers<[1], [0], [0], [1], [0, 0, 1, 1], [], []>, transpose_lhs_hint = false} : vector<16x512xbf16>, vector<512x1024xbf16>, vector<16x1024xf32> -> vector<16x1024xf32>
      %get3A_289 = arith.constant 0 : index
      %get3A_290 = arith.constant 0 : index
      %get3A_291 = vector.load %arg6[%get3A_289, %get3A_290] : memref<1x1536xf32, #tpu.memory_space<vmem>>, vector<1x1024xf32>
      %add3A_292 = vector.broadcast %get3A_291 : vector<1x1024xf32> to vector<16x1024xf32>
      %add3A_293 = arith.addf %dot_general3A_288, %add3A_292 : vector<16x1024xf32>
      %get3A_294 = arith.constant 0 : index
      %get3A_295 = arith.constant 1024 : index
      %get3A_296 = vector.load %arg5[%get3A_294, %get3A_295] : memref<512x1536xbf16, #tpu.memory_space<vmem>>, vector<512x512xbf16>
      %dot_general3A_297 = arith.constant dense<0.000000e+00> : vector<16x512xf32>
      %dot_general3A_298 = tpu.matmul %convert_element_type3A_283, %get3A_296, %dot_general3A_297 {dimension_numbers = #tpu.dot_dimension_numbers<[1], [0], [0], [1], [0, 0, 1, 1], [], []>, transpose_lhs_hint = false} : vector<16x512xbf16>, vector<512x512xbf16>, vector<16x512xf32> -> vector<16x512xf32>
      %get3A_299 = arith.constant 0 : index
      %get3A_300 = arith.constant 1024 : index
      %get3A_301 = vector.load %arg6[%get3A_299, %get3A_300] : memref<1x1536xf32, #tpu.memory_space<vmem>>, vector<1x512xf32>
      %add3A_302 = vector.broadcast %get3A_301 : vector<1x512xf32> to vector<16x512xf32>
      %add3A_303 = arith.addf %dot_general3A_298, %add3A_302 : vector<16x512xf32>
      %slice3A_304 = vector.extract_strided_slice %convert_element_type3A_282 {offsets = [0, 0], sizes = [16, 512], strides = [1, 1]} : vector<16x1536xf32> to vector<16x512xf32>
      %slice3A_305 = vector.extract_strided_slice %add3A_293 {offsets = [0, 0], sizes = [16, 512], strides = [1, 1]} : vector<16x1024xf32> to vector<16x512xf32>
      %add3A_306 = arith.addf %slice3A_304, %slice3A_305 : vector<16x512xf32>
      %mul3A_307 = arith.constant 5.000000e-01 : f32
      %mul3A_308 = vector.broadcast %mul3A_307 : f32 to vector<16x512xf32>
      %mul3A_309 = arith.mulf %mul3A_308, %add3A_306 : vector<16x512xf32>
      %tanh3A_310 = math.tanh %mul3A_309 : vector<16x512xf32>
      %mul3A_311 = arith.constant 5.000000e-01 : f32
      %mul3A_312 = vector.broadcast %mul3A_311 : f32 to vector<16x512xf32>
      %mul3A_313 = arith.mulf %mul3A_312, %tanh3A_310 : vector<16x512xf32>
      %add3A_314 = arith.constant 5.000000e-01 : f32
      %add3A_315 = vector.broadcast %add3A_314 : f32 to vector<16x512xf32>
      %add3A_316 = arith.addf %mul3A_313, %add3A_315 : vector<16x512xf32>
      %slice3A_317 = vector.extract_strided_slice %convert_element_type3A_282 {offsets = [0, 512], sizes = [16, 512], strides = [1, 1]} : vector<16x1536xf32> to vector<16x512xf32>
      %slice3A_318 = vector.extract_strided_slice %add3A_293 {offsets = [0, 512], sizes = [16, 512], strides = [1, 1]} : vector<16x1024xf32> to vector<16x512xf32>
      %add3A_319 = arith.addf %slice3A_317, %slice3A_318 : vector<16x512xf32>
      %mul3A_320 = arith.constant 5.000000e-01 : f32
      %mul3A_321 = vector.broadcast %mul3A_320 : f32 to vector<16x512xf32>
      %mul3A_322 = arith.mulf %mul3A_321, %add3A_319 : vector<16x512xf32>
      %tanh3A_323 = math.tanh %mul3A_322 : vector<16x512xf32>
      %mul3A_324 = arith.constant 5.000000e-01 : f32
      %mul3A_325 = vector.broadcast %mul3A_324 : f32 to vector<16x512xf32>
      %mul3A_326 = arith.mulf %mul3A_325, %tanh3A_323 : vector<16x512xf32>
      %add3A_327 = arith.constant 5.000000e-01 : f32
      %add3A_328 = vector.broadcast %add3A_327 : f32 to vector<16x512xf32>
      %add3A_329 = arith.addf %mul3A_326, %add3A_328 : vector<16x512xf32>
      %slice3A_330 = vector.extract_strided_slice %convert_element_type3A_282 {offsets = [0, 1024], sizes = [16, 512], strides = [1, 1]} : vector<16x1536xf32> to vector<16x512xf32>
      %mul3A_331 = arith.mulf %add3A_316, %add3A_303 : vector<16x512xf32>
      %add3A_332 = arith.addf %slice3A_330, %mul3A_331 : vector<16x512xf32>
      %tanh3A_333 = math.tanh %add3A_332 : vector<16x512xf32>
      %sub3A_334 = arith.constant 1.000000e+00 : f32
      %sub3A_335 = vector.broadcast %sub3A_334 : f32 to vector<16x512xf32>
      %sub3A_336 = arith.subf %sub3A_335, %add3A_329 : vector<16x512xf32>
      %mul3A_337 = arith.mulf %sub3A_336, %tanh3A_333 : vector<16x512xf32>
      %mul3A_338 = arith.mulf %add3A_329, %add3A_268 : vector<16x512xf32>
      %add3A_339 = arith.addf %mul3A_337, %mul3A_338 : vector<16x512xf32>
      %swap3A_340 = arith.index_cast %scan3A_276 : i32 to index
      %swap3A_341 = arith.constant 0 : index
      %swap3A_342 = arith.constant 0 : index
      %swap3A_343 = vector.load %arg12[%swap3A_340, %swap3A_341, %swap3A_342] : memref<64x16x512xf32, #tpu.memory_space<vmem>>, vector<1x16x512xf32>
      %swap3A_344 = vector.shape_cast %swap3A_343 : vector<1x16x512xf32> to vector<16x512xf32>
      %swap3A_345 = vector.shape_cast %add3A_339 : vector<16x512xf32> to vector<1x16x512xf32>
      tpu.vector_store %arg12[%swap3A_340, %swap3A_341, %swap3A_342], %swap3A_345 {strides = array<i32>} : memref<64x16x512xf32, #tpu.memory_space<vmem>>, vector<1x16x512xf32>,
      %scan3A_346 = arith.constant 2 : i32
      %scan3A_347 = arith.addi %scan3A_207, %scan3A_346 : i32
      %get3A_348 = arith.index_cast %scan3A_347 : i32 to index
      %get3A_349 = arith.constant 0 : index
      %get3A_350 = arith.constant 0 : index
      %get3A_351 = vector.load %arg11[%get3A_348, %get3A_349, %get3A_350] : memref<64x16x1536xbf16, #tpu.memory_space<vmem>>, vector<1x16x1536xbf16>
      %get3A_352 = vector.shape_cast %get3A_351 : vector<1x16x1536xbf16> to vector<16x1536xbf16>
      %convert_element_type3A_353 = arith.extf %get3A_352 : vector<16x1536xbf16> to vector<16x1536xf32>
      %convert_element_type3A_354 = arith.truncf %add3A_339 : vector<16x512xf32> to vector<16x512xbf16>
      %get3A_355 = arith.constant 0 : index
      %get3A_356 = arith.constant 0 : index
      %get3A_357 = vector.load %arg5[%get3A_355, %get3A_356] : memref<512x1536xbf16, #tpu.memory_space<vmem>>, vector<512x1024xbf16>
      %dot_general3A_358 = arith.constant dense<0.000000e+00> : vector<16x1024xf32>
      %dot_general3A_359 = tpu.matmul %convert_element_type3A_354, %get3A_357, %dot_general3A_358 {dimension_numbers = #tpu.dot_dimension_numbers<[1], [0], [0], [1], [0, 0, 1, 1], [], []>, transpose_lhs_hint = false} : vector<16x512xbf16>, vector<512x1024xbf16>, vector<16x1024xf32> -> vector<16x1024xf32>
      %get3A_360 = arith.constant 0 : index
      %get3A_361 = arith.constant 0 : index
      %get3A_362 = vector.load %arg6[%get3A_360, %get3A_361] : memref<1x1536xf32, #tpu.memory_space<vmem>>, vector<1x1024xf32>
      %add3A_363 = vector.broadcast %get3A_362 : vector<1x1024xf32> to vector<16x1024xf32>
      %add3A_364 = arith.addf %dot_general3A_359, %add3A_363 : vector<16x1024xf32>
      %get3A_365 = arith.constant 0 : index
      %get3A_366 = arith.constant 1024 : index
      %get3A_367 = vector.load %arg5[%get3A_365, %get3A_366] : memref<512x1536xbf16, #tpu.memory_space<vmem>>, vector<512x512xbf16>
      %dot_general3A_368 = arith.constant dense<0.000000e+00> : vector<16x512xf32>
      %dot_general3A_369 = tpu.matmul %convert_element_type3A_354, %get3A_367, %dot_general3A_368 {dimension_numbers = #tpu.dot_dimension_numbers<[1], [0], [0], [1], [0, 0, 1, 1], [], []>, transpose_lhs_hint = false} : vector<16x512xbf16>, vector<512x512xbf16>, vector<16x512xf32> -> vector<16x512xf32>
      %get3A_370 = arith.constant 0 : index
      %get3A_371 = arith.constant 1024 : index
      %get3A_372 = vector.load %arg6[%get3A_370, %get3A_371] : memref<1x1536xf32, #tpu.memory_space<vmem>>, vector<1x512xf32>
      %add3A_373 = vector.broadcast %get3A_372 : vector<1x512xf32> to vector<16x512xf32>
      %add3A_374 = arith.addf %dot_general3A_369, %add3A_373 : vector<16x512xf32>
      %slice3A_375 = vector.extract_strided_slice %convert_element_type3A_353 {offsets = [0, 0], sizes = [16, 512], strides = [1, 1]} : vector<16x1536xf32> to vector<16x512xf32>
      %slice3A_376 = vector.extract_strided_slice %add3A_364 {offsets = [0, 0], sizes = [16, 512], strides = [1, 1]} : vector<16x1024xf32> to vector<16x512xf32>
      %add3A_377 = arith.addf %slice3A_375, %slice3A_376 : vector<16x512xf32>
      %mul3A_378 = arith.constant 5.000000e-01 : f32
      %mul3A_379 = vector.broadcast %mul3A_378 : f32 to vector<16x512xf32>
      %mul3A_380 = arith.mulf %mul3A_379, %add3A_377 : vector<16x512xf32>
      %tanh3A_381 = math.tanh %mul3A_380 : vector<16x512xf32>
      %mul3A_382 = arith.constant 5.000000e-01 : f32
      %mul3A_383 = vector.broadcast %mul3A_382 : f32 to vector<16x512xf32>
      %mul3A_384 = arith.mulf %mul3A_383, %tanh3A_381 : vector<16x512xf32>
      %add3A_385 = arith.constant 5.000000e-01 : f32
      %add3A_386 = vector.broadcast %add3A_385 : f32 to vector<16x512xf32>
      %add3A_387 = arith.addf %mul3A_384, %add3A_386 : vector<16x512xf32>
      %slice3A_388 = vector.extract_strided_slice %convert_element_type3A_353 {offsets = [0, 512], sizes = [16, 512], strides = [1, 1]} : vector<16x1536xf32> to vector<16x512xf32>
      %slice3A_389 = vector.extract_strided_slice %add3A_364 {offsets = [0, 512], sizes = [16, 512], strides = [1, 1]} : vector<16x1024xf32> to vector<16x512xf32>
      %add3A_390 = arith.addf %slice3A_388, %slice3A_389 : vector<16x512xf32>
      %mul3A_391 = arith.constant 5.000000e-01 : f32
      %mul3A_392 = vector.broadcast %mul3A_391 : f32 to vector<16x512xf32>
      %mul3A_393 = arith.mulf %mul3A_392, %add3A_390 : vector<16x512xf32>
      %tanh3A_394 = math.tanh %mul3A_393 : vector<16x512xf32>
      %mul3A_395 = arith.constant 5.000000e-01 : f32
      %mul3A_396 = vector.broadcast %mul3A_395 : f32 to vector<16x512xf32>
      %mul3A_397 = arith.mulf %mul3A_396, %tanh3A_394 : vector<16x512xf32>
      %add3A_398 = arith.constant 5.000000e-01 : f32
      %add3A_399 = vector.broadcast %add3A_398 : f32 to vector<16x512xf32>
      %add3A_400 = arith.addf %mul3A_397, %add3A_399 : vector<16x512xf32>
      %slice3A_401 = vector.extract_strided_slice %convert_element_type3A_353 {offsets = [0, 1024], sizes = [16, 512], strides = [1, 1]} : vector<16x1536xf32> to vector<16x512xf32>
      %mul3A_402 = arith.mulf %add3A_387, %add3A_374 : vector<16x512xf32>
      %add3A_403 = arith.addf %slice3A_401, %mul3A_402 : vector<16x512xf32>
      %tanh3A_404 = math.tanh %add3A_403 : vector<16x512xf32>
      %sub3A_405 = arith.constant 1.000000e+00 : f32
      %sub3A_406 = vector.broadcast %sub3A_405 : f32 to vector<16x512xf32>
      %sub3A_407 = arith.subf %sub3A_406, %add3A_400 : vector<16x512xf32>
      %mul3A_408 = arith.mulf %sub3A_407, %tanh3A_404 : vector<16x512xf32>
      %mul3A_409 = arith.mulf %add3A_400, %add3A_339 : vector<16x512xf32>
      %add3A_410 = arith.addf %mul3A_408, %mul3A_409 : vector<16x512xf32>
      %swap3A_411 = arith.index_cast %scan3A_347 : i32 to index
      %swap3A_412 = arith.constant 0 : index
      %swap3A_413 = arith.constant 0 : index
      %swap3A_414 = vector.load %arg12[%swap3A_411, %swap3A_412, %swap3A_413] : memref<64x16x512xf32, #tpu.memory_space<vmem>>, vector<1x16x512xf32>
      %swap3A_415 = vector.shape_cast %swap3A_414 : vector<1x16x512xf32> to vector<16x512xf32>
      %swap3A_416 = vector.shape_cast %add3A_410 : vector<16x512xf32> to vector<1x16x512xf32>
      tpu.vector_store %arg12[%swap3A_411, %swap3A_412, %swap3A_413], %swap3A_416 {strides = array<i32>} : memref<64x16x512xf32, #tpu.memory_space<vmem>>, vector<1x16x512xf32>,
      %scan3A_417 = arith.constant 3 : i32
      %scan3A_418 = arith.addi %scan3A_207, %scan3A_417 : i32
      %get3A_419 = arith.index_cast %scan3A_418 : i32 to index
      %get3A_420 = arith.constant 0 : index
      %get3A_421 = arith.constant 0 : index
      %get3A_422 = vector.load %arg11[%get3A_419, %get3A_420, %get3A_421] : memref<64x16x1536xbf16, #tpu.memory_space<vmem>>, vector<1x16x1536xbf16>
      %get3A_423 = vector.shape_cast %get3A_422 : vector<1x16x1536xbf16> to vector<16x1536xbf16>
      %convert_element_type3A_424 = arith.extf %get3A_423 : vector<16x1536xbf16> to vector<16x1536xf32>
      %convert_element_type3A_425 = arith.truncf %add3A_410 : vector<16x512xf32> to vector<16x512xbf16>
      %get3A_426 = arith.constant 0 : index
      %get3A_427 = arith.constant 0 : index
      %get3A_428 = vector.load %arg5[%get3A_426, %get3A_427] : memref<512x1536xbf16, #tpu.memory_space<vmem>>, vector<512x1024xbf16>
      %dot_general3A_429 = arith.constant dense<0.000000e+00> : vector<16x1024xf32>
      %dot_general3A_430 = tpu.matmul %convert_element_type3A_425, %get3A_428, %dot_general3A_429 {dimension_numbers = #tpu.dot_dimension_numbers<[1], [0], [0], [1], [0, 0, 1, 1], [], []>, transpose_lhs_hint = false} : vector<16x512xbf16>, vector<512x1024xbf16>, vector<16x1024xf32> -> vector<16x1024xf32>
      %get3A_431 = arith.constant 0 : index
      %get3A_432 = arith.constant 0 : index
      %get3A_433 = vector.load %arg6[%get3A_431, %get3A_432] : memref<1x1536xf32, #tpu.memory_space<vmem>>, vector<1x1024xf32>
      %add3A_434 = vector.broadcast %get3A_433 : vector<1x1024xf32> to vector<16x1024xf32>
      %add3A_435 = arith.addf %dot_general3A_430, %add3A_434 : vector<16x1024xf32>
      %get3A_436 = arith.constant 0 : index
      %get3A_437 = arith.constant 1024 : index
      %get3A_438 = vector.load %arg5[%get3A_436, %get3A_437] : memref<512x1536xbf16, #tpu.memory_space<vmem>>, vector<512x512xbf16>
      %dot_general3A_439 = arith.constant dense<0.000000e+00> : vector<16x512xf32>
      %dot_general3A_440 = tpu.matmul %convert_element_type3A_425, %get3A_438, %dot_general3A_439 {dimension_numbers = #tpu.dot_dimension_numbers<[1], [0], [0], [1], [0, 0, 1, 1], [], []>, transpose_lhs_hint = false} : vector<16x512xbf16>, vector<512x512xbf16>, vector<16x512xf32> -> vector<16x512xf32>
      %get3A_441 = arith.constant 0 : index
      %get3A_442 = arith.constant 1024 : index
      %get3A_443 = vector.load %arg6[%get3A_441, %get3A_442] : memref<1x1536xf32, #tpu.memory_space<vmem>>, vector<1x512xf32>
      %add3A_444 = vector.broadcast %get3A_443 : vector<1x512xf32> to vector<16x512xf32>
      %add3A_445 = arith.addf %dot_general3A_440, %add3A_444 : vector<16x512xf32>
      %slice3A_446 = vector.extract_strided_slice %convert_element_type3A_424 {offsets = [0, 0], sizes = [16, 512], strides = [1, 1]} : vector<16x1536xf32> to vector<16x512xf32>
      %slice3A_447 = vector.extract_strided_slice %add3A_435 {offsets = [0, 0], sizes = [16, 512], strides = [1, 1]} : vector<16x1024xf32> to vector<16x512xf32>
      %add3A_448 = arith.addf %slice3A_446, %slice3A_447 : vector<16x512xf32>
      %mul3A_449 = arith.constant 5.000000e-01 : f32
      %mul3A_450 = vector.broadcast %mul3A_449 : f32 to vector<16x512xf32>
      %mul3A_451 = arith.mulf %mul3A_450, %add3A_448 : vector<16x512xf32>
      %tanh3A_452 = math.tanh %mul3A_451 : vector<16x512xf32>
      %mul3A_453 = arith.constant 5.000000e-01 : f32
      %mul3A_454 = vector.broadcast %mul3A_453 : f32 to vector<16x512xf32>
      %mul3A_455 = arith.mulf %mul3A_454, %tanh3A_452 : vector<16x512xf32>
      %add3A_456 = arith.constant 5.000000e-01 : f32
      %add3A_457 = vector.broadcast %add3A_456 : f32 to vector<16x512xf32>
      %add3A_458 = arith.addf %mul3A_455, %add3A_457 : vector<16x512xf32>
      %slice3A_459 = vector.extract_strided_slice %convert_element_type3A_424 {offsets = [0, 512], sizes = [16, 512], strides = [1, 1]} : vector<16x1536xf32> to vector<16x512xf32>
      %slice3A_460 = vector.extract_strided_slice %add3A_435 {offsets = [0, 512], sizes = [16, 512], strides = [1, 1]} : vector<16x1024xf32> to vector<16x512xf32>
      %add3A_461 = arith.addf %slice3A_459, %slice3A_460 : vector<16x512xf32>
      %mul3A_462 = arith.constant 5.000000e-01 : f32
      %mul3A_463 = vector.broadcast %mul3A_462 : f32 to vector<16x512xf32>
      %mul3A_464 = arith.mulf %mul3A_463, %add3A_461 : vector<16x512xf32>
      %tanh3A_465 = math.tanh %mul3A_464 : vector<16x512xf32>
      %mul3A_466 = arith.constant 5.000000e-01 : f32
      %mul3A_467 = vector.broadcast %mul3A_466 : f32 to vector<16x512xf32>
      %mul3A_468 = arith.mulf %mul3A_467, %tanh3A_465 : vector<16x512xf32>
      %add3A_469 = arith.constant 5.000000e-01 : f32
      %add3A_470 = vector.broadcast %add3A_469 : f32 to vector<16x512xf32>
      %add3A_471 = arith.addf %mul3A_468, %add3A_470 : vector<16x512xf32>
      %slice3A_472 = vector.extract_strided_slice %convert_element_type3A_424 {offsets = [0, 1024], sizes = [16, 512], strides = [1, 1]} : vector<16x1536xf32> to vector<16x512xf32>
      %mul3A_473 = arith.mulf %add3A_458, %add3A_445 : vector<16x512xf32>
      %add3A_474 = arith.addf %slice3A_472, %mul3A_473 : vector<16x512xf32>
      %tanh3A_475 = math.tanh %add3A_474 : vector<16x512xf32>
      %sub3A_476 = arith.constant 1.000000e+00 : f32
      %sub3A_477 = vector.broadcast %sub3A_476 : f32 to vector<16x512xf32>
      %sub3A_478 = arith.subf %sub3A_477, %add3A_471 : vector<16x512xf32>
      %mul3A_479 = arith.mulf %sub3A_478, %tanh3A_475 : vector<16x512xf32>
      %mul3A_480 = arith.mulf %add3A_471, %add3A_410 : vector<16x512xf32>
      %add3A_481 = arith.addf %mul3A_479, %mul3A_480 : vector<16x512xf32>
      %swap3A_482 = arith.index_cast %scan3A_418 : i32 to index
      %swap3A_483 = arith.constant 0 : index
      %swap3A_484 = arith.constant 0 : index
      %swap3A_485 = vector.load %arg12[%swap3A_482, %swap3A_483, %swap3A_484] : memref<64x16x512xf32, #tpu.memory_space<vmem>>, vector<1x16x512xf32>
      %swap3A_486 = vector.shape_cast %swap3A_485 : vector<1x16x512xf32> to vector<16x512xf32>
      %swap3A_487 = vector.shape_cast %add3A_481 : vector<16x512xf32> to vector<1x16x512xf32>
      tpu.vector_store %arg12[%swap3A_482, %swap3A_483, %swap3A_484], %swap3A_487 {strides = array<i32>} : memref<64x16x512xf32, #tpu.memory_space<vmem>>, vector<1x16x512xf32>,
      scf.yield %add3A_481 : vector<16x512xf32>
    }
    %scan3A_24 = arith.constant 64 : i32
    %swap3A_25 = arith.constant 0 : index
    %swap3A_26 = arith.constant 0 : index
    %swap3A_27 = vector.load %arg13[%swap3A_25, %swap3A_26] : memref<16x512xf32, #tpu.memory_space<vmem>>, vector<16x512xf32>
    tpu.vector_store %arg13[%swap3A_25, %swap3A_26], %scan3A_23 {strides = array<i32>} : memref<16x512xf32, #tpu.memory_space<vmem>>, vector<16x512xf32>,
    %swap3A_28 = arith.constant 0 : index
    %swap3A_29 = arith.constant 0 : index
    %swap3A_30 = vector.load %arg9[%swap3A_28, %swap3A_29] : memref<16x512xf32, #tpu.memory_space<vmem>>, vector<16x512xf32>
    tpu.vector_store %arg9[%swap3A_28, %swap3A_29], %scan3A_23 {strides = array<i32>} : memref<16x512xf32, #tpu.memory_space<vmem>>, vector<16x512xf32>,
    %mul3A = arith.constant 64 : i32
    %mul3A_31 = arith.muli %arg0, %mul3A : i32
    %add3A_32 = arith.constant 64 : i32
    %add3A_33 = arith.addi %add3A_32, %mul3A_31 : i32
    %get3A_34 = arith.constant 0 : index
    %get3A_35 = arith.constant 0 : index
    %get3A_36 = memref.load %arg1[%get3A_34, %get3A_35] : memref<1x16xi32, #tpu.memory_space<smem>>
    %ge3A = arith.cmpi sge, %get3A_36, %add3A_33 : i32
    %add3A_37 = arith.constant 64 : i32
    %add3A_38 = arith.addi %add3A_33, %add3A_37 : i32
    %lt3A = arith.cmpi slt, %get3A_36, %add3A_38 : i32
    %and3A = arith.andi %ge3A, %lt3A : i1
    %convert_element_type3A_39 = arith.extui %and3A : i1 to i32
    %cond3A_40 = arith.constant 0 : i32
    %cond3A_41 = arith.cmpi ne, %convert_element_type3A_39, %cond3A_40 : i32
    scf.if %cond3A_41 {
      %sub3A = arith.subi %get3A_36, %add3A_33 : i32
      %get3A_207 = arith.index_cast %sub3A : i32 to index
      %get3A_208 = arith.constant 0 : index
      %get3A_209 = arith.constant 0 : index
      %get3A_210 = vector.load %arg12[%get3A_207, %get3A_208, %get3A_209] : memref<64x16x512xf32, #tpu.memory_space<vmem>>, vector<1x1x512xf32>
      %get3A_211 = vector.shape_cast %get3A_210 : vector<1x1x512xf32> to vector<512xf32>
      %swap3A_212 = arith.constant 0 : index
      %swap3A_213 = arith.constant 0 : index
      %swap3A_214 = vector.load %arg10[%swap3A_212, %swap3A_213] : memref<16x512xf32, #tpu.memory_space<vmem>>, vector<1x512xf32>
      %swap3A_215 = vector.shape_cast %swap3A_214 : vector<1x512xf32> to vector<512xf32>
      %swap3A_216 = vector.shape_cast %get3A_211 : vector<512xf32> to vector<1x512xf32>
      tpu.vector_store %arg10[%swap3A_212, %swap3A_213], %swap3A_216 {strides = array<i32>} : memref<16x512xf32, #tpu.memory_space<vmem>>, vector<1x512xf32>,
    } else {
    }
    %get3A_42 = arith.constant 0 : index
    %get3A_43 = arith.constant 1 : index
    %get3A_44 = memref.load %arg1[%get3A_42, %get3A_43] : memref<1x16xi32, #tpu.memory_space<smem>>
    %ge3A_45 = arith.cmpi sge, %get3A_44, %add3A_33 : i32
    %add3A_46 = arith.constant 64 : i32
    %add3A_47 = arith.addi %add3A_33, %add3A_46 : i32
    %lt3A_48 = arith.cmpi slt, %get3A_44, %add3A_47 : i32
    %and3A_49 = arith.andi %ge3A_45, %lt3A_48 : i1
    %convert_element_type3A_50 = arith.extui %and3A_49 : i1 to i32
    %cond3A_51 = arith.constant 0 : i32
    %cond3A_52 = arith.cmpi ne, %convert_element_type3A_50, %cond3A_51 : i32
    scf.if %cond3A_52 {
      %sub3A = arith.subi %get3A_44, %add3A_33 : i32
      %get3A_207 = arith.index_cast %sub3A : i32 to index
      %get3A_208 = arith.constant 1 : index
      %get3A_209 = arith.constant 0 : index
      %get3A_210 = vector.load %arg12[%get3A_207, %get3A_208, %get3A_209] : memref<64x16x512xf32, #tpu.memory_space<vmem>>, vector<1x1x512xf32>
      %get3A_211 = vector.shape_cast %get3A_210 : vector<1x1x512xf32> to vector<512xf32>
      %swap3A_212 = arith.constant 1 : index
      %swap3A_213 = arith.constant 0 : index
      %swap3A_214 = vector.load %arg10[%swap3A_212, %swap3A_213] : memref<16x512xf32, #tpu.memory_space<vmem>>, vector<1x512xf32>
      %swap3A_215 = vector.shape_cast %swap3A_214 : vector<1x512xf32> to vector<512xf32>
      %swap3A_216 = vector.shape_cast %get3A_211 : vector<512xf32> to vector<1x512xf32>
      tpu.vector_store %arg10[%swap3A_212, %swap3A_213], %swap3A_216 {strides = array<i32>} : memref<16x512xf32, #tpu.memory_space<vmem>>, vector<1x512xf32>,
    } else {
    }
    %get3A_53 = arith.constant 0 : index
    %get3A_54 = arith.constant 2 : index
    %get3A_55 = memref.load %arg1[%get3A_53, %get3A_54] : memref<1x16xi32, #tpu.memory_space<smem>>
    %ge3A_56 = arith.cmpi sge, %get3A_55, %add3A_33 : i32
    %add3A_57 = arith.constant 64 : i32
    %add3A_58 = arith.addi %add3A_33, %add3A_57 : i32
    %lt3A_59 = arith.cmpi slt, %get3A_55, %add3A_58 : i32
    %and3A_60 = arith.andi %ge3A_56, %lt3A_59 : i1
    %convert_element_type3A_61 = arith.extui %and3A_60 : i1 to i32
    %cond3A_62 = arith.constant 0 : i32
    %cond3A_63 = arith.cmpi ne, %convert_element_type3A_61, %cond3A_62 : i32
    scf.if %cond3A_63 {
      %sub3A = arith.subi %get3A_55, %add3A_33 : i32
      %get3A_207 = arith.index_cast %sub3A : i32 to index
      %get3A_208 = arith.constant 2 : index
      %get3A_209 = arith.constant 0 : index
      %get3A_210 = vector.load %arg12[%get3A_207, %get3A_208, %get3A_209] : memref<64x16x512xf32, #tpu.memory_space<vmem>>, vector<1x1x512xf32>
      %get3A_211 = vector.shape_cast %get3A_210 : vector<1x1x512xf32> to vector<512xf32>
      %swap3A_212 = arith.constant 2 : index
      %swap3A_213 = arith.constant 0 : index
      %swap3A_214 = vector.load %arg10[%swap3A_212, %swap3A_213] : memref<16x512xf32, #tpu.memory_space<vmem>>, vector<1x512xf32>
      %swap3A_215 = vector.shape_cast %swap3A_214 : vector<1x512xf32> to vector<512xf32>
      %swap3A_216 = vector.shape_cast %get3A_211 : vector<512xf32> to vector<1x512xf32>
      tpu.vector_store %arg10[%swap3A_212, %swap3A_213], %swap3A_216 {strides = array<i32>} : memref<16x512xf32, #tpu.memory_space<vmem>>, vector<1x512xf32>,
    } else {
    }
    %get3A_64 = arith.constant 0 : index
    %get3A_65 = arith.constant 3 : index
    %get3A_66 = memref.load %arg1[%get3A_64, %get3A_65] : memref<1x16xi32, #tpu.memory_space<smem>>
    %ge3A_67 = arith.cmpi sge, %get3A_66, %add3A_33 : i32
    %add3A_68 = arith.constant 64 : i32
    %add3A_69 = arith.addi %add3A_33, %add3A_68 : i32
    %lt3A_70 = arith.cmpi slt, %get3A_66, %add3A_69 : i32
    %and3A_71 = arith.andi %ge3A_67, %lt3A_70 : i1
    %convert_element_type3A_72 = arith.extui %and3A_71 : i1 to i32
    %cond3A_73 = arith.constant 0 : i32
    %cond3A_74 = arith.cmpi ne, %convert_element_type3A_72, %cond3A_73 : i32
    scf.if %cond3A_74 {
      %sub3A = arith.subi %get3A_66, %add3A_33 : i32
      %get3A_207 = arith.index_cast %sub3A : i32 to index
      %get3A_208 = arith.constant 3 : index
      %get3A_209 = arith.constant 0 : index
      %get3A_210 = vector.load %arg12[%get3A_207, %get3A_208, %get3A_209] : memref<64x16x512xf32, #tpu.memory_space<vmem>>, vector<1x1x512xf32>
      %get3A_211 = vector.shape_cast %get3A_210 : vector<1x1x512xf32> to vector<512xf32>
      %swap3A_212 = arith.constant 3 : index
      %swap3A_213 = arith.constant 0 : index
      %swap3A_214 = vector.load %arg10[%swap3A_212, %swap3A_213] : memref<16x512xf32, #tpu.memory_space<vmem>>, vector<1x512xf32>
      %swap3A_215 = vector.shape_cast %swap3A_214 : vector<1x512xf32> to vector<512xf32>
      %swap3A_216 = vector.shape_cast %get3A_211 : vector<512xf32> to vector<1x512xf32>
      tpu.vector_store %arg10[%swap3A_212, %swap3A_213], %swap3A_216 {strides = array<i32>} : memref<16x512xf32, #tpu.memory_space<vmem>>, vector<1x512xf32>,
    } else {
    }
    %get3A_75 = arith.constant 0 : index
    %get3A_76 = arith.constant 4 : index
    %get3A_77 = memref.load %arg1[%get3A_75, %get3A_76] : memref<1x16xi32, #tpu.memory_space<smem>>
    %ge3A_78 = arith.cmpi sge, %get3A_77, %add3A_33 : i32
    %add3A_79 = arith.constant 64 : i32
    %add3A_80 = arith.addi %add3A_33, %add3A_79 : i32
    %lt3A_81 = arith.cmpi slt, %get3A_77, %add3A_80 : i32
    %and3A_82 = arith.andi %ge3A_78, %lt3A_81 : i1
    %convert_element_type3A_83 = arith.extui %and3A_82 : i1 to i32
    %cond3A_84 = arith.constant 0 : i32
    %cond3A_85 = arith.cmpi ne, %convert_element_type3A_83, %cond3A_84 : i32
    scf.if %cond3A_85 {
      %sub3A = arith.subi %get3A_77, %add3A_33 : i32
      %get3A_207 = arith.index_cast %sub3A : i32 to index
      %get3A_208 = arith.constant 4 : index
      %get3A_209 = arith.constant 0 : index
      %get3A_210 = vector.load %arg12[%get3A_207, %get3A_208, %get3A_209] : memref<64x16x512xf32, #tpu.memory_space<vmem>>, vector<1x1x512xf32>
      %get3A_211 = vector.shape_cast %get3A_210 : vector<1x1x512xf32> to vector<512xf32>
      %swap3A_212 = arith.constant 4 : index
      %swap3A_213 = arith.constant 0 : index
      %swap3A_214 = vector.load %arg10[%swap3A_212, %swap3A_213] : memref<16x512xf32, #tpu.memory_space<vmem>>, vector<1x512xf32>
      %swap3A_215 = vector.shape_cast %swap3A_214 : vector<1x512xf32> to vector<512xf32>
      %swap3A_216 = vector.shape_cast %get3A_211 : vector<512xf32> to vector<1x512xf32>
      tpu.vector_store %arg10[%swap3A_212, %swap3A_213], %swap3A_216 {strides = array<i32>} : memref<16x512xf32, #tpu.memory_space<vmem>>, vector<1x512xf32>,
    } else {
    }
    %get3A_86 = arith.constant 0 : index
    %get3A_87 = arith.constant 5 : index
    %get3A_88 = memref.load %arg1[%get3A_86, %get3A_87] : memref<1x16xi32, #tpu.memory_space<smem>>
    %ge3A_89 = arith.cmpi sge, %get3A_88, %add3A_33 : i32
    %add3A_90 = arith.constant 64 : i32
    %add3A_91 = arith.addi %add3A_33, %add3A_90 : i32
    %lt3A_92 = arith.cmpi slt, %get3A_88, %add3A_91 : i32
    %and3A_93 = arith.andi %ge3A_89, %lt3A_92 : i1
    %convert_element_type3A_94 = arith.extui %and3A_93 : i1 to i32
    %cond3A_95 = arith.constant 0 : i32
    %cond3A_96 = arith.cmpi ne, %convert_element_type3A_94, %cond3A_95 : i32
    scf.if %cond3A_96 {
      %sub3A = arith.subi %get3A_88, %add3A_33 : i32
      %get3A_207 = arith.index_cast %sub3A : i32 to index
      %get3A_208 = arith.constant 5 : index
      %get3A_209 = arith.constant 0 : index
      %get3A_210 = vector.load %arg12[%get3A_207, %get3A_208, %get3A_209] : memref<64x16x512xf32, #tpu.memory_space<vmem>>, vector<1x1x512xf32>
      %get3A_211 = vector.shape_cast %get3A_210 : vector<1x1x512xf32> to vector<512xf32>
      %swap3A_212 = arith.constant 5 : index
      %swap3A_213 = arith.constant 0 : index
      %swap3A_214 = vector.load %arg10[%swap3A_212, %swap3A_213] : memref<16x512xf32, #tpu.memory_space<vmem>>, vector<1x512xf32>
      %swap3A_215 = vector.shape_cast %swap3A_214 : vector<1x512xf32> to vector<512xf32>
      %swap3A_216 = vector.shape_cast %get3A_211 : vector<512xf32> to vector<1x512xf32>
      tpu.vector_store %arg10[%swap3A_212, %swap3A_213], %swap3A_216 {strides = array<i32>} : memref<16x512xf32, #tpu.memory_space<vmem>>, vector<1x512xf32>,
    } else {
    }
    %get3A_97 = arith.constant 0 : index
    %get3A_98 = arith.constant 6 : index
    %get3A_99 = memref.load %arg1[%get3A_97, %get3A_98] : memref<1x16xi32, #tpu.memory_space<smem>>
    %ge3A_100 = arith.cmpi sge, %get3A_99, %add3A_33 : i32
    %add3A_101 = arith.constant 64 : i32
    %add3A_102 = arith.addi %add3A_33, %add3A_101 : i32
    %lt3A_103 = arith.cmpi slt, %get3A_99, %add3A_102 : i32
    %and3A_104 = arith.andi %ge3A_100, %lt3A_103 : i1
    %convert_element_type3A_105 = arith.extui %and3A_104 : i1 to i32
    %cond3A_106 = arith.constant 0 : i32
    %cond3A_107 = arith.cmpi ne, %convert_element_type3A_105, %cond3A_106 : i32
    scf.if %cond3A_107 {
      %sub3A = arith.subi %get3A_99, %add3A_33 : i32
      %get3A_207 = arith.index_cast %sub3A : i32 to index
      %get3A_208 = arith.constant 6 : index
      %get3A_209 = arith.constant 0 : index
      %get3A_210 = vector.load %arg12[%get3A_207, %get3A_208, %get3A_209] : memref<64x16x512xf32, #tpu.memory_space<vmem>>, vector<1x1x512xf32>
      %get3A_211 = vector.shape_cast %get3A_210 : vector<1x1x512xf32> to vector<512xf32>
      %swap3A_212 = arith.constant 6 : index
      %swap3A_213 = arith.constant 0 : index
      %swap3A_214 = vector.load %arg10[%swap3A_212, %swap3A_213] : memref<16x512xf32, #tpu.memory_space<vmem>>, vector<1x512xf32>
      %swap3A_215 = vector.shape_cast %swap3A_214 : vector<1x512xf32> to vector<512xf32>
      %swap3A_216 = vector.shape_cast %get3A_211 : vector<512xf32> to vector<1x512xf32>
      tpu.vector_store %arg10[%swap3A_212, %swap3A_213], %swap3A_216 {strides = array<i32>} : memref<16x512xf32, #tpu.memory_space<vmem>>, vector<1x512xf32>,
    } else {
    }
    %get3A_108 = arith.constant 0 : index
    %get3A_109 = arith.constant 7 : index
    %get3A_110 = memref.load %arg1[%get3A_108, %get3A_109] : memref<1x16xi32, #tpu.memory_space<smem>>
    %ge3A_111 = arith.cmpi sge, %get3A_110, %add3A_33 : i32
    %add3A_112 = arith.constant 64 : i32
    %add3A_113 = arith.addi %add3A_33, %add3A_112 : i32
    %lt3A_114 = arith.cmpi slt, %get3A_110, %add3A_113 : i32
    %and3A_115 = arith.andi %ge3A_111, %lt3A_114 : i1
    %convert_element_type3A_116 = arith.extui %and3A_115 : i1 to i32
    %cond3A_117 = arith.constant 0 : i32
    %cond3A_118 = arith.cmpi ne, %convert_element_type3A_116, %cond3A_117 : i32
    scf.if %cond3A_118 {
      %sub3A = arith.subi %get3A_110, %add3A_33 : i32
      %get3A_207 = arith.index_cast %sub3A : i32 to index
      %get3A_208 = arith.constant 7 : index
      %get3A_209 = arith.constant 0 : index
      %get3A_210 = vector.load %arg12[%get3A_207, %get3A_208, %get3A_209] : memref<64x16x512xf32, #tpu.memory_space<vmem>>, vector<1x1x512xf32>
      %get3A_211 = vector.shape_cast %get3A_210 : vector<1x1x512xf32> to vector<512xf32>
      %swap3A_212 = arith.constant 7 : index
      %swap3A_213 = arith.constant 0 : index
      %swap3A_214 = vector.load %arg10[%swap3A_212, %swap3A_213] : memref<16x512xf32, #tpu.memory_space<vmem>>, vector<1x512xf32>
      %swap3A_215 = vector.shape_cast %swap3A_214 : vector<1x512xf32> to vector<512xf32>
      %swap3A_216 = vector.shape_cast %get3A_211 : vector<512xf32> to vector<1x512xf32>
      tpu.vector_store %arg10[%swap3A_212, %swap3A_213], %swap3A_216 {strides = array<i32>} : memref<16x512xf32, #tpu.memory_space<vmem>>, vector<1x512xf32>,
    } else {
    }
    %get3A_119 = arith.constant 0 : index
    %get3A_120 = arith.constant 8 : index
    %get3A_121 = memref.load %arg1[%get3A_119, %get3A_120] : memref<1x16xi32, #tpu.memory_space<smem>>
    %ge3A_122 = arith.cmpi sge, %get3A_121, %add3A_33 : i32
    %add3A_123 = arith.constant 64 : i32
    %add3A_124 = arith.addi %add3A_33, %add3A_123 : i32
    %lt3A_125 = arith.cmpi slt, %get3A_121, %add3A_124 : i32
    %and3A_126 = arith.andi %ge3A_122, %lt3A_125 : i1
    %convert_element_type3A_127 = arith.extui %and3A_126 : i1 to i32
    %cond3A_128 = arith.constant 0 : i32
    %cond3A_129 = arith.cmpi ne, %convert_element_type3A_127, %cond3A_128 : i32
    scf.if %cond3A_129 {
      %sub3A = arith.subi %get3A_121, %add3A_33 : i32
      %get3A_207 = arith.index_cast %sub3A : i32 to index
      %get3A_208 = arith.constant 8 : index
      %get3A_209 = arith.constant 0 : index
      %get3A_210 = vector.load %arg12[%get3A_207, %get3A_208, %get3A_209] : memref<64x16x512xf32, #tpu.memory_space<vmem>>, vector<1x1x512xf32>
      %get3A_211 = vector.shape_cast %get3A_210 : vector<1x1x512xf32> to vector<512xf32>
      %swap3A_212 = arith.constant 8 : index
      %swap3A_213 = arith.constant 0 : index
      %swap3A_214 = vector.load %arg10[%swap3A_212, %swap3A_213] : memref<16x512xf32, #tpu.memory_space<vmem>>, vector<1x512xf32>
      %swap3A_215 = vector.shape_cast %swap3A_214 : vector<1x512xf32> to vector<512xf32>
      %swap3A_216 = vector.shape_cast %get3A_211 : vector<512xf32> to vector<1x512xf32>
      tpu.vector_store %arg10[%swap3A_212, %swap3A_213], %swap3A_216 {strides = array<i32>} : memref<16x512xf32, #tpu.memory_space<vmem>>, vector<1x512xf32>,
    } else {
    }
    %get3A_130 = arith.constant 0 : index
    %get3A_131 = arith.constant 9 : index
    %get3A_132 = memref.load %arg1[%get3A_130, %get3A_131] : memref<1x16xi32, #tpu.memory_space<smem>>
    %ge3A_133 = arith.cmpi sge, %get3A_132, %add3A_33 : i32
    %add3A_134 = arith.constant 64 : i32
    %add3A_135 = arith.addi %add3A_33, %add3A_134 : i32
    %lt3A_136 = arith.cmpi slt, %get3A_132, %add3A_135 : i32
    %and3A_137 = arith.andi %ge3A_133, %lt3A_136 : i1
    %convert_element_type3A_138 = arith.extui %and3A_137 : i1 to i32
    %cond3A_139 = arith.constant 0 : i32
    %cond3A_140 = arith.cmpi ne, %convert_element_type3A_138, %cond3A_139 : i32
    scf.if %cond3A_140 {
      %sub3A = arith.subi %get3A_132, %add3A_33 : i32
      %get3A_207 = arith.index_cast %sub3A : i32 to index
      %get3A_208 = arith.constant 9 : index
      %get3A_209 = arith.constant 0 : index
      %get3A_210 = vector.load %arg12[%get3A_207, %get3A_208, %get3A_209] : memref<64x16x512xf32, #tpu.memory_space<vmem>>, vector<1x1x512xf32>
      %get3A_211 = vector.shape_cast %get3A_210 : vector<1x1x512xf32> to vector<512xf32>
      %swap3A_212 = arith.constant 9 : index
      %swap3A_213 = arith.constant 0 : index
      %swap3A_214 = vector.load %arg10[%swap3A_212, %swap3A_213] : memref<16x512xf32, #tpu.memory_space<vmem>>, vector<1x512xf32>
      %swap3A_215 = vector.shape_cast %swap3A_214 : vector<1x512xf32> to vector<512xf32>
      %swap3A_216 = vector.shape_cast %get3A_211 : vector<512xf32> to vector<1x512xf32>
      tpu.vector_store %arg10[%swap3A_212, %swap3A_213], %swap3A_216 {strides = array<i32>} : memref<16x512xf32, #tpu.memory_space<vmem>>, vector<1x512xf32>,
    } else {
    }
    %get3A_141 = arith.constant 0 : index
    %get3A_142 = arith.constant 10 : index
    %get3A_143 = memref.load %arg1[%get3A_141, %get3A_142] : memref<1x16xi32, #tpu.memory_space<smem>>
    %ge3A_144 = arith.cmpi sge, %get3A_143, %add3A_33 : i32
    %add3A_145 = arith.constant 64 : i32
    %add3A_146 = arith.addi %add3A_33, %add3A_145 : i32
    %lt3A_147 = arith.cmpi slt, %get3A_143, %add3A_146 : i32
    %and3A_148 = arith.andi %ge3A_144, %lt3A_147 : i1
    %convert_element_type3A_149 = arith.extui %and3A_148 : i1 to i32
    %cond3A_150 = arith.constant 0 : i32
    %cond3A_151 = arith.cmpi ne, %convert_element_type3A_149, %cond3A_150 : i32
    scf.if %cond3A_151 {
      %sub3A = arith.subi %get3A_143, %add3A_33 : i32
      %get3A_207 = arith.index_cast %sub3A : i32 to index
      %get3A_208 = arith.constant 10 : index
      %get3A_209 = arith.constant 0 : index
      %get3A_210 = vector.load %arg12[%get3A_207, %get3A_208, %get3A_209] : memref<64x16x512xf32, #tpu.memory_space<vmem>>, vector<1x1x512xf32>
      %get3A_211 = vector.shape_cast %get3A_210 : vector<1x1x512xf32> to vector<512xf32>
      %swap3A_212 = arith.constant 10 : index
      %swap3A_213 = arith.constant 0 : index
      %swap3A_214 = vector.load %arg10[%swap3A_212, %swap3A_213] : memref<16x512xf32, #tpu.memory_space<vmem>>, vector<1x512xf32>
      %swap3A_215 = vector.shape_cast %swap3A_214 : vector<1x512xf32> to vector<512xf32>
      %swap3A_216 = vector.shape_cast %get3A_211 : vector<512xf32> to vector<1x512xf32>
      tpu.vector_store %arg10[%swap3A_212, %swap3A_213], %swap3A_216 {strides = array<i32>} : memref<16x512xf32, #tpu.memory_space<vmem>>, vector<1x512xf32>,
    } else {
    }
    %get3A_152 = arith.constant 0 : index
    %get3A_153 = arith.constant 11 : index
    %get3A_154 = memref.load %arg1[%get3A_152, %get3A_153] : memref<1x16xi32, #tpu.memory_space<smem>>
    %ge3A_155 = arith.cmpi sge, %get3A_154, %add3A_33 : i32
    %add3A_156 = arith.constant 64 : i32
    %add3A_157 = arith.addi %add3A_33, %add3A_156 : i32
    %lt3A_158 = arith.cmpi slt, %get3A_154, %add3A_157 : i32
    %and3A_159 = arith.andi %ge3A_155, %lt3A_158 : i1
    %convert_element_type3A_160 = arith.extui %and3A_159 : i1 to i32
    %cond3A_161 = arith.constant 0 : i32
    %cond3A_162 = arith.cmpi ne, %convert_element_type3A_160, %cond3A_161 : i32
    scf.if %cond3A_162 {
      %sub3A = arith.subi %get3A_154, %add3A_33 : i32
      %get3A_207 = arith.index_cast %sub3A : i32 to index
      %get3A_208 = arith.constant 11 : index
      %get3A_209 = arith.constant 0 : index
      %get3A_210 = vector.load %arg12[%get3A_207, %get3A_208, %get3A_209] : memref<64x16x512xf32, #tpu.memory_space<vmem>>, vector<1x1x512xf32>
      %get3A_211 = vector.shape_cast %get3A_210 : vector<1x1x512xf32> to vector<512xf32>
      %swap3A_212 = arith.constant 11 : index
      %swap3A_213 = arith.constant 0 : index
      %swap3A_214 = vector.load %arg10[%swap3A_212, %swap3A_213] : memref<16x512xf32, #tpu.memory_space<vmem>>, vector<1x512xf32>
      %swap3A_215 = vector.shape_cast %swap3A_214 : vector<1x512xf32> to vector<512xf32>
      %swap3A_216 = vector.shape_cast %get3A_211 : vector<512xf32> to vector<1x512xf32>
      tpu.vector_store %arg10[%swap3A_212, %swap3A_213], %swap3A_216 {strides = array<i32>} : memref<16x512xf32, #tpu.memory_space<vmem>>, vector<1x512xf32>,
    } else {
    }
    %get3A_163 = arith.constant 0 : index
    %get3A_164 = arith.constant 12 : index
    %get3A_165 = memref.load %arg1[%get3A_163, %get3A_164] : memref<1x16xi32, #tpu.memory_space<smem>>
    %ge3A_166 = arith.cmpi sge, %get3A_165, %add3A_33 : i32
    %add3A_167 = arith.constant 64 : i32
    %add3A_168 = arith.addi %add3A_33, %add3A_167 : i32
    %lt3A_169 = arith.cmpi slt, %get3A_165, %add3A_168 : i32
    %and3A_170 = arith.andi %ge3A_166, %lt3A_169 : i1
    %convert_element_type3A_171 = arith.extui %and3A_170 : i1 to i32
    %cond3A_172 = arith.constant 0 : i32
    %cond3A_173 = arith.cmpi ne, %convert_element_type3A_171, %cond3A_172 : i32
    scf.if %cond3A_173 {
      %sub3A = arith.subi %get3A_165, %add3A_33 : i32
      %get3A_207 = arith.index_cast %sub3A : i32 to index
      %get3A_208 = arith.constant 12 : index
      %get3A_209 = arith.constant 0 : index
      %get3A_210 = vector.load %arg12[%get3A_207, %get3A_208, %get3A_209] : memref<64x16x512xf32, #tpu.memory_space<vmem>>, vector<1x1x512xf32>
      %get3A_211 = vector.shape_cast %get3A_210 : vector<1x1x512xf32> to vector<512xf32>
      %swap3A_212 = arith.constant 12 : index
      %swap3A_213 = arith.constant 0 : index
      %swap3A_214 = vector.load %arg10[%swap3A_212, %swap3A_213] : memref<16x512xf32, #tpu.memory_space<vmem>>, vector<1x512xf32>
      %swap3A_215 = vector.shape_cast %swap3A_214 : vector<1x512xf32> to vector<512xf32>
      %swap3A_216 = vector.shape_cast %get3A_211 : vector<512xf32> to vector<1x512xf32>
      tpu.vector_store %arg10[%swap3A_212, %swap3A_213], %swap3A_216 {strides = array<i32>} : memref<16x512xf32, #tpu.memory_space<vmem>>, vector<1x512xf32>,
    } else {
    }
    %get3A_174 = arith.constant 0 : index
    %get3A_175 = arith.constant 13 : index
    %get3A_176 = memref.load %arg1[%get3A_174, %get3A_175] : memref<1x16xi32, #tpu.memory_space<smem>>
    %ge3A_177 = arith.cmpi sge, %get3A_176, %add3A_33 : i32
    %add3A_178 = arith.constant 64 : i32
    %add3A_179 = arith.addi %add3A_33, %add3A_178 : i32
    %lt3A_180 = arith.cmpi slt, %get3A_176, %add3A_179 : i32
    %and3A_181 = arith.andi %ge3A_177, %lt3A_180 : i1
    %convert_element_type3A_182 = arith.extui %and3A_181 : i1 to i32
    %cond3A_183 = arith.constant 0 : i32
    %cond3A_184 = arith.cmpi ne, %convert_element_type3A_182, %cond3A_183 : i32
    scf.if %cond3A_184 {
      %sub3A = arith.subi %get3A_176, %add3A_33 : i32
      %get3A_207 = arith.index_cast %sub3A : i32 to index
      %get3A_208 = arith.constant 13 : index
      %get3A_209 = arith.constant 0 : index
      %get3A_210 = vector.load %arg12[%get3A_207, %get3A_208, %get3A_209] : memref<64x16x512xf32, #tpu.memory_space<vmem>>, vector<1x1x512xf32>
      %get3A_211 = vector.shape_cast %get3A_210 : vector<1x1x512xf32> to vector<512xf32>
      %swap3A_212 = arith.constant 13 : index
      %swap3A_213 = arith.constant 0 : index
      %swap3A_214 = vector.load %arg10[%swap3A_212, %swap3A_213] : memref<16x512xf32, #tpu.memory_space<vmem>>, vector<1x512xf32>
      %swap3A_215 = vector.shape_cast %swap3A_214 : vector<1x512xf32> to vector<512xf32>
      %swap3A_216 = vector.shape_cast %get3A_211 : vector<512xf32> to vector<1x512xf32>
      tpu.vector_store %arg10[%swap3A_212, %swap3A_213], %swap3A_216 {strides = array<i32>} : memref<16x512xf32, #tpu.memory_space<vmem>>, vector<1x512xf32>,
    } else {
    }
    %get3A_185 = arith.constant 0 : index
    %get3A_186 = arith.constant 14 : index
    %get3A_187 = memref.load %arg1[%get3A_185, %get3A_186] : memref<1x16xi32, #tpu.memory_space<smem>>
    %ge3A_188 = arith.cmpi sge, %get3A_187, %add3A_33 : i32
    %add3A_189 = arith.constant 64 : i32
    %add3A_190 = arith.addi %add3A_33, %add3A_189 : i32
    %lt3A_191 = arith.cmpi slt, %get3A_187, %add3A_190 : i32
    %and3A_192 = arith.andi %ge3A_188, %lt3A_191 : i1
    %convert_element_type3A_193 = arith.extui %and3A_192 : i1 to i32
    %cond3A_194 = arith.constant 0 : i32
    %cond3A_195 = arith.cmpi ne, %convert_element_type3A_193, %cond3A_194 : i32
    scf.if %cond3A_195 {
      %sub3A = arith.subi %get3A_187, %add3A_33 : i32
      %get3A_207 = arith.index_cast %sub3A : i32 to index
      %get3A_208 = arith.constant 14 : index
      %get3A_209 = arith.constant 0 : index
      %get3A_210 = vector.load %arg12[%get3A_207, %get3A_208, %get3A_209] : memref<64x16x512xf32, #tpu.memory_space<vmem>>, vector<1x1x512xf32>
      %get3A_211 = vector.shape_cast %get3A_210 : vector<1x1x512xf32> to vector<512xf32>
      %swap3A_212 = arith.constant 14 : index
      %swap3A_213 = arith.constant 0 : index
      %swap3A_214 = vector.load %arg10[%swap3A_212, %swap3A_213] : memref<16x512xf32, #tpu.memory_space<vmem>>, vector<1x512xf32>
      %swap3A_215 = vector.shape_cast %swap3A_214 : vector<1x512xf32> to vector<512xf32>
      %swap3A_216 = vector.shape_cast %get3A_211 : vector<512xf32> to vector<1x512xf32>
      tpu.vector_store %arg10[%swap3A_212, %swap3A_213], %swap3A_216 {strides = array<i32>} : memref<16x512xf32, #tpu.memory_space<vmem>>, vector<1x512xf32>,
    } else {
    }
    %get3A_196 = arith.constant 0 : index
    %get3A_197 = arith.constant 15 : index
    %get3A_198 = memref.load %arg1[%get3A_196, %get3A_197] : memref<1x16xi32, #tpu.memory_space<smem>>
    %ge3A_199 = arith.cmpi sge, %get3A_198, %add3A_33 : i32
    %add3A_200 = arith.constant 64 : i32
    %add3A_201 = arith.addi %add3A_33, %add3A_200 : i32
    %lt3A_202 = arith.cmpi slt, %get3A_198, %add3A_201 : i32
    %and3A_203 = arith.andi %ge3A_199, %lt3A_202 : i1
    %convert_element_type3A_204 = arith.extui %and3A_203 : i1 to i32
    %cond3A_205 = arith.constant 0 : i32
    %cond3A_206 = arith.cmpi ne, %convert_element_type3A_204, %cond3A_205 : i32
    scf.if %cond3A_206 {
      %sub3A = arith.subi %get3A_198, %add3A_33 : i32
      %get3A_207 = arith.index_cast %sub3A : i32 to index
      %get3A_208 = arith.constant 15 : index
      %get3A_209 = arith.constant 0 : index
      %get3A_210 = vector.load %arg12[%get3A_207, %get3A_208, %get3A_209] : memref<64x16x512xf32, #tpu.memory_space<vmem>>, vector<1x1x512xf32>
      %get3A_211 = vector.shape_cast %get3A_210 : vector<1x1x512xf32> to vector<512xf32>
      %swap3A_212 = arith.constant 15 : index
      %swap3A_213 = arith.constant 0 : index
      %swap3A_214 = vector.load %arg10[%swap3A_212, %swap3A_213] : memref<16x512xf32, #tpu.memory_space<vmem>>, vector<1x512xf32>
      %swap3A_215 = vector.shape_cast %swap3A_214 : vector<1x512xf32> to vector<512xf32>
      %swap3A_216 = vector.shape_cast %get3A_211 : vector<512xf32> to vector<1x512xf32>
      tpu.vector_store %arg10[%swap3A_212, %swap3A_213], %swap3A_216 {strides = array<i32>} : memref<16x512xf32, #tpu.memory_space<vmem>>, vector<1x512xf32>,
    } else {
    }
    return
  }
  func.func @transform_0(%arg0: i32) -> (i32, i32) {
    %c0_i32 = arith.constant 0 : i32
    %c0_i32_0 = arith.constant 0 : i32
    %c0_i32_1 = arith.constant 0 : i32
    return %c0_i32, %c0_i32_0 : i32, i32
  }
  func.func @transform_1(%arg0: i32) -> (i32, i32) {
    %c0_i32 = arith.constant 0 : i32
    %c0_i32_0 = arith.constant 0 : i32
    return %arg0, %c0_i32 : i32, i32
  }
  func.func @transform_2(%arg0: i32) -> (i32, i32) {
    %c0_i32 = arith.constant 0 : i32
    %c0_i32_0 = arith.constant 0 : i32
    %c0_i32_1 = arith.constant 0 : i32
    return %c0_i32, %c0_i32_0 : i32, i32
  }
  func.func @transform_3(%arg0: i32) -> (i32, i32) {
    %c0_i32 = arith.constant 0 : i32
    %c0_i32_0 = arith.constant 0 : i32
    %c0_i32_1 = arith.constant 0 : i32
    return %c0_i32, %c0_i32_0 : i32, i32
  }
  func.func @transform_4(%arg0: i32) -> (i32, i32) {
    %c0_i32 = arith.constant 0 : i32
    %c0_i32_0 = arith.constant 0 : i32
    %c0_i32_1 = arith.constant 0 : i32
    return %c0_i32, %c0_i32_0 : i32, i32
  }
  func.func @transform_5(%arg0: i32) -> (i32, i32) {
    %c0_i32 = arith.constant 0 : i32
    %c0_i32_0 = arith.constant 0 : i32
    %c0_i32_1 = arith.constant 0 : i32
    return %c0_i32, %c0_i32_0 : i32, i32
  }
  func.func @transform_6(%arg0: i32) -> (i32, i32) {
    %c0_i32 = arith.constant 0 : i32
    %c0_i32_0 = arith.constant 0 : i32
    %c0_i32_1 = arith.constant 0 : i32
    return %c0_i32, %c0_i32_0 : i32, i32
  }
  func.func @transform_7(%arg0: i32) -> (i32, i32) {
    %c0_i32 = arith.constant 0 : i32
    %c0_i32_0 = arith.constant 0 : i32
    %c0_i32_1 = arith.constant 0 : i32
    return %c0_i32, %c0_i32_0 : i32, i32
  }
  func.func @transform_8(%arg0: i32) -> (i32, i32) {
    %c0_i32 = arith.constant 0 : i32
    %c0_i32_0 = arith.constant 0 : i32
    %c0_i32_1 = arith.constant 0 : i32
    return %c0_i32, %c0_i32_0 : i32, i32
  }
  func.func @transform_9(%arg0: i32) -> (i32, i32) {
    %c0_i32 = arith.constant 0 : i32
    %c0_i32_0 = arith.constant 0 : i32
    %c0_i32_1 = arith.constant 0 : i32
    return %c0_i32, %c0_i32_0 : i32, i32
  }
}

module attributes {stable_mosaic.version = 14 : i64} {
  func.func @body(%arg0: i32, %arg1: memref<1x16xi32, #tpu.memory_space<smem>>, %arg2: memref<1024x512xf32, #tpu.memory_space<vmem>>, %arg3: memref<512x1536xbf16, #tpu.memory_space<vmem>>, %arg4: memref<1x1536xf32, #tpu.memory_space<vmem>>, %arg5: memref<512x1536xbf16, #tpu.memory_space<vmem>>, %arg6: memref<1x1536xf32, #tpu.memory_space<vmem>>, %arg7: memref<16x512xf32, #tpu.memory_space<vmem>>, %arg8: memref<16x512xf32, #tpu.memory_space<vmem>>, %arg9: memref<16x512xf32, #tpu.memory_space<vmem>>, %arg10: memref<16x512xf32, #tpu.memory_space<vmem>>, %arg11: memref<64x16x1536xbf16, #tpu.memory_space<vmem>>, %arg12: memref<64x16x512xf32, #tpu.memory_space<vmem>>, %arg13: memref<16x512xf32, #tpu.memory_space<vmem>>) attributes {dimension_semantics = [#tpu.dimension_semantics<arbitrary>], iteration_bounds = array<i64: 2>, scalar_prefetch = 0 : i64, scratch_operands = 3 : i64, tpu.core_type = #tpu.core_type<tc>, window_params = [{transform_indices = @transform_0, window_bounds = array<i64: 1, 16>}, {transform_indices = @transform_1, window_bounds = array<i64: 1024, 512>}, {pipeline_mode = #tpu.pipeline_mode<synchronous>, transform_indices = @transform_2, window_bounds = array<i64: 512, 1536>}, {pipeline_mode = #tpu.pipeline_mode<synchronous>, transform_indices = @transform_3, window_bounds = array<i64: 1, 1536>}, {pipeline_mode = #tpu.pipeline_mode<synchronous>, transform_indices = @transform_4, window_bounds = array<i64: 512, 1536>}, {pipeline_mode = #tpu.pipeline_mode<synchronous>, transform_indices = @transform_5, window_bounds = array<i64: 1, 1536>}, {pipeline_mode = #tpu.pipeline_mode<synchronous>, transform_indices = @transform_6, window_bounds = array<i64: 16, 512>}, {pipeline_mode = #tpu.pipeline_mode<synchronous>, transform_indices = @transform_7, window_bounds = array<i64: 16, 512>}, {pipeline_mode = #tpu.pipeline_mode<synchronous>, transform_indices = @transform_8, window_bounds = array<i64: 16, 512>}, {pipeline_mode = #tpu.pipeline_mode<synchronous>, transform_indices = @transform_9, window_bounds = array<i64: 16, 512>}]} {
    %eq3A = arith.constant 0 : i32
    %eq3A_0 = arith.cmpi eq, %arg0, %eq3A : i32
    %convert_element_type3A = arith.extui %eq3A_0 : i1 to i32
    %cond3A = arith.constant 0 : i32
    %cond3A_1 = arith.cmpi ne, %convert_element_type3A, %cond3A : i32
    scf.if %cond3A_1 {
      %get3A_207 = arith.constant 0 : index
      %get3A_208 = arith.constant 0 : index
      %get3A_209 = vector.load %arg7[%get3A_207, %get3A_208] : memref<16x512xf32, #tpu.memory_space<vmem>>, vector<16x512xf32>
      %swap3A_210 = arith.constant 0 : index
      %swap3A_211 = arith.constant 0 : index
      %swap3A_212 = vector.load %arg13[%swap3A_210, %swap3A_211] : memref<16x512xf32, #tpu.memory_space<vmem>>, vector<16x512xf32>
      tpu.vector_store %arg13[%swap3A_210, %swap3A_211], %get3A_209 {strides = array<i32>} : memref<16x512xf32, #tpu.memory_space<vmem>>, vector<16x512xf32>,
      %get3A_213 = arith.constant 0 : index
      %get3A_214 = arith.constant 0 : index
      %get3A_215 = vector.load %arg8[%get3A_213, %get3A_214] : memref<16x512xf32, #tpu.memory_space<vmem>>, vector<16x512xf32>
      %swap3A_216 = arith.constant 0 : index
      %swap3A_217 = arith.constant 0 : index
      %swap3A_218 = vector.load %arg10[%swap3A_216, %swap3A_217] : memref<16x512xf32, #tpu.memory_space<vmem>>, vector<16x512xf32>
      tpu.vector_store %arg10[%swap3A_216, %swap3A_217], %get3A_215 {strides = array<i32>} : memref<16x512xf32, #tpu.memory_space<vmem>>, vector<16x512xf32>,
    } else {
    }
    %get3A = arith.constant 0 : index
    %get3A_2 = arith.constant 0 : index
    %get3A_3 = vector.load %arg2[%get3A, %get3A_2] : memref<1024x512xf32, #tpu.memory_space<vmem>>, vector<1024x512xf32>
    %convert_element_type3A_4 = arith.truncf %get3A_3 : vector<1024x512xf32> to vector<1024x512xbf16>
    %get3A_5 = arith.constant 0 : index
    %get3A_6 = arith.constant 0 : index
    %get3A_7 = vector.load %arg3[%get3A_5, %get3A_6] : memref<512x1536xbf16, #tpu.memory_space<vmem>>, vector<512x1536xbf16>
    %dot_general3A = arith.constant dense<0.000000e+00> : vector<1024x1536xf32>
    %dot_general3A_8 = tpu.matmul %convert_element_type3A_4, %get3A_7, %dot_general3A {dimension_numbers = #tpu.dot_dimension_numbers<[1], [0], [0], [1], [0, 0, 1, 1], [], []>, transpose_lhs_hint = false} : vector<1024x512xbf16>, vector<512x1536xbf16>, vector<1024x1536xf32> -> vector<1024x1536xf32>
    %get3A_9 = arith.constant 0 : index
    %get3A_10 = arith.constant 0 : index
    %get3A_11 = vector.load %arg4[%get3A_9, %get3A_10] : memref<1x1536xf32, #tpu.memory_space<vmem>>, vector<1x1536xf32>
    %add3A = vector.broadcast %get3A_11 : vector<1x1536xf32> to vector<1024x1536xf32>
    %add3A_12 = arith.addf %dot_general3A_8, %add3A : vector<1024x1536xf32>
    %convert_element_type3A_13 = arith.truncf %add3A_12 : vector<1024x1536xf32> to vector<1024x1536xbf16>
    %reshape3A = vector.shape_cast %convert_element_type3A_13 : vector<1024x1536xbf16> to vector<64x16x1536xbf16>
    %swap3A = arith.constant 0 : index
    %swap3A_14 = arith.constant 0 : index
    %swap3A_15 = arith.constant 0 : index
    %swap3A_16 = vector.load %arg11[%swap3A, %swap3A_14, %swap3A_15] : memref<64x16x1536xbf16, #tpu.memory_space<vmem>>, vector<64x16x1536xbf16>
    tpu.vector_store %arg11[%swap3A, %swap3A_14, %swap3A_15], %reshape3A {strides = array<i32>} : memref<64x16x1536xbf16, #tpu.memory_space<vmem>>, vector<64x16x1536xbf16>,
    %get3A_17 = arith.constant 0 : index
    %get3A_18 = arith.constant 0 : index
    %get3A_19 = vector.load %arg13[%get3A_17, %get3A_18] : memref<16x512xf32, #tpu.memory_space<vmem>>, vector<16x512xf32>
    %scan3A = arith.constant 0 : i32
    %scan3A_20 = arith.constant 64 : i32
    %scan3A_21 = arith.addi %scan3A, %scan3A_20 : i32
    %scan3A_22 = arith.constant 4 : i32
    %scan3A_23 = scf.for %scan3A_207 = %scan3A to %scan3A_21 step %scan3A_22 iter_args(%scan3A_208 = %get3A_19) -> (vector<16x512xf32>)  : i32 {
      %get3A_209 = arith.index_cast %scan3A_207 : i32 to index
      %get3A_210 = arith.constant 0 : index
      %get3A_211 = arith.constant 0 : index
      %get3A_212 = vector.load %arg11[%get3A_209, %get3A_210, %get3A_211] : memref<64x16x1536xbf16, #tpu.memory_space<vmem>>, vector<1x16x1536xbf16>
      %get3A_213 = vector.shape_cast %get3A_212 : vector<1x16x1536xbf16> to vector<16x1536xbf16>
      %convert_element_type3A_214 = arith.extf %get3A_213 : vector<16x1536xbf16> to vector<16x1536xf32>
      %convert_element_type3A_215 = arith.truncf %scan3A_208 : vector<16x512xf32> to vector<16x512xbf16>
      %get3A_216 = arith.constant 0 : index
      %get3A_217 = arith.constant 0 : index
      %get3A_218 = vector.load %arg5[%get3A_216, %get3A_217] : memref<512x1536xbf16, #tpu.memory_space<vmem>>, vector<512x1024xbf16>
      %dot_general3A_219 = arith.constant dense<0.000000e+00> : vector<16x1024xf32>
      %dot_general3A_220 = tpu.matmul %convert_element_type3A_215, %get3A_218, %dot_general3A_219 {dimension_numbers = #tpu.dot_dimension_numbers<[1], [0], [0], [1], [0, 0, 1, 1], [], []>, transpose_lhs_hint = false} : vector<16x512xbf16>, vector<512x1024xbf16>, vector<16x1024xf32> -> vector<16x1024xf32>
      %get3A_221 = arith.constant 0 : index
      %get3A_222 = arith.constant 0 : index
      %get3A_223 = vector.load %arg6[%get3A_221, %get3A_222] : memref<1x1536xf32, #tpu.memory_space<vmem>>, vector<1x1024xf32>
      %add3A_224 = vector.broadcast %get3A_223 : vector<1x1024xf32> to vector<16x1024xf32>
      %add3A_225 = arith.addf %dot_general3A_220, %add3A_224 : vector<16x1024xf32>
      %get3A_226 = arith.constant 0 : index
      %get3A_227 = arith.constant 1024 : index
      %get3A_228 = vector.load %arg5[%get3A_226, %get3A_227] : memref<512x1536xbf16, #tpu.memory_space<vmem>>, vector<512x512xbf16>
      %dot_general3A_229 = arith.constant dense<0.000000e+00> : vector<16x512xf32>
      %dot_general3A_230 = tpu.matmul %convert_element_type3A_215, %get3A_228, %dot_general3A_229 {dimension_numbers = #tpu.dot_dimension_numbers<[1], [0], [0], [1], [0, 0, 1, 1], [], []>, transpose_lhs_hint = false} : vector<16x512xbf16>, vector<512x512xbf16>, vector<16x512xf32> -> vector<16x512xf32>
      %get3A_231 = arith.constant 0 : index
      %get3A_232 = arith.constant 1024 : index
      %get3A_233 = vector.load %arg6[%get3A_231, %get3A_232] : memref<1x1536xf32, #tpu.memory_space<vmem>>, vector<1x512xf32>
      %add3A_234 = vector.broadcast %get3A_233 : vector<1x512xf32> to vector<16x512xf32>
      %add3A_235 = arith.addf %dot_general3A_230, %add3A_234 : vector<16x512xf32>
      %slice3A = vector.extract_strided_slice %convert_element_type3A_214 {offsets = [0, 0], sizes = [16, 512], strides = [1, 1]} : vector<16x1536xf32> to vector<16x512xf32>
      %slice3A_236 = vector.extract_strided_slice %add3A_225 {offsets = [0, 0], sizes = [16, 512], strides = [1, 1]} : vector<16x1024xf32> to vector<16x512xf32>
      %add3A_237 = arith.addf %slice3A, %slice3A_236 : vector<16x512xf32>
      %mul3A_238 = arith.constant 5.000000e-01 : f32
      %mul3A_239 = vector.broadcast %mul3A_238 : f32 to vector<16x512xf32>
      %mul3A_240 = arith.mulf %mul3A_239, %add3A_237 : vector<16x512xf32>
      %tanh3A = math.tanh %mul3A_240 : vector<16x512xf32>
      %mul3A_241 = arith.constant 5.000000e-01 : f32
      %mul3A_242 = vector.broadcast %mul3A_241 : f32 to vector<16x512xf32>
      %mul3A_243 = arith.mulf %mul3A_242, %tanh3A : vector<16x512xf32>
      %add3A_244 = arith.constant 5.000000e-01 : f32
      %add3A_245 = vector.broadcast %add3A_244 : f32 to vector<16x512xf32>
      %add3A_246 = arith.addf %mul3A_243, %add3A_245 : vector<16x512xf32>
      %slice3A_247 = vector.extract_strided_slice %convert_element_type3A_214 {offsets = [0, 512], sizes = [16, 512], strides = [1, 1]} : vector<16x1536xf32> to vector<16x512xf32>
      %slice3A_248 = vector.extract_strided_slice %add3A_225 {offsets = [0, 512], sizes = [16, 512], strides = [1, 1]} : vector<16x1024xf32> to vector<16x512xf32>
      %add3A_249 = arith.addf %slice3A_247, %slice3A_248 : vector<16x512xf32>
      %mul3A_250 = arith.constant 5.000000e-01 : f32
      %mul3A_251 = vector.broadcast %mul3A_250 : f32 to vector<16x512xf32>
      %mul3A_252 = arith.mulf %mul3A_251, %add3A_249 : vector<16x512xf32>
      %tanh3A_253 = math.tanh %mul3A_252 : vector<16x512xf32>
      %mul3A_254 = arith.constant 5.000000e-01 : f32
      %mul3A_255 = vector.broadcast %mul3A_254 : f32 to vector<16x512xf32>
      %mul3A_256 = arith.mulf %mul3A_255, %tanh3A_253 : vector<16x512xf32>
      %add3A_257 = arith.constant 5.000000e-01 : f32
      %add3A_258 = vector.broadcast %add3A_257 : f32 to vector<16x512xf32>
      %add3A_259 = arith.addf %mul3A_256, %add3A_258 : vector<16x512xf32>
      %slice3A_260 = vector.extract_strided_slice %convert_element_type3A_214 {offsets = [0, 1024], sizes = [16, 512], strides = [1, 1]} : vector<16x1536xf32> to vector<16x512xf32>
      %mul3A_261 = arith.mulf %add3A_246, %add3A_235 : vector<16x512xf32>
      %add3A_262 = arith.addf %slice3A_260, %mul3A_261 : vector<16x512xf32>
      %tanh3A_263 = math.tanh %add3A_262 : vector<16x512xf32>
      %sub3A = arith.constant 1.000000e+00 : f32
      %sub3A_264 = vector.broadcast %sub3A : f32 to vector<16x512xf32>
      %sub3A_265 = arith.subf %sub3A_264, %add3A_259 : vector<16x512xf32>
      %mul3A_266 = arith.mulf %sub3A_265, %tanh3A_263 : vector<16x512xf32>
      %mul3A_267 = arith.mulf %add3A_259, %scan3A_208 : vector<16x512xf32>
      %add3A_268 = arith.addf %mul3A_266, %mul3A_267 : vector<16x512xf32>
      %swap3A_269 = arith.index_cast %scan3A_207 : i32 to index
      %swap3A_270 = arith.constant 0 : index
      %swap3A_271 = arith.constant 0 : index
      %swap3A_272 = vector.load %arg12[%swap3A_269, %swap3A_270, %swap3A_271] : memref<64x16x512xf32, #tpu.memory_space<vmem>>, vector<1x16x512xf32>
      %swap3A_273 = vector.shape_cast %swap3A_272 : vector<1x16x512xf32> to vector<16x512xf32>
      %swap3A_274 = vector.shape_cast %add3A_268 : vector<16x512xf32> to vector<1x16x512xf32>
      tpu.vector_store %arg12[%swap3A_269, %swap3A_270, %swap3A_271], %swap3A_274 {strides = array<i32>} : memref<64x16x512xf32, #tpu.memory_space<vmem>>, vector<1x16x512xf32>,
      %scan3A_275 = arith.constant 1 : i32
      %scan3A_276 = arith.addi %scan3A_207, %scan3A_275 : i32
      %get3A_277 = arith.index_cast %scan3A_276 : i32 to index
      %get3A_278 = arith.constant 0 : index
      %get3A_279 = arith.constant 0 : index
      %get3A_280 = vector.load %arg11[%get3A_277, %get3A_278, %get3A_279] : memref<64x16x1536xbf16, #tpu.memory_space<vmem>>, vector<1x16x1536xbf16>
      %get3A_281 = vector.shape_cast %get3A_280 : vector<1x16x1536xbf16> to vector<16x1536xbf16>
      %convert_element_type3A_282 = arith.extf %get3A_281 : vector<16x1536xbf16> to vector<16x1536xf32>
      %convert_element_type3A_283 = arith.truncf %add3A_268 : vector<16x512xf32> to vector<16x512xbf16>
      %get3A_284 = arith.constant 0 : index
      %get3A_285 = arith.constant 0 : index
      %get3A_286 = vector.load %arg5[%get3A_284, %get3A_285] : memref<512x1536xbf16, #tpu.memory_space<vmem>>, vector<512x1024xbf16>
      %dot_general3A_287 = arith.constant dense<0.000000e+00> : vector<16x1024xf32>
      %dot_general3A_288 = tpu.matmul %convert_element_type3A_283, %get3A_286, %dot_general3A_287 {dimension_numbers = #tpu.dot_dimension_numbers<[1], [0], [0], [1], [0, 0, 1, 1], [], []>, transpose_lhs_hint = false} : vector<16x512xbf16>, vector<512x1024xbf16>, vector<16x1024xf32> -> vector<16x1024xf32>
      %get3A_289 = arith.constant 0 : index
      %get3A_290 = arith.constant 0 : index
      %get3A_291 = vector.load %arg6[%get3A_289, %get3A_290] : memref<1x1536xf32, #tpu.memory_space<vmem>>, vector<1x1024xf32>
      %add3A_292 = vector.broadcast %get3A_291 : vector<1x1024xf32> to vector<16x1024xf32>
      %add3A_293 = arith.addf %dot_general3A_288, %add3A_292 : vector<16x1024xf32>
      %get3A_294 = arith.constant 0 : index
      %get3A_295 = arith.constant 1024 : index
      %get3A_296 = vector.load %arg5[%get3A_294, %get3A_295] : memref<512x1536xbf16, #tpu.memory_space<vmem>>, vector<512x512xbf16>
      %dot_general3A_297 = arith.constant dense<0.000000e+00> : vector<16x512xf32>
      %dot_general3A_298 = tpu.matmul %convert_element_type3A_283, %get3A_296, %dot_general3A_297 {dimension_numbers = #tpu.dot_dimension_numbers<[1], [0], [0], [1], [0, 0, 1, 1], [], []>, transpose_lhs_hint = false} : vector<16x512xbf16>, vector<512x512xbf16>, vector<16x512xf32> -> vector<16x512xf32>
      %get3A_299 = arith.constant 0 : index
      %get3A_300 = arith.constant 1024 : index
      %get3A_301 = vector.load %arg6[%get3A_299, %get3A_300] : memref<1x1536xf32, #tpu.memory_space<vmem>>, vector<1x512xf32>
      %add3A_302 = vector.broadcast %get3A_301 : vector<1x512xf32> to vector<16x512xf32>
      %add3A_303 = arith.addf %dot_general3A_298, %add3A_302 : vector<16x512xf32>
      %slice3A_304 = vector.extract_strided_slice %convert_element_type3A_282 {offsets = [0, 0], sizes = [16, 512], strides = [1, 1]} : vector<16x1536xf32> to vector<16x512xf32>
      %slice3A_305 = vector.extract_strided_slice %add3A_293 {offsets = [0, 0], sizes = [16, 512], strides = [1, 1]} : vector<16x1024xf32> to vector<16x512xf32>
      %add3A_306 = arith.addf %slice3A_304, %slice3A_305 : vector<16x512xf32>
      %mul3A_307 = arith.constant 5.000000e-01 : f32
      %mul3A_308 = vector.broadcast %mul3A_307 : f32 to vector<16x512xf32>
      %mul3A_309 = arith.mulf %mul3A_308, %add3A_306 : vector<16x512xf32>
      %tanh3A_310 = math.tanh %mul3A_309 : vector<16x512xf32>
      %mul3A_311 = arith.constant 5.000000e-01 : f32
      %mul3A_312 = vector.broadcast %mul3A_311 : f32 to vector<16x512xf32>
      %mul3A_313 = arith.mulf %mul3A_312, %tanh3A_310 : vector<16x512xf32>
      %add3A_314 = arith.constant 5.000000e-01 : f32
      %add3A_315 = vector.broadcast %add3A_314 : f32 to vector<16x512xf32>
      %add3A_316 = arith.addf %mul3A_313, %add3A_315 : vector<16x512xf32>
      %slice3A_317 = vector.extract_strided_slice %convert_element_type3A_282 {offsets = [0, 512], sizes = [16, 512], strides = [1, 1]} : vector<16x1536xf32> to vector<16x512xf32>
      %slice3A_318 = vector.extract_strided_slice %add3A_293 {offsets = [0, 512], sizes = [16, 512], strides = [1, 1]} : vector<16x1024xf32> to vector<16x512xf32>
      %add3A_319 = arith.addf %slice3A_317, %slice3A_318 : vector<16x512xf32>
      %mul3A_320 = arith.constant 5.000000e-01 : f32
      %mul3A_321 = vector.broadcast %mul3A_320 : f32 to vector<16x512xf32>
      %mul3A_322 = arith.mulf %mul3A_321, %add3A_319 : vector<16x512xf32>
      %tanh3A_323 = math.tanh %mul3A_322 : vector<16x512xf32>
      %mul3A_324 = arith.constant 5.000000e-01 : f32
      %mul3A_325 = vector.broadcast %mul3A_324 : f32 to vector<16x512xf32>
      %mul3A_326 = arith.mulf %mul3A_325, %tanh3A_323 : vector<16x512xf32>
      %add3A_327 = arith.constant 5.000000e-01 : f32
      %add3A_328 = vector.broadcast %add3A_327 : f32 to vector<16x512xf32>
      %add3A_329 = arith.addf %mul3A_326, %add3A_328 : vector<16x512xf32>
      %slice3A_330 = vector.extract_strided_slice %convert_element_type3A_282 {offsets = [0, 1024], sizes = [16, 512], strides = [1, 1]} : vector<16x1536xf32> to vector<16x512xf32>
      %mul3A_331 = arith.mulf %add3A_316, %add3A_303 : vector<16x512xf32>
      %add3A_332 = arith.addf %slice3A_330, %mul3A_331 : vector<16x512xf32>
      %tanh3A_333 = math.tanh %add3A_332 : vector<16x512xf32>
      %sub3A_334 = arith.constant 1.000000e+00 : f32
      %sub3A_335 = vector.broadcast %sub3A_334 : f32 to vector<16x512xf32>
      %sub3A_336 = arith.subf %sub3A_335, %add3A_329 : vector<16x512xf32>
      %mul3A_337 = arith.mulf %sub3A_336, %tanh3A_333 : vector<16x512xf32>
      %mul3A_338 = arith.mulf %add3A_329, %add3A_268 : vector<16x512xf32>
      %add3A_339 = arith.addf %mul3A_337, %mul3A_338 : vector<16x512xf32>
      %swap3A_340 = arith.index_cast %scan3A_276 : i32 to index
      %swap3A_341 = arith.constant 0 : index
      %swap3A_342 = arith.constant 0 : index
      %swap3A_343 = vector.load %arg12[%swap3A_340, %swap3A_341, %swap3A_342] : memref<64x16x512xf32, #tpu.memory_space<vmem>>, vector<1x16x512xf32>
      %swap3A_344 = vector.shape_cast %swap3A_343 : vector<1x16x512xf32> to vector<16x512xf32>
      %swap3A_345 = vector.shape_cast %add3A_339 : vector<16x512xf32> to vector<1x16x512xf32>
      tpu.vector_store %arg12[%swap3A_340, %swap3A_341, %swap3A_342], %swap3A_345 {strides = array<i32>} : memref<64x16x512xf32, #tpu.memory_space<vmem>>, vector<1x16x512xf32>,
      %scan3A_346 = arith.constant 2 : i32
      %scan3A_347 = arith.addi %scan3A_207, %scan3A_346 : i32
      %get3A_348 = arith.index_cast %scan3A_347 : i32 to index
      %get3A_349 = arith.constant 0 : index
      %get3A_350 = arith.constant 0 : index
      %get3A_351 = vector.load %arg11[%get3A_348, %get3A_349, %get3A_350] : memref<64x16x1536xbf16, #tpu.memory_space<vmem>>, vector<1x16x1536xbf16>
      %get3A_352 = vector.shape_cast %get3A_351 : vector<1x16x1536xbf16> to vector<16x1536xbf16>
      %convert_element_type3A_353 = arith.extf %get3A_352 : vector<16x1536xbf16> to vector<16x1536xf32>
      %convert_element_type3A_354 = arith.truncf %add3A_339 : vector<16x512xf32> to vector<16x512xbf16>
      %get3A_355 = arith.constant 0 : index
      %get3A_356 = arith.constant 0 : index
      %get3A_357 = vector.load %arg5[%get3A_355, %get3A_356] : memref<512x1536xbf16, #tpu.memory_space<vmem>>, vector<512x1024xbf16>
      %dot_general3A_358 = arith.constant dense<0.000000e+00> : vector<16x1024xf32>
      %dot_general3A_359 = tpu.matmul %convert_element_type3A_354, %get3A_357, %dot_general3A_358 {dimension_numbers = #tpu.dot_dimension_numbers<[1], [0], [0], [1], [0, 0, 1, 1], [], []>, transpose_lhs_hint = false} : vector<16x512xbf16>, vector<512x1024xbf16>, vector<16x1024xf32> -> vector<16x1024xf32>
      %get3A_360 = arith.constant 0 : index
      %get3A_361 = arith.constant 0 : index
      %get3A_362 = vector.load %arg6[%get3A_360, %get3A_361] : memref<1x1536xf32, #tpu.memory_space<vmem>>, vector<1x1024xf32>
      %add3A_363 = vector.broadcast %get3A_362 : vector<1x1024xf32> to vector<16x1024xf32>
      %add3A_364 = arith.addf %dot_general3A_359, %add3A_363 : vector<16x1024xf32>
      %get3A_365 = arith.constant 0 : index
      %get3A_366 = arith.constant 1024 : index
      %get3A_367 = vector.load %arg5[%get3A_365, %get3A_366] : memref<512x1536xbf16, #tpu.memory_space<vmem>>, vector<512x512xbf16>
      %dot_general3A_368 = arith.constant dense<0.000000e+00> : vector<16x512xf32>
      %dot_general3A_369 = tpu.matmul %convert_element_type3A_354, %get3A_367, %dot_general3A_368 {dimension_numbers = #tpu.dot_dimension_numbers<[1], [0], [0], [1], [0, 0, 1, 1], [], []>, transpose_lhs_hint = false} : vector<16x512xbf16>, vector<512x512xbf16>, vector<16x512xf32> -> vector<16x512xf32>
      %get3A_370 = arith.constant 0 : index
      %get3A_371 = arith.constant 1024 : index
      %get3A_372 = vector.load %arg6[%get3A_370, %get3A_371] : memref<1x1536xf32, #tpu.memory_space<vmem>>, vector<1x512xf32>
      %add3A_373 = vector.broadcast %get3A_372 : vector<1x512xf32> to vector<16x512xf32>
      %add3A_374 = arith.addf %dot_general3A_369, %add3A_373 : vector<16x512xf32>
      %slice3A_375 = vector.extract_strided_slice %convert_element_type3A_353 {offsets = [0, 0], sizes = [16, 512], strides = [1, 1]} : vector<16x1536xf32> to vector<16x512xf32>
      %slice3A_376 = vector.extract_strided_slice %add3A_364 {offsets = [0, 0], sizes = [16, 512], strides = [1, 1]} : vector<16x1024xf32> to vector<16x512xf32>
      %add3A_377 = arith.addf %slice3A_375, %slice3A_376 : vector<16x512xf32>
      %mul3A_378 = arith.constant 5.000000e-01 : f32
      %mul3A_379 = vector.broadcast %mul3A_378 : f32 to vector<16x512xf32>
      %mul3A_380 = arith.mulf %mul3A_379, %add3A_377 : vector<16x512xf32>
      %tanh3A_381 = math.tanh %mul3A_380 : vector<16x512xf32>
      %mul3A_382 = arith.constant 5.000000e-01 : f32
      %mul3A_383 = vector.broadcast %mul3A_382 : f32 to vector<16x512xf32>
      %mul3A_384 = arith.mulf %mul3A_383, %tanh3A_381 : vector<16x512xf32>
      %add3A_385 = arith.constant 5.000000e-01 : f32
      %add3A_386 = vector.broadcast %add3A_385 : f32 to vector<16x512xf32>
      %add3A_387 = arith.addf %mul3A_384, %add3A_386 : vector<16x512xf32>
      %slice3A_388 = vector.extract_strided_slice %convert_element_type3A_353 {offsets = [0, 512], sizes = [16, 512], strides = [1, 1]} : vector<16x1536xf32> to vector<16x512xf32>
      %slice3A_389 = vector.extract_strided_slice %add3A_364 {offsets = [0, 512], sizes = [16, 512], strides = [1, 1]} : vector<16x1024xf32> to vector<16x512xf32>
      %add3A_390 = arith.addf %slice3A_388, %slice3A_389 : vector<16x512xf32>
      %mul3A_391 = arith.constant 5.000000e-01 : f32
      %mul3A_392 = vector.broadcast %mul3A_391 : f32 to vector<16x512xf32>
      %mul3A_393 = arith.mulf %mul3A_392, %add3A_390 : vector<16x512xf32>
      %tanh3A_394 = math.tanh %mul3A_393 : vector<16x512xf32>
      %mul3A_395 = arith.constant 5.000000e-01 : f32
      %mul3A_396 = vector.broadcast %mul3A_395 : f32 to vector<16x512xf32>
      %mul3A_397 = arith.mulf %mul3A_396, %tanh3A_394 : vector<16x512xf32>
      %add3A_398 = arith.constant 5.000000e-01 : f32
      %add3A_399 = vector.broadcast %add3A_398 : f32 to vector<16x512xf32>
      %add3A_400 = arith.addf %mul3A_397, %add3A_399 : vector<16x512xf32>
      %slice3A_401 = vector.extract_strided_slice %convert_element_type3A_353 {offsets = [0, 1024], sizes = [16, 512], strides = [1, 1]} : vector<16x1536xf32> to vector<16x512xf32>
      %mul3A_402 = arith.mulf %add3A_387, %add3A_374 : vector<16x512xf32>
      %add3A_403 = arith.addf %slice3A_401, %mul3A_402 : vector<16x512xf32>
      %tanh3A_404 = math.tanh %add3A_403 : vector<16x512xf32>
      %sub3A_405 = arith.constant 1.000000e+00 : f32
      %sub3A_406 = vector.broadcast %sub3A_405 : f32 to vector<16x512xf32>
      %sub3A_407 = arith.subf %sub3A_406, %add3A_400 : vector<16x512xf32>
      %mul3A_408 = arith.mulf %sub3A_407, %tanh3A_404 : vector<16x512xf32>
      %mul3A_409 = arith.mulf %add3A_400, %add3A_339 : vector<16x512xf32>
      %add3A_410 = arith.addf %mul3A_408, %mul3A_409 : vector<16x512xf32>
      %swap3A_411 = arith.index_cast %scan3A_347 : i32 to index
      %swap3A_412 = arith.constant 0 : index
      %swap3A_413 = arith.constant 0 : index
      %swap3A_414 = vector.load %arg12[%swap3A_411, %swap3A_412, %swap3A_413] : memref<64x16x512xf32, #tpu.memory_space<vmem>>, vector<1x16x512xf32>
      %swap3A_415 = vector.shape_cast %swap3A_414 : vector<1x16x512xf32> to vector<16x512xf32>
      %swap3A_416 = vector.shape_cast %add3A_410 : vector<16x512xf32> to vector<1x16x512xf32>
      tpu.vector_store %arg12[%swap3A_411, %swap3A_412, %swap3A_413], %swap3A_416 {strides = array<i32>} : memref<64x16x512xf32, #tpu.memory_space<vmem>>, vector<1x16x512xf32>,
      %scan3A_417 = arith.constant 3 : i32
      %scan3A_418 = arith.addi %scan3A_207, %scan3A_417 : i32
      %get3A_419 = arith.index_cast %scan3A_418 : i32 to index
      %get3A_420 = arith.constant 0 : index
      %get3A_421 = arith.constant 0 : index
      %get3A_422 = vector.load %arg11[%get3A_419, %get3A_420, %get3A_421] : memref<64x16x1536xbf16, #tpu.memory_space<vmem>>, vector<1x16x1536xbf16>
      %get3A_423 = vector.shape_cast %get3A_422 : vector<1x16x1536xbf16> to vector<16x1536xbf16>
      %convert_element_type3A_424 = arith.extf %get3A_423 : vector<16x1536xbf16> to vector<16x1536xf32>
      %convert_element_type3A_425 = arith.truncf %add3A_410 : vector<16x512xf32> to vector<16x512xbf16>
      %get3A_426 = arith.constant 0 : index
      %get3A_427 = arith.constant 0 : index
      %get3A_428 = vector.load %arg5[%get3A_426, %get3A_427] : memref<512x1536xbf16, #tpu.memory_space<vmem>>, vector<512x1024xbf16>
      %dot_general3A_429 = arith.constant dense<0.000000e+00> : vector<16x1024xf32>
      %dot_general3A_430 = tpu.matmul %convert_element_type3A_425, %get3A_428, %dot_general3A_429 {dimension_numbers = #tpu.dot_dimension_numbers<[1], [0], [0], [1], [0, 0, 1, 1], [], []>, transpose_lhs_hint = false} : vector<16x512xbf16>, vector<512x1024xbf16>, vector<16x1024xf32> -> vector<16x1024xf32>
      %get3A_431 = arith.constant 0 : index
      %get3A_432 = arith.constant 0 : index
      %get3A_433 = vector.load %arg6[%get3A_431, %get3A_432] : memref<1x1536xf32, #tpu.memory_space<vmem>>, vector<1x1024xf32>
      %add3A_434 = vector.broadcast %get3A_433 : vector<1x1024xf32> to vector<16x1024xf32>
      %add3A_435 = arith.addf %dot_general3A_430, %add3A_434 : vector<16x1024xf32>
      %get3A_436 = arith.constant 0 : index
      %get3A_437 = arith.constant 1024 : index
      %get3A_438 = vector.load %arg5[%get3A_436, %get3A_437] : memref<512x1536xbf16, #tpu.memory_space<vmem>>, vector<512x512xbf16>
      %dot_general3A_439 = arith.constant dense<0.000000e+00> : vector<16x512xf32>
      %dot_general3A_440 = tpu.matmul %convert_element_type3A_425, %get3A_438, %dot_general3A_439 {dimension_numbers = #tpu.dot_dimension_numbers<[1], [0], [0], [1], [0, 0, 1, 1], [], []>, transpose_lhs_hint = false} : vector<16x512xbf16>, vector<512x512xbf16>, vector<16x512xf32> -> vector<16x512xf32>
      %get3A_441 = arith.constant 0 : index
      %get3A_442 = arith.constant 1024 : index
      %get3A_443 = vector.load %arg6[%get3A_441, %get3A_442] : memref<1x1536xf32, #tpu.memory_space<vmem>>, vector<1x512xf32>
      %add3A_444 = vector.broadcast %get3A_443 : vector<1x512xf32> to vector<16x512xf32>
      %add3A_445 = arith.addf %dot_general3A_440, %add3A_444 : vector<16x512xf32>
      %slice3A_446 = vector.extract_strided_slice %convert_element_type3A_424 {offsets = [0, 0], sizes = [16, 512], strides = [1, 1]} : vector<16x1536xf32> to vector<16x512xf32>
      %slice3A_447 = vector.extract_strided_slice %add3A_435 {offsets = [0, 0], sizes = [16, 512], strides = [1, 1]} : vector<16x1024xf32> to vector<16x512xf32>
      %add3A_448 = arith.addf %slice3A_446, %slice3A_447 : vector<16x512xf32>
      %mul3A_449 = arith.constant 5.000000e-01 : f32
      %mul3A_450 = vector.broadcast %mul3A_449 : f32 to vector<16x512xf32>
      %mul3A_451 = arith.mulf %mul3A_450, %add3A_448 : vector<16x512xf32>
      %tanh3A_452 = math.tanh %mul3A_451 : vector<16x512xf32>
      %mul3A_453 = arith.constant 5.000000e-01 : f32
      %mul3A_454 = vector.broadcast %mul3A_453 : f32 to vector<16x512xf32>
      %mul3A_455 = arith.mulf %mul3A_454, %tanh3A_452 : vector<16x512xf32>
      %add3A_456 = arith.constant 5.000000e-01 : f32
      %add3A_457 = vector.broadcast %add3A_456 : f32 to vector<16x512xf32>
      %add3A_458 = arith.addf %mul3A_455, %add3A_457 : vector<16x512xf32>
      %slice3A_459 = vector.extract_strided_slice %convert_element_type3A_424 {offsets = [0, 512], sizes = [16, 512], strides = [1, 1]} : vector<16x1536xf32> to vector<16x512xf32>
      %slice3A_460 = vector.extract_strided_slice %add3A_435 {offsets = [0, 512], sizes = [16, 512], strides = [1, 1]} : vector<16x1024xf32> to vector<16x512xf32>
      %add3A_461 = arith.addf %slice3A_459, %slice3A_460 : vector<16x512xf32>
      %mul3A_462 = arith.constant 5.000000e-01 : f32
      %mul3A_463 = vector.broadcast %mul3A_462 : f32 to vector<16x512xf32>
      %mul3A_464 = arith.mulf %mul3A_463, %add3A_461 : vector<16x512xf32>
      %tanh3A_465 = math.tanh %mul3A_464 : vector<16x512xf32>
      %mul3A_466 = arith.constant 5.000000e-01 : f32
      %mul3A_467 = vector.broadcast %mul3A_466 : f32 to vector<16x512xf32>
      %mul3A_468 = arith.mulf %mul3A_467, %tanh3A_465 : vector<16x512xf32>
      %add3A_469 = arith.constant 5.000000e-01 : f32
      %add3A_470 = vector.broadcast %add3A_469 : f32 to vector<16x512xf32>
      %add3A_471 = arith.addf %mul3A_468, %add3A_470 : vector<16x512xf32>
      %slice3A_472 = vector.extract_strided_slice %convert_element_type3A_424 {offsets = [0, 1024], sizes = [16, 512], strides = [1, 1]} : vector<16x1536xf32> to vector<16x512xf32>
      %mul3A_473 = arith.mulf %add3A_458, %add3A_445 : vector<16x512xf32>
      %add3A_474 = arith.addf %slice3A_472, %mul3A_473 : vector<16x512xf32>
      %tanh3A_475 = math.tanh %add3A_474 : vector<16x512xf32>
      %sub3A_476 = arith.constant 1.000000e+00 : f32
      %sub3A_477 = vector.broadcast %sub3A_476 : f32 to vector<16x512xf32>
      %sub3A_478 = arith.subf %sub3A_477, %add3A_471 : vector<16x512xf32>
      %mul3A_479 = arith.mulf %sub3A_478, %tanh3A_475 : vector<16x512xf32>
      %mul3A_480 = arith.mulf %add3A_471, %add3A_410 : vector<16x512xf32>
      %add3A_481 = arith.addf %mul3A_479, %mul3A_480 : vector<16x512xf32>
      %swap3A_482 = arith.index_cast %scan3A_418 : i32 to index
      %swap3A_483 = arith.constant 0 : index
      %swap3A_484 = arith.constant 0 : index
      %swap3A_485 = vector.load %arg12[%swap3A_482, %swap3A_483, %swap3A_484] : memref<64x16x512xf32, #tpu.memory_space<vmem>>, vector<1x16x512xf32>
      %swap3A_486 = vector.shape_cast %swap3A_485 : vector<1x16x512xf32> to vector<16x512xf32>
      %swap3A_487 = vector.shape_cast %add3A_481 : vector<16x512xf32> to vector<1x16x512xf32>
      tpu.vector_store %arg12[%swap3A_482, %swap3A_483, %swap3A_484], %swap3A_487 {strides = array<i32>} : memref<64x16x512xf32, #tpu.memory_space<vmem>>, vector<1x16x512xf32>,
      scf.yield %add3A_481 : vector<16x512xf32>
    }
    %scan3A_24 = arith.constant 64 : i32
    %swap3A_25 = arith.constant 0 : index
    %swap3A_26 = arith.constant 0 : index
    %swap3A_27 = vector.load %arg13[%swap3A_25, %swap3A_26] : memref<16x512xf32, #tpu.memory_space<vmem>>, vector<16x512xf32>
    tpu.vector_store %arg13[%swap3A_25, %swap3A_26], %scan3A_23 {strides = array<i32>} : memref<16x512xf32, #tpu.memory_space<vmem>>, vector<16x512xf32>,
    %swap3A_28 = arith.constant 0 : index
    %swap3A_29 = arith.constant 0 : index
    %swap3A_30 = vector.load %arg9[%swap3A_28, %swap3A_29] : memref<16x512xf32, #tpu.memory_space<vmem>>, vector<16x512xf32>
    tpu.vector_store %arg9[%swap3A_28, %swap3A_29], %scan3A_23 {strides = array<i32>} : memref<16x512xf32, #tpu.memory_space<vmem>>, vector<16x512xf32>,
    %mul3A = arith.constant 64 : i32
    %mul3A_31 = arith.muli %arg0, %mul3A : i32
    %add3A_32 = arith.constant 192 : i32
    %add3A_33 = arith.addi %add3A_32, %mul3A_31 : i32
    %get3A_34 = arith.constant 0 : index
    %get3A_35 = arith.constant 0 : index
    %get3A_36 = memref.load %arg1[%get3A_34, %get3A_35] : memref<1x16xi32, #tpu.memory_space<smem>>
    %ge3A = arith.cmpi sge, %get3A_36, %add3A_33 : i32
    %add3A_37 = arith.constant 64 : i32
    %add3A_38 = arith.addi %add3A_33, %add3A_37 : i32
    %lt3A = arith.cmpi slt, %get3A_36, %add3A_38 : i32
    %and3A = arith.andi %ge3A, %lt3A : i1
    %convert_element_type3A_39 = arith.extui %and3A : i1 to i32
    %cond3A_40 = arith.constant 0 : i32
    %cond3A_41 = arith.cmpi ne, %convert_element_type3A_39, %cond3A_40 : i32
    scf.if %cond3A_41 {
      %sub3A = arith.subi %get3A_36, %add3A_33 : i32
      %get3A_207 = arith.index_cast %sub3A : i32 to index
      %get3A_208 = arith.constant 0 : index
      %get3A_209 = arith.constant 0 : index
      %get3A_210 = vector.load %arg12[%get3A_207, %get3A_208, %get3A_209] : memref<64x16x512xf32, #tpu.memory_space<vmem>>, vector<1x1x512xf32>
      %get3A_211 = vector.shape_cast %get3A_210 : vector<1x1x512xf32> to vector<512xf32>
      %swap3A_212 = arith.constant 0 : index
      %swap3A_213 = arith.constant 0 : index
      %swap3A_214 = vector.load %arg10[%swap3A_212, %swap3A_213] : memref<16x512xf32, #tpu.memory_space<vmem>>, vector<1x512xf32>
      %swap3A_215 = vector.shape_cast %swap3A_214 : vector<1x512xf32> to vector<512xf32>
      %swap3A_216 = vector.shape_cast %get3A_211 : vector<512xf32> to vector<1x512xf32>
      tpu.vector_store %arg10[%swap3A_212, %swap3A_213], %swap3A_216 {strides = array<i32>} : memref<16x512xf32, #tpu.memory_space<vmem>>, vector<1x512xf32>,
    } else {
    }
    %get3A_42 = arith.constant 0 : index
    %get3A_43 = arith.constant 1 : index
    %get3A_44 = memref.load %arg1[%get3A_42, %get3A_43] : memref<1x16xi32, #tpu.memory_space<smem>>
    %ge3A_45 = arith.cmpi sge, %get3A_44, %add3A_33 : i32
    %add3A_46 = arith.constant 64 : i32
    %add3A_47 = arith.addi %add3A_33, %add3A_46 : i32
    %lt3A_48 = arith.cmpi slt, %get3A_44, %add3A_47 : i32
    %and3A_49 = arith.andi %ge3A_45, %lt3A_48 : i1
    %convert_element_type3A_50 = arith.extui %and3A_49 : i1 to i32
    %cond3A_51 = arith.constant 0 : i32
    %cond3A_52 = arith.cmpi ne, %convert_element_type3A_50, %cond3A_51 : i32
    scf.if %cond3A_52 {
      %sub3A = arith.subi %get3A_44, %add3A_33 : i32
      %get3A_207 = arith.index_cast %sub3A : i32 to index
      %get3A_208 = arith.constant 1 : index
      %get3A_209 = arith.constant 0 : index
      %get3A_210 = vector.load %arg12[%get3A_207, %get3A_208, %get3A_209] : memref<64x16x512xf32, #tpu.memory_space<vmem>>, vector<1x1x512xf32>
      %get3A_211 = vector.shape_cast %get3A_210 : vector<1x1x512xf32> to vector<512xf32>
      %swap3A_212 = arith.constant 1 : index
      %swap3A_213 = arith.constant 0 : index
      %swap3A_214 = vector.load %arg10[%swap3A_212, %swap3A_213] : memref<16x512xf32, #tpu.memory_space<vmem>>, vector<1x512xf32>
      %swap3A_215 = vector.shape_cast %swap3A_214 : vector<1x512xf32> to vector<512xf32>
      %swap3A_216 = vector.shape_cast %get3A_211 : vector<512xf32> to vector<1x512xf32>
      tpu.vector_store %arg10[%swap3A_212, %swap3A_213], %swap3A_216 {strides = array<i32>} : memref<16x512xf32, #tpu.memory_space<vmem>>, vector<1x512xf32>,
    } else {
    }
    %get3A_53 = arith.constant 0 : index
    %get3A_54 = arith.constant 2 : index
    %get3A_55 = memref.load %arg1[%get3A_53, %get3A_54] : memref<1x16xi32, #tpu.memory_space<smem>>
    %ge3A_56 = arith.cmpi sge, %get3A_55, %add3A_33 : i32
    %add3A_57 = arith.constant 64 : i32
    %add3A_58 = arith.addi %add3A_33, %add3A_57 : i32
    %lt3A_59 = arith.cmpi slt, %get3A_55, %add3A_58 : i32
    %and3A_60 = arith.andi %ge3A_56, %lt3A_59 : i1
    %convert_element_type3A_61 = arith.extui %and3A_60 : i1 to i32
    %cond3A_62 = arith.constant 0 : i32
    %cond3A_63 = arith.cmpi ne, %convert_element_type3A_61, %cond3A_62 : i32
    scf.if %cond3A_63 {
      %sub3A = arith.subi %get3A_55, %add3A_33 : i32
      %get3A_207 = arith.index_cast %sub3A : i32 to index
      %get3A_208 = arith.constant 2 : index
      %get3A_209 = arith.constant 0 : index
      %get3A_210 = vector.load %arg12[%get3A_207, %get3A_208, %get3A_209] : memref<64x16x512xf32, #tpu.memory_space<vmem>>, vector<1x1x512xf32>
      %get3A_211 = vector.shape_cast %get3A_210 : vector<1x1x512xf32> to vector<512xf32>
      %swap3A_212 = arith.constant 2 : index
      %swap3A_213 = arith.constant 0 : index
      %swap3A_214 = vector.load %arg10[%swap3A_212, %swap3A_213] : memref<16x512xf32, #tpu.memory_space<vmem>>, vector<1x512xf32>
      %swap3A_215 = vector.shape_cast %swap3A_214 : vector<1x512xf32> to vector<512xf32>
      %swap3A_216 = vector.shape_cast %get3A_211 : vector<512xf32> to vector<1x512xf32>
      tpu.vector_store %arg10[%swap3A_212, %swap3A_213], %swap3A_216 {strides = array<i32>} : memref<16x512xf32, #tpu.memory_space<vmem>>, vector<1x512xf32>,
    } else {
    }
    %get3A_64 = arith.constant 0 : index
    %get3A_65 = arith.constant 3 : index
    %get3A_66 = memref.load %arg1[%get3A_64, %get3A_65] : memref<1x16xi32, #tpu.memory_space<smem>>
    %ge3A_67 = arith.cmpi sge, %get3A_66, %add3A_33 : i32
    %add3A_68 = arith.constant 64 : i32
    %add3A_69 = arith.addi %add3A_33, %add3A_68 : i32
    %lt3A_70 = arith.cmpi slt, %get3A_66, %add3A_69 : i32
    %and3A_71 = arith.andi %ge3A_67, %lt3A_70 : i1
    %convert_element_type3A_72 = arith.extui %and3A_71 : i1 to i32
    %cond3A_73 = arith.constant 0 : i32
    %cond3A_74 = arith.cmpi ne, %convert_element_type3A_72, %cond3A_73 : i32
    scf.if %cond3A_74 {
      %sub3A = arith.subi %get3A_66, %add3A_33 : i32
      %get3A_207 = arith.index_cast %sub3A : i32 to index
      %get3A_208 = arith.constant 3 : index
      %get3A_209 = arith.constant 0 : index
      %get3A_210 = vector.load %arg12[%get3A_207, %get3A_208, %get3A_209] : memref<64x16x512xf32, #tpu.memory_space<vmem>>, vector<1x1x512xf32>
      %get3A_211 = vector.shape_cast %get3A_210 : vector<1x1x512xf32> to vector<512xf32>
      %swap3A_212 = arith.constant 3 : index
      %swap3A_213 = arith.constant 0 : index
      %swap3A_214 = vector.load %arg10[%swap3A_212, %swap3A_213] : memref<16x512xf32, #tpu.memory_space<vmem>>, vector<1x512xf32>
      %swap3A_215 = vector.shape_cast %swap3A_214 : vector<1x512xf32> to vector<512xf32>
      %swap3A_216 = vector.shape_cast %get3A_211 : vector<512xf32> to vector<1x512xf32>
      tpu.vector_store %arg10[%swap3A_212, %swap3A_213], %swap3A_216 {strides = array<i32>} : memref<16x512xf32, #tpu.memory_space<vmem>>, vector<1x512xf32>,
    } else {
    }
    %get3A_75 = arith.constant 0 : index
    %get3A_76 = arith.constant 4 : index
    %get3A_77 = memref.load %arg1[%get3A_75, %get3A_76] : memref<1x16xi32, #tpu.memory_space<smem>>
    %ge3A_78 = arith.cmpi sge, %get3A_77, %add3A_33 : i32
    %add3A_79 = arith.constant 64 : i32
    %add3A_80 = arith.addi %add3A_33, %add3A_79 : i32
    %lt3A_81 = arith.cmpi slt, %get3A_77, %add3A_80 : i32
    %and3A_82 = arith.andi %ge3A_78, %lt3A_81 : i1
    %convert_element_type3A_83 = arith.extui %and3A_82 : i1 to i32
    %cond3A_84 = arith.constant 0 : i32
    %cond3A_85 = arith.cmpi ne, %convert_element_type3A_83, %cond3A_84 : i32
    scf.if %cond3A_85 {
      %sub3A = arith.subi %get3A_77, %add3A_33 : i32
      %get3A_207 = arith.index_cast %sub3A : i32 to index
      %get3A_208 = arith.constant 4 : index
      %get3A_209 = arith.constant 0 : index
      %get3A_210 = vector.load %arg12[%get3A_207, %get3A_208, %get3A_209] : memref<64x16x512xf32, #tpu.memory_space<vmem>>, vector<1x1x512xf32>
      %get3A_211 = vector.shape_cast %get3A_210 : vector<1x1x512xf32> to vector<512xf32>
      %swap3A_212 = arith.constant 4 : index
      %swap3A_213 = arith.constant 0 : index
      %swap3A_214 = vector.load %arg10[%swap3A_212, %swap3A_213] : memref<16x512xf32, #tpu.memory_space<vmem>>, vector<1x512xf32>
      %swap3A_215 = vector.shape_cast %swap3A_214 : vector<1x512xf32> to vector<512xf32>
      %swap3A_216 = vector.shape_cast %get3A_211 : vector<512xf32> to vector<1x512xf32>
      tpu.vector_store %arg10[%swap3A_212, %swap3A_213], %swap3A_216 {strides = array<i32>} : memref<16x512xf32, #tpu.memory_space<vmem>>, vector<1x512xf32>,
    } else {
    }
    %get3A_86 = arith.constant 0 : index
    %get3A_87 = arith.constant 5 : index
    %get3A_88 = memref.load %arg1[%get3A_86, %get3A_87] : memref<1x16xi32, #tpu.memory_space<smem>>
    %ge3A_89 = arith.cmpi sge, %get3A_88, %add3A_33 : i32
    %add3A_90 = arith.constant 64 : i32
    %add3A_91 = arith.addi %add3A_33, %add3A_90 : i32
    %lt3A_92 = arith.cmpi slt, %get3A_88, %add3A_91 : i32
    %and3A_93 = arith.andi %ge3A_89, %lt3A_92 : i1
    %convert_element_type3A_94 = arith.extui %and3A_93 : i1 to i32
    %cond3A_95 = arith.constant 0 : i32
    %cond3A_96 = arith.cmpi ne, %convert_element_type3A_94, %cond3A_95 : i32
    scf.if %cond3A_96 {
      %sub3A = arith.subi %get3A_88, %add3A_33 : i32
      %get3A_207 = arith.index_cast %sub3A : i32 to index
      %get3A_208 = arith.constant 5 : index
      %get3A_209 = arith.constant 0 : index
      %get3A_210 = vector.load %arg12[%get3A_207, %get3A_208, %get3A_209] : memref<64x16x512xf32, #tpu.memory_space<vmem>>, vector<1x1x512xf32>
      %get3A_211 = vector.shape_cast %get3A_210 : vector<1x1x512xf32> to vector<512xf32>
      %swap3A_212 = arith.constant 5 : index
      %swap3A_213 = arith.constant 0 : index
      %swap3A_214 = vector.load %arg10[%swap3A_212, %swap3A_213] : memref<16x512xf32, #tpu.memory_space<vmem>>, vector<1x512xf32>
      %swap3A_215 = vector.shape_cast %swap3A_214 : vector<1x512xf32> to vector<512xf32>
      %swap3A_216 = vector.shape_cast %get3A_211 : vector<512xf32> to vector<1x512xf32>
      tpu.vector_store %arg10[%swap3A_212, %swap3A_213], %swap3A_216 {strides = array<i32>} : memref<16x512xf32, #tpu.memory_space<vmem>>, vector<1x512xf32>,
    } else {
    }
    %get3A_97 = arith.constant 0 : index
    %get3A_98 = arith.constant 6 : index
    %get3A_99 = memref.load %arg1[%get3A_97, %get3A_98] : memref<1x16xi32, #tpu.memory_space<smem>>
    %ge3A_100 = arith.cmpi sge, %get3A_99, %add3A_33 : i32
    %add3A_101 = arith.constant 64 : i32
    %add3A_102 = arith.addi %add3A_33, %add3A_101 : i32
    %lt3A_103 = arith.cmpi slt, %get3A_99, %add3A_102 : i32
    %and3A_104 = arith.andi %ge3A_100, %lt3A_103 : i1
    %convert_element_type3A_105 = arith.extui %and3A_104 : i1 to i32
    %cond3A_106 = arith.constant 0 : i32
    %cond3A_107 = arith.cmpi ne, %convert_element_type3A_105, %cond3A_106 : i32
    scf.if %cond3A_107 {
      %sub3A = arith.subi %get3A_99, %add3A_33 : i32
      %get3A_207 = arith.index_cast %sub3A : i32 to index
      %get3A_208 = arith.constant 6 : index
      %get3A_209 = arith.constant 0 : index
      %get3A_210 = vector.load %arg12[%get3A_207, %get3A_208, %get3A_209] : memref<64x16x512xf32, #tpu.memory_space<vmem>>, vector<1x1x512xf32>
      %get3A_211 = vector.shape_cast %get3A_210 : vector<1x1x512xf32> to vector<512xf32>
      %swap3A_212 = arith.constant 6 : index
      %swap3A_213 = arith.constant 0 : index
      %swap3A_214 = vector.load %arg10[%swap3A_212, %swap3A_213] : memref<16x512xf32, #tpu.memory_space<vmem>>, vector<1x512xf32>
      %swap3A_215 = vector.shape_cast %swap3A_214 : vector<1x512xf32> to vector<512xf32>
      %swap3A_216 = vector.shape_cast %get3A_211 : vector<512xf32> to vector<1x512xf32>
      tpu.vector_store %arg10[%swap3A_212, %swap3A_213], %swap3A_216 {strides = array<i32>} : memref<16x512xf32, #tpu.memory_space<vmem>>, vector<1x512xf32>,
    } else {
    }
    %get3A_108 = arith.constant 0 : index
    %get3A_109 = arith.constant 7 : index
    %get3A_110 = memref.load %arg1[%get3A_108, %get3A_109] : memref<1x16xi32, #tpu.memory_space<smem>>
    %ge3A_111 = arith.cmpi sge, %get3A_110, %add3A_33 : i32
    %add3A_112 = arith.constant 64 : i32
    %add3A_113 = arith.addi %add3A_33, %add3A_112 : i32
    %lt3A_114 = arith.cmpi slt, %get3A_110, %add3A_113 : i32
    %and3A_115 = arith.andi %ge3A_111, %lt3A_114 : i1
    %convert_element_type3A_116 = arith.extui %and3A_115 : i1 to i32
    %cond3A_117 = arith.constant 0 : i32
    %cond3A_118 = arith.cmpi ne, %convert_element_type3A_116, %cond3A_117 : i32
    scf.if %cond3A_118 {
      %sub3A = arith.subi %get3A_110, %add3A_33 : i32
      %get3A_207 = arith.index_cast %sub3A : i32 to index
      %get3A_208 = arith.constant 7 : index
      %get3A_209 = arith.constant 0 : index
      %get3A_210 = vector.load %arg12[%get3A_207, %get3A_208, %get3A_209] : memref<64x16x512xf32, #tpu.memory_space<vmem>>, vector<1x1x512xf32>
      %get3A_211 = vector.shape_cast %get3A_210 : vector<1x1x512xf32> to vector<512xf32>
      %swap3A_212 = arith.constant 7 : index
      %swap3A_213 = arith.constant 0 : index
      %swap3A_214 = vector.load %arg10[%swap3A_212, %swap3A_213] : memref<16x512xf32, #tpu.memory_space<vmem>>, vector<1x512xf32>
      %swap3A_215 = vector.shape_cast %swap3A_214 : vector<1x512xf32> to vector<512xf32>
      %swap3A_216 = vector.shape_cast %get3A_211 : vector<512xf32> to vector<1x512xf32>
      tpu.vector_store %arg10[%swap3A_212, %swap3A_213], %swap3A_216 {strides = array<i32>} : memref<16x512xf32, #tpu.memory_space<vmem>>, vector<1x512xf32>,
    } else {
    }
    %get3A_119 = arith.constant 0 : index
    %get3A_120 = arith.constant 8 : index
    %get3A_121 = memref.load %arg1[%get3A_119, %get3A_120] : memref<1x16xi32, #tpu.memory_space<smem>>
    %ge3A_122 = arith.cmpi sge, %get3A_121, %add3A_33 : i32
    %add3A_123 = arith.constant 64 : i32
    %add3A_124 = arith.addi %add3A_33, %add3A_123 : i32
    %lt3A_125 = arith.cmpi slt, %get3A_121, %add3A_124 : i32
    %and3A_126 = arith.andi %ge3A_122, %lt3A_125 : i1
    %convert_element_type3A_127 = arith.extui %and3A_126 : i1 to i32
    %cond3A_128 = arith.constant 0 : i32
    %cond3A_129 = arith.cmpi ne, %convert_element_type3A_127, %cond3A_128 : i32
    scf.if %cond3A_129 {
      %sub3A = arith.subi %get3A_121, %add3A_33 : i32
      %get3A_207 = arith.index_cast %sub3A : i32 to index
      %get3A_208 = arith.constant 8 : index
      %get3A_209 = arith.constant 0 : index
      %get3A_210 = vector.load %arg12[%get3A_207, %get3A_208, %get3A_209] : memref<64x16x512xf32, #tpu.memory_space<vmem>>, vector<1x1x512xf32>
      %get3A_211 = vector.shape_cast %get3A_210 : vector<1x1x512xf32> to vector<512xf32>
      %swap3A_212 = arith.constant 8 : index
      %swap3A_213 = arith.constant 0 : index
      %swap3A_214 = vector.load %arg10[%swap3A_212, %swap3A_213] : memref<16x512xf32, #tpu.memory_space<vmem>>, vector<1x512xf32>
      %swap3A_215 = vector.shape_cast %swap3A_214 : vector<1x512xf32> to vector<512xf32>
      %swap3A_216 = vector.shape_cast %get3A_211 : vector<512xf32> to vector<1x512xf32>
      tpu.vector_store %arg10[%swap3A_212, %swap3A_213], %swap3A_216 {strides = array<i32>} : memref<16x512xf32, #tpu.memory_space<vmem>>, vector<1x512xf32>,
    } else {
    }
    %get3A_130 = arith.constant 0 : index
    %get3A_131 = arith.constant 9 : index
    %get3A_132 = memref.load %arg1[%get3A_130, %get3A_131] : memref<1x16xi32, #tpu.memory_space<smem>>
    %ge3A_133 = arith.cmpi sge, %get3A_132, %add3A_33 : i32
    %add3A_134 = arith.constant 64 : i32
    %add3A_135 = arith.addi %add3A_33, %add3A_134 : i32
    %lt3A_136 = arith.cmpi slt, %get3A_132, %add3A_135 : i32
    %and3A_137 = arith.andi %ge3A_133, %lt3A_136 : i1
    %convert_element_type3A_138 = arith.extui %and3A_137 : i1 to i32
    %cond3A_139 = arith.constant 0 : i32
    %cond3A_140 = arith.cmpi ne, %convert_element_type3A_138, %cond3A_139 : i32
    scf.if %cond3A_140 {
      %sub3A = arith.subi %get3A_132, %add3A_33 : i32
      %get3A_207 = arith.index_cast %sub3A : i32 to index
      %get3A_208 = arith.constant 9 : index
      %get3A_209 = arith.constant 0 : index
      %get3A_210 = vector.load %arg12[%get3A_207, %get3A_208, %get3A_209] : memref<64x16x512xf32, #tpu.memory_space<vmem>>, vector<1x1x512xf32>
      %get3A_211 = vector.shape_cast %get3A_210 : vector<1x1x512xf32> to vector<512xf32>
      %swap3A_212 = arith.constant 9 : index
      %swap3A_213 = arith.constant 0 : index
      %swap3A_214 = vector.load %arg10[%swap3A_212, %swap3A_213] : memref<16x512xf32, #tpu.memory_space<vmem>>, vector<1x512xf32>
      %swap3A_215 = vector.shape_cast %swap3A_214 : vector<1x512xf32> to vector<512xf32>
      %swap3A_216 = vector.shape_cast %get3A_211 : vector<512xf32> to vector<1x512xf32>
      tpu.vector_store %arg10[%swap3A_212, %swap3A_213], %swap3A_216 {strides = array<i32>} : memref<16x512xf32, #tpu.memory_space<vmem>>, vector<1x512xf32>,
    } else {
    }
    %get3A_141 = arith.constant 0 : index
    %get3A_142 = arith.constant 10 : index
    %get3A_143 = memref.load %arg1[%get3A_141, %get3A_142] : memref<1x16xi32, #tpu.memory_space<smem>>
    %ge3A_144 = arith.cmpi sge, %get3A_143, %add3A_33 : i32
    %add3A_145 = arith.constant 64 : i32
    %add3A_146 = arith.addi %add3A_33, %add3A_145 : i32
    %lt3A_147 = arith.cmpi slt, %get3A_143, %add3A_146 : i32
    %and3A_148 = arith.andi %ge3A_144, %lt3A_147 : i1
    %convert_element_type3A_149 = arith.extui %and3A_148 : i1 to i32
    %cond3A_150 = arith.constant 0 : i32
    %cond3A_151 = arith.cmpi ne, %convert_element_type3A_149, %cond3A_150 : i32
    scf.if %cond3A_151 {
      %sub3A = arith.subi %get3A_143, %add3A_33 : i32
      %get3A_207 = arith.index_cast %sub3A : i32 to index
      %get3A_208 = arith.constant 10 : index
      %get3A_209 = arith.constant 0 : index
      %get3A_210 = vector.load %arg12[%get3A_207, %get3A_208, %get3A_209] : memref<64x16x512xf32, #tpu.memory_space<vmem>>, vector<1x1x512xf32>
      %get3A_211 = vector.shape_cast %get3A_210 : vector<1x1x512xf32> to vector<512xf32>
      %swap3A_212 = arith.constant 10 : index
      %swap3A_213 = arith.constant 0 : index
      %swap3A_214 = vector.load %arg10[%swap3A_212, %swap3A_213] : memref<16x512xf32, #tpu.memory_space<vmem>>, vector<1x512xf32>
      %swap3A_215 = vector.shape_cast %swap3A_214 : vector<1x512xf32> to vector<512xf32>
      %swap3A_216 = vector.shape_cast %get3A_211 : vector<512xf32> to vector<1x512xf32>
      tpu.vector_store %arg10[%swap3A_212, %swap3A_213], %swap3A_216 {strides = array<i32>} : memref<16x512xf32, #tpu.memory_space<vmem>>, vector<1x512xf32>,
    } else {
    }
    %get3A_152 = arith.constant 0 : index
    %get3A_153 = arith.constant 11 : index
    %get3A_154 = memref.load %arg1[%get3A_152, %get3A_153] : memref<1x16xi32, #tpu.memory_space<smem>>
    %ge3A_155 = arith.cmpi sge, %get3A_154, %add3A_33 : i32
    %add3A_156 = arith.constant 64 : i32
    %add3A_157 = arith.addi %add3A_33, %add3A_156 : i32
    %lt3A_158 = arith.cmpi slt, %get3A_154, %add3A_157 : i32
    %and3A_159 = arith.andi %ge3A_155, %lt3A_158 : i1
    %convert_element_type3A_160 = arith.extui %and3A_159 : i1 to i32
    %cond3A_161 = arith.constant 0 : i32
    %cond3A_162 = arith.cmpi ne, %convert_element_type3A_160, %cond3A_161 : i32
    scf.if %cond3A_162 {
      %sub3A = arith.subi %get3A_154, %add3A_33 : i32
      %get3A_207 = arith.index_cast %sub3A : i32 to index
      %get3A_208 = arith.constant 11 : index
      %get3A_209 = arith.constant 0 : index
      %get3A_210 = vector.load %arg12[%get3A_207, %get3A_208, %get3A_209] : memref<64x16x512xf32, #tpu.memory_space<vmem>>, vector<1x1x512xf32>
      %get3A_211 = vector.shape_cast %get3A_210 : vector<1x1x512xf32> to vector<512xf32>
      %swap3A_212 = arith.constant 11 : index
      %swap3A_213 = arith.constant 0 : index
      %swap3A_214 = vector.load %arg10[%swap3A_212, %swap3A_213] : memref<16x512xf32, #tpu.memory_space<vmem>>, vector<1x512xf32>
      %swap3A_215 = vector.shape_cast %swap3A_214 : vector<1x512xf32> to vector<512xf32>
      %swap3A_216 = vector.shape_cast %get3A_211 : vector<512xf32> to vector<1x512xf32>
      tpu.vector_store %arg10[%swap3A_212, %swap3A_213], %swap3A_216 {strides = array<i32>} : memref<16x512xf32, #tpu.memory_space<vmem>>, vector<1x512xf32>,
    } else {
    }
    %get3A_163 = arith.constant 0 : index
    %get3A_164 = arith.constant 12 : index
    %get3A_165 = memref.load %arg1[%get3A_163, %get3A_164] : memref<1x16xi32, #tpu.memory_space<smem>>
    %ge3A_166 = arith.cmpi sge, %get3A_165, %add3A_33 : i32
    %add3A_167 = arith.constant 64 : i32
    %add3A_168 = arith.addi %add3A_33, %add3A_167 : i32
    %lt3A_169 = arith.cmpi slt, %get3A_165, %add3A_168 : i32
    %and3A_170 = arith.andi %ge3A_166, %lt3A_169 : i1
    %convert_element_type3A_171 = arith.extui %and3A_170 : i1 to i32
    %cond3A_172 = arith.constant 0 : i32
    %cond3A_173 = arith.cmpi ne, %convert_element_type3A_171, %cond3A_172 : i32
    scf.if %cond3A_173 {
      %sub3A = arith.subi %get3A_165, %add3A_33 : i32
      %get3A_207 = arith.index_cast %sub3A : i32 to index
      %get3A_208 = arith.constant 12 : index
      %get3A_209 = arith.constant 0 : index
      %get3A_210 = vector.load %arg12[%get3A_207, %get3A_208, %get3A_209] : memref<64x16x512xf32, #tpu.memory_space<vmem>>, vector<1x1x512xf32>
      %get3A_211 = vector.shape_cast %get3A_210 : vector<1x1x512xf32> to vector<512xf32>
      %swap3A_212 = arith.constant 12 : index
      %swap3A_213 = arith.constant 0 : index
      %swap3A_214 = vector.load %arg10[%swap3A_212, %swap3A_213] : memref<16x512xf32, #tpu.memory_space<vmem>>, vector<1x512xf32>
      %swap3A_215 = vector.shape_cast %swap3A_214 : vector<1x512xf32> to vector<512xf32>
      %swap3A_216 = vector.shape_cast %get3A_211 : vector<512xf32> to vector<1x512xf32>
      tpu.vector_store %arg10[%swap3A_212, %swap3A_213], %swap3A_216 {strides = array<i32>} : memref<16x512xf32, #tpu.memory_space<vmem>>, vector<1x512xf32>,
    } else {
    }
    %get3A_174 = arith.constant 0 : index
    %get3A_175 = arith.constant 13 : index
    %get3A_176 = memref.load %arg1[%get3A_174, %get3A_175] : memref<1x16xi32, #tpu.memory_space<smem>>
    %ge3A_177 = arith.cmpi sge, %get3A_176, %add3A_33 : i32
    %add3A_178 = arith.constant 64 : i32
    %add3A_179 = arith.addi %add3A_33, %add3A_178 : i32
    %lt3A_180 = arith.cmpi slt, %get3A_176, %add3A_179 : i32
    %and3A_181 = arith.andi %ge3A_177, %lt3A_180 : i1
    %convert_element_type3A_182 = arith.extui %and3A_181 : i1 to i32
    %cond3A_183 = arith.constant 0 : i32
    %cond3A_184 = arith.cmpi ne, %convert_element_type3A_182, %cond3A_183 : i32
    scf.if %cond3A_184 {
      %sub3A = arith.subi %get3A_176, %add3A_33 : i32
      %get3A_207 = arith.index_cast %sub3A : i32 to index
      %get3A_208 = arith.constant 13 : index
      %get3A_209 = arith.constant 0 : index
      %get3A_210 = vector.load %arg12[%get3A_207, %get3A_208, %get3A_209] : memref<64x16x512xf32, #tpu.memory_space<vmem>>, vector<1x1x512xf32>
      %get3A_211 = vector.shape_cast %get3A_210 : vector<1x1x512xf32> to vector<512xf32>
      %swap3A_212 = arith.constant 13 : index
      %swap3A_213 = arith.constant 0 : index
      %swap3A_214 = vector.load %arg10[%swap3A_212, %swap3A_213] : memref<16x512xf32, #tpu.memory_space<vmem>>, vector<1x512xf32>
      %swap3A_215 = vector.shape_cast %swap3A_214 : vector<1x512xf32> to vector<512xf32>
      %swap3A_216 = vector.shape_cast %get3A_211 : vector<512xf32> to vector<1x512xf32>
      tpu.vector_store %arg10[%swap3A_212, %swap3A_213], %swap3A_216 {strides = array<i32>} : memref<16x512xf32, #tpu.memory_space<vmem>>, vector<1x512xf32>,
    } else {
    }
    %get3A_185 = arith.constant 0 : index
    %get3A_186 = arith.constant 14 : index
    %get3A_187 = memref.load %arg1[%get3A_185, %get3A_186] : memref<1x16xi32, #tpu.memory_space<smem>>
    %ge3A_188 = arith.cmpi sge, %get3A_187, %add3A_33 : i32
    %add3A_189 = arith.constant 64 : i32
    %add3A_190 = arith.addi %add3A_33, %add3A_189 : i32
    %lt3A_191 = arith.cmpi slt, %get3A_187, %add3A_190 : i32
    %and3A_192 = arith.andi %ge3A_188, %lt3A_191 : i1
    %convert_element_type3A_193 = arith.extui %and3A_192 : i1 to i32
    %cond3A_194 = arith.constant 0 : i32
    %cond3A_195 = arith.cmpi ne, %convert_element_type3A_193, %cond3A_194 : i32
    scf.if %cond3A_195 {
      %sub3A = arith.subi %get3A_187, %add3A_33 : i32
      %get3A_207 = arith.index_cast %sub3A : i32 to index
      %get3A_208 = arith.constant 14 : index
      %get3A_209 = arith.constant 0 : index
      %get3A_210 = vector.load %arg12[%get3A_207, %get3A_208, %get3A_209] : memref<64x16x512xf32, #tpu.memory_space<vmem>>, vector<1x1x512xf32>
      %get3A_211 = vector.shape_cast %get3A_210 : vector<1x1x512xf32> to vector<512xf32>
      %swap3A_212 = arith.constant 14 : index
      %swap3A_213 = arith.constant 0 : index
      %swap3A_214 = vector.load %arg10[%swap3A_212, %swap3A_213] : memref<16x512xf32, #tpu.memory_space<vmem>>, vector<1x512xf32>
      %swap3A_215 = vector.shape_cast %swap3A_214 : vector<1x512xf32> to vector<512xf32>
      %swap3A_216 = vector.shape_cast %get3A_211 : vector<512xf32> to vector<1x512xf32>
      tpu.vector_store %arg10[%swap3A_212, %swap3A_213], %swap3A_216 {strides = array<i32>} : memref<16x512xf32, #tpu.memory_space<vmem>>, vector<1x512xf32>,
    } else {
    }
    %get3A_196 = arith.constant 0 : index
    %get3A_197 = arith.constant 15 : index
    %get3A_198 = memref.load %arg1[%get3A_196, %get3A_197] : memref<1x16xi32, #tpu.memory_space<smem>>
    %ge3A_199 = arith.cmpi sge, %get3A_198, %add3A_33 : i32
    %add3A_200 = arith.constant 64 : i32
    %add3A_201 = arith.addi %add3A_33, %add3A_200 : i32
    %lt3A_202 = arith.cmpi slt, %get3A_198, %add3A_201 : i32
    %and3A_203 = arith.andi %ge3A_199, %lt3A_202 : i1
    %convert_element_type3A_204 = arith.extui %and3A_203 : i1 to i32
    %cond3A_205 = arith.constant 0 : i32
    %cond3A_206 = arith.cmpi ne, %convert_element_type3A_204, %cond3A_205 : i32
    scf.if %cond3A_206 {
      %sub3A = arith.subi %get3A_198, %add3A_33 : i32
      %get3A_207 = arith.index_cast %sub3A : i32 to index
      %get3A_208 = arith.constant 15 : index
      %get3A_209 = arith.constant 0 : index
      %get3A_210 = vector.load %arg12[%get3A_207, %get3A_208, %get3A_209] : memref<64x16x512xf32, #tpu.memory_space<vmem>>, vector<1x1x512xf32>
      %get3A_211 = vector.shape_cast %get3A_210 : vector<1x1x512xf32> to vector<512xf32>
      %swap3A_212 = arith.constant 15 : index
      %swap3A_213 = arith.constant 0 : index
      %swap3A_214 = vector.load %arg10[%swap3A_212, %swap3A_213] : memref<16x512xf32, #tpu.memory_space<vmem>>, vector<1x512xf32>
      %swap3A_215 = vector.shape_cast %swap3A_214 : vector<1x512xf32> to vector<512xf32>
      %swap3A_216 = vector.shape_cast %get3A_211 : vector<512xf32> to vector<1x512xf32>
      tpu.vector_store %arg10[%swap3A_212, %swap3A_213], %swap3A_216 {strides = array<i32>} : memref<16x512xf32, #tpu.memory_space<vmem>>, vector<1x512xf32>,
    } else {
    }
    return
  }
  func.func @transform_0(%arg0: i32) -> (i32, i32) {
    %c0_i32 = arith.constant 0 : i32
    %c0_i32_0 = arith.constant 0 : i32
    %c0_i32_1 = arith.constant 0 : i32
    return %c0_i32, %c0_i32_0 : i32, i32
  }
  func.func @transform_1(%arg0: i32) -> (i32, i32) {
    %c0_i32 = arith.constant 0 : i32
    %c0_i32_0 = arith.constant 0 : i32
    return %arg0, %c0_i32 : i32, i32
  }
  func.func @transform_2(%arg0: i32) -> (i32, i32) {
    %c0_i32 = arith.constant 0 : i32
    %c0_i32_0 = arith.constant 0 : i32
    %c0_i32_1 = arith.constant 0 : i32
    return %c0_i32, %c0_i32_0 : i32, i32
  }
  func.func @transform_3(%arg0: i32) -> (i32, i32) {
    %c0_i32 = arith.constant 0 : i32
    %c0_i32_0 = arith.constant 0 : i32
    %c0_i32_1 = arith.constant 0 : i32
    return %c0_i32, %c0_i32_0 : i32, i32
  }
  func.func @transform_4(%arg0: i32) -> (i32, i32) {
    %c0_i32 = arith.constant 0 : i32
    %c0_i32_0 = arith.constant 0 : i32
    %c0_i32_1 = arith.constant 0 : i32
    return %c0_i32, %c0_i32_0 : i32, i32
  }
  func.func @transform_5(%arg0: i32) -> (i32, i32) {
    %c0_i32 = arith.constant 0 : i32
    %c0_i32_0 = arith.constant 0 : i32
    %c0_i32_1 = arith.constant 0 : i32
    return %c0_i32, %c0_i32_0 : i32, i32
  }
  func.func @transform_6(%arg0: i32) -> (i32, i32) {
    %c0_i32 = arith.constant 0 : i32
    %c0_i32_0 = arith.constant 0 : i32
    %c0_i32_1 = arith.constant 0 : i32
    return %c0_i32, %c0_i32_0 : i32, i32
  }
  func.func @transform_7(%arg0: i32) -> (i32, i32) {
    %c0_i32 = arith.constant 0 : i32
    %c0_i32_0 = arith.constant 0 : i32
    %c0_i32_1 = arith.constant 0 : i32
    return %c0_i32, %c0_i32_0 : i32, i32
  }
  func.func @transform_8(%arg0: i32) -> (i32, i32) {
    %c0_i32 = arith.constant 0 : i32
    %c0_i32_0 = arith.constant 0 : i32
    %c0_i32_1 = arith.constant 0 : i32
    return %c0_i32, %c0_i32_0 : i32, i32
  }
  func.func @transform_9(%arg0: i32) -> (i32, i32) {
    %c0_i32 = arith.constant 0 : i32
    %c0_i32_0 = arith.constant 0 : i32
    %c0_i32_1 = arith.constant 0 : i32
    return %c0_i32, %c0_i32_0 : i32, i32
  }
}

module attributes {stable_mosaic.version = 14 : i64} {
  func.func @body(%arg0: i32, %arg1: memref<1x16xi32, #tpu.memory_space<smem>>, %arg2: memref<1024x512xf32, #tpu.memory_space<vmem>>, %arg3: memref<512x1536xbf16, #tpu.memory_space<vmem>>, %arg4: memref<1x1536xf32, #tpu.memory_space<vmem>>, %arg5: memref<512x1536xbf16, #tpu.memory_space<vmem>>, %arg6: memref<1x1536xf32, #tpu.memory_space<vmem>>, %arg7: memref<16x512xf32, #tpu.memory_space<vmem>>, %arg8: memref<16x512xf32, #tpu.memory_space<vmem>>, %arg9: memref<16x512xf32, #tpu.memory_space<vmem>>, %arg10: memref<16x512xf32, #tpu.memory_space<vmem>>, %arg11: memref<64x16x1536xbf16, #tpu.memory_space<vmem>>, %arg12: memref<64x16x512xf32, #tpu.memory_space<vmem>>, %arg13: memref<16x512xf32, #tpu.memory_space<vmem>>) attributes {dimension_semantics = [#tpu.dimension_semantics<arbitrary>], iteration_bounds = array<i64: 3>, scalar_prefetch = 0 : i64, scratch_operands = 3 : i64, tpu.core_type = #tpu.core_type<tc>, window_params = [{transform_indices = @transform_0, window_bounds = array<i64: 1, 16>}, {transform_indices = @transform_1, window_bounds = array<i64: 1024, 512>}, {pipeline_mode = #tpu.pipeline_mode<synchronous>, transform_indices = @transform_2, window_bounds = array<i64: 512, 1536>}, {pipeline_mode = #tpu.pipeline_mode<synchronous>, transform_indices = @transform_3, window_bounds = array<i64: 1, 1536>}, {pipeline_mode = #tpu.pipeline_mode<synchronous>, transform_indices = @transform_4, window_bounds = array<i64: 512, 1536>}, {pipeline_mode = #tpu.pipeline_mode<synchronous>, transform_indices = @transform_5, window_bounds = array<i64: 1, 1536>}, {pipeline_mode = #tpu.pipeline_mode<synchronous>, transform_indices = @transform_6, window_bounds = array<i64: 16, 512>}, {pipeline_mode = #tpu.pipeline_mode<synchronous>, transform_indices = @transform_7, window_bounds = array<i64: 16, 512>}, {pipeline_mode = #tpu.pipeline_mode<synchronous>, transform_indices = @transform_8, window_bounds = array<i64: 16, 512>}, {pipeline_mode = #tpu.pipeline_mode<synchronous>, transform_indices = @transform_9, window_bounds = array<i64: 16, 512>}]} {
    %eq3A = arith.constant 0 : i32
    %eq3A_0 = arith.cmpi eq, %arg0, %eq3A : i32
    %convert_element_type3A = arith.extui %eq3A_0 : i1 to i32
    %cond3A = arith.constant 0 : i32
    %cond3A_1 = arith.cmpi ne, %convert_element_type3A, %cond3A : i32
    scf.if %cond3A_1 {
      %get3A_207 = arith.constant 0 : index
      %get3A_208 = arith.constant 0 : index
      %get3A_209 = vector.load %arg7[%get3A_207, %get3A_208] : memref<16x512xf32, #tpu.memory_space<vmem>>, vector<16x512xf32>
      %swap3A_210 = arith.constant 0 : index
      %swap3A_211 = arith.constant 0 : index
      %swap3A_212 = vector.load %arg13[%swap3A_210, %swap3A_211] : memref<16x512xf32, #tpu.memory_space<vmem>>, vector<16x512xf32>
      tpu.vector_store %arg13[%swap3A_210, %swap3A_211], %get3A_209 {strides = array<i32>} : memref<16x512xf32, #tpu.memory_space<vmem>>, vector<16x512xf32>,
      %get3A_213 = arith.constant 0 : index
      %get3A_214 = arith.constant 0 : index
      %get3A_215 = vector.load %arg8[%get3A_213, %get3A_214] : memref<16x512xf32, #tpu.memory_space<vmem>>, vector<16x512xf32>
      %swap3A_216 = arith.constant 0 : index
      %swap3A_217 = arith.constant 0 : index
      %swap3A_218 = vector.load %arg10[%swap3A_216, %swap3A_217] : memref<16x512xf32, #tpu.memory_space<vmem>>, vector<16x512xf32>
      tpu.vector_store %arg10[%swap3A_216, %swap3A_217], %get3A_215 {strides = array<i32>} : memref<16x512xf32, #tpu.memory_space<vmem>>, vector<16x512xf32>,
    } else {
    }
    %get3A = arith.constant 0 : index
    %get3A_2 = arith.constant 0 : index
    %get3A_3 = vector.load %arg2[%get3A, %get3A_2] : memref<1024x512xf32, #tpu.memory_space<vmem>>, vector<1024x512xf32>
    %convert_element_type3A_4 = arith.truncf %get3A_3 : vector<1024x512xf32> to vector<1024x512xbf16>
    %get3A_5 = arith.constant 0 : index
    %get3A_6 = arith.constant 0 : index
    %get3A_7 = vector.load %arg3[%get3A_5, %get3A_6] : memref<512x1536xbf16, #tpu.memory_space<vmem>>, vector<512x1536xbf16>
    %dot_general3A = arith.constant dense<0.000000e+00> : vector<1024x1536xf32>
    %dot_general3A_8 = tpu.matmul %convert_element_type3A_4, %get3A_7, %dot_general3A {dimension_numbers = #tpu.dot_dimension_numbers<[1], [0], [0], [1], [0, 0, 1, 1], [], []>, transpose_lhs_hint = false} : vector<1024x512xbf16>, vector<512x1536xbf16>, vector<1024x1536xf32> -> vector<1024x1536xf32>
    %get3A_9 = arith.constant 0 : index
    %get3A_10 = arith.constant 0 : index
    %get3A_11 = vector.load %arg4[%get3A_9, %get3A_10] : memref<1x1536xf32, #tpu.memory_space<vmem>>, vector<1x1536xf32>
    %add3A = vector.broadcast %get3A_11 : vector<1x1536xf32> to vector<1024x1536xf32>
    %add3A_12 = arith.addf %dot_general3A_8, %add3A : vector<1024x1536xf32>
    %convert_element_type3A_13 = arith.truncf %add3A_12 : vector<1024x1536xf32> to vector<1024x1536xbf16>
    %reshape3A = vector.shape_cast %convert_element_type3A_13 : vector<1024x1536xbf16> to vector<64x16x1536xbf16>
    %swap3A = arith.constant 0 : index
    %swap3A_14 = arith.constant 0 : index
    %swap3A_15 = arith.constant 0 : index
    %swap3A_16 = vector.load %arg11[%swap3A, %swap3A_14, %swap3A_15] : memref<64x16x1536xbf16, #tpu.memory_space<vmem>>, vector<64x16x1536xbf16>
    tpu.vector_store %arg11[%swap3A, %swap3A_14, %swap3A_15], %reshape3A {strides = array<i32>} : memref<64x16x1536xbf16, #tpu.memory_space<vmem>>, vector<64x16x1536xbf16>,
    %get3A_17 = arith.constant 0 : index
    %get3A_18 = arith.constant 0 : index
    %get3A_19 = vector.load %arg13[%get3A_17, %get3A_18] : memref<16x512xf32, #tpu.memory_space<vmem>>, vector<16x512xf32>
    %scan3A = arith.constant 0 : i32
    %scan3A_20 = arith.constant 64 : i32
    %scan3A_21 = arith.addi %scan3A, %scan3A_20 : i32
    %scan3A_22 = arith.constant 4 : i32
    %scan3A_23 = scf.for %scan3A_207 = %scan3A to %scan3A_21 step %scan3A_22 iter_args(%scan3A_208 = %get3A_19) -> (vector<16x512xf32>)  : i32 {
      %get3A_209 = arith.index_cast %scan3A_207 : i32 to index
      %get3A_210 = arith.constant 0 : index
      %get3A_211 = arith.constant 0 : index
      %get3A_212 = vector.load %arg11[%get3A_209, %get3A_210, %get3A_211] : memref<64x16x1536xbf16, #tpu.memory_space<vmem>>, vector<1x16x1536xbf16>
      %get3A_213 = vector.shape_cast %get3A_212 : vector<1x16x1536xbf16> to vector<16x1536xbf16>
      %convert_element_type3A_214 = arith.extf %get3A_213 : vector<16x1536xbf16> to vector<16x1536xf32>
      %convert_element_type3A_215 = arith.truncf %scan3A_208 : vector<16x512xf32> to vector<16x512xbf16>
      %get3A_216 = arith.constant 0 : index
      %get3A_217 = arith.constant 0 : index
      %get3A_218 = vector.load %arg5[%get3A_216, %get3A_217] : memref<512x1536xbf16, #tpu.memory_space<vmem>>, vector<512x1024xbf16>
      %dot_general3A_219 = arith.constant dense<0.000000e+00> : vector<16x1024xf32>
      %dot_general3A_220 = tpu.matmul %convert_element_type3A_215, %get3A_218, %dot_general3A_219 {dimension_numbers = #tpu.dot_dimension_numbers<[1], [0], [0], [1], [0, 0, 1, 1], [], []>, transpose_lhs_hint = false} : vector<16x512xbf16>, vector<512x1024xbf16>, vector<16x1024xf32> -> vector<16x1024xf32>
      %get3A_221 = arith.constant 0 : index
      %get3A_222 = arith.constant 0 : index
      %get3A_223 = vector.load %arg6[%get3A_221, %get3A_222] : memref<1x1536xf32, #tpu.memory_space<vmem>>, vector<1x1024xf32>
      %add3A_224 = vector.broadcast %get3A_223 : vector<1x1024xf32> to vector<16x1024xf32>
      %add3A_225 = arith.addf %dot_general3A_220, %add3A_224 : vector<16x1024xf32>
      %get3A_226 = arith.constant 0 : index
      %get3A_227 = arith.constant 1024 : index
      %get3A_228 = vector.load %arg5[%get3A_226, %get3A_227] : memref<512x1536xbf16, #tpu.memory_space<vmem>>, vector<512x512xbf16>
      %dot_general3A_229 = arith.constant dense<0.000000e+00> : vector<16x512xf32>
      %dot_general3A_230 = tpu.matmul %convert_element_type3A_215, %get3A_228, %dot_general3A_229 {dimension_numbers = #tpu.dot_dimension_numbers<[1], [0], [0], [1], [0, 0, 1, 1], [], []>, transpose_lhs_hint = false} : vector<16x512xbf16>, vector<512x512xbf16>, vector<16x512xf32> -> vector<16x512xf32>
      %get3A_231 = arith.constant 0 : index
      %get3A_232 = arith.constant 1024 : index
      %get3A_233 = vector.load %arg6[%get3A_231, %get3A_232] : memref<1x1536xf32, #tpu.memory_space<vmem>>, vector<1x512xf32>
      %add3A_234 = vector.broadcast %get3A_233 : vector<1x512xf32> to vector<16x512xf32>
      %add3A_235 = arith.addf %dot_general3A_230, %add3A_234 : vector<16x512xf32>
      %slice3A = vector.extract_strided_slice %convert_element_type3A_214 {offsets = [0, 0], sizes = [16, 512], strides = [1, 1]} : vector<16x1536xf32> to vector<16x512xf32>
      %slice3A_236 = vector.extract_strided_slice %add3A_225 {offsets = [0, 0], sizes = [16, 512], strides = [1, 1]} : vector<16x1024xf32> to vector<16x512xf32>
      %add3A_237 = arith.addf %slice3A, %slice3A_236 : vector<16x512xf32>
      %mul3A_238 = arith.constant 5.000000e-01 : f32
      %mul3A_239 = vector.broadcast %mul3A_238 : f32 to vector<16x512xf32>
      %mul3A_240 = arith.mulf %mul3A_239, %add3A_237 : vector<16x512xf32>
      %tanh3A = math.tanh %mul3A_240 : vector<16x512xf32>
      %mul3A_241 = arith.constant 5.000000e-01 : f32
      %mul3A_242 = vector.broadcast %mul3A_241 : f32 to vector<16x512xf32>
      %mul3A_243 = arith.mulf %mul3A_242, %tanh3A : vector<16x512xf32>
      %add3A_244 = arith.constant 5.000000e-01 : f32
      %add3A_245 = vector.broadcast %add3A_244 : f32 to vector<16x512xf32>
      %add3A_246 = arith.addf %mul3A_243, %add3A_245 : vector<16x512xf32>
      %slice3A_247 = vector.extract_strided_slice %convert_element_type3A_214 {offsets = [0, 512], sizes = [16, 512], strides = [1, 1]} : vector<16x1536xf32> to vector<16x512xf32>
      %slice3A_248 = vector.extract_strided_slice %add3A_225 {offsets = [0, 512], sizes = [16, 512], strides = [1, 1]} : vector<16x1024xf32> to vector<16x512xf32>
      %add3A_249 = arith.addf %slice3A_247, %slice3A_248 : vector<16x512xf32>
      %mul3A_250 = arith.constant 5.000000e-01 : f32
      %mul3A_251 = vector.broadcast %mul3A_250 : f32 to vector<16x512xf32>
      %mul3A_252 = arith.mulf %mul3A_251, %add3A_249 : vector<16x512xf32>
      %tanh3A_253 = math.tanh %mul3A_252 : vector<16x512xf32>
      %mul3A_254 = arith.constant 5.000000e-01 : f32
      %mul3A_255 = vector.broadcast %mul3A_254 : f32 to vector<16x512xf32>
      %mul3A_256 = arith.mulf %mul3A_255, %tanh3A_253 : vector<16x512xf32>
      %add3A_257 = arith.constant 5.000000e-01 : f32
      %add3A_258 = vector.broadcast %add3A_257 : f32 to vector<16x512xf32>
      %add3A_259 = arith.addf %mul3A_256, %add3A_258 : vector<16x512xf32>
      %slice3A_260 = vector.extract_strided_slice %convert_element_type3A_214 {offsets = [0, 1024], sizes = [16, 512], strides = [1, 1]} : vector<16x1536xf32> to vector<16x512xf32>
      %mul3A_261 = arith.mulf %add3A_246, %add3A_235 : vector<16x512xf32>
      %add3A_262 = arith.addf %slice3A_260, %mul3A_261 : vector<16x512xf32>
      %tanh3A_263 = math.tanh %add3A_262 : vector<16x512xf32>
      %sub3A = arith.constant 1.000000e+00 : f32
      %sub3A_264 = vector.broadcast %sub3A : f32 to vector<16x512xf32>
      %sub3A_265 = arith.subf %sub3A_264, %add3A_259 : vector<16x512xf32>
      %mul3A_266 = arith.mulf %sub3A_265, %tanh3A_263 : vector<16x512xf32>
      %mul3A_267 = arith.mulf %add3A_259, %scan3A_208 : vector<16x512xf32>
      %add3A_268 = arith.addf %mul3A_266, %mul3A_267 : vector<16x512xf32>
      %swap3A_269 = arith.index_cast %scan3A_207 : i32 to index
      %swap3A_270 = arith.constant 0 : index
      %swap3A_271 = arith.constant 0 : index
      %swap3A_272 = vector.load %arg12[%swap3A_269, %swap3A_270, %swap3A_271] : memref<64x16x512xf32, #tpu.memory_space<vmem>>, vector<1x16x512xf32>
      %swap3A_273 = vector.shape_cast %swap3A_272 : vector<1x16x512xf32> to vector<16x512xf32>
      %swap3A_274 = vector.shape_cast %add3A_268 : vector<16x512xf32> to vector<1x16x512xf32>
      tpu.vector_store %arg12[%swap3A_269, %swap3A_270, %swap3A_271], %swap3A_274 {strides = array<i32>} : memref<64x16x512xf32, #tpu.memory_space<vmem>>, vector<1x16x512xf32>,
      %scan3A_275 = arith.constant 1 : i32
      %scan3A_276 = arith.addi %scan3A_207, %scan3A_275 : i32
      %get3A_277 = arith.index_cast %scan3A_276 : i32 to index
      %get3A_278 = arith.constant 0 : index
      %get3A_279 = arith.constant 0 : index
      %get3A_280 = vector.load %arg11[%get3A_277, %get3A_278, %get3A_279] : memref<64x16x1536xbf16, #tpu.memory_space<vmem>>, vector<1x16x1536xbf16>
      %get3A_281 = vector.shape_cast %get3A_280 : vector<1x16x1536xbf16> to vector<16x1536xbf16>
      %convert_element_type3A_282 = arith.extf %get3A_281 : vector<16x1536xbf16> to vector<16x1536xf32>
      %convert_element_type3A_283 = arith.truncf %add3A_268 : vector<16x512xf32> to vector<16x512xbf16>
      %get3A_284 = arith.constant 0 : index
      %get3A_285 = arith.constant 0 : index
      %get3A_286 = vector.load %arg5[%get3A_284, %get3A_285] : memref<512x1536xbf16, #tpu.memory_space<vmem>>, vector<512x1024xbf16>
      %dot_general3A_287 = arith.constant dense<0.000000e+00> : vector<16x1024xf32>
      %dot_general3A_288 = tpu.matmul %convert_element_type3A_283, %get3A_286, %dot_general3A_287 {dimension_numbers = #tpu.dot_dimension_numbers<[1], [0], [0], [1], [0, 0, 1, 1], [], []>, transpose_lhs_hint = false} : vector<16x512xbf16>, vector<512x1024xbf16>, vector<16x1024xf32> -> vector<16x1024xf32>
      %get3A_289 = arith.constant 0 : index
      %get3A_290 = arith.constant 0 : index
      %get3A_291 = vector.load %arg6[%get3A_289, %get3A_290] : memref<1x1536xf32, #tpu.memory_space<vmem>>, vector<1x1024xf32>
      %add3A_292 = vector.broadcast %get3A_291 : vector<1x1024xf32> to vector<16x1024xf32>
      %add3A_293 = arith.addf %dot_general3A_288, %add3A_292 : vector<16x1024xf32>
      %get3A_294 = arith.constant 0 : index
      %get3A_295 = arith.constant 1024 : index
      %get3A_296 = vector.load %arg5[%get3A_294, %get3A_295] : memref<512x1536xbf16, #tpu.memory_space<vmem>>, vector<512x512xbf16>
      %dot_general3A_297 = arith.constant dense<0.000000e+00> : vector<16x512xf32>
      %dot_general3A_298 = tpu.matmul %convert_element_type3A_283, %get3A_296, %dot_general3A_297 {dimension_numbers = #tpu.dot_dimension_numbers<[1], [0], [0], [1], [0, 0, 1, 1], [], []>, transpose_lhs_hint = false} : vector<16x512xbf16>, vector<512x512xbf16>, vector<16x512xf32> -> vector<16x512xf32>
      %get3A_299 = arith.constant 0 : index
      %get3A_300 = arith.constant 1024 : index
      %get3A_301 = vector.load %arg6[%get3A_299, %get3A_300] : memref<1x1536xf32, #tpu.memory_space<vmem>>, vector<1x512xf32>
      %add3A_302 = vector.broadcast %get3A_301 : vector<1x512xf32> to vector<16x512xf32>
      %add3A_303 = arith.addf %dot_general3A_298, %add3A_302 : vector<16x512xf32>
      %slice3A_304 = vector.extract_strided_slice %convert_element_type3A_282 {offsets = [0, 0], sizes = [16, 512], strides = [1, 1]} : vector<16x1536xf32> to vector<16x512xf32>
      %slice3A_305 = vector.extract_strided_slice %add3A_293 {offsets = [0, 0], sizes = [16, 512], strides = [1, 1]} : vector<16x1024xf32> to vector<16x512xf32>
      %add3A_306 = arith.addf %slice3A_304, %slice3A_305 : vector<16x512xf32>
      %mul3A_307 = arith.constant 5.000000e-01 : f32
      %mul3A_308 = vector.broadcast %mul3A_307 : f32 to vector<16x512xf32>
      %mul3A_309 = arith.mulf %mul3A_308, %add3A_306 : vector<16x512xf32>
      %tanh3A_310 = math.tanh %mul3A_309 : vector<16x512xf32>
      %mul3A_311 = arith.constant 5.000000e-01 : f32
      %mul3A_312 = vector.broadcast %mul3A_311 : f32 to vector<16x512xf32>
      %mul3A_313 = arith.mulf %mul3A_312, %tanh3A_310 : vector<16x512xf32>
      %add3A_314 = arith.constant 5.000000e-01 : f32
      %add3A_315 = vector.broadcast %add3A_314 : f32 to vector<16x512xf32>
      %add3A_316 = arith.addf %mul3A_313, %add3A_315 : vector<16x512xf32>
      %slice3A_317 = vector.extract_strided_slice %convert_element_type3A_282 {offsets = [0, 512], sizes = [16, 512], strides = [1, 1]} : vector<16x1536xf32> to vector<16x512xf32>
      %slice3A_318 = vector.extract_strided_slice %add3A_293 {offsets = [0, 512], sizes = [16, 512], strides = [1, 1]} : vector<16x1024xf32> to vector<16x512xf32>
      %add3A_319 = arith.addf %slice3A_317, %slice3A_318 : vector<16x512xf32>
      %mul3A_320 = arith.constant 5.000000e-01 : f32
      %mul3A_321 = vector.broadcast %mul3A_320 : f32 to vector<16x512xf32>
      %mul3A_322 = arith.mulf %mul3A_321, %add3A_319 : vector<16x512xf32>
      %tanh3A_323 = math.tanh %mul3A_322 : vector<16x512xf32>
      %mul3A_324 = arith.constant 5.000000e-01 : f32
      %mul3A_325 = vector.broadcast %mul3A_324 : f32 to vector<16x512xf32>
      %mul3A_326 = arith.mulf %mul3A_325, %tanh3A_323 : vector<16x512xf32>
      %add3A_327 = arith.constant 5.000000e-01 : f32
      %add3A_328 = vector.broadcast %add3A_327 : f32 to vector<16x512xf32>
      %add3A_329 = arith.addf %mul3A_326, %add3A_328 : vector<16x512xf32>
      %slice3A_330 = vector.extract_strided_slice %convert_element_type3A_282 {offsets = [0, 1024], sizes = [16, 512], strides = [1, 1]} : vector<16x1536xf32> to vector<16x512xf32>
      %mul3A_331 = arith.mulf %add3A_316, %add3A_303 : vector<16x512xf32>
      %add3A_332 = arith.addf %slice3A_330, %mul3A_331 : vector<16x512xf32>
      %tanh3A_333 = math.tanh %add3A_332 : vector<16x512xf32>
      %sub3A_334 = arith.constant 1.000000e+00 : f32
      %sub3A_335 = vector.broadcast %sub3A_334 : f32 to vector<16x512xf32>
      %sub3A_336 = arith.subf %sub3A_335, %add3A_329 : vector<16x512xf32>
      %mul3A_337 = arith.mulf %sub3A_336, %tanh3A_333 : vector<16x512xf32>
      %mul3A_338 = arith.mulf %add3A_329, %add3A_268 : vector<16x512xf32>
      %add3A_339 = arith.addf %mul3A_337, %mul3A_338 : vector<16x512xf32>
      %swap3A_340 = arith.index_cast %scan3A_276 : i32 to index
      %swap3A_341 = arith.constant 0 : index
      %swap3A_342 = arith.constant 0 : index
      %swap3A_343 = vector.load %arg12[%swap3A_340, %swap3A_341, %swap3A_342] : memref<64x16x512xf32, #tpu.memory_space<vmem>>, vector<1x16x512xf32>
      %swap3A_344 = vector.shape_cast %swap3A_343 : vector<1x16x512xf32> to vector<16x512xf32>
      %swap3A_345 = vector.shape_cast %add3A_339 : vector<16x512xf32> to vector<1x16x512xf32>
      tpu.vector_store %arg12[%swap3A_340, %swap3A_341, %swap3A_342], %swap3A_345 {strides = array<i32>} : memref<64x16x512xf32, #tpu.memory_space<vmem>>, vector<1x16x512xf32>,
      %scan3A_346 = arith.constant 2 : i32
      %scan3A_347 = arith.addi %scan3A_207, %scan3A_346 : i32
      %get3A_348 = arith.index_cast %scan3A_347 : i32 to index
      %get3A_349 = arith.constant 0 : index
      %get3A_350 = arith.constant 0 : index
      %get3A_351 = vector.load %arg11[%get3A_348, %get3A_349, %get3A_350] : memref<64x16x1536xbf16, #tpu.memory_space<vmem>>, vector<1x16x1536xbf16>
      %get3A_352 = vector.shape_cast %get3A_351 : vector<1x16x1536xbf16> to vector<16x1536xbf16>
      %convert_element_type3A_353 = arith.extf %get3A_352 : vector<16x1536xbf16> to vector<16x1536xf32>
      %convert_element_type3A_354 = arith.truncf %add3A_339 : vector<16x512xf32> to vector<16x512xbf16>
      %get3A_355 = arith.constant 0 : index
      %get3A_356 = arith.constant 0 : index
      %get3A_357 = vector.load %arg5[%get3A_355, %get3A_356] : memref<512x1536xbf16, #tpu.memory_space<vmem>>, vector<512x1024xbf16>
      %dot_general3A_358 = arith.constant dense<0.000000e+00> : vector<16x1024xf32>
      %dot_general3A_359 = tpu.matmul %convert_element_type3A_354, %get3A_357, %dot_general3A_358 {dimension_numbers = #tpu.dot_dimension_numbers<[1], [0], [0], [1], [0, 0, 1, 1], [], []>, transpose_lhs_hint = false} : vector<16x512xbf16>, vector<512x1024xbf16>, vector<16x1024xf32> -> vector<16x1024xf32>
      %get3A_360 = arith.constant 0 : index
      %get3A_361 = arith.constant 0 : index
      %get3A_362 = vector.load %arg6[%get3A_360, %get3A_361] : memref<1x1536xf32, #tpu.memory_space<vmem>>, vector<1x1024xf32>
      %add3A_363 = vector.broadcast %get3A_362 : vector<1x1024xf32> to vector<16x1024xf32>
      %add3A_364 = arith.addf %dot_general3A_359, %add3A_363 : vector<16x1024xf32>
      %get3A_365 = arith.constant 0 : index
      %get3A_366 = arith.constant 1024 : index
      %get3A_367 = vector.load %arg5[%get3A_365, %get3A_366] : memref<512x1536xbf16, #tpu.memory_space<vmem>>, vector<512x512xbf16>
      %dot_general3A_368 = arith.constant dense<0.000000e+00> : vector<16x512xf32>
      %dot_general3A_369 = tpu.matmul %convert_element_type3A_354, %get3A_367, %dot_general3A_368 {dimension_numbers = #tpu.dot_dimension_numbers<[1], [0], [0], [1], [0, 0, 1, 1], [], []>, transpose_lhs_hint = false} : vector<16x512xbf16>, vector<512x512xbf16>, vector<16x512xf32> -> vector<16x512xf32>
      %get3A_370 = arith.constant 0 : index
      %get3A_371 = arith.constant 1024 : index
      %get3A_372 = vector.load %arg6[%get3A_370, %get3A_371] : memref<1x1536xf32, #tpu.memory_space<vmem>>, vector<1x512xf32>
      %add3A_373 = vector.broadcast %get3A_372 : vector<1x512xf32> to vector<16x512xf32>
      %add3A_374 = arith.addf %dot_general3A_369, %add3A_373 : vector<16x512xf32>
      %slice3A_375 = vector.extract_strided_slice %convert_element_type3A_353 {offsets = [0, 0], sizes = [16, 512], strides = [1, 1]} : vector<16x1536xf32> to vector<16x512xf32>
      %slice3A_376 = vector.extract_strided_slice %add3A_364 {offsets = [0, 0], sizes = [16, 512], strides = [1, 1]} : vector<16x1024xf32> to vector<16x512xf32>
      %add3A_377 = arith.addf %slice3A_375, %slice3A_376 : vector<16x512xf32>
      %mul3A_378 = arith.constant 5.000000e-01 : f32
      %mul3A_379 = vector.broadcast %mul3A_378 : f32 to vector<16x512xf32>
      %mul3A_380 = arith.mulf %mul3A_379, %add3A_377 : vector<16x512xf32>
      %tanh3A_381 = math.tanh %mul3A_380 : vector<16x512xf32>
      %mul3A_382 = arith.constant 5.000000e-01 : f32
      %mul3A_383 = vector.broadcast %mul3A_382 : f32 to vector<16x512xf32>
      %mul3A_384 = arith.mulf %mul3A_383, %tanh3A_381 : vector<16x512xf32>
      %add3A_385 = arith.constant 5.000000e-01 : f32
      %add3A_386 = vector.broadcast %add3A_385 : f32 to vector<16x512xf32>
      %add3A_387 = arith.addf %mul3A_384, %add3A_386 : vector<16x512xf32>
      %slice3A_388 = vector.extract_strided_slice %convert_element_type3A_353 {offsets = [0, 512], sizes = [16, 512], strides = [1, 1]} : vector<16x1536xf32> to vector<16x512xf32>
      %slice3A_389 = vector.extract_strided_slice %add3A_364 {offsets = [0, 512], sizes = [16, 512], strides = [1, 1]} : vector<16x1024xf32> to vector<16x512xf32>
      %add3A_390 = arith.addf %slice3A_388, %slice3A_389 : vector<16x512xf32>
      %mul3A_391 = arith.constant 5.000000e-01 : f32
      %mul3A_392 = vector.broadcast %mul3A_391 : f32 to vector<16x512xf32>
      %mul3A_393 = arith.mulf %mul3A_392, %add3A_390 : vector<16x512xf32>
      %tanh3A_394 = math.tanh %mul3A_393 : vector<16x512xf32>
      %mul3A_395 = arith.constant 5.000000e-01 : f32
      %mul3A_396 = vector.broadcast %mul3A_395 : f32 to vector<16x512xf32>
      %mul3A_397 = arith.mulf %mul3A_396, %tanh3A_394 : vector<16x512xf32>
      %add3A_398 = arith.constant 5.000000e-01 : f32
      %add3A_399 = vector.broadcast %add3A_398 : f32 to vector<16x512xf32>
      %add3A_400 = arith.addf %mul3A_397, %add3A_399 : vector<16x512xf32>
      %slice3A_401 = vector.extract_strided_slice %convert_element_type3A_353 {offsets = [0, 1024], sizes = [16, 512], strides = [1, 1]} : vector<16x1536xf32> to vector<16x512xf32>
      %mul3A_402 = arith.mulf %add3A_387, %add3A_374 : vector<16x512xf32>
      %add3A_403 = arith.addf %slice3A_401, %mul3A_402 : vector<16x512xf32>
      %tanh3A_404 = math.tanh %add3A_403 : vector<16x512xf32>
      %sub3A_405 = arith.constant 1.000000e+00 : f32
      %sub3A_406 = vector.broadcast %sub3A_405 : f32 to vector<16x512xf32>
      %sub3A_407 = arith.subf %sub3A_406, %add3A_400 : vector<16x512xf32>
      %mul3A_408 = arith.mulf %sub3A_407, %tanh3A_404 : vector<16x512xf32>
      %mul3A_409 = arith.mulf %add3A_400, %add3A_339 : vector<16x512xf32>
      %add3A_410 = arith.addf %mul3A_408, %mul3A_409 : vector<16x512xf32>
      %swap3A_411 = arith.index_cast %scan3A_347 : i32 to index
      %swap3A_412 = arith.constant 0 : index
      %swap3A_413 = arith.constant 0 : index
      %swap3A_414 = vector.load %arg12[%swap3A_411, %swap3A_412, %swap3A_413] : memref<64x16x512xf32, #tpu.memory_space<vmem>>, vector<1x16x512xf32>
      %swap3A_415 = vector.shape_cast %swap3A_414 : vector<1x16x512xf32> to vector<16x512xf32>
      %swap3A_416 = vector.shape_cast %add3A_410 : vector<16x512xf32> to vector<1x16x512xf32>
      tpu.vector_store %arg12[%swap3A_411, %swap3A_412, %swap3A_413], %swap3A_416 {strides = array<i32>} : memref<64x16x512xf32, #tpu.memory_space<vmem>>, vector<1x16x512xf32>,
      %scan3A_417 = arith.constant 3 : i32
      %scan3A_418 = arith.addi %scan3A_207, %scan3A_417 : i32
      %get3A_419 = arith.index_cast %scan3A_418 : i32 to index
      %get3A_420 = arith.constant 0 : index
      %get3A_421 = arith.constant 0 : index
      %get3A_422 = vector.load %arg11[%get3A_419, %get3A_420, %get3A_421] : memref<64x16x1536xbf16, #tpu.memory_space<vmem>>, vector<1x16x1536xbf16>
      %get3A_423 = vector.shape_cast %get3A_422 : vector<1x16x1536xbf16> to vector<16x1536xbf16>
      %convert_element_type3A_424 = arith.extf %get3A_423 : vector<16x1536xbf16> to vector<16x1536xf32>
      %convert_element_type3A_425 = arith.truncf %add3A_410 : vector<16x512xf32> to vector<16x512xbf16>
      %get3A_426 = arith.constant 0 : index
      %get3A_427 = arith.constant 0 : index
      %get3A_428 = vector.load %arg5[%get3A_426, %get3A_427] : memref<512x1536xbf16, #tpu.memory_space<vmem>>, vector<512x1024xbf16>
      %dot_general3A_429 = arith.constant dense<0.000000e+00> : vector<16x1024xf32>
      %dot_general3A_430 = tpu.matmul %convert_element_type3A_425, %get3A_428, %dot_general3A_429 {dimension_numbers = #tpu.dot_dimension_numbers<[1], [0], [0], [1], [0, 0, 1, 1], [], []>, transpose_lhs_hint = false} : vector<16x512xbf16>, vector<512x1024xbf16>, vector<16x1024xf32> -> vector<16x1024xf32>
      %get3A_431 = arith.constant 0 : index
      %get3A_432 = arith.constant 0 : index
      %get3A_433 = vector.load %arg6[%get3A_431, %get3A_432] : memref<1x1536xf32, #tpu.memory_space<vmem>>, vector<1x1024xf32>
      %add3A_434 = vector.broadcast %get3A_433 : vector<1x1024xf32> to vector<16x1024xf32>
      %add3A_435 = arith.addf %dot_general3A_430, %add3A_434 : vector<16x1024xf32>
      %get3A_436 = arith.constant 0 : index
      %get3A_437 = arith.constant 1024 : index
      %get3A_438 = vector.load %arg5[%get3A_436, %get3A_437] : memref<512x1536xbf16, #tpu.memory_space<vmem>>, vector<512x512xbf16>
      %dot_general3A_439 = arith.constant dense<0.000000e+00> : vector<16x512xf32>
      %dot_general3A_440 = tpu.matmul %convert_element_type3A_425, %get3A_438, %dot_general3A_439 {dimension_numbers = #tpu.dot_dimension_numbers<[1], [0], [0], [1], [0, 0, 1, 1], [], []>, transpose_lhs_hint = false} : vector<16x512xbf16>, vector<512x512xbf16>, vector<16x512xf32> -> vector<16x512xf32>
      %get3A_441 = arith.constant 0 : index
      %get3A_442 = arith.constant 1024 : index
      %get3A_443 = vector.load %arg6[%get3A_441, %get3A_442] : memref<1x1536xf32, #tpu.memory_space<vmem>>, vector<1x512xf32>
      %add3A_444 = vector.broadcast %get3A_443 : vector<1x512xf32> to vector<16x512xf32>
      %add3A_445 = arith.addf %dot_general3A_440, %add3A_444 : vector<16x512xf32>
      %slice3A_446 = vector.extract_strided_slice %convert_element_type3A_424 {offsets = [0, 0], sizes = [16, 512], strides = [1, 1]} : vector<16x1536xf32> to vector<16x512xf32>
      %slice3A_447 = vector.extract_strided_slice %add3A_435 {offsets = [0, 0], sizes = [16, 512], strides = [1, 1]} : vector<16x1024xf32> to vector<16x512xf32>
      %add3A_448 = arith.addf %slice3A_446, %slice3A_447 : vector<16x512xf32>
      %mul3A_449 = arith.constant 5.000000e-01 : f32
      %mul3A_450 = vector.broadcast %mul3A_449 : f32 to vector<16x512xf32>
      %mul3A_451 = arith.mulf %mul3A_450, %add3A_448 : vector<16x512xf32>
      %tanh3A_452 = math.tanh %mul3A_451 : vector<16x512xf32>
      %mul3A_453 = arith.constant 5.000000e-01 : f32
      %mul3A_454 = vector.broadcast %mul3A_453 : f32 to vector<16x512xf32>
      %mul3A_455 = arith.mulf %mul3A_454, %tanh3A_452 : vector<16x512xf32>
      %add3A_456 = arith.constant 5.000000e-01 : f32
      %add3A_457 = vector.broadcast %add3A_456 : f32 to vector<16x512xf32>
      %add3A_458 = arith.addf %mul3A_455, %add3A_457 : vector<16x512xf32>
      %slice3A_459 = vector.extract_strided_slice %convert_element_type3A_424 {offsets = [0, 512], sizes = [16, 512], strides = [1, 1]} : vector<16x1536xf32> to vector<16x512xf32>
      %slice3A_460 = vector.extract_strided_slice %add3A_435 {offsets = [0, 512], sizes = [16, 512], strides = [1, 1]} : vector<16x1024xf32> to vector<16x512xf32>
      %add3A_461 = arith.addf %slice3A_459, %slice3A_460 : vector<16x512xf32>
      %mul3A_462 = arith.constant 5.000000e-01 : f32
      %mul3A_463 = vector.broadcast %mul3A_462 : f32 to vector<16x512xf32>
      %mul3A_464 = arith.mulf %mul3A_463, %add3A_461 : vector<16x512xf32>
      %tanh3A_465 = math.tanh %mul3A_464 : vector<16x512xf32>
      %mul3A_466 = arith.constant 5.000000e-01 : f32
      %mul3A_467 = vector.broadcast %mul3A_466 : f32 to vector<16x512xf32>
      %mul3A_468 = arith.mulf %mul3A_467, %tanh3A_465 : vector<16x512xf32>
      %add3A_469 = arith.constant 5.000000e-01 : f32
      %add3A_470 = vector.broadcast %add3A_469 : f32 to vector<16x512xf32>
      %add3A_471 = arith.addf %mul3A_468, %add3A_470 : vector<16x512xf32>
      %slice3A_472 = vector.extract_strided_slice %convert_element_type3A_424 {offsets = [0, 1024], sizes = [16, 512], strides = [1, 1]} : vector<16x1536xf32> to vector<16x512xf32>
      %mul3A_473 = arith.mulf %add3A_458, %add3A_445 : vector<16x512xf32>
      %add3A_474 = arith.addf %slice3A_472, %mul3A_473 : vector<16x512xf32>
      %tanh3A_475 = math.tanh %add3A_474 : vector<16x512xf32>
      %sub3A_476 = arith.constant 1.000000e+00 : f32
      %sub3A_477 = vector.broadcast %sub3A_476 : f32 to vector<16x512xf32>
      %sub3A_478 = arith.subf %sub3A_477, %add3A_471 : vector<16x512xf32>
      %mul3A_479 = arith.mulf %sub3A_478, %tanh3A_475 : vector<16x512xf32>
      %mul3A_480 = arith.mulf %add3A_471, %add3A_410 : vector<16x512xf32>
      %add3A_481 = arith.addf %mul3A_479, %mul3A_480 : vector<16x512xf32>
      %swap3A_482 = arith.index_cast %scan3A_418 : i32 to index
      %swap3A_483 = arith.constant 0 : index
      %swap3A_484 = arith.constant 0 : index
      %swap3A_485 = vector.load %arg12[%swap3A_482, %swap3A_483, %swap3A_484] : memref<64x16x512xf32, #tpu.memory_space<vmem>>, vector<1x16x512xf32>
      %swap3A_486 = vector.shape_cast %swap3A_485 : vector<1x16x512xf32> to vector<16x512xf32>
      %swap3A_487 = vector.shape_cast %add3A_481 : vector<16x512xf32> to vector<1x16x512xf32>
      tpu.vector_store %arg12[%swap3A_482, %swap3A_483, %swap3A_484], %swap3A_487 {strides = array<i32>} : memref<64x16x512xf32, #tpu.memory_space<vmem>>, vector<1x16x512xf32>,
      scf.yield %add3A_481 : vector<16x512xf32>
    }
    %scan3A_24 = arith.constant 64 : i32
    %swap3A_25 = arith.constant 0 : index
    %swap3A_26 = arith.constant 0 : index
    %swap3A_27 = vector.load %arg13[%swap3A_25, %swap3A_26] : memref<16x512xf32, #tpu.memory_space<vmem>>, vector<16x512xf32>
    tpu.vector_store %arg13[%swap3A_25, %swap3A_26], %scan3A_23 {strides = array<i32>} : memref<16x512xf32, #tpu.memory_space<vmem>>, vector<16x512xf32>,
    %swap3A_28 = arith.constant 0 : index
    %swap3A_29 = arith.constant 0 : index
    %swap3A_30 = vector.load %arg9[%swap3A_28, %swap3A_29] : memref<16x512xf32, #tpu.memory_space<vmem>>, vector<16x512xf32>
    tpu.vector_store %arg9[%swap3A_28, %swap3A_29], %scan3A_23 {strides = array<i32>} : memref<16x512xf32, #tpu.memory_space<vmem>>, vector<16x512xf32>,
    %mul3A = arith.constant 64 : i32
    %mul3A_31 = arith.muli %arg0, %mul3A : i32
    %add3A_32 = arith.constant 320 : i32
    %add3A_33 = arith.addi %add3A_32, %mul3A_31 : i32
    %get3A_34 = arith.constant 0 : index
    %get3A_35 = arith.constant 0 : index
    %get3A_36 = memref.load %arg1[%get3A_34, %get3A_35] : memref<1x16xi32, #tpu.memory_space<smem>>
    %ge3A = arith.cmpi sge, %get3A_36, %add3A_33 : i32
    %add3A_37 = arith.constant 64 : i32
    %add3A_38 = arith.addi %add3A_33, %add3A_37 : i32
    %lt3A = arith.cmpi slt, %get3A_36, %add3A_38 : i32
    %and3A = arith.andi %ge3A, %lt3A : i1
    %convert_element_type3A_39 = arith.extui %and3A : i1 to i32
    %cond3A_40 = arith.constant 0 : i32
    %cond3A_41 = arith.cmpi ne, %convert_element_type3A_39, %cond3A_40 : i32
    scf.if %cond3A_41 {
      %sub3A = arith.subi %get3A_36, %add3A_33 : i32
      %get3A_207 = arith.index_cast %sub3A : i32 to index
      %get3A_208 = arith.constant 0 : index
      %get3A_209 = arith.constant 0 : index
      %get3A_210 = vector.load %arg12[%get3A_207, %get3A_208, %get3A_209] : memref<64x16x512xf32, #tpu.memory_space<vmem>>, vector<1x1x512xf32>
      %get3A_211 = vector.shape_cast %get3A_210 : vector<1x1x512xf32> to vector<512xf32>
      %swap3A_212 = arith.constant 0 : index
      %swap3A_213 = arith.constant 0 : index
      %swap3A_214 = vector.load %arg10[%swap3A_212, %swap3A_213] : memref<16x512xf32, #tpu.memory_space<vmem>>, vector<1x512xf32>
      %swap3A_215 = vector.shape_cast %swap3A_214 : vector<1x512xf32> to vector<512xf32>
      %swap3A_216 = vector.shape_cast %get3A_211 : vector<512xf32> to vector<1x512xf32>
      tpu.vector_store %arg10[%swap3A_212, %swap3A_213], %swap3A_216 {strides = array<i32>} : memref<16x512xf32, #tpu.memory_space<vmem>>, vector<1x512xf32>,
    } else {
    }
    %get3A_42 = arith.constant 0 : index
    %get3A_43 = arith.constant 1 : index
    %get3A_44 = memref.load %arg1[%get3A_42, %get3A_43] : memref<1x16xi32, #tpu.memory_space<smem>>
    %ge3A_45 = arith.cmpi sge, %get3A_44, %add3A_33 : i32
    %add3A_46 = arith.constant 64 : i32
    %add3A_47 = arith.addi %add3A_33, %add3A_46 : i32
    %lt3A_48 = arith.cmpi slt, %get3A_44, %add3A_47 : i32
    %and3A_49 = arith.andi %ge3A_45, %lt3A_48 : i1
    %convert_element_type3A_50 = arith.extui %and3A_49 : i1 to i32
    %cond3A_51 = arith.constant 0 : i32
    %cond3A_52 = arith.cmpi ne, %convert_element_type3A_50, %cond3A_51 : i32
    scf.if %cond3A_52 {
      %sub3A = arith.subi %get3A_44, %add3A_33 : i32
      %get3A_207 = arith.index_cast %sub3A : i32 to index
      %get3A_208 = arith.constant 1 : index
      %get3A_209 = arith.constant 0 : index
      %get3A_210 = vector.load %arg12[%get3A_207, %get3A_208, %get3A_209] : memref<64x16x512xf32, #tpu.memory_space<vmem>>, vector<1x1x512xf32>
      %get3A_211 = vector.shape_cast %get3A_210 : vector<1x1x512xf32> to vector<512xf32>
      %swap3A_212 = arith.constant 1 : index
      %swap3A_213 = arith.constant 0 : index
      %swap3A_214 = vector.load %arg10[%swap3A_212, %swap3A_213] : memref<16x512xf32, #tpu.memory_space<vmem>>, vector<1x512xf32>
      %swap3A_215 = vector.shape_cast %swap3A_214 : vector<1x512xf32> to vector<512xf32>
      %swap3A_216 = vector.shape_cast %get3A_211 : vector<512xf32> to vector<1x512xf32>
      tpu.vector_store %arg10[%swap3A_212, %swap3A_213], %swap3A_216 {strides = array<i32>} : memref<16x512xf32, #tpu.memory_space<vmem>>, vector<1x512xf32>,
    } else {
    }
    %get3A_53 = arith.constant 0 : index
    %get3A_54 = arith.constant 2 : index
    %get3A_55 = memref.load %arg1[%get3A_53, %get3A_54] : memref<1x16xi32, #tpu.memory_space<smem>>
    %ge3A_56 = arith.cmpi sge, %get3A_55, %add3A_33 : i32
    %add3A_57 = arith.constant 64 : i32
    %add3A_58 = arith.addi %add3A_33, %add3A_57 : i32
    %lt3A_59 = arith.cmpi slt, %get3A_55, %add3A_58 : i32
    %and3A_60 = arith.andi %ge3A_56, %lt3A_59 : i1
    %convert_element_type3A_61 = arith.extui %and3A_60 : i1 to i32
    %cond3A_62 = arith.constant 0 : i32
    %cond3A_63 = arith.cmpi ne, %convert_element_type3A_61, %cond3A_62 : i32
    scf.if %cond3A_63 {
      %sub3A = arith.subi %get3A_55, %add3A_33 : i32
      %get3A_207 = arith.index_cast %sub3A : i32 to index
      %get3A_208 = arith.constant 2 : index
      %get3A_209 = arith.constant 0 : index
      %get3A_210 = vector.load %arg12[%get3A_207, %get3A_208, %get3A_209] : memref<64x16x512xf32, #tpu.memory_space<vmem>>, vector<1x1x512xf32>
      %get3A_211 = vector.shape_cast %get3A_210 : vector<1x1x512xf32> to vector<512xf32>
      %swap3A_212 = arith.constant 2 : index
      %swap3A_213 = arith.constant 0 : index
      %swap3A_214 = vector.load %arg10[%swap3A_212, %swap3A_213] : memref<16x512xf32, #tpu.memory_space<vmem>>, vector<1x512xf32>
      %swap3A_215 = vector.shape_cast %swap3A_214 : vector<1x512xf32> to vector<512xf32>
      %swap3A_216 = vector.shape_cast %get3A_211 : vector<512xf32> to vector<1x512xf32>
      tpu.vector_store %arg10[%swap3A_212, %swap3A_213], %swap3A_216 {strides = array<i32>} : memref<16x512xf32, #tpu.memory_space<vmem>>, vector<1x512xf32>,
    } else {
    }
    %get3A_64 = arith.constant 0 : index
    %get3A_65 = arith.constant 3 : index
    %get3A_66 = memref.load %arg1[%get3A_64, %get3A_65] : memref<1x16xi32, #tpu.memory_space<smem>>
    %ge3A_67 = arith.cmpi sge, %get3A_66, %add3A_33 : i32
    %add3A_68 = arith.constant 64 : i32
    %add3A_69 = arith.addi %add3A_33, %add3A_68 : i32
    %lt3A_70 = arith.cmpi slt, %get3A_66, %add3A_69 : i32
    %and3A_71 = arith.andi %ge3A_67, %lt3A_70 : i1
    %convert_element_type3A_72 = arith.extui %and3A_71 : i1 to i32
    %cond3A_73 = arith.constant 0 : i32
    %cond3A_74 = arith.cmpi ne, %convert_element_type3A_72, %cond3A_73 : i32
    scf.if %cond3A_74 {
      %sub3A = arith.subi %get3A_66, %add3A_33 : i32
      %get3A_207 = arith.index_cast %sub3A : i32 to index
      %get3A_208 = arith.constant 3 : index
      %get3A_209 = arith.constant 0 : index
      %get3A_210 = vector.load %arg12[%get3A_207, %get3A_208, %get3A_209] : memref<64x16x512xf32, #tpu.memory_space<vmem>>, vector<1x1x512xf32>
      %get3A_211 = vector.shape_cast %get3A_210 : vector<1x1x512xf32> to vector<512xf32>
      %swap3A_212 = arith.constant 3 : index
      %swap3A_213 = arith.constant 0 : index
      %swap3A_214 = vector.load %arg10[%swap3A_212, %swap3A_213] : memref<16x512xf32, #tpu.memory_space<vmem>>, vector<1x512xf32>
      %swap3A_215 = vector.shape_cast %swap3A_214 : vector<1x512xf32> to vector<512xf32>
      %swap3A_216 = vector.shape_cast %get3A_211 : vector<512xf32> to vector<1x512xf32>
      tpu.vector_store %arg10[%swap3A_212, %swap3A_213], %swap3A_216 {strides = array<i32>} : memref<16x512xf32, #tpu.memory_space<vmem>>, vector<1x512xf32>,
    } else {
    }
    %get3A_75 = arith.constant 0 : index
    %get3A_76 = arith.constant 4 : index
    %get3A_77 = memref.load %arg1[%get3A_75, %get3A_76] : memref<1x16xi32, #tpu.memory_space<smem>>
    %ge3A_78 = arith.cmpi sge, %get3A_77, %add3A_33 : i32
    %add3A_79 = arith.constant 64 : i32
    %add3A_80 = arith.addi %add3A_33, %add3A_79 : i32
    %lt3A_81 = arith.cmpi slt, %get3A_77, %add3A_80 : i32
    %and3A_82 = arith.andi %ge3A_78, %lt3A_81 : i1
    %convert_element_type3A_83 = arith.extui %and3A_82 : i1 to i32
    %cond3A_84 = arith.constant 0 : i32
    %cond3A_85 = arith.cmpi ne, %convert_element_type3A_83, %cond3A_84 : i32
    scf.if %cond3A_85 {
      %sub3A = arith.subi %get3A_77, %add3A_33 : i32
      %get3A_207 = arith.index_cast %sub3A : i32 to index
      %get3A_208 = arith.constant 4 : index
      %get3A_209 = arith.constant 0 : index
      %get3A_210 = vector.load %arg12[%get3A_207, %get3A_208, %get3A_209] : memref<64x16x512xf32, #tpu.memory_space<vmem>>, vector<1x1x512xf32>
      %get3A_211 = vector.shape_cast %get3A_210 : vector<1x1x512xf32> to vector<512xf32>
      %swap3A_212 = arith.constant 4 : index
      %swap3A_213 = arith.constant 0 : index
      %swap3A_214 = vector.load %arg10[%swap3A_212, %swap3A_213] : memref<16x512xf32, #tpu.memory_space<vmem>>, vector<1x512xf32>
      %swap3A_215 = vector.shape_cast %swap3A_214 : vector<1x512xf32> to vector<512xf32>
      %swap3A_216 = vector.shape_cast %get3A_211 : vector<512xf32> to vector<1x512xf32>
      tpu.vector_store %arg10[%swap3A_212, %swap3A_213], %swap3A_216 {strides = array<i32>} : memref<16x512xf32, #tpu.memory_space<vmem>>, vector<1x512xf32>,
    } else {
    }
    %get3A_86 = arith.constant 0 : index
    %get3A_87 = arith.constant 5 : index
    %get3A_88 = memref.load %arg1[%get3A_86, %get3A_87] : memref<1x16xi32, #tpu.memory_space<smem>>
    %ge3A_89 = arith.cmpi sge, %get3A_88, %add3A_33 : i32
    %add3A_90 = arith.constant 64 : i32
    %add3A_91 = arith.addi %add3A_33, %add3A_90 : i32
    %lt3A_92 = arith.cmpi slt, %get3A_88, %add3A_91 : i32
    %and3A_93 = arith.andi %ge3A_89, %lt3A_92 : i1
    %convert_element_type3A_94 = arith.extui %and3A_93 : i1 to i32
    %cond3A_95 = arith.constant 0 : i32
    %cond3A_96 = arith.cmpi ne, %convert_element_type3A_94, %cond3A_95 : i32
    scf.if %cond3A_96 {
      %sub3A = arith.subi %get3A_88, %add3A_33 : i32
      %get3A_207 = arith.index_cast %sub3A : i32 to index
      %get3A_208 = arith.constant 5 : index
      %get3A_209 = arith.constant 0 : index
      %get3A_210 = vector.load %arg12[%get3A_207, %get3A_208, %get3A_209] : memref<64x16x512xf32, #tpu.memory_space<vmem>>, vector<1x1x512xf32>
      %get3A_211 = vector.shape_cast %get3A_210 : vector<1x1x512xf32> to vector<512xf32>
      %swap3A_212 = arith.constant 5 : index
      %swap3A_213 = arith.constant 0 : index
      %swap3A_214 = vector.load %arg10[%swap3A_212, %swap3A_213] : memref<16x512xf32, #tpu.memory_space<vmem>>, vector<1x512xf32>
      %swap3A_215 = vector.shape_cast %swap3A_214 : vector<1x512xf32> to vector<512xf32>
      %swap3A_216 = vector.shape_cast %get3A_211 : vector<512xf32> to vector<1x512xf32>
      tpu.vector_store %arg10[%swap3A_212, %swap3A_213], %swap3A_216 {strides = array<i32>} : memref<16x512xf32, #tpu.memory_space<vmem>>, vector<1x512xf32>,
    } else {
    }
    %get3A_97 = arith.constant 0 : index
    %get3A_98 = arith.constant 6 : index
    %get3A_99 = memref.load %arg1[%get3A_97, %get3A_98] : memref<1x16xi32, #tpu.memory_space<smem>>
    %ge3A_100 = arith.cmpi sge, %get3A_99, %add3A_33 : i32
    %add3A_101 = arith.constant 64 : i32
    %add3A_102 = arith.addi %add3A_33, %add3A_101 : i32
    %lt3A_103 = arith.cmpi slt, %get3A_99, %add3A_102 : i32
    %and3A_104 = arith.andi %ge3A_100, %lt3A_103 : i1
    %convert_element_type3A_105 = arith.extui %and3A_104 : i1 to i32
    %cond3A_106 = arith.constant 0 : i32
    %cond3A_107 = arith.cmpi ne, %convert_element_type3A_105, %cond3A_106 : i32
    scf.if %cond3A_107 {
      %sub3A = arith.subi %get3A_99, %add3A_33 : i32
      %get3A_207 = arith.index_cast %sub3A : i32 to index
      %get3A_208 = arith.constant 6 : index
      %get3A_209 = arith.constant 0 : index
      %get3A_210 = vector.load %arg12[%get3A_207, %get3A_208, %get3A_209] : memref<64x16x512xf32, #tpu.memory_space<vmem>>, vector<1x1x512xf32>
      %get3A_211 = vector.shape_cast %get3A_210 : vector<1x1x512xf32> to vector<512xf32>
      %swap3A_212 = arith.constant 6 : index
      %swap3A_213 = arith.constant 0 : index
      %swap3A_214 = vector.load %arg10[%swap3A_212, %swap3A_213] : memref<16x512xf32, #tpu.memory_space<vmem>>, vector<1x512xf32>
      %swap3A_215 = vector.shape_cast %swap3A_214 : vector<1x512xf32> to vector<512xf32>
      %swap3A_216 = vector.shape_cast %get3A_211 : vector<512xf32> to vector<1x512xf32>
      tpu.vector_store %arg10[%swap3A_212, %swap3A_213], %swap3A_216 {strides = array<i32>} : memref<16x512xf32, #tpu.memory_space<vmem>>, vector<1x512xf32>,
    } else {
    }
    %get3A_108 = arith.constant 0 : index
    %get3A_109 = arith.constant 7 : index
    %get3A_110 = memref.load %arg1[%get3A_108, %get3A_109] : memref<1x16xi32, #tpu.memory_space<smem>>
    %ge3A_111 = arith.cmpi sge, %get3A_110, %add3A_33 : i32
    %add3A_112 = arith.constant 64 : i32
    %add3A_113 = arith.addi %add3A_33, %add3A_112 : i32
    %lt3A_114 = arith.cmpi slt, %get3A_110, %add3A_113 : i32
    %and3A_115 = arith.andi %ge3A_111, %lt3A_114 : i1
    %convert_element_type3A_116 = arith.extui %and3A_115 : i1 to i32
    %cond3A_117 = arith.constant 0 : i32
    %cond3A_118 = arith.cmpi ne, %convert_element_type3A_116, %cond3A_117 : i32
    scf.if %cond3A_118 {
      %sub3A = arith.subi %get3A_110, %add3A_33 : i32
      %get3A_207 = arith.index_cast %sub3A : i32 to index
      %get3A_208 = arith.constant 7 : index
      %get3A_209 = arith.constant 0 : index
      %get3A_210 = vector.load %arg12[%get3A_207, %get3A_208, %get3A_209] : memref<64x16x512xf32, #tpu.memory_space<vmem>>, vector<1x1x512xf32>
      %get3A_211 = vector.shape_cast %get3A_210 : vector<1x1x512xf32> to vector<512xf32>
      %swap3A_212 = arith.constant 7 : index
      %swap3A_213 = arith.constant 0 : index
      %swap3A_214 = vector.load %arg10[%swap3A_212, %swap3A_213] : memref<16x512xf32, #tpu.memory_space<vmem>>, vector<1x512xf32>
      %swap3A_215 = vector.shape_cast %swap3A_214 : vector<1x512xf32> to vector<512xf32>
      %swap3A_216 = vector.shape_cast %get3A_211 : vector<512xf32> to vector<1x512xf32>
      tpu.vector_store %arg10[%swap3A_212, %swap3A_213], %swap3A_216 {strides = array<i32>} : memref<16x512xf32, #tpu.memory_space<vmem>>, vector<1x512xf32>,
    } else {
    }
    %get3A_119 = arith.constant 0 : index
    %get3A_120 = arith.constant 8 : index
    %get3A_121 = memref.load %arg1[%get3A_119, %get3A_120] : memref<1x16xi32, #tpu.memory_space<smem>>
    %ge3A_122 = arith.cmpi sge, %get3A_121, %add3A_33 : i32
    %add3A_123 = arith.constant 64 : i32
    %add3A_124 = arith.addi %add3A_33, %add3A_123 : i32
    %lt3A_125 = arith.cmpi slt, %get3A_121, %add3A_124 : i32
    %and3A_126 = arith.andi %ge3A_122, %lt3A_125 : i1
    %convert_element_type3A_127 = arith.extui %and3A_126 : i1 to i32
    %cond3A_128 = arith.constant 0 : i32
    %cond3A_129 = arith.cmpi ne, %convert_element_type3A_127, %cond3A_128 : i32
    scf.if %cond3A_129 {
      %sub3A = arith.subi %get3A_121, %add3A_33 : i32
      %get3A_207 = arith.index_cast %sub3A : i32 to index
      %get3A_208 = arith.constant 8 : index
      %get3A_209 = arith.constant 0 : index
      %get3A_210 = vector.load %arg12[%get3A_207, %get3A_208, %get3A_209] : memref<64x16x512xf32, #tpu.memory_space<vmem>>, vector<1x1x512xf32>
      %get3A_211 = vector.shape_cast %get3A_210 : vector<1x1x512xf32> to vector<512xf32>
      %swap3A_212 = arith.constant 8 : index
      %swap3A_213 = arith.constant 0 : index
      %swap3A_214 = vector.load %arg10[%swap3A_212, %swap3A_213] : memref<16x512xf32, #tpu.memory_space<vmem>>, vector<1x512xf32>
      %swap3A_215 = vector.shape_cast %swap3A_214 : vector<1x512xf32> to vector<512xf32>
      %swap3A_216 = vector.shape_cast %get3A_211 : vector<512xf32> to vector<1x512xf32>
      tpu.vector_store %arg10[%swap3A_212, %swap3A_213], %swap3A_216 {strides = array<i32>} : memref<16x512xf32, #tpu.memory_space<vmem>>, vector<1x512xf32>,
    } else {
    }
    %get3A_130 = arith.constant 0 : index
    %get3A_131 = arith.constant 9 : index
    %get3A_132 = memref.load %arg1[%get3A_130, %get3A_131] : memref<1x16xi32, #tpu.memory_space<smem>>
    %ge3A_133 = arith.cmpi sge, %get3A_132, %add3A_33 : i32
    %add3A_134 = arith.constant 64 : i32
    %add3A_135 = arith.addi %add3A_33, %add3A_134 : i32
    %lt3A_136 = arith.cmpi slt, %get3A_132, %add3A_135 : i32
    %and3A_137 = arith.andi %ge3A_133, %lt3A_136 : i1
    %convert_element_type3A_138 = arith.extui %and3A_137 : i1 to i32
    %cond3A_139 = arith.constant 0 : i32
    %cond3A_140 = arith.cmpi ne, %convert_element_type3A_138, %cond3A_139 : i32
    scf.if %cond3A_140 {
      %sub3A = arith.subi %get3A_132, %add3A_33 : i32
      %get3A_207 = arith.index_cast %sub3A : i32 to index
      %get3A_208 = arith.constant 9 : index
      %get3A_209 = arith.constant 0 : index
      %get3A_210 = vector.load %arg12[%get3A_207, %get3A_208, %get3A_209] : memref<64x16x512xf32, #tpu.memory_space<vmem>>, vector<1x1x512xf32>
      %get3A_211 = vector.shape_cast %get3A_210 : vector<1x1x512xf32> to vector<512xf32>
      %swap3A_212 = arith.constant 9 : index
      %swap3A_213 = arith.constant 0 : index
      %swap3A_214 = vector.load %arg10[%swap3A_212, %swap3A_213] : memref<16x512xf32, #tpu.memory_space<vmem>>, vector<1x512xf32>
      %swap3A_215 = vector.shape_cast %swap3A_214 : vector<1x512xf32> to vector<512xf32>
      %swap3A_216 = vector.shape_cast %get3A_211 : vector<512xf32> to vector<1x512xf32>
      tpu.vector_store %arg10[%swap3A_212, %swap3A_213], %swap3A_216 {strides = array<i32>} : memref<16x512xf32, #tpu.memory_space<vmem>>, vector<1x512xf32>,
    } else {
    }
    %get3A_141 = arith.constant 0 : index
    %get3A_142 = arith.constant 10 : index
    %get3A_143 = memref.load %arg1[%get3A_141, %get3A_142] : memref<1x16xi32, #tpu.memory_space<smem>>
    %ge3A_144 = arith.cmpi sge, %get3A_143, %add3A_33 : i32
    %add3A_145 = arith.constant 64 : i32
    %add3A_146 = arith.addi %add3A_33, %add3A_145 : i32
    %lt3A_147 = arith.cmpi slt, %get3A_143, %add3A_146 : i32
    %and3A_148 = arith.andi %ge3A_144, %lt3A_147 : i1
    %convert_element_type3A_149 = arith.extui %and3A_148 : i1 to i32
    %cond3A_150 = arith.constant 0 : i32
    %cond3A_151 = arith.cmpi ne, %convert_element_type3A_149, %cond3A_150 : i32
    scf.if %cond3A_151 {
      %sub3A = arith.subi %get3A_143, %add3A_33 : i32
      %get3A_207 = arith.index_cast %sub3A : i32 to index
      %get3A_208 = arith.constant 10 : index
      %get3A_209 = arith.constant 0 : index
      %get3A_210 = vector.load %arg12[%get3A_207, %get3A_208, %get3A_209] : memref<64x16x512xf32, #tpu.memory_space<vmem>>, vector<1x1x512xf32>
      %get3A_211 = vector.shape_cast %get3A_210 : vector<1x1x512xf32> to vector<512xf32>
      %swap3A_212 = arith.constant 10 : index
      %swap3A_213 = arith.constant 0 : index
      %swap3A_214 = vector.load %arg10[%swap3A_212, %swap3A_213] : memref<16x512xf32, #tpu.memory_space<vmem>>, vector<1x512xf32>
      %swap3A_215 = vector.shape_cast %swap3A_214 : vector<1x512xf32> to vector<512xf32>
      %swap3A_216 = vector.shape_cast %get3A_211 : vector<512xf32> to vector<1x512xf32>
      tpu.vector_store %arg10[%swap3A_212, %swap3A_213], %swap3A_216 {strides = array<i32>} : memref<16x512xf32, #tpu.memory_space<vmem>>, vector<1x512xf32>,
    } else {
    }
    %get3A_152 = arith.constant 0 : index
    %get3A_153 = arith.constant 11 : index
    %get3A_154 = memref.load %arg1[%get3A_152, %get3A_153] : memref<1x16xi32, #tpu.memory_space<smem>>
    %ge3A_155 = arith.cmpi sge, %get3A_154, %add3A_33 : i32
    %add3A_156 = arith.constant 64 : i32
    %add3A_157 = arith.addi %add3A_33, %add3A_156 : i32
    %lt3A_158 = arith.cmpi slt, %get3A_154, %add3A_157 : i32
    %and3A_159 = arith.andi %ge3A_155, %lt3A_158 : i1
    %convert_element_type3A_160 = arith.extui %and3A_159 : i1 to i32
    %cond3A_161 = arith.constant 0 : i32
    %cond3A_162 = arith.cmpi ne, %convert_element_type3A_160, %cond3A_161 : i32
    scf.if %cond3A_162 {
      %sub3A = arith.subi %get3A_154, %add3A_33 : i32
      %get3A_207 = arith.index_cast %sub3A : i32 to index
      %get3A_208 = arith.constant 11 : index
      %get3A_209 = arith.constant 0 : index
      %get3A_210 = vector.load %arg12[%get3A_207, %get3A_208, %get3A_209] : memref<64x16x512xf32, #tpu.memory_space<vmem>>, vector<1x1x512xf32>
      %get3A_211 = vector.shape_cast %get3A_210 : vector<1x1x512xf32> to vector<512xf32>
      %swap3A_212 = arith.constant 11 : index
      %swap3A_213 = arith.constant 0 : index
      %swap3A_214 = vector.load %arg10[%swap3A_212, %swap3A_213] : memref<16x512xf32, #tpu.memory_space<vmem>>, vector<1x512xf32>
      %swap3A_215 = vector.shape_cast %swap3A_214 : vector<1x512xf32> to vector<512xf32>
      %swap3A_216 = vector.shape_cast %get3A_211 : vector<512xf32> to vector<1x512xf32>
      tpu.vector_store %arg10[%swap3A_212, %swap3A_213], %swap3A_216 {strides = array<i32>} : memref<16x512xf32, #tpu.memory_space<vmem>>, vector<1x512xf32>,
    } else {
    }
    %get3A_163 = arith.constant 0 : index
    %get3A_164 = arith.constant 12 : index
    %get3A_165 = memref.load %arg1[%get3A_163, %get3A_164] : memref<1x16xi32, #tpu.memory_space<smem>>
    %ge3A_166 = arith.cmpi sge, %get3A_165, %add3A_33 : i32
    %add3A_167 = arith.constant 64 : i32
    %add3A_168 = arith.addi %add3A_33, %add3A_167 : i32
    %lt3A_169 = arith.cmpi slt, %get3A_165, %add3A_168 : i32
    %and3A_170 = arith.andi %ge3A_166, %lt3A_169 : i1
    %convert_element_type3A_171 = arith.extui %and3A_170 : i1 to i32
    %cond3A_172 = arith.constant 0 : i32
    %cond3A_173 = arith.cmpi ne, %convert_element_type3A_171, %cond3A_172 : i32
    scf.if %cond3A_173 {
      %sub3A = arith.subi %get3A_165, %add3A_33 : i32
      %get3A_207 = arith.index_cast %sub3A : i32 to index
      %get3A_208 = arith.constant 12 : index
      %get3A_209 = arith.constant 0 : index
      %get3A_210 = vector.load %arg12[%get3A_207, %get3A_208, %get3A_209] : memref<64x16x512xf32, #tpu.memory_space<vmem>>, vector<1x1x512xf32>
      %get3A_211 = vector.shape_cast %get3A_210 : vector<1x1x512xf32> to vector<512xf32>
      %swap3A_212 = arith.constant 12 : index
      %swap3A_213 = arith.constant 0 : index
      %swap3A_214 = vector.load %arg10[%swap3A_212, %swap3A_213] : memref<16x512xf32, #tpu.memory_space<vmem>>, vector<1x512xf32>
      %swap3A_215 = vector.shape_cast %swap3A_214 : vector<1x512xf32> to vector<512xf32>
      %swap3A_216 = vector.shape_cast %get3A_211 : vector<512xf32> to vector<1x512xf32>
      tpu.vector_store %arg10[%swap3A_212, %swap3A_213], %swap3A_216 {strides = array<i32>} : memref<16x512xf32, #tpu.memory_space<vmem>>, vector<1x512xf32>,
    } else {
    }
    %get3A_174 = arith.constant 0 : index
    %get3A_175 = arith.constant 13 : index
    %get3A_176 = memref.load %arg1[%get3A_174, %get3A_175] : memref<1x16xi32, #tpu.memory_space<smem>>
    %ge3A_177 = arith.cmpi sge, %get3A_176, %add3A_33 : i32
    %add3A_178 = arith.constant 64 : i32
    %add3A_179 = arith.addi %add3A_33, %add3A_178 : i32
    %lt3A_180 = arith.cmpi slt, %get3A_176, %add3A_179 : i32
    %and3A_181 = arith.andi %ge3A_177, %lt3A_180 : i1
    %convert_element_type3A_182 = arith.extui %and3A_181 : i1 to i32
    %cond3A_183 = arith.constant 0 : i32
    %cond3A_184 = arith.cmpi ne, %convert_element_type3A_182, %cond3A_183 : i32
    scf.if %cond3A_184 {
      %sub3A = arith.subi %get3A_176, %add3A_33 : i32
      %get3A_207 = arith.index_cast %sub3A : i32 to index
      %get3A_208 = arith.constant 13 : index
      %get3A_209 = arith.constant 0 : index
      %get3A_210 = vector.load %arg12[%get3A_207, %get3A_208, %get3A_209] : memref<64x16x512xf32, #tpu.memory_space<vmem>>, vector<1x1x512xf32>
      %get3A_211 = vector.shape_cast %get3A_210 : vector<1x1x512xf32> to vector<512xf32>
      %swap3A_212 = arith.constant 13 : index
      %swap3A_213 = arith.constant 0 : index
      %swap3A_214 = vector.load %arg10[%swap3A_212, %swap3A_213] : memref<16x512xf32, #tpu.memory_space<vmem>>, vector<1x512xf32>
      %swap3A_215 = vector.shape_cast %swap3A_214 : vector<1x512xf32> to vector<512xf32>
      %swap3A_216 = vector.shape_cast %get3A_211 : vector<512xf32> to vector<1x512xf32>
      tpu.vector_store %arg10[%swap3A_212, %swap3A_213], %swap3A_216 {strides = array<i32>} : memref<16x512xf32, #tpu.memory_space<vmem>>, vector<1x512xf32>,
    } else {
    }
    %get3A_185 = arith.constant 0 : index
    %get3A_186 = arith.constant 14 : index
    %get3A_187 = memref.load %arg1[%get3A_185, %get3A_186] : memref<1x16xi32, #tpu.memory_space<smem>>
    %ge3A_188 = arith.cmpi sge, %get3A_187, %add3A_33 : i32
    %add3A_189 = arith.constant 64 : i32
    %add3A_190 = arith.addi %add3A_33, %add3A_189 : i32
    %lt3A_191 = arith.cmpi slt, %get3A_187, %add3A_190 : i32
    %and3A_192 = arith.andi %ge3A_188, %lt3A_191 : i1
    %convert_element_type3A_193 = arith.extui %and3A_192 : i1 to i32
    %cond3A_194 = arith.constant 0 : i32
    %cond3A_195 = arith.cmpi ne, %convert_element_type3A_193, %cond3A_194 : i32
    scf.if %cond3A_195 {
      %sub3A = arith.subi %get3A_187, %add3A_33 : i32
      %get3A_207 = arith.index_cast %sub3A : i32 to index
      %get3A_208 = arith.constant 14 : index
      %get3A_209 = arith.constant 0 : index
      %get3A_210 = vector.load %arg12[%get3A_207, %get3A_208, %get3A_209] : memref<64x16x512xf32, #tpu.memory_space<vmem>>, vector<1x1x512xf32>
      %get3A_211 = vector.shape_cast %get3A_210 : vector<1x1x512xf32> to vector<512xf32>
      %swap3A_212 = arith.constant 14 : index
      %swap3A_213 = arith.constant 0 : index
      %swap3A_214 = vector.load %arg10[%swap3A_212, %swap3A_213] : memref<16x512xf32, #tpu.memory_space<vmem>>, vector<1x512xf32>
      %swap3A_215 = vector.shape_cast %swap3A_214 : vector<1x512xf32> to vector<512xf32>
      %swap3A_216 = vector.shape_cast %get3A_211 : vector<512xf32> to vector<1x512xf32>
      tpu.vector_store %arg10[%swap3A_212, %swap3A_213], %swap3A_216 {strides = array<i32>} : memref<16x512xf32, #tpu.memory_space<vmem>>, vector<1x512xf32>,
    } else {
    }
    %get3A_196 = arith.constant 0 : index
    %get3A_197 = arith.constant 15 : index
    %get3A_198 = memref.load %arg1[%get3A_196, %get3A_197] : memref<1x16xi32, #tpu.memory_space<smem>>
    %ge3A_199 = arith.cmpi sge, %get3A_198, %add3A_33 : i32
    %add3A_200 = arith.constant 64 : i32
    %add3A_201 = arith.addi %add3A_33, %add3A_200 : i32
    %lt3A_202 = arith.cmpi slt, %get3A_198, %add3A_201 : i32
    %and3A_203 = arith.andi %ge3A_199, %lt3A_202 : i1
    %convert_element_type3A_204 = arith.extui %and3A_203 : i1 to i32
    %cond3A_205 = arith.constant 0 : i32
    %cond3A_206 = arith.cmpi ne, %convert_element_type3A_204, %cond3A_205 : i32
    scf.if %cond3A_206 {
      %sub3A = arith.subi %get3A_198, %add3A_33 : i32
      %get3A_207 = arith.index_cast %sub3A : i32 to index
      %get3A_208 = arith.constant 15 : index
      %get3A_209 = arith.constant 0 : index
      %get3A_210 = vector.load %arg12[%get3A_207, %get3A_208, %get3A_209] : memref<64x16x512xf32, #tpu.memory_space<vmem>>, vector<1x1x512xf32>
      %get3A_211 = vector.shape_cast %get3A_210 : vector<1x1x512xf32> to vector<512xf32>
      %swap3A_212 = arith.constant 15 : index
      %swap3A_213 = arith.constant 0 : index
      %swap3A_214 = vector.load %arg10[%swap3A_212, %swap3A_213] : memref<16x512xf32, #tpu.memory_space<vmem>>, vector<1x512xf32>
      %swap3A_215 = vector.shape_cast %swap3A_214 : vector<1x512xf32> to vector<512xf32>
      %swap3A_216 = vector.shape_cast %get3A_211 : vector<512xf32> to vector<1x512xf32>
      tpu.vector_store %arg10[%swap3A_212, %swap3A_213], %swap3A_216 {strides = array<i32>} : memref<16x512xf32, #tpu.memory_space<vmem>>, vector<1x512xf32>,
    } else {
    }
    return
  }
  func.func @transform_0(%arg0: i32) -> (i32, i32) {
    %c0_i32 = arith.constant 0 : i32
    %c0_i32_0 = arith.constant 0 : i32
    %c0_i32_1 = arith.constant 0 : i32
    return %c0_i32, %c0_i32_0 : i32, i32
  }
  func.func @transform_1(%arg0: i32) -> (i32, i32) {
    %c0_i32 = arith.constant 0 : i32
    %c0_i32_0 = arith.constant 0 : i32
    return %arg0, %c0_i32 : i32, i32
  }
  func.func @transform_2(%arg0: i32) -> (i32, i32) {
    %c0_i32 = arith.constant 0 : i32
    %c0_i32_0 = arith.constant 0 : i32
    %c0_i32_1 = arith.constant 0 : i32
    return %c0_i32, %c0_i32_0 : i32, i32
  }
  func.func @transform_3(%arg0: i32) -> (i32, i32) {
    %c0_i32 = arith.constant 0 : i32
    %c0_i32_0 = arith.constant 0 : i32
    %c0_i32_1 = arith.constant 0 : i32
    return %c0_i32, %c0_i32_0 : i32, i32
  }
  func.func @transform_4(%arg0: i32) -> (i32, i32) {
    %c0_i32 = arith.constant 0 : i32
    %c0_i32_0 = arith.constant 0 : i32
    %c0_i32_1 = arith.constant 0 : i32
    return %c0_i32, %c0_i32_0 : i32, i32
  }
  func.func @transform_5(%arg0: i32) -> (i32, i32) {
    %c0_i32 = arith.constant 0 : i32
    %c0_i32_0 = arith.constant 0 : i32
    %c0_i32_1 = arith.constant 0 : i32
    return %c0_i32, %c0_i32_0 : i32, i32
  }
  func.func @transform_6(%arg0: i32) -> (i32, i32) {
    %c0_i32 = arith.constant 0 : i32
    %c0_i32_0 = arith.constant 0 : i32
    %c0_i32_1 = arith.constant 0 : i32
    return %c0_i32, %c0_i32_0 : i32, i32
  }
  func.func @transform_7(%arg0: i32) -> (i32, i32) {
    %c0_i32 = arith.constant 0 : i32
    %c0_i32_0 = arith.constant 0 : i32
    %c0_i32_1 = arith.constant 0 : i32
    return %c0_i32, %c0_i32_0 : i32, i32
  }
  func.func @transform_8(%arg0: i32) -> (i32, i32) {
    %c0_i32 = arith.constant 0 : i32
    %c0_i32_0 = arith.constant 0 : i32
    %c0_i32_1 = arith.constant 0 : i32
    return %c0_i32, %c0_i32_0 : i32, i32
  }
  func.func @transform_9(%arg0: i32) -> (i32, i32) {
    %c0_i32 = arith.constant 0 : i32
    %c0_i32_0 = arith.constant 0 : i32
    %c0_i32_1 = arith.constant 0 : i32
    return %c0_i32, %c0_i32_0 : i32, i32
  }
}

module attributes {stable_mosaic.version = 14 : i64} {
  func.func @body(%arg0: memref<16x512xf32, #tpu.memory_space<vmem>>, %arg1: memref<512x256xbf16, #tpu.memory_space<vmem>>, %arg2: memref<1x256xf32, #tpu.memory_space<vmem>>, %arg3: memref<16x256xf32, #tpu.memory_space<vmem>>, %arg4: memref<16x256xf32, #tpu.memory_space<vmem>>, %arg5: memref<1x16xi32, #tpu.memory_space<vmem>>) attributes {dimension_semantics = [], scalar_prefetch = 0 : i64, scratch_operands = 0 : i64, tpu.core_type = #tpu.core_type<tc>} {
    %get3A = arith.constant 0 : index
    %get3A_0 = arith.constant 0 : index
    %get3A_1 = vector.load %arg0[%get3A, %get3A_0] : memref<16x512xf32, #tpu.memory_space<vmem>>, vector<16x512xf32>
    %convert_element_type3A = arith.truncf %get3A_1 : vector<16x512xf32> to vector<16x512xbf16>
    %get3A_2 = arith.constant 0 : index
    %get3A_3 = arith.constant 0 : index
    %get3A_4 = vector.load %arg1[%get3A_2, %get3A_3] : memref<512x256xbf16, #tpu.memory_space<vmem>>, vector<512x256xbf16>
    %dot_general3A = arith.constant dense<0.000000e+00> : vector<16x256xf32>
    %dot_general3A_5 = tpu.matmul %convert_element_type3A, %get3A_4, %dot_general3A {dimension_numbers = #tpu.dot_dimension_numbers<[1], [0], [0], [1], [0, 0, 1, 1], [], []>, transpose_lhs_hint = false} : vector<16x512xbf16>, vector<512x256xbf16>, vector<16x256xf32> -> vector<16x256xf32>
    %get3A_6 = arith.constant 0 : index
    %get3A_7 = arith.constant 0 : index
    %get3A_8 = vector.load %arg2[%get3A_6, %get3A_7] : memref<1x256xf32, #tpu.memory_space<vmem>>, vector<1x256xf32>
    %add3A = vector.broadcast %get3A_8 : vector<1x256xf32> to vector<16x256xf32>
    %add3A_9 = arith.addf %dot_general3A_5, %add3A : vector<16x256xf32>
    %reduce_max3A = arith.constant dense<0xFF800000> : vector<16xf32>
    %reduce_max3A_10 = vector.multi_reduction <maximumf>, %add3A_9, %reduce_max3A [1] : vector<16x256xf32> to vector<16xf32>
    %broadcast_in_dim3A = vector.shape_cast %reduce_max3A_10 : vector<16xf32> to vector<16x1xf32>
    %sub3A = vector.broadcast %broadcast_in_dim3A : vector<16x1xf32> to vector<16x256xf32>
    %sub3A_11 = arith.subf %add3A_9, %sub3A : vector<16x256xf32>
    %exp3A = math.exp %sub3A_11 : vector<16x256xf32>
    %reduce_sum3A = arith.constant dense<0.000000e+00> : vector<16xf32>
    %reduce_sum3A_12 = vector.multi_reduction <add>, %exp3A, %reduce_sum3A [1] : vector<16x256xf32> to vector<16xf32>
    %broadcast_in_dim3A_13 = vector.shape_cast %reduce_sum3A_12 : vector<16xf32> to vector<16x1xf32>
    %div3A = vector.broadcast %broadcast_in_dim3A_13 : vector<16x1xf32> to vector<16x256xf32>
    %div3A_14 = arith.divf %exp3A, %div3A : vector<16x256xf32>
    %swap3A = arith.constant 0 : index
    %swap3A_15 = arith.constant 0 : index
    %swap3A_16 = vector.load %arg4[%swap3A, %swap3A_15] : memref<16x256xf32, #tpu.memory_space<vmem>>, vector<16x256xf32>
    tpu.vector_store %arg4[%swap3A, %swap3A_15], %div3A_14 {strides = array<i32>} : memref<16x256xf32, #tpu.memory_space<vmem>>, vector<16x256xf32>,
    %add3A_17 = arith.constant 9.99999968E-21 : f32
    %add3A_18 = vector.broadcast %add3A_17 : f32 to vector<16x256xf32>
    %add3A_19 = arith.addf %div3A_14, %add3A_18 : vector<16x256xf32>
    %log3A = math.log %add3A_19 : vector<16x256xf32>
    %get3A_20 = arith.constant 0 : index
    %get3A_21 = arith.constant 0 : index
    %get3A_22 = vector.load %arg3[%get3A_20, %get3A_21] : memref<16x256xf32, #tpu.memory_space<vmem>>, vector<16x256xf32>
    %add3A_23 = arith.addf %log3A, %get3A_22 : vector<16x256xf32>
    %reduce_max3A_24 = arith.constant dense<0xFF800000> : vector<16xf32>
    %reduce_max3A_25 = vector.multi_reduction <maximumf>, %add3A_23, %reduce_max3A_24 [1] : vector<16x256xf32> to vector<16xf32>
    %broadcast_in_dim3A_26 = vector.shape_cast %reduce_max3A_25 : vector<16xf32> to vector<16x1xf32>
    %iota3A = tpu.iota {dimensions = array<i32: 1>} : vector<16x256xi32>
    %eq3A = vector.broadcast %broadcast_in_dim3A_26 : vector<16x1xf32> to vector<16x256xf32>
    %eq3A_27 = arith.cmpf oeq, %add3A_23, %eq3A : vector<16x256xf32>
    %jit3A = arith.constant 256 : i32
    %broadcast_in_dim3A_28 = vector.broadcast %jit3A : i32 to vector<16x256xi32>
    %select_n3A = arith.select %eq3A_27, %iota3A, %broadcast_in_dim3A_28 : vector<16x256xi1>, vector<16x256xi32>
    %reduce_min3A = arith.constant dense<2147483647> : vector<16xi32>
    %reduce_min3A_29 = vector.multi_reduction <minsi>, %select_n3A, %reduce_min3A [1] : vector<16x256xi32> to vector<16xi32>
    %broadcast_in_dim3A_30 = vector.shape_cast %reduce_min3A_29 : vector<16xi32> to vector<1x16xi32>
    %swap3A_31 = arith.constant 0 : index
    %swap3A_32 = arith.constant 0 : index
    %swap3A_33 = vector.load %arg5[%swap3A_31, %swap3A_32] : memref<1x16xi32, #tpu.memory_space<vmem>>, vector<1x16xi32>
    tpu.vector_store %arg5[%swap3A_31, %swap3A_32], %broadcast_in_dim3A_30 {strides = array<i32>} : memref<1x16xi32, #tpu.memory_space<vmem>>, vector<1x16xi32>,
    return
  }
}

</mosaic_0001>

<sc_bundles>
// kernel: kernel.12.cloned.1.call-start
scs
__scs_entry_jumppad:
0x0: {  	(pc) =	sbr.rel $0x88, $3  }
0x1: {  	(tag) =	ssettag $0x0;
	lr =	simm.s32 $0x1  }
0x2: {  	[smem:$0x3F99] =	sst lr;
	_ =	strace $0xD0000000  }
0x3: {  	_ = 	snop  }
0x4: {  	_ = 	snop  }
0x5: {  	_ = 	snop  }
0x6: {  	_ = 	snop  }
0x7: {  	_ = 	snop  }
__scs_overlays_trampoline_lowered:
0x8: {  	[smem:$0x3FA8] =	sst s0  }
0x9: {  	[smem:$0x3FA9] =	sst s1  }
0xa: {  	[smem:$0x3FAA] =	sst s2  }
0xb: {  	[smem:$0x3FAB] =	sst s3  }
0xc: {  	[smem:$0x3FAC] =	sst s4  }
0xd: {  	[smem:$0x3FAD] =	sst s5  }
0xe: {  	[smem:$0x3FAE] =	sst s6  }
0xf: {  	[smem:$0x3FAF] =	sst s7  }
0x10: {  	[smem:$0x3FB0] =	sst s8  }
0x11: {  	[smem:$0x3FB1] =	sst s9;
	s0 =	simm.s32 @!p0 $0x0  }
0x12: {  	s1 =	sld [smem:$0x3F97];
	s0 =	simm.s32 @p0 $0x1  }
0x13: {  	[smem:$0x3FB2] =	sst s0;
	s0 =	simm.s32 @!p1 $0x0  }
0x14: {  	s2 =	sld [smem:$0x3F96];
	s0 =	simm.s32 @p1 $0x1  }
0x15: {  	[smem:$0x3FB3] =	sst s0;
	s0 =	simm.s32 @!p2 $0x0  }
0x16: {  	s3 =	sld [smem:$0x3FDB];
	s0 =	simm.s32 @p2 $0x1  }
0x17: {  	s4 =	simm.s32 $0x1BF5;
	[smem:$0x3FB5] =	sst s0  }
0x18: {  	s0 =	sld [smem:$0x3F98];
	_ =	swait.ge [sflag:s4], $0x0  }
0x19: {  	s7 =	sld [smem:$0x3F99]  }
0x1a: {  	s8 =	sadd.s32 $0xFFFFE003, lr  }
0x1b: {  	s9 =	sadd.s32 $0xFFFFFEF7, lr;
	s5 =	simm.s32 $0xFFFFFFFF;
	p2 =	slt.u32 s8, $0xFFFFF086  }
0x1c: {  	p1 =	slt.u32 s9, $0xF7A;
	s5 =	simm.s32 @!p2 $0x0  }
0x1d: {  	s5 =	simm.s32 @p1 $0x1;
	p0 =	seq.s32 s7, s2  }
0x1e: {  	s7 =	smul.u32 @!p0 $0xF7A, s2;
	p2 =	seq.s32 @!p0 s5, $0x0  }
0x1f: {  	s9 =	smul.u32 $0xF7A, s1;
	s8 =	simm.s32 @!p0 $0x1BF5;
	p2 =	por !p2, p0  }
0x20: {  	[sflag:s8] =	ssyncset.s32 @!p0 $0xFFFFF086;
	s6 =	sadd.s32 @!p0 s3, s7;
	s7 =	simm.s32 @!p0 $0x108  }
0x21: {  	s3 =	sadd.s32 s3, s9;
	s6 =	sadd.s32 @!p0 $0x88, s6;
	s7 =	simm.s32 @p2 $0x1082  }
0x22: {  	[simem:s7], [sflag:s8] =	dma.local @!p0 [hbm:s6], $0xF7A  }
0x23: {  	s9 =	sor.u32 $0xD0000000, s2;
	s6 =	simm.s32 $0x108;
	_ =	swait.ge @!p0 [sflag:s8], $0x0  }
0x24: {  	s3 =	sadd.s32 $0x88, s3;
	s6 =	simm.s32 @!p1 $0x1082;
	[sflag:s4] =	ssyncset.s32 $0xFFFFF086  }
0x25: {  	[simem:s6], [sflag:s4] =	dma.local [hbm:s3], $0xF7A  }
0x26: {  	[smem:$0x3F99] =	sst s1;
	(tag) =	ssettag s2;
	_ =	strace s9  }
0x27: {  	s1 =	sld [smem:$0x3FA9]  }
0x28: {  	s2 =	sld [smem:$0x3FAA]  }
0x29: {  	s4 =	sld [smem:$0x3FAC]  }
0x2a: {  	p0 =	seq.s32 s5, $0x0;
	s5 =	sld [smem:$0x3FAD]  }
0x2b: {  	s6 =	sld [smem:$0x3FAE]  }
0x2c: {  	s7 =	sld [smem:$0x3FAF]  }
0x2d: {  	s3 =	simm.s32 $0x108;
	s8 =	sld [smem:$0x3FB0]  }
0x2e: {  	s3 =	simm.s32 @!p0 $0x1082;
	s9 =	sld [smem:$0x3FB1]  }
0x2f: {  	lr =	sadd.s32 s0, s3;
	s0 =	sld [smem:$0x3FA8]  }
0x30: {  	s3 =	sld [smem:$0x3FAB]  }
0x31: {  	[smem:$0x3FB4] =	sst s10  }
0x32: {  	s10 =	sld [smem:$0x3FB2];
	_ =	sdelay $0x3  }
0x33: {  	p0 =	seq.s32 s10, $0x1;
	s10 =	sld [smem:$0x3FB4];
	_ =	sdelay $0x3  }
0x34: {  	[smem:$0x3FB4] =	sst s10  }
0x35: {  	s10 =	sld [smem:$0x3FB3];
	_ =	sdelay $0x3  }
0x36: {  	p1 =	seq.s32 s10, $0x1;
	s10 =	sld [smem:$0x3FB4];
	_ =	sdelay $0x3  }
0x37: {  	[smem:$0x3FB4] =	sst s10  }
0x38: {  	s10 =	sld [smem:$0x3FB5]  }
0x39: {  	_ = 	snop;
	(pc) =	sbr.ind lr, $3  }
0x3a: {  	_ = 	snop  }
0x3b: {  	_ = 	snop  }
0x3c: {  	p2 =	seq.s32 s10, $0x1;
	s10 =	sld [smem:$0x3FB4]  }
0x3d: {  	_ =	shalt  }
0x3e: {  	_ =	shalt  }
0x3f: {  	_ =	shalt  }
0x40: {  	_ =	shalt  }
0x41: {  	_ =	shalt  }
0x42: {  	_ =	shalt  }
0x43: {  	_ =	shalt  }
0x44: {  	_ =	shalt  }
0x45: {  	_ =	shalt  }
0x46: {  	_ =	shalt  }
0x47: {  	_ =	shalt  }
0x48: {  	_ =	shalt  }
0x49: {  	_ =	shalt  }
0x4a: {  	_ =	shalt  }
0x4b: {  	_ =	shalt  }
0x4c: {  	_ =	shalt  }
0x4d: {  	_ =	shalt  }
0x4e: {  	_ =	shalt  }
0x4f: {  	_ =	shalt  }
0x50: {  	_ =	shalt  }
0x51: {  	_ =	shalt  }
0x52: {  	_ =	shalt  }
0x53: {  	_ =	shalt  }
0x54: {  	_ =	shalt  }
0x55: {  	_ =	shalt  }
0x56: {  	_ =	shalt  }
0x57: {  	_ =	shalt  }
0x58: {  	_ =	shalt  }
0x59: {  	_ =	shalt  }
0x5a: {  	_ =	shalt  }
0x5b: {  	_ =	shalt  }
0x5c: {  	_ =	shalt  }
0x5d: {  	_ =	shalt  }
0x5e: {  	_ =	shalt  }
0x5f: {  	_ =	shalt  }
0x60: {  	_ =	shalt  }
0x61: {  	_ =	shalt  }
0x62: {  	_ =	shalt  }
0x63: {  	_ =	shalt  }
0x64: {  	_ =	shalt  }
0x65: {  	_ =	shalt  }
0x66: {  	_ =	shalt  }
0x67: {  	_ =	shalt  }
0x68: {  	_ =	shalt  }
0x69: {  	_ =	shalt  }
0x6a: {  	_ =	shalt  }
0x6b: {  	_ =	shalt  }
0x6c: {  	_ =	shalt  }
0x6d: {  	_ =	shalt  }
0x6e: {  	_ =	shalt  }
0x6f: {  	_ =	shalt  }
0x70: {  	_ =	shalt  }
0x71: {  	_ =	shalt  }
0x72: {  	_ =	shalt  }
0x73: {  	_ =	shalt  }
0x74: {  	_ =	shalt  }
0x75: {  	_ =	shalt  }
0x76: {  	_ =	shalt  }
0x77: {  	_ =	shalt  }
0x78: {  	_ =	shalt  }
0x79: {  	_ =	shalt  }
0x7a: {  	_ =	shalt  }
0x7b: {  	_ =	shalt  }
0x7c: {  	_ =	shalt  }
0x7d: {  	_ =	shalt  }
0x7e: {  	_ =	shalt  }
0x7f: {  	_ =	shalt  }
0x80: {  	_ =	shalt  }
0x81: {  	_ =	shalt  }
0x82: {  	_ =	shalt  }
0x83: {  	_ =	shalt  }
0x84: {  	_ =	shalt  }
0x85: {  	_ =	shalt  }
0x86: {  	_ =	shalt  }
0x87: {  	_ =	shalt  }
.Lfunc_end0:
.L_simem_size_0:
called_computation_lowered:
.L_overlay_start_0:
0x88: {  	s2 =	sld [smem:$0x3FD9]  }
0x89: {  	s3 =	sld [smem:$0x3FFE];
	_ =	sdelay $0x1  }
0x8a: {  	s1 =	srdreg.scid  }
0x8b: {  	s0 =	sand.u32 $0x1, s1  }
0x8c: {  	s15 =	sshll.u32 s0, $0xA;
	s2 =	sadd.s32 s3, s2  }
0x8d: {  	s2 =	sadd.s32 s2, s15  }
0x8e: {  	[smem:$0x3FC0] =	sst s2  }
0x8f: {  	_ = 	snop  }
0x90: {  	s16 =	sld [smem:$0x3FD0];
	_ =	sdelay $0x2  }
0x91: {  	s4 =	simm.s32 $0xD;
	s5 =	simm.s32 $0x10;
	s2 =	sld [smem:$0x3FC8]  }
0x92: {  	[smem:s5], [sflag:s4] =	dma.local [hbm:s16], $0x1  }
0x93: {  	_ =	swait.eq [sflag:s4], $0x1  }
0x94: {  	[sflag:s4] =	ssyncset.done $0x0  }
0x95: {  	[sflag:s4] =	ssyncadd.s32 $0xFFFFFFFF  }
0x96: {  	s17 =	sld [smem:$0x10];
	(tm) =	ssettm $0x1  }
0x97: {  	s18 =	sld [smem:$0x3FFB];
	_ =	sdelay $0x3  }
0x98: {  	_ =	strace s18  }
0x99: {  	s3 =	sld [smem:$0x3FFC];
	_ =	sdelay $0x3  }
0x9a: {  	_ =	strace s3  }
0x9b: {  	s3 =	sld [smem:$0x3FFD];
	_ =	sdelay $0x3  }
0x9c: {  	_ =	strace s3  }
0x9d: {  	_ =	strace $0x8FFFFFFF  }
0x9e: {  	s19 =	sld [smem:$0x3FDB];
	_ =	sdelay $0x1  }
0x9f: {  	s20 =	simm.s32 $_scs_section_size  }
0xa0: {  	s6 =	simm.s32 $_size__tile_overlayer_lowered;
	s7 =	simm.s32 $_tile_overlayer_lowered  }
0xa1: {  	s8 =	simm.s32 $0x1BFF;
	s21 =	sshll.u32 s7, $0x1;
	s5 =	sadd.s32 s20, s19  }
0xa2: {  	s22 =	simm.s32 $0x0;
	s6 =	sshll.u32 s6, $0x1;
	s7 =	sadd.s32 s21, s5  }
0xa3: {  	[timem:s22], [sflag:s8] =	dma.local [hbm:s7], s6  }
0xa4: {  	_ =	swait.ge [sflag:s8], s6  }
0xa5: {  	s6 =	ssub.s32 $0x0, s6;
	[sflag:s8] =	ssyncset.done $0x0  }
0xa6: {  	[sflag:s8] =	ssyncadd.s32 s6;
	_ =	sdelay $0x1  }
0xa7: {  	s23 =	simm.s32 $0x1B8B  }
0xa8: {  	_ =	swait.ge [sflag:s23], $0x1  }
0xa9: {  	[sflag:s23] =	ssyncset.done $0x0  }
0xaa: {  	[sflag:s23] =	ssyncadd.s32 $0xFFFFFFFF  }
0xab: {  	s6 =	sld [smem:$0x0]  }
0xac: {  	s7 =	sand.u32 $0xFFFFFFFE, s1  }
0xad: {  	p0 =	sne.s32 s1, s7  }
0xae: {  	s7 =	sshll.u32 @p0 s7, $0xE  }
0xaf: {  	s7 =	sadd.s32 @p0 $0x11B8D, s7;
	s8 =	sshll.u32 @p0 s6, $0x11  }
0xb0: {  	s7 =	sor.u32 @p0 s8, s7  }
0xb1: {  	[sflag:s7] =	ssyncadd.remote.s32 @p0 $0x1;
	_ =	sdelay $0x1  }
0xb2: {  	s7 =	simm.s32 @p0 $0x1B8D  }
0xb3: {  	_ =	swait.eq @p0 [sflag:s7], $0x1  }
0xb4: {  	[sflag:s7] =	ssyncadd.s32 @p0 $0xFFFFFFFF  }
0xb5: {  	s8 =	sshll.u32 @!p0 s1, $0xE  }
0xb6: {  	s8 =	sor.u32 @!p0 $0x4000, s8;
	s7 =	simm.s32 @!p0 $0x1B8D  }
0xb7: {  	s6 =	sshll.u32 @!p0 s6, $0x11;
	s8 =	sadd.s32 @!p0 $0x11B8D, s8;
	_ =	swait.eq @!p0 [sflag:s7], $0x1  }
0xb8: {  	s6 =	sor.u32 @!p0 s6, s8;
	[sflag:s7] =	ssyncadd.s32 @!p0 $0xFFFFFFFF  }
0xb9: {  	s25 =	simm.s32 $0x1B8E;
	s24 =	sld [smem:$0x3FFE];
	[sflag:s6] =	ssyncadd.remote.s32 @!p0 $0x1  }
0xba: {  	s26 =	simm.s32 $execute0_lowered;
	[smem:$0x3FD2] =	sst s25  }
0xbb: {  	s7 =	sshll.u32 s26, $0x1;
	_ =	strace $0x8000004F;
	[dreg:$0x1] =	wrdreg $0xFFFFFFFF  }
0xbc: {  	s28 =	simm.s32 $_size_execute0_lowered;
	s5 =	sadd.s32 s5, s7;
	[dreg:$0x0] =	wrdreg $0x0  }
0xbd: {  	s7 =	sshll.u32 s28, $0x1;
	[dreg:$0x2] =	wrdreg s5  }
0xbe: {  	[dreg:$0x3] =	wrdreg s7  }
0xbf: {  	[dreg:$0x4] =	wrdreg $0xC0  }
0xc0: {  	_ =	task [dreg:s22], $0x5FFFF  }
0xc1: {  	[dreg:$0x1] =	wrdreg $0xFFFFFFFF  }
0xc2: {  	[dreg:$0x0] =	wrdreg $0x60  }
0xc3: {  	[dreg:$0x2] =	wrdreg s2  }
0xc4: {  	[dreg:$0x3] =	wrdreg s17  }
0xc5: {  	[dreg:$0x4] =	wrdreg s24  }
0xc6: {  	[dreg:$0x5] =	wrdreg $0x9  }
0xc7: {  	_ =	task.clear_ibuf [dreg:s22], $0x6FFFF;
	_ =	strace $0x9000004F  }
0xc8: {  	s29 =	simm.s32 $0x9;
	_ =	strace $0x80000051  }
0xc9: {  	_ =	swait.ge [sflag:s29], $0x1  }
0xca: {  	[sflag:s29] =	ssyncadd.s32 $0xFFFFFFFF  }
0xcb: {  	_ =	strace $0x90000051  }
0xcc: {  	_ =	sfence  }
0xcd: {  	s30 =	sld [smem:$0x0];
	_ =	sdelay $0x2  }
0xce: {  	s31 =	sshll.u32 s1, $0xD;
	s1 =	sshrl.u32 s1, $0x2  }
0xcf: {  	s4 =	sand.u32 $0x4000, s31;
	s1 =	sadd.s32 s1, s30  }
0xd0: {  	s0 =	sor.u32 s4, s0;
	s1 =	sshll.u32 s1, $0x11  }
0xd1: {  	s0 =	sor.u32 s1, s0  }
0xd2: {  	s0 =	sadd.s32 $0x8F2B, s0  }
0xd3: {  	[sflag:s0] =	ssyncadd.remote.s32 $0x1  }
0xd4: {  	_ =	sfence.sel $0xFFFF  }
0xd5: {  	[dreg:$0x0] =	wrdreg $0xFFFFFFFF;
	(pc) =	sbr.abs _section_cstart, $3  }
0xd6: {  	[dreg:$0x1] =	wrdreg $0xFFFFFFFF  }
0xd7: {  	_ =	task.clear_ibuf [dreg:s22], $0x2FFFF;
	_ =	strace $0x9FFFFFFF  }
0xd8: {  	(tm) =	ssettm $0x7FFFFFFF  }
0xd9: {  	_ =	shalt  }
tec
execute0_lowered:
.L_overlay_start_1:
0x0: {  	(tag) =	ssettag $0x1  }
0x1: {  	s1 =	rddreg [dreg:$0x0]  }
0x2: {  	s2 =	rddreg [dreg:$0x1];
	s3 =	srdreg.scid  }
0x3: {  	s0 =	stileid.u32;
	s4 =	rddreg [dreg:$0x2]  }
0x4: {  	s26 =	simm.s32 $0x880;
	s10 =	simm.s32 $0x2080;
	s11 =	simm.s32 $0x2880  }
0x5: {  	s12 =	simm.s32 $0x3080;
	s13 =	simm.s32 $0x3880;
	s14 =	simm.s32 $0x4080  }
0x6: {  	s15 =	simm.s32 $0x4880;
	s16 =	simm.s32 $0x5080;
	s17 =	simm.s32 $0x5880  }
0x7: {  	s18 =	simm.s32 $0x6080;
	s19 =	simm.s32 $0x6880;
	s20 =	simm.s32 $0x7080  }
0x8: {  	s21 =	simm.s32 $0x7880;
	s28 =	simm.s32 $0xA880;
	s29 =	simm.s32 $0xB080  }
0x9: {  	s30 =	simm.s32 $0xB880;
	s5 =	sand.u32 $0x1, s3;
	s6 =	sshll.u32 s0, $0x1  }
0xa: {  	s31 =	simm.s32 $0x1;
	s3 =	simm.s32 $0x0;
	s6 =	sor.u32 s5, s6  }
0xb: {  	s4 =	sadd.s32 $0x53C00, s4;
	[smem:$0x7FF] =	sst s3;
	s7 =	smul.u32 $0xC, s6  }
0xc: {  	s5 =	ssub.s32 $0x2, s5;
	_ =	strace $0x80000050;
	s8 =	smul.u32 $0xC000, s6  }
0xd: {  	s9 =	sshrl.u32 s5, $0x1;
	s6 =	smul.u32 $0x1800, s6;
	[dreg:$0x7] =	wrdreg s26  }
0xe: {  	s26 =	simm.s32 $0xA080;
	s5 =	ssub.s32 s5, s9;
	s9 =	simm.s32 $0x1880  }
0xf: {  	s2 =	sadd.s32 s2, s7;
	s22 =	sshrl.u32 s8, $0x3;
	s23 =	sadd.s32 s4, s6  }
0x10: {  	s5 =	smax.u32 s5, $0x1;
	s6 =	simm.s32 $0x3;
	s7 =	simm.s32 $0x80  }
0x11: {  	s8 =	simm.s32 $0x1080;
	[dreg:$0x4] =	wrdreg s2;
	s24 =	sadd.s32 s4, s22  }
0x12: {  	v2 =	vlaneseq.u32;
	s4 =	sadd.s32 $0x100, s1;
	[dreg:$0x5] =	wrdreg s23;
	s22 =	simm.s32 $0x8080  }
0x13: {  	vm0 =	vmmov $0xffff;
	v1 =	vshrl.u32 v2, $0x3;
	s23 =	simm.s32 $0x8880;
	s2 =	simm.s32 $0x2;
	s25 =	sadd.s32 $0xC00, s24  }
0x14: {  	v0 =	vand.u32 $0x7, v2;
	v2 =	vor.u32 $0x8, v2;
	v1 =	vmul.u32 $0x8, v1;
	s24 =	simm.s32 $0x9080;
	[dreg:$0x6] =	wrdreg s25;
	s25 =	simm.s32 $0x9880  }
.LBB2_1:
0x15: {  	s0 =	rddreg [dreg:$0x4]  }
0x16: {  	[tilespmem:s3], [sflag:$0x3] =	stream.linear.gather [hbm4b:s0+s3], $0x60, $0x38;
	[tilespmem:$0xC080] =	vst v63  }
0x17: {  	_ =	swait.ge [sflag:s6], $0x60  }
0x18: {  	[sflag:s6] =	ssyncset.done $0x0  }
0x19: {  	[sflag:s6] =	ssyncadd.s32 $0xFFFFFFA0  }
0x1a: {  	v3 =	vld [tilespmem:$0x0];
	_ =	sdelay $0x4  }
0x1b: {  	v4 =	vshll.u32 v3, $0x2  }
0x1c: {  	v3 =	vand.u32 $0x7, v3;
	v4 =	vand.u32 $0xFFFFFFE0, v4  }
0x1d: {  	v3 =	vor.u32 v3, v4  }
0x1e: {  	v4 =	vperm.xlane v3, v0;
	_ =	sdelay $0x1  }
0x1f: {  	v4 =	vadd.s32 v1, v4;
	_ =	sdelay $0x1  }
0x20: {  	v3 =	vperm.xlane v3, v2;
	_ =	sdelay $0x1  }
0x21: {  	v3 =	vadd.s32 v1, v3  }
0x22: {  	[tilespmem:s7], [sflag:$0x1] =	stream.indirect_vreg.gather [hbm4b:s1+s3], $0x80, v4, vm0, $0xb8;
	[tilespmem:$0xC080] =	vst v63  }
0x23: {  	s0 =	rddreg [dreg:$0x7]  }
0x24: {  	[tilespmem:s0], [sflag:$0x1] =	stream.indirect_vreg.gather [hbm4b:s4+s3], $0x80, v4, vm0, $0xb8;
	[tilespmem:$0xC080] =	vst v63  }
0x25: {  	_ = 	snop  }
0x26: {  	[tilespmem:s8], [sflag:$0x1] =	stream.indirect_vreg.gather [hbm4b:s1+s3], $0x80, v3, vm0, $0xb8;
	[tilespmem:$0xC080] =	vst v63  }
0x27: {  	_ = 	snop  }
0x28: {  	[tilespmem:s9], [sflag:$0x1] =	stream.indirect_vreg.gather [hbm4b:s4+s3], $0x80, v3, vm0, $0xb8;
	[tilespmem:$0xC080] =	vst v63  }
0x29: {  	v3 =	vld [tilespmem:$0x10];
	_ =	sdelay $0x4  }
0x2a: {  	v59 =	vshll.u32 v3, $0x2  }
0x2b: {  	v3 =	vand.u32 $0x7, v3;
	v4 =	vand.u32 $0xFFFFFFE0, v59  }
0x2c: {  	v3 =	vor.u32 v3, v4  }
0x2d: {  	v4 =	vperm.xlane v3, v0;
	_ =	sdelay $0x1  }
0x2e: {  	v4 =	vadd.s32 v1, v4;
	_ =	sdelay $0x1  }
0x2f: {  	v3 =	vperm.xlane v3, v2;
	_ =	sdelay $0x1  }
0x30: {  	v3 =	vadd.s32 v1, v3  }
0x31: {  	[tilespmem:s10], [sflag:$0x1] =	stream.indirect_vreg.gather [hbm4b:s1+s3], $0x80, v4, vm0, $0xb8;
	[tilespmem:$0xC080] =	vst v63  }
0x32: {  	_ = 	snop  }
0x33: {  	[tilespmem:s11], [sflag:$0x1] =	stream.indirect_vreg.gather [hbm4b:s4+s3], $0x80, v4, vm0, $0xb8;
	[tilespmem:$0xC080] =	vst v63  }
0x34: {  	_ = 	snop  }
0x35: {  	[tilespmem:s12], [sflag:$0x1] =	stream.indirect_vreg.gather [hbm4b:s1+s3], $0x80, v3, vm0, $0xb8;
	[tilespmem:$0xC080] =	vst v63  }
0x36: {  	_ = 	snop  }
0x37: {  	[tilespmem:s13], [sflag:$0x1] =	stream.indirect_vreg.gather [hbm4b:s4+s3], $0x80, v3, vm0, $0xb8;
	[tilespmem:$0xC080] =	vst v63  }
0x38: {  	v3 =	vld [tilespmem:$0x20];
	_ =	sdelay $0x4  }
0x39: {  	v60 =	vshll.u32 v3, $0x2  }
0x3a: {  	v3 =	vand.u32 $0x7, v3;
	v4 =	vand.u32 $0xFFFFFFE0, v60  }
0x3b: {  	v3 =	vor.u32 v3, v4  }
0x3c: {  	v4 =	vperm.xlane v3, v0;
	_ =	sdelay $0x1  }
0x3d: {  	v4 =	vadd.s32 v1, v4;
	_ =	sdelay $0x1  }
0x3e: {  	v3 =	vperm.xlane v3, v2;
	_ =	sdelay $0x1  }
0x3f: {  	v3 =	vadd.s32 v1, v3  }
0x40: {  	[tilespmem:s14], [sflag:$0x1] =	stream.indirect_vreg.gather [hbm4b:s1+s3], $0x80, v4, vm0, $0xb8;
	[tilespmem:$0xC080] =	vst v63  }
0x41: {  	_ = 	snop  }
0x42: {  	[tilespmem:s15], [sflag:$0x1] =	stream.indirect_vreg.gather [hbm4b:s4+s3], $0x80, v4, vm0, $0xb8;
	[tilespmem:$0xC080] =	vst v63  }
0x43: {  	_ = 	snop  }
0x44: {  	[tilespmem:s16], [sflag:$0x1] =	stream.indirect_vreg.gather [hbm4b:s1+s3], $0x80, v3, vm0, $0xb8;
	[tilespmem:$0xC080] =	vst v63  }
0x45: {  	_ = 	snop  }
0x46: {  	[tilespmem:s17], [sflag:$0x1] =	stream.indirect_vreg.gather [hbm4b:s4+s3], $0x80, v3, vm0, $0xb8;
	[tilespmem:$0xC080] =	vst v63  }
0x47: {  	v3 =	vld [tilespmem:$0x30];
	_ =	sdelay $0x4  }
0x48: {  	v61 =	vshll.u32 v3, $0x2  }
0x49: {  	v3 =	vand.u32 $0x7, v3;
	v4 =	vand.u32 $0xFFFFFFE0, v61  }
0x4a: {  	v3 =	vor.u32 v3, v4  }
0x4b: {  	v4 =	vperm.xlane v3, v0;
	_ =	sdelay $0x1  }
0x4c: {  	v4 =	vadd.s32 v1, v4;
	_ =	sdelay $0x1  }
0x4d: {  	v3 =	vperm.xlane v3, v2;
	_ =	sdelay $0x1  }
0x4e: {  	v3 =	vadd.s32 v1, v3  }
0x4f: {  	[tilespmem:s18], [sflag:$0x2] =	stream.indirect_vreg.gather [hbm4b:s1+s3], $0x80, v4, vm0, $0xb8;
	[tilespmem:$0xC080] =	vst v63  }
0x50: {  	_ = 	snop  }
0x51: {  	[tilespmem:s19], [sflag:$0x2] =	stream.indirect_vreg.gather [hbm4b:s4+s3], $0x80, v4, vm0, $0xb8;
	[tilespmem:$0xC080] =	vst v63  }
0x52: {  	_ = 	snop  }
0x53: {  	[tilespmem:s20], [sflag:$0x2] =	stream.indirect_vreg.gather [hbm4b:s1+s3], $0x80, v3, vm0, $0xb8;
	[tilespmem:$0xC080] =	vst v63  }
0x54: {  	_ = 	snop  }
0x55: {  	[tilespmem:s21], [sflag:$0x2] =	stream.indirect_vreg.gather [hbm4b:s4+s3], $0x80, v3, vm0, $0xb8;
	[tilespmem:$0xC080] =	vst v63  }
0x56: {  	v3 =	vld [tilespmem:$0x40];
	_ =	sdelay $0x4  }
0x57: {  	v62 =	vshll.u32 v3, $0x2  }
0x58: {  	v3 =	vand.u32 $0x7, v3;
	v4 =	vand.u32 $0xFFFFFFE0, v62  }
0x59: {  	v3 =	vor.u32 v3, v4  }
0x5a: {  	v4 =	vperm.xlane v3, v0;
	_ =	sdelay $0x1  }
0x5b: {  	v4 =	vadd.s32 v1, v4;
	_ =	sdelay $0x1  }
0x5c: {  	v3 =	vperm.xlane v3, v2;
	_ =	sdelay $0x1  }
0x5d: {  	v3 =	vadd.s32 v1, v3  }
0x5e: {  	[tilespmem:s22], [sflag:$0x2] =	stream.indirect_vreg.gather [hbm4b:s1+s3], $0x80, v4, vm0, $0xb8;
	[tilespmem:$0xC080] =	vst v63  }
0x5f: {  	_ = 	snop  }
0x60: {  	[tilespmem:s23], [sflag:$0x2] =	stream.indirect_vreg.gather [hbm4b:s4+s3], $0x80, v4, vm0, $0xb8;
	[tilespmem:$0xC080] =	vst v63  }
0x61: {  	_ = 	snop  }
0x62: {  	[tilespmem:s24], [sflag:$0x2] =	stream.indirect_vreg.gather [hbm4b:s1+s3], $0x80, v3, vm0, $0xb8;
	[tilespmem:$0xC080] =	vst v63  }
0x63: {  	_ = 	snop  }
0x64: {  	[tilespmem:s25], [sflag:$0x2] =	stream.indirect_vreg.gather [hbm4b:s4+s3], $0x80, v3, vm0, $0xb8;
	[tilespmem:$0xC080] =	vst v63  }
0x65: {  	v3 =	vld [tilespmem:$0x50];
	_ =	sdelay $0x4  }
0x66: {  	v63 =	vshll.u32 v3, $0x2  }
0x67: {  	v3 =	vand.u32 $0x7, v3;
	v4 =	vand.u32 $0xFFFFFFE0, v63  }
0x68: {  	v3 =	vor.u32 v3, v4  }
0x69: {  	v4 =	vperm.xlane v3, v0;
	_ =	sdelay $0x1  }
0x6a: {  	v4 =	vadd.s32 v1, v4;
	_ =	sdelay $0x1  }
0x6b: {  	v3 =	vperm.xlane v3, v2;
	_ =	sdelay $0x1  }
0x6c: {  	v3 =	vadd.s32 v1, v3  }
0x6d: {  	[tilespmem:s26], [sflag:$0x2] =	stream.indirect_vreg.gather [hbm4b:s1+s3], $0x80, v4, vm0, $0xb8;
	[tilespmem:$0xC080] =	vst v63  }
0x6e: {  	_ = 	snop  }
0x6f: {  	[tilespmem:s28], [sflag:$0x2] =	stream.indirect_vreg.gather [hbm4b:s4+s3], $0x80, v4, vm0, $0xb8;
	[tilespmem:$0xC080] =	vst v63  }
0x70: {  	_ = 	snop  }
0x71: {  	[tilespmem:s29], [sflag:$0x2] =	stream.indirect_vreg.gather [hbm4b:s1+s3], $0x80, v3, vm0, $0xb8;
	[tilespmem:$0xC080] =	vst v63  }
0x72: {  	_ = 	snop  }
0x73: {  	[tilespmem:s30], [sflag:$0x2] =	stream.indirect_vreg.gather [hbm4b:s4+s3], $0x80, v3, vm0, $0xb8;
	[tilespmem:$0xC080] =	vst v63  }
0x74: {  	_ =	swait.ge [sflag:s31], $0x6000  }
0x75: {  	[sflag:s31] =	ssyncset.done $0x0  }
0x76: {  	s0 =	rddreg [dreg:$0x5];
	[sflag:s31] =	ssyncadd.s32 $0xFFFFA000  }
0x77: {  	[hbm4b:s0+s3] =	stream.linear.scatter [tilespmem:s7], [sflag:$0x3], $0x6000, $0x38;
	[tilespmem:$0xC080] =	vst v63  }
0x78: {  	_ =	swait.ge [sflag:s6], $0x6000  }
0x79: {  	[sflag:s6] =	ssyncset.done $0x0  }
0x7a: {  	[sflag:s6] =	ssyncadd.s32 $0xFFFFA000  }
0x7b: {  	_ =	swait.ge [sflag:s2], $0x6000  }
0x7c: {  	p0 =	sne.s32 s5, $0x1;
	[sflag:s2] =	ssyncset.done $0x0  }
.Ltmp0:
0x7d: {  	s0 =	rddreg [dreg:$0x6];
	[sflag:s2] =	ssyncadd.s32 $0xFFFFA000;
	(pc) =	sbr.rel @p0 .LBB2_1-.Ltmp0, $4  }
0x7e: {  	[hbm4b:s0+s3] =	stream.linear.scatter [tilespmem:s18], [sflag:$0x3], $0x6000, $0x38;
	[tilespmem:$0xC080] =	vst v63  }
0x7f: {  	_ =	swait.ge [sflag:s6], $0x6000  }
0x80: {  	[sflag:s6] =	ssyncset.done $0x0  }
0x81: {  	s5 =	sadd.s32 $0xFFFFFFFF, s5;
	[sflag:s6] =	ssyncadd.s32 $0xFFFFA000  }
0x82: {  	_ =	sfence.sel $0x180000  }
0x83: {  	[bflag:$0x0] =	sbarrier.arrive $0xFFFF  }
0x84: {  	_ =	strace $0x90000050  }
0x85: {  	s0 =	stileid.u32;
	[bflag:$0x2] =	sbarrier.arrive $0xFFFF  }
0x86: {  	p0 =	sne.s32 s0, $0x0;
	s0 =	rddreg [dreg:$0x3]  }
0x87: {  	s0 =	sadd.s32 @!p0 $0x100000, s0  }
0x88: {  	[sflag:s0] =	ssyncadd.tile.s32 @!p0 $0x1;
	_ =	shalt  }
.Lfunc_end2:
_tile_overlayer_lowered:
.L_overlay_start_2:
0x89: {  	(tag) =	ssettag $0x2  }
0x8a: {  	s0 =	rddreg [dreg:$0x0];
	s2 =	stileid.u32  }
0x8b: {  	s1 =	rddreg [dreg:$0x1];
	p0 =	sne.s32 s2, $0x0  }
0x8c: {  	s3 =	rddreg [dreg:$0x2];
	[bflag:$0x3] =	sbarrier.arrive $0xFFFF;
	s2 =	simm.s32 @!p0 $0x1C03  }
0x8d: {  	[timem:s3], [sflag:s2] =	dma.local @!p0 [hbm:s0], s1  }
0x8e: {  	s0 =	simm.s32 @!p0 $0x3  }
0x8f: {  	_ =	swait.ge @!p0 [sflag:s0], s1  }
0x90: {  	s1 =	ssub.s32 @!p0 $0x0, s1;
	[sflag:s0] =	ssyncset.done @!p0 $0x0  }
0x91: {  	[sflag:s0] =	ssyncadd.s32 @!p0 s1  }
0x92: {  	[bflag:$0x3] =	sbarrier.arrive $0xFFFF  }
0x93: {  	_ =	shalt  }

// kernel: kernel.15.cloned.1.call-start
scs
__scs_entry_jumppad:
0x0: {  	(pc) =	sbr.rel $0x88, $3  }
0x1: {  	(tag) =	ssettag $0x0;
	lr =	simm.s32 $0x1  }
0x2: {  	[smem:$0x3F99] =	sst lr;
	_ =	strace $0xD0000000  }
0x3: {  	_ = 	snop  }
0x4: {  	_ = 	snop  }
0x5: {  	_ = 	snop  }
0x6: {  	_ = 	snop  }
0x7: {  	_ = 	snop  }
__scs_overlays_trampoline_lowered:
0x8: {  	[smem:$0x3FA8] =	sst s0  }
0x9: {  	[smem:$0x3FA9] =	sst s1  }
0xa: {  	[smem:$0x3FAA] =	sst s2  }
0xb: {  	[smem:$0x3FAB] =	sst s3  }
0xc: {  	[smem:$0x3FAC] =	sst s4  }
0xd: {  	[smem:$0x3FAD] =	sst s5  }
0xe: {  	[smem:$0x3FAE] =	sst s6  }
0xf: {  	[smem:$0x3FAF] =	sst s7  }
0x10: {  	[smem:$0x3FB0] =	sst s8  }
0x11: {  	[smem:$0x3FB1] =	sst s9;
	s0 =	simm.s32 @!p0 $0x0  }
0x12: {  	s1 =	sld [smem:$0x3F97];
	s0 =	simm.s32 @p0 $0x1  }
0x13: {  	[smem:$0x3FB2] =	sst s0;
	s0 =	simm.s32 @!p1 $0x0  }
0x14: {  	s2 =	sld [smem:$0x3F96];
	s0 =	simm.s32 @p1 $0x1  }
0x15: {  	[smem:$0x3FB3] =	sst s0;
	s0 =	simm.s32 @!p2 $0x0  }
0x16: {  	s3 =	sld [smem:$0x3FDB];
	s0 =	simm.s32 @p2 $0x1  }
0x17: {  	s4 =	simm.s32 $0x1BF5;
	[smem:$0x3FB5] =	sst s0  }
0x18: {  	s0 =	sld [smem:$0x3F98];
	_ =	swait.ge [sflag:s4], $0x0  }
0x19: {  	s7 =	sld [smem:$0x3F99]  }
0x1a: {  	s8 =	sadd.s32 $0xFFFFE003, lr  }
0x1b: {  	s9 =	sadd.s32 $0xFFFFFEF7, lr;
	s5 =	simm.s32 $0xFFFFFFFF;
	p2 =	slt.u32 s8, $0xFFFFF086  }
0x1c: {  	p1 =	slt.u32 s9, $0xF7A;
	s5 =	simm.s32 @!p2 $0x0  }
0x1d: {  	s5 =	simm.s32 @p1 $0x1;
	p0 =	seq.s32 s7, s2  }
0x1e: {  	s7 =	smul.u32 @!p0 $0xF7A, s2;
	p2 =	seq.s32 @!p0 s5, $0x0  }
0x1f: {  	s9 =	smul.u32 $0xF7A, s1;
	s8 =	simm.s32 @!p0 $0x1BF5;
	p2 =	por !p2, p0  }
0x20: {  	[sflag:s8] =	ssyncset.s32 @!p0 $0xFFFFF086;
	s6 =	sadd.s32 @!p0 s3, s7;
	s7 =	simm.s32 @!p0 $0x108  }
0x21: {  	s3 =	sadd.s32 s3, s9;
	s6 =	sadd.s32 @!p0 $0x88, s6;
	s7 =	simm.s32 @p2 $0x1082  }
0x22: {  	[simem:s7], [sflag:s8] =	dma.local @!p0 [hbm:s6], $0xF7A  }
0x23: {  	s9 =	sor.u32 $0xD0000000, s2;
	s6 =	simm.s32 $0x108;
	_ =	swait.ge @!p0 [sflag:s8], $0x0  }
0x24: {  	s3 =	sadd.s32 $0x88, s3;
	s6 =	simm.s32 @!p1 $0x1082;
	[sflag:s4] =	ssyncset.s32 $0xFFFFF086  }
0x25: {  	[simem:s6], [sflag:s4] =	dma.local [hbm:s3], $0xF7A  }
0x26: {  	[smem:$0x3F99] =	sst s1;
	(tag) =	ssettag s2;
	_ =	strace s9  }
0x27: {  	s1 =	sld [smem:$0x3FA9]  }
0x28: {  	s2 =	sld [smem:$0x3FAA]  }
0x29: {  	s4 =	sld [smem:$0x3FAC]  }
0x2a: {  	p0 =	seq.s32 s5, $0x0;
	s5 =	sld [smem:$0x3FAD]  }
0x2b: {  	s6 =	sld [smem:$0x3FAE]  }
0x2c: {  	s7 =	sld [smem:$0x3FAF]  }
0x2d: {  	s3 =	simm.s32 $0x108;
	s8 =	sld [smem:$0x3FB0]  }
0x2e: {  	s3 =	simm.s32 @!p0 $0x1082;
	s9 =	sld [smem:$0x3FB1]  }
0x2f: {  	lr =	sadd.s32 s0, s3;
	s0 =	sld [smem:$0x3FA8]  }
0x30: {  	s3 =	sld [smem:$0x3FAB]  }
0x31: {  	[smem:$0x3FB4] =	sst s10  }
0x32: {  	s10 =	sld [smem:$0x3FB2];
	_ =	sdelay $0x3  }
0x33: {  	p0 =	seq.s32 s10, $0x1;
	s10 =	sld [smem:$0x3FB4];
	_ =	sdelay $0x3  }
0x34: {  	[smem:$0x3FB4] =	sst s10  }
0x35: {  	s10 =	sld [smem:$0x3FB3];
	_ =	sdelay $0x3  }
0x36: {  	p1 =	seq.s32 s10, $0x1;
	s10 =	sld [smem:$0x3FB4];
	_ =	sdelay $0x3  }
0x37: {  	[smem:$0x3FB4] =	sst s10  }
0x38: {  	s10 =	sld [smem:$0x3FB5]  }
0x39: {  	_ = 	snop;
	(pc) =	sbr.ind lr, $3  }
0x3a: {  	_ = 	snop  }
0x3b: {  	_ = 	snop  }
0x3c: {  	p2 =	seq.s32 s10, $0x1;
	s10 =	sld [smem:$0x3FB4]  }
0x3d: {  	_ =	shalt  }
0x3e: {  	_ =	shalt  }
0x3f: {  	_ =	shalt  }
0x40: {  	_ =	shalt  }
0x41: {  	_ =	shalt  }
0x42: {  	_ =	shalt  }
0x43: {  	_ =	shalt  }
0x44: {  	_ =	shalt  }
0x45: {  	_ =	shalt  }
0x46: {  	_ =	shalt  }
0x47: {  	_ =	shalt  }
0x48: {  	_ =	shalt  }
0x49: {  	_ =	shalt  }
0x4a: {  	_ =	shalt  }
0x4b: {  	_ =	shalt  }
0x4c: {  	_ =	shalt  }
0x4d: {  	_ =	shalt  }
0x4e: {  	_ =	shalt  }
0x4f: {  	_ =	shalt  }
0x50: {  	_ =	shalt  }
0x51: {  	_ =	shalt  }
0x52: {  	_ =	shalt  }
0x53: {  	_ =	shalt  }
0x54: {  	_ =	shalt  }
0x55: {  	_ =	shalt  }
0x56: {  	_ =	shalt  }
0x57: {  	_ =	shalt  }
0x58: {  	_ =	shalt  }
0x59: {  	_ =	shalt  }
0x5a: {  	_ =	shalt  }
0x5b: {  	_ =	shalt  }
0x5c: {  	_ =	shalt  }
0x5d: {  	_ =	shalt  }
0x5e: {  	_ =	shalt  }
0x5f: {  	_ =	shalt  }
0x60: {  	_ =	shalt  }
0x61: {  	_ =	shalt  }
0x62: {  	_ =	shalt  }
0x63: {  	_ =	shalt  }
0x64: {  	_ =	shalt  }
0x65: {  	_ =	shalt  }
0x66: {  	_ =	shalt  }
0x67: {  	_ =	shalt  }
0x68: {  	_ =	shalt  }
0x69: {  	_ =	shalt  }
0x6a: {  	_ =	shalt  }
0x6b: {  	_ =	shalt  }
0x6c: {  	_ =	shalt  }
0x6d: {  	_ =	shalt  }
0x6e: {  	_ =	shalt  }
0x6f: {  	_ =	shalt  }
0x70: {  	_ =	shalt  }
0x71: {  	_ =	shalt  }
0x72: {  	_ =	shalt  }
0x73: {  	_ =	shalt  }
0x74: {  	_ =	shalt  }
0x75: {  	_ =	shalt  }
0x76: {  	_ =	shalt  }
0x77: {  	_ =	shalt  }
0x78: {  	_ =	shalt  }
0x79: {  	_ =	shalt  }
0x7a: {  	_ =	shalt  }
0x7b: {  	_ =	shalt  }
0x7c: {  	_ =	shalt  }
0x7d: {  	_ =	shalt  }
0x7e: {  	_ =	shalt  }
0x7f: {  	_ =	shalt  }
0x80: {  	_ =	shalt  }
0x81: {  	_ =	shalt  }
0x82: {  	_ =	shalt  }
0x83: {  	_ =	shalt  }
0x84: {  	_ =	shalt  }
0x85: {  	_ =	shalt  }
0x86: {  	_ =	shalt  }
0x87: {  	_ =	shalt  }
.Lfunc_end0:
.L_simem_size_0:
called_computation.1_lowered:
.L_overlay_start_0:
0x88: {  	s2 =	sld [smem:$0x3FD9]  }
0x89: {  	s3 =	sld [smem:$0x3FFE];
	_ =	sdelay $0x1  }
0x8a: {  	s1 =	srdreg.scid  }
0x8b: {  	s0 =	sand.u32 $0x1, s1  }
0x8c: {  	s17 =	sshll.u32 s0, $0xA;
	s2 =	sadd.s32 s3, s2  }
0x8d: {  	s2 =	sadd.s32 s2, s17  }
0x8e: {  	[smem:$0x3FC0] =	sst s2  }
0x8f: {  	_ = 	snop  }
0x90: {  	s18 =	sld [smem:$0x3FC8];
	(tm) =	ssettm $0x1  }
0x91: {  	s19 =	sld [smem:$0x3FFB];
	_ =	sdelay $0x3  }
0x92: {  	_ =	strace s19  }
0x93: {  	s2 =	sld [smem:$0x3FFC];
	_ =	sdelay $0x3  }
0x94: {  	_ =	strace s2  }
0x95: {  	s2 =	sld [smem:$0x3FFD];
	_ =	sdelay $0x3  }
0x96: {  	_ =	strace s2  }
0x97: {  	_ =	strace $0x8FFFFFFF  }
0x98: {  	s20 =	sld [smem:$0x3FDB];
	_ =	sdelay $0x1  }
0x99: {  	s4 =	simm.s32 $_scs_section_size  }
0x9a: {  	s5 =	simm.s32 $_size__tile_overlayer_lowered;
	s6 =	simm.s32 $_tile_overlayer_lowered  }
0x9b: {  	s7 =	simm.s32 $0x1BFF;
	s21 =	sshll.u32 s6, $0x1;
	s4 =	sadd.s32 s4, s20  }
0x9c: {  	s22 =	simm.s32 $0x0;
	s5 =	sshll.u32 s5, $0x1;
	s6 =	sadd.s32 s21, s4  }
0x9d: {  	[timem:s22], [sflag:s7] =	dma.local [hbm:s6], s5  }
0x9e: {  	_ =	swait.ge [sflag:s7], s5  }
0x9f: {  	s5 =	ssub.s32 $0x0, s5;
	[sflag:s7] =	ssyncset.done $0x0  }
0xa0: {  	[sflag:s7] =	ssyncadd.s32 s5;
	_ =	sdelay $0x1  }
0xa1: {  	s23 =	simm.s32 $0x1B8B  }
0xa2: {  	_ =	swait.ge [sflag:s23], $0x1  }
0xa3: {  	[sflag:s23] =	ssyncset.done $0x0  }
0xa4: {  	[sflag:s23] =	ssyncadd.s32 $0xFFFFFFFF  }
0xa5: {  	s5 =	sld [smem:$0x0]  }
0xa6: {  	s6 =	sand.u32 $0xFFFFFFFE, s1  }
0xa7: {  	p0 =	sne.s32 s1, s6  }
0xa8: {  	s6 =	sshll.u32 @p0 s6, $0xE  }
0xa9: {  	s6 =	sadd.s32 @p0 $0x11B8D, s6;
	s7 =	sshll.u32 @p0 s5, $0x11  }
0xaa: {  	s6 =	sor.u32 @p0 s7, s6  }
0xab: {  	[sflag:s6] =	ssyncadd.remote.s32 @p0 $0x1;
	_ =	sdelay $0x1  }
0xac: {  	s6 =	simm.s32 @p0 $0x1B8D  }
0xad: {  	_ =	swait.eq @p0 [sflag:s6], $0x1  }
0xae: {  	[sflag:s6] =	ssyncadd.s32 @p0 $0xFFFFFFFF  }
0xaf: {  	s7 =	sshll.u32 @!p0 s1, $0xE  }
0xb0: {  	s7 =	sor.u32 @!p0 $0x4000, s7;
	s6 =	simm.s32 @!p0 $0x1B8D  }
0xb1: {  	s5 =	sshll.u32 @!p0 s5, $0x11;
	s7 =	sadd.s32 @!p0 $0x11B8D, s7;
	_ =	swait.eq @!p0 [sflag:s6], $0x1  }
0xb2: {  	s5 =	sor.u32 @!p0 s5, s7;
	[sflag:s6] =	ssyncadd.s32 @!p0 $0xFFFFFFFF  }
0xb3: {  	s25 =	simm.s32 $0x1B8E;
	s24 =	sld [smem:$0x3FFE];
	[sflag:s5] =	ssyncadd.remote.s32 @!p0 $0x1  }
0xb4: {  	s26 =	simm.s32 $execute0_lowered;
	[smem:$0x3FD2] =	sst s25  }
0xb5: {  	s6 =	sshll.u32 s26, $0x1;
	_ =	strace $0x8000004C;
	[dreg:$0x1] =	wrdreg $0xFFFFFFFF  }
0xb6: {  	s28 =	simm.s32 $_size_execute0_lowered;
	s4 =	sadd.s32 s4, s6;
	[dreg:$0x0] =	wrdreg $0x0  }
0xb7: {  	s6 =	sshll.u32 s28, $0x1;
	[dreg:$0x2] =	wrdreg s4  }
0xb8: {  	[dreg:$0x3] =	wrdreg s6  }
0xb9: {  	[dreg:$0x4] =	wrdreg $0xC0  }
0xba: {  	_ =	task [dreg:s22], $0x5FFFF  }
0xbb: {  	[dreg:$0x1] =	wrdreg $0xFFFFFFFF  }
0xbc: {  	[dreg:$0x0] =	wrdreg $0x60  }
0xbd: {  	[dreg:$0x2] =	wrdreg s18  }
0xbe: {  	[dreg:$0x3] =	wrdreg s24  }
0xbf: {  	[dreg:$0x4] =	wrdreg $0xA  }
0xc0: {  	_ =	task.clear_ibuf [dreg:s22], $0x5FFFF;
	_ =	strace $0x9000004C  }
0xc1: {  	s29 =	simm.s32 $0xA;
	_ =	strace $0x8000004E  }
0xc2: {  	_ =	swait.ge [sflag:s29], $0x1  }
0xc3: {  	[sflag:s29] =	ssyncadd.s32 $0xFFFFFFFF  }
0xc4: {  	_ =	strace $0x9000004E  }
0xc5: {  	_ =	sfence  }
0xc6: {  	s30 =	sld [smem:$0x0];
	_ =	sdelay $0x2  }
0xc7: {  	s31 =	sshll.u32 s1, $0xD;
	s1 =	sshrl.u32 s1, $0x2  }
0xc8: {  	s4 =	sand.u32 $0x4000, s31;
	s1 =	sadd.s32 s1, s30  }
0xc9: {  	s0 =	sor.u32 s4, s0;
	s1 =	sshll.u32 s1, $0x11  }
0xca: {  	s0 =	sor.u32 s1, s0  }
0xcb: {  	s0 =	sadd.s32 $0x8F2B, s0  }
0xcc: {  	[sflag:s0] =	ssyncadd.remote.s32 $0x1  }
0xcd: {  	_ =	sfence.sel $0xFFFF  }
0xce: {  	[dreg:$0x0] =	wrdreg $0xFFFFFFFF;
	(pc) =	sbr.abs _section_cstart, $3  }
0xcf: {  	[dreg:$0x1] =	wrdreg $0xFFFFFFFF  }
0xd0: {  	_ =	task.clear_ibuf [dreg:s22], $0x2FFFF;
	_ =	strace $0x9FFFFFFF  }
0xd1: {  	(tm) =	ssettm $0x7FFFFFFF  }
tec
execute0_lowered:
.L_overlay_start_1:
0x0: {  	(tag) =	ssettag $0x1  }
0x1: {  	s2 =	rddreg [dreg:$0x0]  }
0x2: {  	s4 =	rddreg [dreg:$0x1];
	s3 =	srdreg.scid  }
0x3: {  	s0 =	rddreg [dreg:$0x2];
	s1 =	stileid.u32  }
0x4: {  	s9 =	simm.s32 $0x80;
	s10 =	simm.s32 $0x880;
	s11 =	simm.s32 $0x1080  }
0x5: {  	s12 =	simm.s32 $0x1880;
	s13 =	simm.s32 $0x2080;
	s14 =	simm.s32 $0x2880  }
0x6: {  	s15 =	simm.s32 $0x3080;
	s16 =	simm.s32 $0x3880;
	s17 =	simm.s32 $0x4080  }
0x7: {  	s18 =	simm.s32 $0x4880;
	s19 =	simm.s32 $0x5080;
	s20 =	simm.s32 $0x5880  }
0x8: {  	s21 =	simm.s32 $0x6080;
	s22 =	simm.s32 $0x6880;
	s23 =	simm.s32 $0x7080  }
0x9: {  	s24 =	simm.s32 $0x7880;
	s25 =	simm.s32 $0x1;
	s5 =	sand.u32 $0x1, s3  }
0xa: {  	s3 =	simm.s32 $0x0;
	s6 =	sshll.u32 s1, $0x7;
	s7 =	sshll.u32 s5, $0x6  }
0xb: {  	[smem:$0x7FF] =	sst s3;
	s5 =	ssub.s32 $0x2, s5;
	s6 =	sor.u32 s7, s6  }
0xc: {  	_ =	strace $0x8000004D;
	s8 =	sshrl.u32 s5, $0x1;
	s7 =	sshrl.u32 s6, $0x3  }
0xd: {  	v2 =	vlaneseq.u32;
	s6 =	sshll.u32 s6, $0x6;
	s8 =	ssub.s32 s5, s8;
	s7 =	sadd.s32 s7, s4  }
0xe: {  	vm0 =	vmmov $0xffff;
	v1 =	vshrl.u32 v2, $0x3;
	s5 =	sadd.s32 $0x100, s2;
	s6 =	sadd.s32 s6, s4;
	s4 =	sadd.s32 $0x13A00, s7  }
0xf: {  	v0 =	vand.u32 $0x7, v2;
	v2 =	vor.u32 $0x8, v2;
	v1 =	vmul.u32 $0x8, v1;
	s6 =	sadd.s32 $0x33C00, s6;
	s7 =	smax.u32 s8, $0x1;
	s8 =	simm.s32 $0x2  }
.LBB2_1:
0x10: {  	[tilespmem:s3], [sflag:$0x2] =	stream.linear.gather [hbm4b:s4+s3], $0x40, $0x38;
	[tilespmem:$0x8080] =	vst v63  }
0x11: {  	_ =	swait.ge [sflag:s8], $0x40  }
0x12: {  	[sflag:s8] =	ssyncset.done $0x0  }
0x13: {  	[sflag:s8] =	ssyncadd.s32 $0xFFFFFFC0  }
0x14: {  	v3 =	vld [tilespmem:$0x0];
	_ =	sdelay $0x4  }
0x15: {  	v4 =	vshll.u32 v3, $0x2  }
0x16: {  	v3 =	vand.u32 $0x7, v3;
	v4 =	vand.u32 $0xFFFFFFE0, v4  }
0x17: {  	v3 =	vor.u32 v3, v4  }
0x18: {  	v4 =	vperm.xlane v3, v0;
	_ =	sdelay $0x1  }
0x19: {  	v4 =	vadd.s32 v1, v4;
	_ =	sdelay $0x1  }
0x1a: {  	v3 =	vperm.xlane v3, v2;
	_ =	sdelay $0x1  }
0x1b: {  	v3 =	vadd.s32 v1, v3  }
0x1c: {  	[tilespmem:s9], [sflag:$0x1] =	stream.indirect_vreg.gather [hbm4b:s2+s3], $0x80, v4, vm0, $0xb8;
	[tilespmem:$0x8080] =	vst v63  }
0x1d: {  	_ = 	snop  }
0x1e: {  	[tilespmem:s10], [sflag:$0x1] =	stream.indirect_vreg.gather [hbm4b:s5+s3], $0x80, v4, vm0, $0xb8;
	[tilespmem:$0x8080] =	vst v63  }
0x1f: {  	_ = 	snop  }
0x20: {  	[tilespmem:s11], [sflag:$0x1] =	stream.indirect_vreg.gather [hbm4b:s2+s3], $0x80, v3, vm0, $0xb8;
	[tilespmem:$0x8080] =	vst v63  }
0x21: {  	_ = 	snop  }
0x22: {  	[tilespmem:s12], [sflag:$0x1] =	stream.indirect_vreg.gather [hbm4b:s5+s3], $0x80, v3, vm0, $0xb8;
	[tilespmem:$0x8080] =	vst v63  }
0x23: {  	v3 =	vld [tilespmem:$0x10];
	_ =	sdelay $0x4  }
0x24: {  	v61 =	vshll.u32 v3, $0x2  }
0x25: {  	v3 =	vand.u32 $0x7, v3;
	v4 =	vand.u32 $0xFFFFFFE0, v61  }
0x26: {  	v3 =	vor.u32 v3, v4  }
0x27: {  	v4 =	vperm.xlane v3, v0;
	_ =	sdelay $0x1  }
0x28: {  	v4 =	vadd.s32 v1, v4;
	_ =	sdelay $0x1  }
0x29: {  	v3 =	vperm.xlane v3, v2;
	_ =	sdelay $0x1  }
0x2a: {  	v3 =	vadd.s32 v1, v3  }
0x2b: {  	[tilespmem:s13], [sflag:$0x1] =	stream.indirect_vreg.gather [hbm4b:s2+s3], $0x80, v4, vm0, $0xb8;
	[tilespmem:$0x8080] =	vst v63  }
0x2c: {  	_ = 	snop  }
0x2d: {  	[tilespmem:s14], [sflag:$0x1] =	stream.indirect_vreg.gather [hbm4b:s5+s3], $0x80, v4, vm0, $0xb8;
	[tilespmem:$0x8080] =	vst v63  }
0x2e: {  	_ = 	snop  }
0x2f: {  	[tilespmem:s15], [sflag:$0x1] =	stream.indirect_vreg.gather [hbm4b:s2+s3], $0x80, v3, vm0, $0xb8;
	[tilespmem:$0x8080] =	vst v63  }
0x30: {  	_ = 	snop  }
0x31: {  	[tilespmem:s16], [sflag:$0x1] =	stream.indirect_vreg.gather [hbm4b:s5+s3], $0x80, v3, vm0, $0xb8;
	[tilespmem:$0x8080] =	vst v63  }
0x32: {  	v3 =	vld [tilespmem:$0x20];
	_ =	sdelay $0x4  }
0x33: {  	v62 =	vshll.u32 v3, $0x2  }
0x34: {  	v3 =	vand.u32 $0x7, v3;
	v4 =	vand.u32 $0xFFFFFFE0, v62  }
0x35: {  	v3 =	vor.u32 v3, v4  }
0x36: {  	v4 =	vperm.xlane v3, v0;
	_ =	sdelay $0x1  }
0x37: {  	v4 =	vadd.s32 v1, v4;
	_ =	sdelay $0x1  }
0x38: {  	v3 =	vperm.xlane v3, v2;
	_ =	sdelay $0x1  }
0x39: {  	v3 =	vadd.s32 v1, v3  }
0x3a: {  	[tilespmem:s17], [sflag:$0x1] =	stream.indirect_vreg.gather [hbm4b:s2+s3], $0x80, v4, vm0, $0xb8;
	[tilespmem:$0x8080] =	vst v63  }
0x3b: {  	_ = 	snop  }
0x3c: {  	[tilespmem:s18], [sflag:$0x1] =	stream.indirect_vreg.gather [hbm4b:s5+s3], $0x80, v4, vm0, $0xb8;
	[tilespmem:$0x8080] =	vst v63  }
0x3d: {  	_ = 	snop  }
0x3e: {  	[tilespmem:s19], [sflag:$0x1] =	stream.indirect_vreg.gather [hbm4b:s2+s3], $0x80, v3, vm0, $0xb8;
	[tilespmem:$0x8080] =	vst v63  }
0x3f: {  	_ = 	snop  }
0x40: {  	[tilespmem:s20], [sflag:$0x1] =	stream.indirect_vreg.gather [hbm4b:s5+s3], $0x80, v3, vm0, $0xb8;
	[tilespmem:$0x8080] =	vst v63  }
0x41: {  	v3 =	vld [tilespmem:$0x30];
	_ =	sdelay $0x4  }
0x42: {  	v63 =	vshll.u32 v3, $0x2  }
0x43: {  	v3 =	vand.u32 $0x7, v3;
	v4 =	vand.u32 $0xFFFFFFE0, v63  }
0x44: {  	v3 =	vor.u32 v3, v4  }
0x45: {  	v4 =	vperm.xlane v3, v0;
	_ =	sdelay $0x1  }
0x46: {  	v4 =	vadd.s32 v1, v4;
	_ =	sdelay $0x1  }
0x47: {  	v3 =	vperm.xlane v3, v2;
	_ =	sdelay $0x1  }
0x48: {  	v3 =	vadd.s32 v1, v3  }
0x49: {  	[tilespmem:s21], [sflag:$0x1] =	stream.indirect_vreg.gather [hbm4b:s2+s3], $0x80, v4, vm0, $0xb8;
	[tilespmem:$0x8080] =	vst v63  }
0x4a: {  	_ = 	snop  }
0x4b: {  	[tilespmem:s22], [sflag:$0x1] =	stream.indirect_vreg.gather [hbm4b:s5+s3], $0x80, v4, vm0, $0xb8;
	[tilespmem:$0x8080] =	vst v63  }
0x4c: {  	_ = 	snop  }
0x4d: {  	[tilespmem:s23], [sflag:$0x1] =	stream.indirect_vreg.gather [hbm4b:s2+s3], $0x80, v3, vm0, $0xb8;
	[tilespmem:$0x8080] =	vst v63  }
0x4e: {  	_ = 	snop  }
0x4f: {  	[tilespmem:s24], [sflag:$0x1] =	stream.indirect_vreg.gather [hbm4b:s5+s3], $0x80, v3, vm0, $0xb8;
	[tilespmem:$0x8080] =	vst v63  }
0x50: {  	_ =	swait.ge [sflag:s25], $0x8000  }
0x51: {  	p0 =	sne.s32 s7, $0x1;
	[sflag:s25] =	ssyncset.done $0x0  }
.Ltmp0:
0x52: {  	[sflag:s25] =	ssyncadd.s32 $0xFFFF8000;
	(pc) =	sbr.rel @p0 .LBB2_1-.Ltmp0, $4  }
0x53: {  	[hbm4b:s6+s3] =	stream.linear.scatter [tilespmem:s9], [sflag:$0x2], $0x8000, $0x38;
	[tilespmem:$0x8080] =	vst v63  }
0x54: {  	_ =	swait.ge [sflag:s8], $0x8000  }
0x55: {  	[sflag:s8] =	ssyncset.done $0x0  }
0x56: {  	s7 =	sadd.s32 $0xFFFFFFFF, s7;
	[sflag:s8] =	ssyncadd.s32 $0xFFFF8000  }
0x57: {  	_ =	sfence.sel $0x180000  }
0x58: {  	[bflag:$0x0] =	sbarrier.arrive $0xFFFF  }
0x59: {  	p0 =	sne.s32 s1, $0x0;
	_ =	strace $0x9000004D  }
0x5a: {  	s0 =	sadd.s32 @!p0 $0x100000, s0;
	[bflag:$0x2] =	sbarrier.arrive $0xFFFF  }
0x5b: {  	[sflag:s0] =	ssyncadd.tile.s32 @!p0 $0x1;
	_ =	shalt  }
.Lfunc_end2:
_tile_overlayer_lowered:
.L_overlay_start_2:
0x5c: {  	(tag) =	ssettag $0x2  }
0x5d: {  	s0 =	rddreg [dreg:$0x0];
	s2 =	stileid.u32  }
0x5e: {  	s1 =	rddreg [dreg:$0x1];
	p0 =	sne.s32 s2, $0x0  }
0x5f: {  	s3 =	rddreg [dreg:$0x2];
	[bflag:$0x3] =	sbarrier.arrive $0xFFFF;
	s2 =	simm.s32 @!p0 $0x1C02  }
0x60: {  	[timem:s3], [sflag:s2] =	dma.local @!p0 [hbm:s0], s1  }
0x61: {  	s0 =	simm.s32 @!p0 $0x2  }
0x62: {  	_ =	swait.ge @!p0 [sflag:s0], s1  }
0x63: {  	s1 =	ssub.s32 @!p0 $0x0, s1;
	[sflag:s0] =	ssyncset.done @!p0 $0x0  }
0x64: {  	[sflag:s0] =	ssyncadd.s32 @!p0 s1  }
0x65: {  	[bflag:$0x3] =	sbarrier.arrive $0xFFFF  }
0x66: {  	_ =	shalt  }

// kernel: kernel.18.cloned.1.call-start
scs
__scs_entry_jumppad:
0x0: {  	(pc) =	sbr.rel $0x88, $3  }
0x1: {  	(tag) =	ssettag $0x0;
	lr =	simm.s32 $0x1  }
0x2: {  	[smem:$0x3F99] =	sst lr;
	_ =	strace $0xD0000000  }
0x3: {  	_ = 	snop  }
0x4: {  	_ = 	snop  }
0x5: {  	_ = 	snop  }
0x6: {  	_ = 	snop  }
0x7: {  	_ = 	snop  }
__scs_overlays_trampoline_lowered:
0x8: {  	[smem:$0x3FA8] =	sst s0  }
0x9: {  	[smem:$0x3FA9] =	sst s1  }
0xa: {  	[smem:$0x3FAA] =	sst s2  }
0xb: {  	[smem:$0x3FAB] =	sst s3  }
0xc: {  	[smem:$0x3FAC] =	sst s4  }
0xd: {  	[smem:$0x3FAD] =	sst s5  }
0xe: {  	[smem:$0x3FAE] =	sst s6  }
0xf: {  	[smem:$0x3FAF] =	sst s7  }
0x10: {  	[smem:$0x3FB0] =	sst s8  }
0x11: {  	[smem:$0x3FB1] =	sst s9;
	s0 =	simm.s32 @!p0 $0x0  }
0x12: {  	s1 =	sld [smem:$0x3F97];
	s0 =	simm.s32 @p0 $0x1  }
0x13: {  	[smem:$0x3FB2] =	sst s0;
	s0 =	simm.s32 @!p1 $0x0  }
0x14: {  	s2 =	sld [smem:$0x3F96];
	s0 =	simm.s32 @p1 $0x1  }
0x15: {  	[smem:$0x3FB3] =	sst s0;
	s0 =	simm.s32 @!p2 $0x0  }
0x16: {  	s3 =	sld [smem:$0x3FDB];
	s0 =	simm.s32 @p2 $0x1  }
0x17: {  	s4 =	simm.s32 $0x1BF5;
	[smem:$0x3FB5] =	sst s0  }
0x18: {  	s0 =	sld [smem:$0x3F98];
	_ =	swait.ge [sflag:s4], $0x0  }
0x19: {  	s7 =	sld [smem:$0x3F99]  }
0x1a: {  	s8 =	sadd.s32 $0xFFFFE003, lr  }
0x1b: {  	s9 =	sadd.s32 $0xFFFFFEF7, lr;
	s5 =	simm.s32 $0xFFFFFFFF;
	p2 =	slt.u32 s8, $0xFFFFF086  }
0x1c: {  	p1 =	slt.u32 s9, $0xF7A;
	s5 =	simm.s32 @!p2 $0x0  }
0x1d: {  	s5 =	simm.s32 @p1 $0x1;
	p0 =	seq.s32 s7, s2  }
0x1e: {  	s7 =	smul.u32 @!p0 $0xF7A, s2;
	p2 =	seq.s32 @!p0 s5, $0x0  }
0x1f: {  	s9 =	smul.u32 $0xF7A, s1;
	s8 =	simm.s32 @!p0 $0x1BF5;
	p2 =	por !p2, p0  }
0x20: {  	[sflag:s8] =	ssyncset.s32 @!p0 $0xFFFFF086;
	s6 =	sadd.s32 @!p0 s3, s7;
	s7 =	simm.s32 @!p0 $0x108  }
0x21: {  	s3 =	sadd.s32 s3, s9;
	s6 =	sadd.s32 @!p0 $0x88, s6;
	s7 =	simm.s32 @p2 $0x1082  }
0x22: {  	[simem:s7], [sflag:s8] =	dma.local @!p0 [hbm:s6], $0xF7A  }
0x23: {  	s9 =	sor.u32 $0xD0000000, s2;
	s6 =	simm.s32 $0x108;
	_ =	swait.ge @!p0 [sflag:s8], $0x0  }
0x24: {  	s3 =	sadd.s32 $0x88, s3;
	s6 =	simm.s32 @!p1 $0x1082;
	[sflag:s4] =	ssyncset.s32 $0xFFFFF086  }
0x25: {  	[simem:s6], [sflag:s4] =	dma.local [hbm:s3], $0xF7A  }
0x26: {  	[smem:$0x3F99] =	sst s1;
	(tag) =	ssettag s2;
	_ =	strace s9  }
0x27: {  	s1 =	sld [smem:$0x3FA9]  }
0x28: {  	s2 =	sld [smem:$0x3FAA]  }
0x29: {  	s4 =	sld [smem:$0x3FAC]  }
0x2a: {  	p0 =	seq.s32 s5, $0x0;
	s5 =	sld [smem:$0x3FAD]  }
0x2b: {  	s6 =	sld [smem:$0x3FAE]  }
0x2c: {  	s7 =	sld [smem:$0x3FAF]  }
0x2d: {  	s3 =	simm.s32 $0x108;
	s8 =	sld [smem:$0x3FB0]  }
0x2e: {  	s3 =	simm.s32 @!p0 $0x1082;
	s9 =	sld [smem:$0x3FB1]  }
0x2f: {  	lr =	sadd.s32 s0, s3;
	s0 =	sld [smem:$0x3FA8]  }
0x30: {  	s3 =	sld [smem:$0x3FAB]  }
0x31: {  	[smem:$0x3FB4] =	sst s10  }
0x32: {  	s10 =	sld [smem:$0x3FB2];
	_ =	sdelay $0x3  }
0x33: {  	p0 =	seq.s32 s10, $0x1;
	s10 =	sld [smem:$0x3FB4];
	_ =	sdelay $0x3  }
0x34: {  	[smem:$0x3FB4] =	sst s10  }
0x35: {  	s10 =	sld [smem:$0x3FB3];
	_ =	sdelay $0x3  }
0x36: {  	p1 =	seq.s32 s10, $0x1;
	s10 =	sld [smem:$0x3FB4];
	_ =	sdelay $0x3  }
0x37: {  	[smem:$0x3FB4] =	sst s10  }
0x38: {  	s10 =	sld [smem:$0x3FB5]  }
0x39: {  	_ = 	snop;
	(pc) =	sbr.ind lr, $3  }
0x3a: {  	_ = 	snop  }
0x3b: {  	_ = 	snop  }
0x3c: {  	p2 =	seq.s32 s10, $0x1;
	s10 =	sld [smem:$0x3FB4]  }
0x3d: {  	_ =	shalt  }
0x3e: {  	_ =	shalt  }
0x3f: {  	_ =	shalt  }
0x40: {  	_ =	shalt  }
0x41: {  	_ =	shalt  }
0x42: {  	_ =	shalt  }
0x43: {  	_ =	shalt  }
0x44: {  	_ =	shalt  }
0x45: {  	_ =	shalt  }
0x46: {  	_ =	shalt  }
0x47: {  	_ =	shalt  }
0x48: {  	_ =	shalt  }
0x49: {  	_ =	shalt  }
0x4a: {  	_ =	shalt  }
0x4b: {  	_ =	shalt  }
0x4c: {  	_ =	shalt  }
0x4d: {  	_ =	shalt  }
0x4e: {  	_ =	shalt  }
0x4f: {  	_ =	shalt  }
0x50: {  	_ =	shalt  }
0x51: {  	_ =	shalt  }
0x52: {  	_ =	shalt  }
0x53: {  	_ =	shalt  }
0x54: {  	_ =	shalt  }
0x55: {  	_ =	shalt  }
0x56: {  	_ =	shalt  }
0x57: {  	_ =	shalt  }
0x58: {  	_ =	shalt  }
0x59: {  	_ =	shalt  }
0x5a: {  	_ =	shalt  }
0x5b: {  	_ =	shalt  }
0x5c: {  	_ =	shalt  }
0x5d: {  	_ =	shalt  }
0x5e: {  	_ =	shalt  }
0x5f: {  	_ =	shalt  }
0x60: {  	_ =	shalt  }
0x61: {  	_ =	shalt  }
0x62: {  	_ =	shalt  }
0x63: {  	_ =	shalt  }
0x64: {  	_ =	shalt  }
0x65: {  	_ =	shalt  }
0x66: {  	_ =	shalt  }
0x67: {  	_ =	shalt  }
0x68: {  	_ =	shalt  }
0x69: {  	_ =	shalt  }
0x6a: {  	_ =	shalt  }
0x6b: {  	_ =	shalt  }
0x6c: {  	_ =	shalt  }
0x6d: {  	_ =	shalt  }
0x6e: {  	_ =	shalt  }
0x6f: {  	_ =	shalt  }
0x70: {  	_ =	shalt  }
0x71: {  	_ =	shalt  }
0x72: {  	_ =	shalt  }
0x73: {  	_ =	shalt  }
0x74: {  	_ =	shalt  }
0x75: {  	_ =	shalt  }
0x76: {  	_ =	shalt  }
0x77: {  	_ =	shalt  }
0x78: {  	_ =	shalt  }
0x79: {  	_ =	shalt  }
0x7a: {  	_ =	shalt  }
0x7b: {  	_ =	shalt  }
0x7c: {  	_ =	shalt  }
0x7d: {  	_ =	shalt  }
0x7e: {  	_ =	shalt  }
0x7f: {  	_ =	shalt  }
0x80: {  	_ =	shalt  }
0x81: {  	_ =	shalt  }
0x82: {  	_ =	shalt  }
0x83: {  	_ =	shalt  }
0x84: {  	_ =	shalt  }
0x85: {  	_ =	shalt  }
0x86: {  	_ =	shalt  }
0x87: {  	_ =	shalt  }
.Lfunc_end0:
.L_simem_size_0:
called_computation.2_lowered:
.L_overlay_start_0:
0x88: {  	s2 =	sld [smem:$0x3FD9]  }
0x89: {  	s3 =	sld [smem:$0x3FFE];
	_ =	sdelay $0x1  }
0x8a: {  	s1 =	srdreg.scid  }
0x8b: {  	s0 =	sand.u32 $0x1, s1  }
0x8c: {  	s17 =	sshll.u32 s0, $0xA;
	s2 =	sadd.s32 s3, s2  }
0x8d: {  	s2 =	sadd.s32 s2, s17  }
0x8e: {  	[smem:$0x3FC0] =	sst s2  }
0x8f: {  	_ = 	snop  }
0x90: {  	s18 =	sld [smem:$0x3FC8];
	(tm) =	ssettm $0x1  }
0x91: {  	s19 =	sld [smem:$0x3FFB];
	_ =	sdelay $0x3  }
0x92: {  	_ =	strace s19  }
0x93: {  	s2 =	sld [smem:$0x3FFC];
	_ =	sdelay $0x3  }
0x94: {  	_ =	strace s2  }
0x95: {  	s2 =	sld [smem:$0x3FFD];
	_ =	sdelay $0x3  }
0x96: {  	_ =	strace s2  }
0x97: {  	_ =	strace $0x8FFFFFFF  }
0x98: {  	s20 =	sld [smem:$0x3FDB];
	_ =	sdelay $0x1  }
0x99: {  	s4 =	simm.s32 $_scs_section_size  }
0x9a: {  	s5 =	simm.s32 $_size__tile_overlayer_lowered;
	s6 =	simm.s32 $_tile_overlayer_lowered  }
0x9b: {  	s7 =	simm.s32 $0x1BFF;
	s21 =	sshll.u32 s6, $0x1;
	s4 =	sadd.s32 s4, s20  }
0x9c: {  	s22 =	simm.s32 $0x0;
	s5 =	sshll.u32 s5, $0x1;
	s6 =	sadd.s32 s21, s4  }
0x9d: {  	[timem:s22], [sflag:s7] =	dma.local [hbm:s6], s5  }
0x9e: {  	_ =	swait.ge [sflag:s7], s5  }
0x9f: {  	s5 =	ssub.s32 $0x0, s5;
	[sflag:s7] =	ssyncset.done $0x0  }
0xa0: {  	[sflag:s7] =	ssyncadd.s32 s5;
	_ =	sdelay $0x1  }
0xa1: {  	s23 =	simm.s32 $0x1B8B  }
0xa2: {  	_ =	swait.ge [sflag:s23], $0x1  }
0xa3: {  	[sflag:s23] =	ssyncset.done $0x0  }
0xa4: {  	[sflag:s23] =	ssyncadd.s32 $0xFFFFFFFF  }
0xa5: {  	s5 =	sld [smem:$0x0]  }
0xa6: {  	s6 =	sand.u32 $0xFFFFFFFE, s1  }
0xa7: {  	p0 =	sne.s32 s1, s6  }
0xa8: {  	s6 =	sshll.u32 @p0 s6, $0xE  }
0xa9: {  	s6 =	sadd.s32 @p0 $0x11B8D, s6;
	s7 =	sshll.u32 @p0 s5, $0x11  }
0xaa: {  	s6 =	sor.u32 @p0 s7, s6  }
0xab: {  	[sflag:s6] =	ssyncadd.remote.s32 @p0 $0x1;
	_ =	sdelay $0x1  }
0xac: {  	s6 =	simm.s32 @p0 $0x1B8D  }
0xad: {  	_ =	swait.eq @p0 [sflag:s6], $0x1  }
0xae: {  	[sflag:s6] =	ssyncadd.s32 @p0 $0xFFFFFFFF  }
0xaf: {  	s7 =	sshll.u32 @!p0 s1, $0xE  }
0xb0: {  	s7 =	sor.u32 @!p0 $0x4000, s7;
	s6 =	simm.s32 @!p0 $0x1B8D  }
0xb1: {  	s5 =	sshll.u32 @!p0 s5, $0x11;
	s7 =	sadd.s32 @!p0 $0x11B8D, s7;
	_ =	swait.eq @!p0 [sflag:s6], $0x1  }
0xb2: {  	s5 =	sor.u32 @!p0 s5, s7;
	[sflag:s6] =	ssyncadd.s32 @!p0 $0xFFFFFFFF  }
0xb3: {  	s25 =	simm.s32 $0x1B8E;
	s24 =	sld [smem:$0x3FFE];
	[sflag:s5] =	ssyncadd.remote.s32 @!p0 $0x1  }
0xb4: {  	s26 =	simm.s32 $execute0_lowered;
	[smem:$0x3FD2] =	sst s25  }
0xb5: {  	s6 =	sshll.u32 s26, $0x1;
	_ =	strace $0x80000049;
	[dreg:$0x1] =	wrdreg $0xFFFFFFFF  }
0xb6: {  	s28 =	simm.s32 $_size_execute0_lowered;
	s4 =	sadd.s32 s4, s6;
	[dreg:$0x0] =	wrdreg $0x0  }
0xb7: {  	s6 =	sshll.u32 s28, $0x1;
	[dreg:$0x2] =	wrdreg s4  }
0xb8: {  	[dreg:$0x3] =	wrdreg s6  }
0xb9: {  	[dreg:$0x4] =	wrdreg $0xC0  }
0xba: {  	_ =	task [dreg:s22], $0x5FFFF  }
0xbb: {  	[dreg:$0x1] =	wrdreg $0xFFFFFFFF  }
0xbc: {  	[dreg:$0x0] =	wrdreg $0x60  }
0xbd: {  	[dreg:$0x2] =	wrdreg s18  }
0xbe: {  	[dreg:$0x3] =	wrdreg s24  }
0xbf: {  	[dreg:$0x4] =	wrdreg $0xB  }
0xc0: {  	_ =	task.clear_ibuf [dreg:s22], $0x5FFFF;
	_ =	strace $0x90000049  }
0xc1: {  	s29 =	simm.s32 $0xB;
	_ =	strace $0x8000004B  }
0xc2: {  	_ =	swait.ge [sflag:s29], $0x1  }
0xc3: {  	[sflag:s29] =	ssyncadd.s32 $0xFFFFFFFF  }
0xc4: {  	_ =	strace $0x9000004B  }
0xc5: {  	_ =	sfence  }
0xc6: {  	s30 =	sld [smem:$0x0];
	_ =	sdelay $0x2  }
0xc7: {  	s31 =	sshll.u32 s1, $0xD;
	s1 =	sshrl.u32 s1, $0x2  }
0xc8: {  	s4 =	sand.u32 $0x4000, s31;
	s1 =	sadd.s32 s1, s30  }
0xc9: {  	s0 =	sor.u32 s4, s0;
	s1 =	sshll.u32 s1, $0x11  }
0xca: {  	s0 =	sor.u32 s1, s0  }
0xcb: {  	s0 =	sadd.s32 $0x8F2B, s0  }
0xcc: {  	[sflag:s0] =	ssyncadd.remote.s32 $0x1  }
0xcd: {  	_ =	sfence.sel $0xFFFF  }
0xce: {  	[dreg:$0x0] =	wrdreg $0xFFFFFFFF;
	(pc) =	sbr.abs _section_cstart, $3  }
0xcf: {  	[dreg:$0x1] =	wrdreg $0xFFFFFFFF  }
0xd0: {  	_ =	task.clear_ibuf [dreg:s22], $0x2FFFF;
	_ =	strace $0x9FFFFFFF  }
0xd1: {  	(tm) =	ssettm $0x7FFFFFFF  }
tec
execute0_lowered:
.L_overlay_start_1:
0x0: {  	(tag) =	ssettag $0x1  }
0x1: {  	s2 =	rddreg [dreg:$0x0]  }
0x2: {  	s4 =	rddreg [dreg:$0x1];
	s3 =	srdreg.scid  }
0x3: {  	s0 =	rddreg [dreg:$0x2];
	s1 =	stileid.u32  }
0x4: {  	s9 =	simm.s32 $0x80;
	s10 =	simm.s32 $0x880;
	s11 =	simm.s32 $0x1080  }
0x5: {  	s12 =	simm.s32 $0x1880;
	s13 =	simm.s32 $0x2080;
	s14 =	simm.s32 $0x2880  }
0x6: {  	s15 =	simm.s32 $0x3080;
	s16 =	simm.s32 $0x3880;
	s17 =	simm.s32 $0x4080  }
0x7: {  	s18 =	simm.s32 $0x4880;
	s19 =	simm.s32 $0x5080;
	s20 =	simm.s32 $0x5880  }
0x8: {  	s21 =	simm.s32 $0x6080;
	s22 =	simm.s32 $0x6880;
	s23 =	simm.s32 $0x7080  }
0x9: {  	s24 =	simm.s32 $0x7880;
	s25 =	simm.s32 $0x1;
	s5 =	sand.u32 $0x1, s3  }
0xa: {  	s3 =	simm.s32 $0x0;
	s6 =	sshll.u32 s1, $0x7;
	s7 =	sshll.u32 s5, $0x6  }
0xb: {  	[smem:$0x7FF] =	sst s3;
	s5 =	ssub.s32 $0x2, s5;
	s6 =	sor.u32 s7, s6  }
0xc: {  	_ =	strace $0x8000004A;
	s8 =	sshrl.u32 s5, $0x1;
	s7 =	sshrl.u32 s6, $0x3  }
0xd: {  	v2 =	vlaneseq.u32;
	s6 =	sshll.u32 s6, $0x6;
	s8 =	ssub.s32 s5, s8;
	s7 =	sadd.s32 s7, s4  }
0xe: {  	vm0 =	vmmov $0xffff;
	v1 =	vshrl.u32 v2, $0x3;
	s5 =	sadd.s32 $0x100, s2;
	s6 =	sadd.s32 s6, s4;
	s4 =	sadd.s32 $0x13800, s7  }
0xf: {  	v0 =	vand.u32 $0x7, v2;
	v2 =	vor.u32 $0x8, v2;
	v1 =	vmul.u32 $0x8, v1;
	s6 =	sadd.s32 $0x13C00, s6;
	s7 =	smax.u32 s8, $0x1;
	s8 =	simm.s32 $0x2  }
.LBB2_1:
0x10: {  	[tilespmem:s3], [sflag:$0x2] =	stream.linear.gather [hbm4b:s4+s3], $0x40, $0x38;
	[tilespmem:$0x8080] =	vst v63  }
0x11: {  	_ =	swait.ge [sflag:s8], $0x40  }
0x12: {  	[sflag:s8] =	ssyncset.done $0x0  }
0x13: {  	[sflag:s8] =	ssyncadd.s32 $0xFFFFFFC0  }
0x14: {  	v3 =	vld [tilespmem:$0x0];
	_ =	sdelay $0x4  }
0x15: {  	v4 =	vshll.u32 v3, $0x2  }
0x16: {  	v3 =	vand.u32 $0x7, v3;
	v4 =	vand.u32 $0xFFFFFFE0, v4  }
0x17: {  	v3 =	vor.u32 v3, v4  }
0x18: {  	v4 =	vperm.xlane v3, v0;
	_ =	sdelay $0x1  }
0x19: {  	v4 =	vadd.s32 v1, v4;
	_ =	sdelay $0x1  }
0x1a: {  	v3 =	vperm.xlane v3, v2;
	_ =	sdelay $0x1  }
0x1b: {  	v3 =	vadd.s32 v1, v3  }
0x1c: {  	[tilespmem:s9], [sflag:$0x1] =	stream.indirect_vreg.gather [hbm4b:s2+s3], $0x80, v4, vm0, $0xb8;
	[tilespmem:$0x8080] =	vst v63  }
0x1d: {  	_ = 	snop  }
0x1e: {  	[tilespmem:s10], [sflag:$0x1] =	stream.indirect_vreg.gather [hbm4b:s5+s3], $0x80, v4, vm0, $0xb8;
	[tilespmem:$0x8080] =	vst v63  }
0x1f: {  	_ = 	snop  }
0x20: {  	[tilespmem:s11], [sflag:$0x1] =	stream.indirect_vreg.gather [hbm4b:s2+s3], $0x80, v3, vm0, $0xb8;
	[tilespmem:$0x8080] =	vst v63  }
0x21: {  	_ = 	snop  }
0x22: {  	[tilespmem:s12], [sflag:$0x1] =	stream.indirect_vreg.gather [hbm4b:s5+s3], $0x80, v3, vm0, $0xb8;
	[tilespmem:$0x8080] =	vst v63  }
0x23: {  	v3 =	vld [tilespmem:$0x10];
	_ =	sdelay $0x4  }
0x24: {  	v61 =	vshll.u32 v3, $0x2  }
0x25: {  	v3 =	vand.u32 $0x7, v3;
	v4 =	vand.u32 $0xFFFFFFE0, v61  }
0x26: {  	v3 =	vor.u32 v3, v4  }
0x27: {  	v4 =	vperm.xlane v3, v0;
	_ =	sdelay $0x1  }
0x28: {  	v4 =	vadd.s32 v1, v4;
	_ =	sdelay $0x1  }
0x29: {  	v3 =	vperm.xlane v3, v2;
	_ =	sdelay $0x1  }
0x2a: {  	v3 =	vadd.s32 v1, v3  }
0x2b: {  	[tilespmem:s13], [sflag:$0x1] =	stream.indirect_vreg.gather [hbm4b:s2+s3], $0x80, v4, vm0, $0xb8;
	[tilespmem:$0x8080] =	vst v63  }
0x2c: {  	_ = 	snop  }
0x2d: {  	[tilespmem:s14], [sflag:$0x1] =	stream.indirect_vreg.gather [hbm4b:s5+s3], $0x80, v4, vm0, $0xb8;
	[tilespmem:$0x8080] =	vst v63  }
0x2e: {  	_ = 	snop  }
0x2f: {  	[tilespmem:s15], [sflag:$0x1] =	stream.indirect_vreg.gather [hbm4b:s2+s3], $0x80, v3, vm0, $0xb8;
	[tilespmem:$0x8080] =	vst v63  }
0x30: {  	_ = 	snop  }
0x31: {  	[tilespmem:s16], [sflag:$0x1] =	stream.indirect_vreg.gather [hbm4b:s5+s3], $0x80, v3, vm0, $0xb8;
	[tilespmem:$0x8080] =	vst v63  }
0x32: {  	v3 =	vld [tilespmem:$0x20];
	_ =	sdelay $0x4  }
0x33: {  	v62 =	vshll.u32 v3, $0x2  }
0x34: {  	v3 =	vand.u32 $0x7, v3;
	v4 =	vand.u32 $0xFFFFFFE0, v62  }
0x35: {  	v3 =	vor.u32 v3, v4  }
0x36: {  	v4 =	vperm.xlane v3, v0;
	_ =	sdelay $0x1  }
0x37: {  	v4 =	vadd.s32 v1, v4;
	_ =	sdelay $0x1  }
0x38: {  	v3 =	vperm.xlane v3, v2;
	_ =	sdelay $0x1  }
0x39: {  	v3 =	vadd.s32 v1, v3  }
0x3a: {  	[tilespmem:s17], [sflag:$0x1] =	stream.indirect_vreg.gather [hbm4b:s2+s3], $0x80, v4, vm0, $0xb8;
	[tilespmem:$0x8080] =	vst v63  }
0x3b: {  	_ = 	snop  }
0x3c: {  	[tilespmem:s18], [sflag:$0x1] =	stream.indirect_vreg.gather [hbm4b:s5+s3], $0x80, v4, vm0, $0xb8;
	[tilespmem:$0x8080] =	vst v63  }
0x3d: {  	_ = 	snop  }
0x3e: {  	[tilespmem:s19], [sflag:$0x1] =	stream.indirect_vreg.gather [hbm4b:s2+s3], $0x80, v3, vm0, $0xb8;
	[tilespmem:$0x8080] =	vst v63  }
0x3f: {  	_ = 	snop  }
0x40: {  	[tilespmem:s20], [sflag:$0x1] =	stream.indirect_vreg.gather [hbm4b:s5+s3], $0x80, v3, vm0, $0xb8;
	[tilespmem:$0x8080] =	vst v63  }
0x41: {  	v3 =	vld [tilespmem:$0x30];
	_ =	sdelay $0x4  }
0x42: {  	v63 =	vshll.u32 v3, $0x2  }
0x43: {  	v3 =	vand.u32 $0x7, v3;
	v4 =	vand.u32 $0xFFFFFFE0, v63  }
0x44: {  	v3 =	vor.u32 v3, v4  }
0x45: {  	v4 =	vperm.xlane v3, v0;
	_ =	sdelay $0x1  }
0x46: {  	v4 =	vadd.s32 v1, v4;
	_ =	sdelay $0x1  }
0x47: {  	v3 =	vperm.xlane v3, v2;
	_ =	sdelay $0x1  }
0x48: {  	v3 =	vadd.s32 v1, v3  }
0x49: {  	[tilespmem:s21], [sflag:$0x1] =	stream.indirect_vreg.gather [hbm4b:s2+s3], $0x80, v4, vm0, $0xb8;
	[tilespmem:$0x8080] =	vst v63  }
0x4a: {  	_ = 	snop  }
0x4b: {  	[tilespmem:s22], [sflag:$0x1] =	stream.indirect_vreg.gather [hbm4b:s5+s3], $0x80, v4, vm0, $0xb8;
	[tilespmem:$0x8080] =	vst v63  }
0x4c: {  	_ = 	snop  }
0x4d: {  	[tilespmem:s23], [sflag:$0x1] =	stream.indirect_vreg.gather [hbm4b:s2+s3], $0x80, v3, vm0, $0xb8;
	[tilespmem:$0x8080] =	vst v63  }
0x4e: {  	_ = 	snop  }
0x4f: {  	[tilespmem:s24], [sflag:$0x1] =	stream.indirect_vreg.gather [hbm4b:s5+s3], $0x80, v3, vm0, $0xb8;
	[tilespmem:$0x8080] =	vst v63  }
0x50: {  	_ =	swait.ge [sflag:s25], $0x8000  }
0x51: {  	p0 =	sne.s32 s7, $0x1;
	[sflag:s25] =	ssyncset.done $0x0  }
.Ltmp0:
0x52: {  	[sflag:s25] =	ssyncadd.s32 $0xFFFF8000;
	(pc) =	sbr.rel @p0 .LBB2_1-.Ltmp0, $4  }
0x53: {  	[hbm4b:s6+s3] =	stream.linear.scatter [tilespmem:s9], [sflag:$0x2], $0x8000, $0x38;
	[tilespmem:$0x8080] =	vst v63  }
0x54: {  	_ =	swait.ge [sflag:s8], $0x8000  }
0x55: {  	[sflag:s8] =	ssyncset.done $0x0  }
0x56: {  	s7 =	sadd.s32 $0xFFFFFFFF, s7;
	[sflag:s8] =	ssyncadd.s32 $0xFFFF8000  }
0x57: {  	_ =	sfence.sel $0x180000  }
0x58: {  	[bflag:$0x0] =	sbarrier.arrive $0xFFFF  }
0x59: {  	p0 =	sne.s32 s1, $0x0;
	_ =	strace $0x9000004A  }
0x5a: {  	s0 =	sadd.s32 @!p0 $0x100000, s0;
	[bflag:$0x2] =	sbarrier.arrive $0xFFFF  }
0x5b: {  	[sflag:s0] =	ssyncadd.tile.s32 @!p0 $0x1;
	_ =	shalt  }
.Lfunc_end2:
_tile_overlayer_lowered:
.L_overlay_start_2:
0x5c: {  	(tag) =	ssettag $0x2  }
0x5d: {  	s0 =	rddreg [dreg:$0x0];
	s2 =	stileid.u32  }
0x5e: {  	s1 =	rddreg [dreg:$0x1];
	p0 =	sne.s32 s2, $0x0  }
0x5f: {  	s3 =	rddreg [dreg:$0x2];
	[bflag:$0x3] =	sbarrier.arrive $0xFFFF;
	s2 =	simm.s32 @!p0 $0x1C02  }
0x60: {  	[timem:s3], [sflag:s2] =	dma.local @!p0 [hbm:s0], s1  }
0x61: {  	s0 =	simm.s32 @!p0 $0x2  }
0x62: {  	_ =	swait.ge @!p0 [sflag:s0], s1  }
0x63: {  	s1 =	ssub.s32 @!p0 $0x0, s1;
	[sflag:s0] =	ssyncset.done @!p0 $0x0  }
0x64: {  	[sflag:s0] =	ssyncadd.s32 @!p0 s1  }
0x65: {  	[bflag:$0x3] =	sbarrier.arrive $0xFFFF  }
0x66: {  	_ =	shalt  }

// kernel: kernel.21.cloned.1.call-start
scs
__scs_entry_jumppad:
0x0: {  	(pc) =	sbr.rel $0x88, $3  }
0x1: {  	(tag) =	ssettag $0x0;
	lr =	simm.s32 $0x1  }
0x2: {  	[smem:$0x3F99] =	sst lr;
	_ =	strace $0xD0000000  }
0x3: {  	_ = 	snop  }
0x4: {  	_ = 	snop  }
0x5: {  	_ = 	snop  }
0x6: {  	_ = 	snop  }
0x7: {  	_ = 	snop  }
__scs_overlays_trampoline_lowered:
0x8: {  	[smem:$0x3FA8] =	sst s0  }
0x9: {  	[smem:$0x3FA9] =	sst s1  }
0xa: {  	[smem:$0x3FAA] =	sst s2  }
0xb: {  	[smem:$0x3FAB] =	sst s3  }
0xc: {  	[smem:$0x3FAC] =	sst s4  }
0xd: {  	[smem:$0x3FAD] =	sst s5  }
0xe: {  	[smem:$0x3FAE] =	sst s6  }
0xf: {  	[smem:$0x3FAF] =	sst s7  }
0x10: {  	[smem:$0x3FB0] =	sst s8  }
0x11: {  	[smem:$0x3FB1] =	sst s9;
	s0 =	simm.s32 @!p0 $0x0  }
0x12: {  	s1 =	sld [smem:$0x3F97];
	s0 =	simm.s32 @p0 $0x1  }
0x13: {  	[smem:$0x3FB2] =	sst s0;
	s0 =	simm.s32 @!p1 $0x0  }
0x14: {  	s2 =	sld [smem:$0x3F96];
	s0 =	simm.s32 @p1 $0x1  }
0x15: {  	[smem:$0x3FB3] =	sst s0;
	s0 =	simm.s32 @!p2 $0x0  }
0x16: {  	s3 =	sld [smem:$0x3FDB];
	s0 =	simm.s32 @p2 $0x1  }
0x17: {  	s4 =	simm.s32 $0x1BF5;
	[smem:$0x3FB5] =	sst s0  }
0x18: {  	s0 =	sld [smem:$0x3F98];
	_ =	swait.ge [sflag:s4], $0x0  }
0x19: {  	s7 =	sld [smem:$0x3F99]  }
0x1a: {  	s8 =	sadd.s32 $0xFFFFE003, lr  }
0x1b: {  	s9 =	sadd.s32 $0xFFFFFEF7, lr;
	s5 =	simm.s32 $0xFFFFFFFF;
	p2 =	slt.u32 s8, $0xFFFFF086  }
0x1c: {  	p1 =	slt.u32 s9, $0xF7A;
	s5 =	simm.s32 @!p2 $0x0  }
0x1d: {  	s5 =	simm.s32 @p1 $0x1;
	p0 =	seq.s32 s7, s2  }
0x1e: {  	s7 =	smul.u32 @!p0 $0xF7A, s2;
	p2 =	seq.s32 @!p0 s5, $0x0  }
0x1f: {  	s9 =	smul.u32 $0xF7A, s1;
	s8 =	simm.s32 @!p0 $0x1BF5;
	p2 =	por !p2, p0  }
0x20: {  	[sflag:s8] =	ssyncset.s32 @!p0 $0xFFFFF086;
	s6 =	sadd.s32 @!p0 s3, s7;
	s7 =	simm.s32 @!p0 $0x108  }
0x21: {  	s3 =	sadd.s32 s3, s9;
	s6 =	sadd.s32 @!p0 $0x88, s6;
	s7 =	simm.s32 @p2 $0x1082  }
0x22: {  	[simem:s7], [sflag:s8] =	dma.local @!p0 [hbm:s6], $0xF7A  }
0x23: {  	s9 =	sor.u32 $0xD0000000, s2;
	s6 =	simm.s32 $0x108;
	_ =	swait.ge @!p0 [sflag:s8], $0x0  }
0x24: {  	s3 =	sadd.s32 $0x88, s3;
	s6 =	simm.s32 @!p1 $0x1082;
	[sflag:s4] =	ssyncset.s32 $0xFFFFF086  }
0x25: {  	[simem:s6], [sflag:s4] =	dma.local [hbm:s3], $0xF7A  }
0x26: {  	[smem:$0x3F99] =	sst s1;
	(tag) =	ssettag s2;
	_ =	strace s9  }
0x27: {  	s1 =	sld [smem:$0x3FA9]  }
0x28: {  	s2 =	sld [smem:$0x3FAA]  }
0x29: {  	s4 =	sld [smem:$0x3FAC]  }
0x2a: {  	p0 =	seq.s32 s5, $0x0;
	s5 =	sld [smem:$0x3FAD]  }
0x2b: {  	s6 =	sld [smem:$0x3FAE]  }
0x2c: {  	s7 =	sld [smem:$0x3FAF]  }
0x2d: {  	s3 =	simm.s32 $0x108;
	s8 =	sld [smem:$0x3FB0]  }
0x2e: {  	s3 =	simm.s32 @!p0 $0x1082;
	s9 =	sld [smem:$0x3FB1]  }
0x2f: {  	lr =	sadd.s32 s0, s3;
	s0 =	sld [smem:$0x3FA8]  }
0x30: {  	s3 =	sld [smem:$0x3FAB]  }
0x31: {  	[smem:$0x3FB4] =	sst s10  }
0x32: {  	s10 =	sld [smem:$0x3FB2];
	_ =	sdelay $0x3  }
0x33: {  	p0 =	seq.s32 s10, $0x1;
	s10 =	sld [smem:$0x3FB4];
	_ =	sdelay $0x3  }
0x34: {  	[smem:$0x3FB4] =	sst s10  }
0x35: {  	s10 =	sld [smem:$0x3FB3];
	_ =	sdelay $0x3  }
0x36: {  	p1 =	seq.s32 s10, $0x1;
	s10 =	sld [smem:$0x3FB4];
	_ =	sdelay $0x3  }
0x37: {  	[smem:$0x3FB4] =	sst s10  }
0x38: {  	s10 =	sld [smem:$0x3FB5]  }
0x39: {  	_ = 	snop;
	(pc) =	sbr.ind lr, $3  }
0x3a: {  	_ = 	snop  }
0x3b: {  	_ = 	snop  }
0x3c: {  	p2 =	seq.s32 s10, $0x1;
	s10 =	sld [smem:$0x3FB4]  }
0x3d: {  	_ =	shalt  }
0x3e: {  	_ =	shalt  }
0x3f: {  	_ =	shalt  }
0x40: {  	_ =	shalt  }
0x41: {  	_ =	shalt  }
0x42: {  	_ =	shalt  }
0x43: {  	_ =	shalt  }
0x44: {  	_ =	shalt  }
0x45: {  	_ =	shalt  }
0x46: {  	_ =	shalt  }
0x47: {  	_ =	shalt  }
0x48: {  	_ =	shalt  }
0x49: {  	_ =	shalt  }
0x4a: {  	_ =	shalt  }
0x4b: {  	_ =	shalt  }
0x4c: {  	_ =	shalt  }
0x4d: {  	_ =	shalt  }
0x4e: {  	_ =	shalt  }
0x4f: {  	_ =	shalt  }
0x50: {  	_ =	shalt  }
0x51: {  	_ =	shalt  }
0x52: {  	_ =	shalt  }
0x53: {  	_ =	shalt  }
0x54: {  	_ =	shalt  }
0x55: {  	_ =	shalt  }
0x56: {  	_ =	shalt  }
0x57: {  	_ =	shalt  }
0x58: {  	_ =	shalt  }
0x59: {  	_ =	shalt  }
0x5a: {  	_ =	shalt  }
0x5b: {  	_ =	shalt  }
0x5c: {  	_ =	shalt  }
0x5d: {  	_ =	shalt  }
0x5e: {  	_ =	shalt  }
0x5f: {  	_ =	shalt  }
0x60: {  	_ =	shalt  }
0x61: {  	_ =	shalt  }
0x62: {  	_ =	shalt  }
0x63: {  	_ =	shalt  }
0x64: {  	_ =	shalt  }
0x65: {  	_ =	shalt  }
0x66: {  	_ =	shalt  }
0x67: {  	_ =	shalt  }
0x68: {  	_ =	shalt  }
0x69: {  	_ =	shalt  }
0x6a: {  	_ =	shalt  }
0x6b: {  	_ =	shalt  }
0x6c: {  	_ =	shalt  }
0x6d: {  	_ =	shalt  }
0x6e: {  	_ =	shalt  }
0x6f: {  	_ =	shalt  }
0x70: {  	_ =	shalt  }
0x71: {  	_ =	shalt  }
0x72: {  	_ =	shalt  }
0x73: {  	_ =	shalt  }
0x74: {  	_ =	shalt  }
0x75: {  	_ =	shalt  }
0x76: {  	_ =	shalt  }
0x77: {  	_ =	shalt  }
0x78: {  	_ =	shalt  }
0x79: {  	_ =	shalt  }
0x7a: {  	_ =	shalt  }
0x7b: {  	_ =	shalt  }
0x7c: {  	_ =	shalt  }
0x7d: {  	_ =	shalt  }
0x7e: {  	_ =	shalt  }
0x7f: {  	_ =	shalt  }
0x80: {  	_ =	shalt  }
0x81: {  	_ =	shalt  }
0x82: {  	_ =	shalt  }
0x83: {  	_ =	shalt  }
0x84: {  	_ =	shalt  }
0x85: {  	_ =	shalt  }
0x86: {  	_ =	shalt  }
0x87: {  	_ =	shalt  }
.Lfunc_end0:
.L_simem_size_0:
called_computation.3_lowered:
.L_overlay_start_0:
0x88: {  	s2 =	sld [smem:$0x3FD9]  }
0x89: {  	s3 =	sld [smem:$0x3FFE];
	_ =	sdelay $0x1  }
0x8a: {  	s1 =	srdreg.scid  }
0x8b: {  	s0 =	sand.u32 $0x1, s1  }
0x8c: {  	s17 =	sshll.u32 s0, $0xA;
	s2 =	sadd.s32 s3, s2  }
0x8d: {  	s2 =	sadd.s32 s2, s17  }
0x8e: {  	[smem:$0x3FC0] =	sst s2  }
0x8f: {  	_ = 	snop  }
0x90: {  	s2 =	sld [smem:$0x3FC8];
	(tm) =	ssettm $0x1  }
0x91: {  	s18 =	sld [smem:$0x3FFB];
	_ =	sdelay $0x3  }
0x92: {  	_ =	strace s18  }
0x93: {  	s3 =	sld [smem:$0x3FFC];
	_ =	sdelay $0x3  }
0x94: {  	_ =	strace s3  }
0x95: {  	s3 =	sld [smem:$0x3FFD];
	_ =	sdelay $0x3  }
0x96: {  	_ =	strace s3  }
0x97: {  	_ =	strace $0x8FFFFFFF  }
0x98: {  	s19 =	sld [smem:$0x3FDB];
	_ =	sdelay $0x1  }
0x99: {  	s4 =	simm.s32 $_scs_section_size  }
0x9a: {  	s5 =	simm.s32 $_size__tile_overlayer_lowered;
	s6 =	simm.s32 $_tile_overlayer_lowered  }
0x9b: {  	s22 =	simm.s32 $0x1BFF;
	s21 =	sshll.u32 s6, $0x1;
	s3 =	sadd.s32 s4, s19  }
0x9c: {  	s7 =	simm.s32 $0x0;
	s20 =	sshll.u32 s5, $0x1;
	s5 =	sadd.s32 s21, s3  }
0x9d: {  	[timem:s7], [sflag:s22] =	dma.local [hbm:s5], s20  }
0x9e: {  	_ =	swait.ge [sflag:s22], s20  }
0x9f: {  	s4 =	ssub.s32 $0x0, s20;
	[sflag:s22] =	ssyncset.done $0x0  }
0xa0: {  	[sflag:s22] =	ssyncadd.s32 s4;
	_ =	sdelay $0x1  }
0xa1: {  	s23 =	simm.s32 $0x1B8B  }
0xa2: {  	_ =	swait.ge [sflag:s23], $0x1  }
0xa3: {  	[sflag:s23] =	ssyncset.done $0x0  }
0xa4: {  	s25 =	simm.s32 $0x1B8E;
	s24 =	sld [smem:$0x3FFE];
	[sflag:s23] =	ssyncadd.s32 $0xFFFFFFFF  }
0xa5: {  	s26 =	simm.s32 $execute0_lowered;
	[smem:$0x3FD2] =	sst s25  }
0xa6: {  	s5 =	sshll.u32 s26, $0x1;
	_ =	strace $0x80000046;
	[dreg:$0x1] =	wrdreg $0xFFFFFFFF  }
0xa7: {  	s28 =	simm.s32 $_size_execute0_lowered;
	s3 =	sadd.s32 s3, s5;
	[dreg:$0x0] =	wrdreg $0x0  }
0xa8: {  	s5 =	sshll.u32 s28, $0x1;
	[dreg:$0x2] =	wrdreg s3  }
0xa9: {  	[dreg:$0x3] =	wrdreg s5  }
0xaa: {  	[dreg:$0x4] =	wrdreg $0xC0  }
0xab: {  	_ =	task [dreg:s7], $0x5FFFF  }
0xac: {  	[dreg:$0x1] =	wrdreg $0xFFFFFFFF  }
0xad: {  	[dreg:$0x0] =	wrdreg $0x60  }
0xae: {  	[dreg:$0x2] =	wrdreg s2  }
0xaf: {  	[dreg:$0x3] =	wrdreg s24  }
0xb0: {  	[dreg:$0x4] =	wrdreg $0xC  }
0xb1: {  	_ =	task.clear_ibuf [dreg:s7], $0x5FFFF;
	_ =	strace $0x90000046  }
0xb2: {  	s29 =	simm.s32 $0xC;
	_ =	strace $0x80000048  }
0xb3: {  	_ =	swait.ge [sflag:s29], $0x1  }
0xb4: {  	[sflag:s29] =	ssyncadd.s32 $0xFFFFFFFF  }
0xb5: {  	_ =	strace $0x90000048  }
0xb6: {  	_ =	sfence  }
0xb7: {  	s30 =	sld [smem:$0x0];
	_ =	sdelay $0x2  }
0xb8: {  	s31 =	sshll.u32 s1, $0xD;
	s1 =	sshrl.u32 s1, $0x2  }
0xb9: {  	s3 =	sand.u32 $0x4000, s31;
	s1 =	sadd.s32 s1, s30  }
0xba: {  	s0 =	sor.u32 s3, s0;
	s1 =	sshll.u32 s1, $0x11  }
0xbb: {  	s0 =	sor.u32 s1, s0  }
0xbc: {  	s0 =	sadd.s32 $0x8F2B, s0  }
0xbd: {  	[sflag:s0] =	ssyncadd.remote.s32 $0x1  }
0xbe: {  	_ =	sfence.sel $0xFFFF  }
0xbf: {  	[dreg:$0x0] =	wrdreg $0xFFFFFFFF;
	(pc) =	sbr.abs _section_cstart, $3  }
0xc0: {  	[dreg:$0x1] =	wrdreg $0xFFFFFFFF  }
0xc1: {  	_ =	task.clear_ibuf [dreg:s7], $0x2FFFF;
	_ =	strace $0x9FFFFFFF  }
0xc2: {  	(tm) =	ssettm $0x7FFFFFFF  }
0xc3: {  	_ =	shalt  }
tec
execute0_lowered:
.L_overlay_start_1:
0x0: {  	(tag) =	ssettag $0x1  }
0x1: {  	s1 =	rddreg [dreg:$0x0]  }
0x2: {  	s4 =	rddreg [dreg:$0x1]  }
0x3: {  	s0 =	rddreg [dreg:$0x2]  }
0x4: {  	s5 =	srdreg.scid;
	s3 =	simm.s32 $0x0;
	s2 =	stileid.u32  }
0x5: {  	s9 =	simm.s32 $0x80;
	s10 =	simm.s32 $0x880;
	s11 =	simm.s32 $0x1080  }
0x6: {  	s12 =	simm.s32 $0x1880;
	s13 =	simm.s32 $0x2080;
	s14 =	simm.s32 $0x2880  }
0x7: {  	s15 =	simm.s32 $0x3080;
	s16 =	simm.s32 $0x3880;
	s5 =	sand.u32 $0x1, s5  }
0x8: {  	s17 =	simm.s32 $0x1;
	s6 =	sshll.u32 s2, $0x6;
	s7 =	sshll.u32 s5, $0x5  }
0x9: {  	[smem:$0x7FF] =	sst s3;
	s5 =	ssub.s32 $0x2, s5;
	s6 =	sor.u32 s7, s6  }
0xa: {  	_ =	strace $0x80000047;
	s31 =	sshrl.u32 s5, $0x1;
	s7 =	sshrl.u32 s6, $0x3  }
0xb: {  	v2 =	vlaneseq.u32;
	s6 =	sshll.u32 s6, $0x6;
	s8 =	ssub.s32 s5, s31;
	s7 =	sadd.s32 s7, s4  }
0xc: {  	vm0 =	vmmov $0xffff;
	v1 =	vshrl.u32 v2, $0x3;
	s5 =	sadd.s32 $0x100, s1;
	s6 =	sadd.s32 s6, s4;
	s4 =	sadd.s32 $0x3600, s7  }
0xd: {  	v0 =	vand.u32 $0x7, v2;
	v2 =	vor.u32 $0x8, v2;
	v1 =	vmul.u32 $0x8, v1;
	s6 =	sadd.s32 $0x3800, s6;
	s7 =	smax.u32 s8, $0x1;
	s8 =	simm.s32 $0x2  }
.LBB2_1:
0xe: {  	[tilespmem:s3], [sflag:$0x2] =	stream.linear.gather [hbm4b:s4+s3], $0x20, $0x38;
	[tilespmem:$0x4080] =	vst v63  }
0xf: {  	_ =	swait.ge [sflag:s8], $0x20  }
0x10: {  	[sflag:s8] =	ssyncset.done $0x0  }
0x11: {  	[sflag:s8] =	ssyncadd.s32 $0xFFFFFFE0  }
0x12: {  	v3 =	vld [tilespmem:$0x0];
	_ =	sdelay $0x4  }
0x13: {  	v4 =	vshll.u32 v3, $0x2  }
0x14: {  	v3 =	vand.u32 $0x7, v3;
	v4 =	vand.u32 $0xFFFFFFE0, v4  }
0x15: {  	v3 =	vor.u32 v3, v4  }
0x16: {  	v4 =	vperm.xlane v3, v0;
	_ =	sdelay $0x1  }
0x17: {  	v4 =	vadd.s32 v1, v4;
	_ =	sdelay $0x1  }
0x18: {  	v3 =	vperm.xlane v3, v2;
	_ =	sdelay $0x1  }
0x19: {  	v3 =	vadd.s32 v1, v3  }
0x1a: {  	[tilespmem:s9], [sflag:$0x1] =	stream.indirect_vreg.gather [hbm4b:s1+s3], $0x80, v4, vm0, $0xb8;
	[tilespmem:$0x4080] =	vst v63  }
0x1b: {  	_ = 	snop  }
0x1c: {  	[tilespmem:s10], [sflag:$0x1] =	stream.indirect_vreg.gather [hbm4b:s5+s3], $0x80, v4, vm0, $0xb8;
	[tilespmem:$0x4080] =	vst v63  }
0x1d: {  	_ = 	snop  }
0x1e: {  	[tilespmem:s11], [sflag:$0x1] =	stream.indirect_vreg.gather [hbm4b:s1+s3], $0x80, v3, vm0, $0xb8;
	[tilespmem:$0x4080] =	vst v63  }
0x1f: {  	_ = 	snop  }
0x20: {  	[tilespmem:s12], [sflag:$0x1] =	stream.indirect_vreg.gather [hbm4b:s5+s3], $0x80, v3, vm0, $0xb8;
	[tilespmem:$0x4080] =	vst v63  }
0x21: {  	v3 =	vld [tilespmem:$0x10];
	_ =	sdelay $0x4  }
0x22: {  	v63 =	vshll.u32 v3, $0x2  }
0x23: {  	v3 =	vand.u32 $0x7, v3;
	v4 =	vand.u32 $0xFFFFFFE0, v63  }
0x24: {  	v3 =	vor.u32 v3, v4  }
0x25: {  	v4 =	vperm.xlane v3, v0;
	_ =	sdelay $0x1  }
0x26: {  	v4 =	vadd.s32 v1, v4;
	_ =	sdelay $0x1  }
0x27: {  	v3 =	vperm.xlane v3, v2;
	_ =	sdelay $0x1  }
0x28: {  	v3 =	vadd.s32 v1, v3  }
0x29: {  	[tilespmem:s13], [sflag:$0x1] =	stream.indirect_vreg.gather [hbm4b:s1+s3], $0x80, v4, vm0, $0xb8;
	[tilespmem:$0x4080] =	vst v63  }
0x2a: {  	_ = 	snop  }
0x2b: {  	[tilespmem:s14], [sflag:$0x1] =	stream.indirect_vreg.gather [hbm4b:s5+s3], $0x80, v4, vm0, $0xb8;
	[tilespmem:$0x4080] =	vst v63  }
0x2c: {  	_ = 	snop  }
0x2d: {  	[tilespmem:s15], [sflag:$0x1] =	stream.indirect_vreg.gather [hbm4b:s1+s3], $0x80, v3, vm0, $0xb8;
	[tilespmem:$0x4080] =	vst v63  }
0x2e: {  	_ = 	snop  }
0x2f: {  	[tilespmem:s16], [sflag:$0x1] =	stream.indirect_vreg.gather [hbm4b:s5+s3], $0x80, v3, vm0, $0xb8;
	[tilespmem:$0x4080] =	vst v63  }
0x30: {  	_ =	swait.ge [sflag:s17], $0x4000  }
0x31: {  	p0 =	sne.s32 s7, $0x1;
	[sflag:s17] =	ssyncset.done $0x0  }
.Ltmp0:
0x32: {  	[sflag:s17] =	ssyncadd.s32 $0xFFFFC000;
	(pc) =	sbr.rel @p0 .LBB2_1-.Ltmp0, $4  }
0x33: {  	[hbm4b:s6+s3] =	stream.linear.scatter [tilespmem:s9], [sflag:$0x2], $0x4000, $0x38;
	[tilespmem:$0x4080] =	vst v63  }
0x34: {  	_ =	swait.ge [sflag:s8], $0x4000  }
0x35: {  	[sflag:s8] =	ssyncset.done $0x0  }
0x36: {  	s7 =	sadd.s32 $0xFFFFFFFF, s7;
	[sflag:s8] =	ssyncadd.s32 $0xFFFFC000  }
0x37: {  	_ =	sfence.sel $0x180000  }
0x38: {  	[bflag:$0x0] =	sbarrier.arrive $0xFFFF  }
0x39: {  	p0 =	sne.s32 s2, $0x0;
	_ =	strace $0x90000047  }
0x3a: {  	s0 =	sadd.s32 @!p0 $0x100000, s0;
	[bflag:$0x2] =	sbarrier.arrive $0xFFFF  }
0x3b: {  	[sflag:s0] =	ssyncadd.tile.s32 @!p0 $0x1;
	_ =	shalt  }
.Lfunc_end2:
_tile_overlayer_lowered:
.L_overlay_start_2:
0x3c: {  	(tag) =	ssettag $0x2  }
0x3d: {  	s0 =	rddreg [dreg:$0x0];
	s2 =	stileid.u32  }
0x3e: {  	s1 =	rddreg [dreg:$0x1];
	p0 =	sne.s32 s2, $0x0  }
0x3f: {  	s3 =	rddreg [dreg:$0x2];
	[bflag:$0x3] =	sbarrier.arrive $0xFFFF;
	s2 =	simm.s32 @!p0 $0x1C02  }
0x40: {  	[timem:s3], [sflag:s2] =	dma.local @!p0 [hbm:s0], s1  }
0x41: {  	s0 =	simm.s32 @!p0 $0x2  }
0x42: {  	_ =	swait.ge @!p0 [sflag:s0], s1  }
0x43: {  	s1 =	ssub.s32 @!p0 $0x0, s1;
	[sflag:s0] =	ssyncset.done @!p0 $0x0  }
0x44: {  	[sflag:s0] =	ssyncadd.s32 @!p0 s1  }
0x45: {  	[bflag:$0x3] =	sbarrier.arrive $0xFFFF  }
0x46: {  	_ =	shalt  }

</sc_bundles>
